<compile_context>
chip_gen: v7x
topology: tpu7x:2x2x1
jax: 0.10.2.dev20260603
libtpu: 0.0.44.dev20260713+nightly
codegen_flags: <defaults>
</compile_context>

<pallas_src>
import math

import jax
import jax.numpy as jnp
import numpy as np
from jax import lax
from jax.experimental import pallas as pl
from jax.experimental.pallas import tpu as pltpu
from jax.experimental.pallas import tpu_sc as plsc

VOCAB = 100000
S_LAB = 35
MAX_CARD = 256
D = 128
B = 1024
HIST = 200
CUR = 50

NC = 2
NS = 16
NW = NC * NS

N_HIST = B * HIST
N_CUR = B * CUR
N_ROWS = N_HIST + N_CUR
RPT = N_ROWS // NW
CHUNK = 200
CPT = RPT // CHUNK
HIST_TILES = N_HIST // RPT
HIST_REM = N_HIST - HIST_TILES * RPT


def _positional_encoding(seq_len, d_model):
    pos = np.arange(seq_len, dtype=np.float32)[:, None]
    div = np.exp(np.arange(0, d_model, 2, dtype=np.float32) * (-math.log(10000.0) / d_model))
    pe = np.zeros((seq_len, d_model), dtype=np.float32)
    pe[:, 0::2] = np.sin(pos * div)
    pe[:, 1::2] = np.cos(pos * div)
    return pe


_PE_NP = _positional_encoding(HIST, D)


def _sc_gather_body(ph_hbm, pc_hbm, table_hbm, combo_hbm,
                    hist_out, cur_out,
                    pv, ti0, ci0, ti1, ci1, rt0, rc0, rt1, rc1, combo_sp,
                    sem_t0, sem_c0, sem_t1, sem_c1, sem_s0, sem_s1):
    wid = lax.axis_index("s") * NC + lax.axis_index("c")
    row0 = wid * RPT

    @pl.when(lax.axis_index("s") == 0)
    def _():
        pltpu.sync_copy(combo_hbm, combo_sp)

    plsc.subcore_barrier()

    @pl.when(wid < HIST_TILES)
    def _():
        pltpu.sync_copy(ph_hbm.at[pl.ds(row0, RPT)], pv.at[pl.ds(0, RPT)])

    @pl.when(wid == HIST_TILES)
    def _():
        pltpu.sync_copy(ph_hbm.at[pl.ds(HIST_TILES * RPT, HIST_REM)], pv.at[pl.ds(0, HIST_REM)])
        pltpu.sync_copy(pc_hbm.at[pl.ds(0, RPT - HIST_REM)], pv.at[pl.ds(HIST_REM, RPT - HIST_REM)])

    @pl.when(wid > HIST_TILES)
    def _():
        pltpu.sync_copy(pc_hbm.at[pl.ds(row0 - N_HIST, RPT)], pv.at[pl.ds(0, RPT)])

    iota16 = lax.broadcasted_iota(jnp.int32, (16,), 0)

    def unpack_chunk(c, ti, ci):
        def ub(i, carry):
            sl16 = pl.ds(16 * i, 16)
            p = pv[pl.ds(c * CHUNK + 16 * i, 16)].astype(jnp.int32)
            tid = lax.bitwise_and(p, 0x000FFFFF)
            role = lax.shift_right_logical(p, 20)
            n = row0 + c * CHUNK + 16 * i + iota16
            ch = role * HIST + lax.rem(n, HIST)
            cc2 = 4 * HIST + role * CUR + lax.rem(n - N_HIST, CUR)
            ti[sl16] = tid
            ci[sl16] = jnp.where(n < N_HIST, ch, cc2)
            return carry

        lax.fori_loop(0, 13, ub, 0)

    def fire_gathers(ti, ci, rt, rc, sem_t, sem_c):
        pltpu.async_copy(table_hbm.at[ti.at[pl.ds(0, 96)]], rt.at[pl.ds(0, 96)], sem_t)
        pltpu.async_copy(table_hbm.at[ti.at[pl.ds(96, 104)]], rt.at[pl.ds(96, 104)], sem_t)
        pltpu.async_copy(combo_sp.at[ci.at[pl.ds(0, 96)]], rc.at[pl.ds(0, 96)], sem_c)
        pltpu.async_copy(combo_sp.at[ci.at[pl.ds(96, 104)]], rc.at[pl.ds(96, 104)], sem_c)

    def wait_gathers(ti, ci, rt, rc, sem_t, sem_c):
        pltpu.make_async_copy(table_hbm.at[ti.at[pl.ds(0, 96)]], rt.at[pl.ds(0, 96)], sem_t).wait()
        pltpu.make_async_copy(table_hbm.at[ti.at[pl.ds(96, 104)]], rt.at[pl.ds(96, 104)], sem_t).wait()
        pltpu.make_async_copy(combo_sp.at[ci.at[pl.ds(0, 96)]], rc.at[pl.ds(0, 96)], sem_c).wait()
        pltpu.make_async_copy(combo_sp.at[ci.at[pl.ds(96, 104)]], rc.at[pl.ds(96, 104)], sem_c).wait()

    def fire_store(c, rt, sem_s):
        base = row0 + c * CHUNK

        @pl.when(base < N_HIST)
        def _():
            pltpu.async_copy(rt, hist_out.at[base // HIST], sem_s)

        @pl.when(base >= N_HIST)
        def _():
            cb = (base - N_HIST) // CUR
            for q in range(CHUNK // CUR):
                pltpu.async_copy(rt.at[pl.ds(CUR * q, CUR)], cur_out.at[cb + q], sem_s)

    def wait_store(rt, sem_s):
        pltpu.make_async_copy(rt, hist_out.at[0], sem_s).wait()

    def add_rows(rt, rc):
        def add_row(r, carry):
            for j in range(D // 16):
                sl = pl.ds(16 * j, 16)
                rt[r, sl] = rt[r, sl] + rc[r, sl]
            return carry

        lax.fori_loop(0, CHUNK, add_row, 0)

    unpack_chunk(0, ti0, ci0)
    fire_gathers(ti0, ci0, rt0, rc0, sem_t0, sem_c0)
    unpack_chunk(1, ti1, ci1)
    fire_gathers(ti1, ci1, rt1, rc1, sem_t1, sem_c1)

    def pair_body(k, carry):
        c = 2 * k
        wait_gathers(ti0, ci0, rt0, rc0, sem_t0, sem_c0)
        add_rows(rt0, rc0)
        fire_store(c, rt0, sem_s0)

        wait_gathers(ti1, ci1, rt1, rc1, sem_t1, sem_c1)
        add_rows(rt1, rc1)
        fire_store(c + 1, rt1, sem_s1)

        @pl.when(c + 2 < CPT)
        def _():
            wait_store(rt0, sem_s0)
            unpack_chunk(c + 2, ti0, ci0)
            fire_gathers(ti0, ci0, rt0, rc0, sem_t0, sem_c0)

        @pl.when(c + 3 < CPT)
        def _():
            wait_store(rt1, sem_s1)
            unpack_chunk(c + 3, ti1, ci1)
            fire_gathers(ti1, ci1, rt1, rc1, sem_t1, sem_c1)

        return carry

    lax.fori_loop(0, CPT // 2, pair_body, 0)
    wait_store(rt0, sem_s0)
    wait_store(rt1, sem_s1)


_sc_gather = pl.kernel(
    _sc_gather_body,
    out_type=[
        jax.ShapeDtypeStruct((B, HIST, D), jnp.float32),
        jax.ShapeDtypeStruct((B, CUR, D), jnp.float32),
    ],
    mesh=plsc.VectorSubcoreMesh(core_axis_name="c", subcore_axis_name="s"),
    scratch_types=[
        pltpu.VMEM((RPT + 16,), jnp.float32),
        pltpu.VMEM((CHUNK + 8,), jnp.int32),
        pltpu.VMEM((CHUNK + 8,), jnp.int32),
        pltpu.VMEM((CHUNK + 8,), jnp.int32),
        pltpu.VMEM((CHUNK + 8,), jnp.int32),
        pltpu.VMEM((CHUNK, D), jnp.float32),
        pltpu.VMEM((CHUNK, D), jnp.float32),
        pltpu.VMEM((CHUNK, D), jnp.float32),
        pltpu.VMEM((CHUNK, D), jnp.float32),
        pltpu.VMEM_SHARED((4 * HIST + 4 * CUR, D), jnp.float32),
        pltpu.SemaphoreType.DMA,
        pltpu.SemaphoreType.DMA,
        pltpu.SemaphoreType.DMA,
        pltpu.SemaphoreType.DMA,
        pltpu.SemaphoreType.DMA,
        pltpu.SemaphoreType.DMA,
    ],
)


def _state_mm_body(prev_ref, cur_ref, emb_ref, outp_ref, outc_ref):
    for i in range(S_LAB):
        e = emb_ref[i]
        outp_ref[:, i, :] = jnp.dot(prev_ref[:, i, :], e, preferred_element_type=jnp.float32)
        outc_ref[:, i, :] = jnp.dot(cur_ref[:, i, :], e, preferred_element_type=jnp.float32)


_BB = 128

_state_mm = pl.pallas_call(
    _state_mm_body,
    grid=(B // _BB,),
    in_specs=[
        pl.BlockSpec((_BB, S_LAB, MAX_CARD), lambda b: (b, 0, 0)),
        pl.BlockSpec((_BB, S_LAB, MAX_CARD), lambda b: (b, 0, 0)),
        pl.BlockSpec((S_LAB, MAX_CARD, D), lambda b: (0, 0, 0)),
    ],
    out_specs=[
        pl.BlockSpec((_BB, S_LAB, D), lambda b: (b, 0, 0)),
        pl.BlockSpec((_BB, S_LAB, D), lambda b: (b, 0, 0)),
    ],
    out_shape=[
        jax.ShapeDtypeStruct((B, S_LAB, D), jnp.float32),
        jax.ShapeDtypeStruct((B, S_LAB, D), jnp.float32),
    ],
)


def kernel(previous_state, current_state, history_text, current_text,
           history_roles, current_roles, text_table, state_embedding):
    pe = jnp.asarray(_PE_NP)
    t4 = text_table[:4]
    combo_h = (t4[:, None, :] + 2.0 * pe[None, :, :]).reshape(4 * HIST, D)
    combo_c = (t4[:, None, :] + 2.0 * pe[None, :CUR, :]).reshape(4 * CUR, D)
    combo = jnp.concatenate([combo_h, combo_c], axis=0)

    ph = (history_text | (history_roles << 20)).reshape(-1).astype(jnp.float32)
    pc = (current_text | (current_roles << 20)).reshape(-1).astype(jnp.float32)

    hist_text_embed, curr_text_embed = _sc_gather(ph, pc, text_table, combo)

    pre_state_embed, cur_state_embed = _state_mm(
        previous_state, current_state, state_embedding)

    return (pre_state_embed, cur_state_embed, hist_text_embed, curr_text_embed)

# --- scband reference (transcript-rebuilt; emitter-appended) ---
"""Pipeline reference for scband-embedding-layer-12850542150527 (READ-ONLY COPY).

The authoritative reference and input builder live on the scoring server;
editing this copy changes nothing except your own understanding.
"""

import jax, jax.numpy as jnp
import numpy as np
import math

VOCAB = 100000
S_LAB = 35
MAX_CARD = 256  # max(state_domain_card) + 1
D = 128
B = 1024
HIST = 200
CUR = 50


def positional_encoding(seq_len, d_model):
    pos = np.arange(seq_len, dtype=np.float32)[:, None]
    div = np.exp(np.arange(0, d_model, 2, dtype=np.float32) * (-math.log(10000.0) / d_model))
    pe = np.zeros((seq_len, d_model), dtype=np.float32)
    pe[:, 0::2] = np.sin(pos * div)
    pe[:, 1::2] = np.cos(pos * div)
    return jnp.asarray(pe)


def setup_inputs(seed: int = 0) -> dict:
    key = jax.random.key(seed)
    ks = jax.random.split(key, 8)
    previous_state = jax.random.normal(ks[0], (B, S_LAB, MAX_CARD), dtype=jnp.float32)
    current_state = jax.random.normal(ks[1], (B, S_LAB, MAX_CARD), dtype=jnp.float32)
    history_text = jax.random.randint(ks[2], (B, HIST), 0, VOCAB, dtype=jnp.int32)
    current_text = jax.random.randint(ks[3], (B, CUR), 0, VOCAB, dtype=jnp.int32)
    history_roles = jax.random.randint(ks[4], (B, HIST), 0, 4, dtype=jnp.int32)
    current_roles = jax.random.randint(ks[5], (B, CUR), 0, 4, dtype=jnp.int32)
    # learned params
    text_table = jax.random.normal(ks[6], (VOCAB, D), dtype=jnp.float32) * 0.02
    text_table = text_table.at[0].set(0.0)  # padding_idx = 0
    state_embedding = jax.random.normal(ks[7], (S_LAB, MAX_CARD, D), dtype=jnp.float32)
    # state_mask is all-ones because every state_domain_card entry is 255 (== max), so masking is a no-op
    return {
        "previous_state": previous_state,
        "current_state": current_state,
        "history_text": history_text,
        "current_text": current_text,
        "history_roles": history_roles,
        "current_roles": current_roles,
        "text_table": text_table,
        "state_embedding": state_embedding,
    }


def reference(previous_state, current_state, history_text, current_text,
              history_roles, current_roles, text_table, state_embedding):
    # transform_state: per-slot matmul embedding[:, i, :] = state[:, i, :] @ state_embedding[i]
    def transform_state(state):
        return jnp.einsum('bic,icd->bid', state, state_embedding)

    # transform_utterance: token embedding lookup + sinusoidal positional encoding
    def transform_utterance(idx):
        emb = jnp.take(text_table, idx, axis=0)  # [B, L, D]
        pe = positional_encoding(idx.shape[1], D)
        return emb + pe[None, :, :]

    pre_state_embed = transform_state(previous_state)
    cur_state_embed = transform_state(current_state)
    hist_text_embed = transform_utterance(history_text) + transform_utterance(history_roles)
    curr_text_embed = transform_utterance(current_text) + transform_utterance(current_roles)
    # dropout is identity in eval mode
    return (pre_state_embed, cur_state_embed, hist_text_embed, curr_text_embed)

if __name__ == "__main__":
    import jax
    _d = setup_inputs()
    print(jax.jit(kernel)(*tuple(_d.values())))

</pallas_src>

<mosaic_0001>
#map = affine_map<(d0, d1) -> (0)>
#map1 = affine_map<(d0, d1) -> (0, 0)>
#map2 = affine_map<(d0, d1) -> (0, 0, 0)>
module attributes {stable_mosaic.version = 14 : i64} {
  func.func @_sc_gather_body(%arg0: i32, %arg1: i32, %arg2: memref<204800xf32, #tpu.memory_space<hbm>>, %arg3: memref<51200xf32, #tpu.memory_space<hbm>>, %arg4: memref<100000x128xf32, #tpu.memory_space<hbm>>, %arg5: memref<1000x128xf32, #tpu.memory_space<hbm>>, %arg6: memref<1024x200x128xf32, #tpu.memory_space<hbm>>, %arg7: memref<1024x50x128xf32, #tpu.memory_space<hbm>>, %arg8: memref<8016xf32, #tpu.memory_space<vmem>>, %arg9: memref<208xi32, #tpu.memory_space<vmem>>, %arg10: memref<208xi32, #tpu.memory_space<vmem>>, %arg11: memref<208xi32, #tpu.memory_space<vmem>>, %arg12: memref<208xi32, #tpu.memory_space<vmem>>, %arg13: memref<200x128xf32, #tpu.memory_space<vmem>>, %arg14: memref<200x128xf32, #tpu.memory_space<vmem>>, %arg15: memref<200x128xf32, #tpu.memory_space<vmem>>, %arg16: memref<200x128xf32, #tpu.memory_space<vmem>>, %arg17: memref<1000x128xf32, #tpu.memory_space<vmem_shared>>, %arg18: memref<!tpu.dma_semaphore, #tpu.memory_space<semaphore_mem>>, %arg19: memref<!tpu.dma_semaphore, #tpu.memory_space<semaphore_mem>>, %arg20: memref<!tpu.dma_semaphore, #tpu.memory_space<semaphore_mem>>, %arg21: memref<!tpu.dma_semaphore, #tpu.memory_space<semaphore_mem>>, %arg22: memref<!tpu.dma_semaphore, #tpu.memory_space<semaphore_mem>>, %arg23: memref<!tpu.dma_semaphore, #tpu.memory_space<semaphore_mem>>) attributes {dimension_semantics = [#tpu.dimension_semantics<core_parallel>, #tpu.dimension_semantics<subcore_parallel>], iteration_bounds = array<i64: 2, 16>, scalar_prefetch = 0 : i64, scratch_operands = 16 : i64, tpu.core_type = #tpu.core_type<sc_vector_subcore>, window_params = [{transform_indices = #map}, {transform_indices = #map}, {transform_indices = #map1}, {transform_indices = #map1}, {transform_indices = #map2}, {transform_indices = #map2}]} {
    %mul3A = arith.constant 2 : i32
    %mul3A_0 = arith.muli %arg1, %mul3A : i32
    %add3A = arith.addi %mul3A_0, %arg0 : i32
    %mul3A_1 = arith.constant 8000 : i32
    %mul3A_2 = arith.muli %add3A, %mul3A_1 : i32
    %eq3A = arith.constant 0 : i32
    %eq3A_3 = arith.cmpi eq, %arg1, %eq3A : i32
    %convert_element_type3A = arith.extui %eq3A_3 : i1 to i32
    %cond3A = arith.constant 0 : i32
    %cond3A_4 = arith.cmpi ne, %convert_element_type3A, %cond3A : i32
    scf.if %cond3A_4 {
      "tpu.region"() ({
        %run_scoped3A = tpu.sem_alloc : memref<!tpu.dma_semaphore, #tpu.memory_space<semaphore_mem>>
        tpu.enqueue_dma source(%arg5 : memref<1000x128xf32, #tpu.memory_space<hbm>>) target(%arg17 : memref<1000x128xf32, #tpu.memory_space<vmem_shared>>) target_semaphore(%run_scoped3A : memref<!tpu.dma_semaphore, #tpu.memory_space<semaphore_mem>>)
        tpu.wait_dma2 semaphore(%run_scoped3A : memref<!tpu.dma_semaphore, #tpu.memory_space<semaphore_mem>>) src(%arg5 : memref<1000x128xf32, #tpu.memory_space<hbm>>) dst(%arg17 : memref<1000x128xf32, #tpu.memory_space<vmem_shared>>)
        tpu.yield
      }) : () -> ()
    } else {
    }
    %barrier3A = arith.constant 0 : index
    tpu.barrier barrier_id(%barrier3A)
    %lt3A = arith.constant 25 : i32
    %lt3A_5 = arith.cmpi slt, %add3A, %lt3A : i32
    %convert_element_type3A_6 = arith.extui %lt3A_5 : i1 to i32
    %cond3A_7 = arith.constant 0 : i32
    %cond3A_8 = arith.cmpi ne, %convert_element_type3A_6, %cond3A_7 : i32
    scf.if %cond3A_8 {
      "tpu.region"() ({
        %run_scoped3A = tpu.sem_alloc : memref<!tpu.dma_semaphore, #tpu.memory_space<semaphore_mem>>
        %dma_start3A_115 = arith.constant 0 : i32
        %dma_start3A_116 = tpu.memref_slice %arg8[%dma_start3A_115] : memref<8016xf32, #tpu.memory_space<vmem>> -> memref<8000xf32, #tpu.memory_space<vmem>>
        %dma_start3A_117 = tpu.memref_slice %arg2[%mul3A_2] : memref<204800xf32, #tpu.memory_space<hbm>> -> memref<8000xf32, #tpu.memory_space<hbm>>
        %dma_start3A_118 = arith.constant 0 : i32
        %dma_start3A_119 = tpu.memref_slice %arg8[%dma_start3A_118] : memref<8016xf32, #tpu.memory_space<vmem>> -> memref<8000xf32, #tpu.memory_space<vmem>>
        %dma_start3A_120 = tpu.memref_slice %arg2[%mul3A_2] : memref<204800xf32, #tpu.memory_space<hbm>> -> memref<8000xf32, #tpu.memory_space<hbm>>
        tpu.enqueue_dma source(%dma_start3A_120 : memref<8000xf32, #tpu.memory_space<hbm>>) target(%dma_start3A_119 : memref<8000xf32, #tpu.memory_space<vmem>>) target_semaphore(%run_scoped3A : memref<!tpu.dma_semaphore, #tpu.memory_space<semaphore_mem>>)
        %dma_wait3A_121 = arith.constant 0 : i32
        %dma_wait3A_122 = tpu.memref_slice %arg8[%dma_wait3A_121] : memref<8016xf32, #tpu.memory_space<vmem>> -> memref<8000xf32, #tpu.memory_space<vmem>>
        %dma_wait3A_123 = tpu.memref_slice %arg2[%mul3A_2] : memref<204800xf32, #tpu.memory_space<hbm>> -> memref<8000xf32, #tpu.memory_space<hbm>>
        %dma_wait3A_124 = arith.constant 0 : i32
        %dma_wait3A_125 = tpu.memref_slice %arg8[%dma_wait3A_124] : memref<8016xf32, #tpu.memory_space<vmem>> -> memref<8000xf32, #tpu.memory_space<vmem>>
        %dma_wait3A_126 = tpu.memref_slice %arg2[%mul3A_2] : memref<204800xf32, #tpu.memory_space<hbm>> -> memref<8000xf32, #tpu.memory_space<hbm>>
        tpu.wait_dma2 semaphore(%run_scoped3A : memref<!tpu.dma_semaphore, #tpu.memory_space<semaphore_mem>>) src(%dma_wait3A_126 : memref<8000xf32, #tpu.memory_space<hbm>>) dst(%dma_wait3A_125 : memref<8000xf32, #tpu.memory_space<vmem>>)
        tpu.yield
      }) : () -> ()
    } else {
    }
    %eq3A_9 = arith.constant 25 : i32
    %eq3A_10 = arith.cmpi eq, %add3A, %eq3A_9 : i32
    %convert_element_type3A_11 = arith.extui %eq3A_10 : i1 to i32
    %cond3A_12 = arith.constant 0 : i32
    %cond3A_13 = arith.cmpi ne, %convert_element_type3A_11, %cond3A_12 : i32
    scf.if %cond3A_13 {
      "tpu.region"() ({
        %run_scoped3A = tpu.sem_alloc : memref<!tpu.dma_semaphore, #tpu.memory_space<semaphore_mem>>
        %dma_start3A_115 = arith.constant 0 : i32
        %dma_start3A_116 = tpu.memref_slice %arg8[%dma_start3A_115] : memref<8016xf32, #tpu.memory_space<vmem>> -> memref<4800xf32, #tpu.memory_space<vmem>>
        %dma_start3A_117 = arith.constant 200000 : i32
        %dma_start3A_118 = tpu.memref_slice %arg2[%dma_start3A_117] : memref<204800xf32, #tpu.memory_space<hbm>> -> memref<4800xf32, #tpu.memory_space<hbm>>
        %dma_start3A_119 = arith.constant 0 : i32
        %dma_start3A_120 = tpu.memref_slice %arg8[%dma_start3A_119] : memref<8016xf32, #tpu.memory_space<vmem>> -> memref<4800xf32, #tpu.memory_space<vmem>>
        %dma_start3A_121 = arith.constant 200000 : i32
        %dma_start3A_122 = tpu.memref_slice %arg2[%dma_start3A_121] : memref<204800xf32, #tpu.memory_space<hbm>> -> memref<4800xf32, #tpu.memory_space<hbm>>
        tpu.enqueue_dma source(%dma_start3A_122 : memref<4800xf32, #tpu.memory_space<hbm>>) target(%dma_start3A_120 : memref<4800xf32, #tpu.memory_space<vmem>>) target_semaphore(%run_scoped3A : memref<!tpu.dma_semaphore, #tpu.memory_space<semaphore_mem>>)
        %dma_wait3A_123 = arith.constant 0 : i32
        %dma_wait3A_124 = tpu.memref_slice %arg8[%dma_wait3A_123] : memref<8016xf32, #tpu.memory_space<vmem>> -> memref<4800xf32, #tpu.memory_space<vmem>>
        %dma_wait3A_125 = arith.constant 200000 : i32
        %dma_wait3A_126 = tpu.memref_slice %arg2[%dma_wait3A_125] : memref<204800xf32, #tpu.memory_space<hbm>> -> memref<4800xf32, #tpu.memory_space<hbm>>
        %dma_wait3A_127 = arith.constant 0 : i32
        %dma_wait3A_128 = tpu.memref_slice %arg8[%dma_wait3A_127] : memref<8016xf32, #tpu.memory_space<vmem>> -> memref<4800xf32, #tpu.memory_space<vmem>>
        %dma_wait3A_129 = arith.constant 200000 : i32
        %dma_wait3A_130 = tpu.memref_slice %arg2[%dma_wait3A_129] : memref<204800xf32, #tpu.memory_space<hbm>> -> memref<4800xf32, #tpu.memory_space<hbm>>
        tpu.wait_dma2 semaphore(%run_scoped3A : memref<!tpu.dma_semaphore, #tpu.memory_space<semaphore_mem>>) src(%dma_wait3A_130 : memref<4800xf32, #tpu.memory_space<hbm>>) dst(%dma_wait3A_128 : memref<4800xf32, #tpu.memory_space<vmem>>)
        tpu.yield
      }) : () -> ()
      "tpu.region"() ({
        %run_scoped3A = tpu.sem_alloc : memref<!tpu.dma_semaphore, #tpu.memory_space<semaphore_mem>>
        %dma_start3A_115 = arith.constant 4800 : i32
        %dma_start3A_116 = tpu.memref_slice %arg8[%dma_start3A_115] : memref<8016xf32, #tpu.memory_space<vmem>> -> memref<3200xf32, #tpu.memory_space<vmem>>
        %dma_start3A_117 = arith.constant 0 : i32
        %dma_start3A_118 = tpu.memref_slice %arg3[%dma_start3A_117] : memref<51200xf32, #tpu.memory_space<hbm>> -> memref<3200xf32, #tpu.memory_space<hbm>>
        %dma_start3A_119 = arith.constant 4800 : i32
        %dma_start3A_120 = tpu.memref_slice %arg8[%dma_start3A_119] : memref<8016xf32, #tpu.memory_space<vmem>> -> memref<3200xf32, #tpu.memory_space<vmem>>
        %dma_start3A_121 = arith.constant 0 : i32
        %dma_start3A_122 = tpu.memref_slice %arg3[%dma_start3A_121] : memref<51200xf32, #tpu.memory_space<hbm>> -> memref<3200xf32, #tpu.memory_space<hbm>>
        tpu.enqueue_dma source(%dma_start3A_122 : memref<3200xf32, #tpu.memory_space<hbm>>) target(%dma_start3A_120 : memref<3200xf32, #tpu.memory_space<vmem>>) target_semaphore(%run_scoped3A : memref<!tpu.dma_semaphore, #tpu.memory_space<semaphore_mem>>)
        %dma_wait3A_123 = arith.constant 4800 : i32
        %dma_wait3A_124 = tpu.memref_slice %arg8[%dma_wait3A_123] : memref<8016xf32, #tpu.memory_space<vmem>> -> memref<3200xf32, #tpu.memory_space<vmem>>
        %dma_wait3A_125 = arith.constant 0 : i32
        %dma_wait3A_126 = tpu.memref_slice %arg3[%dma_wait3A_125] : memref<51200xf32, #tpu.memory_space<hbm>> -> memref<3200xf32, #tpu.memory_space<hbm>>
        %dma_wait3A_127 = arith.constant 4800 : i32
        %dma_wait3A_128 = tpu.memref_slice %arg8[%dma_wait3A_127] : memref<8016xf32, #tpu.memory_space<vmem>> -> memref<3200xf32, #tpu.memory_space<vmem>>
        %dma_wait3A_129 = arith.constant 0 : i32
        %dma_wait3A_130 = tpu.memref_slice %arg3[%dma_wait3A_129] : memref<51200xf32, #tpu.memory_space<hbm>> -> memref<3200xf32, #tpu.memory_space<hbm>>
        tpu.wait_dma2 semaphore(%run_scoped3A : memref<!tpu.dma_semaphore, #tpu.memory_space<semaphore_mem>>) src(%dma_wait3A_130 : memref<3200xf32, #tpu.memory_space<hbm>>) dst(%dma_wait3A_128 : memref<3200xf32, #tpu.memory_space<vmem>>)
        tpu.yield
      }) : () -> ()
    } else {
    }
    %gt3A = arith.constant 25 : i32
    %gt3A_14 = arith.cmpi sgt, %add3A, %gt3A : i32
    %convert_element_type3A_15 = arith.extui %gt3A_14 : i1 to i32
    %cond3A_16 = arith.constant 0 : i32
    %cond3A_17 = arith.cmpi ne, %convert_element_type3A_15, %cond3A_16 : i32
    scf.if %cond3A_17 {
      %sub3A = arith.constant 204800 : i32
      %sub3A_115 = arith.subi %mul3A_2, %sub3A : i32
      "tpu.region"() ({
        %run_scoped3A = tpu.sem_alloc : memref<!tpu.dma_semaphore, #tpu.memory_space<semaphore_mem>>
        %dma_start3A_116 = arith.constant 0 : i32
        %dma_start3A_117 = tpu.memref_slice %arg8[%dma_start3A_116] : memref<8016xf32, #tpu.memory_space<vmem>> -> memref<8000xf32, #tpu.memory_space<vmem>>
        %dma_start3A_118 = tpu.memref_slice %arg3[%sub3A_115] : memref<51200xf32, #tpu.memory_space<hbm>> -> memref<8000xf32, #tpu.memory_space<hbm>>
        %dma_start3A_119 = arith.constant 0 : i32
        %dma_start3A_120 = tpu.memref_slice %arg8[%dma_start3A_119] : memref<8016xf32, #tpu.memory_space<vmem>> -> memref<8000xf32, #tpu.memory_space<vmem>>
        %dma_start3A_121 = tpu.memref_slice %arg3[%sub3A_115] : memref<51200xf32, #tpu.memory_space<hbm>> -> memref<8000xf32, #tpu.memory_space<hbm>>
        tpu.enqueue_dma source(%dma_start3A_121 : memref<8000xf32, #tpu.memory_space<hbm>>) target(%dma_start3A_120 : memref<8000xf32, #tpu.memory_space<vmem>>) target_semaphore(%run_scoped3A : memref<!tpu.dma_semaphore, #tpu.memory_space<semaphore_mem>>)
        %dma_wait3A_122 = arith.constant 0 : i32
        %dma_wait3A_123 = tpu.memref_slice %arg8[%dma_wait3A_122] : memref<8016xf32, #tpu.memory_space<vmem>> -> memref<8000xf32, #tpu.memory_space<vmem>>
        %dma_wait3A_124 = tpu.memref_slice %arg3[%sub3A_115] : memref<51200xf32, #tpu.memory_space<hbm>> -> memref<8000xf32, #tpu.memory_space<hbm>>
        %dma_wait3A_125 = arith.constant 0 : i32
        %dma_wait3A_126 = tpu.memref_slice %arg8[%dma_wait3A_125] : memref<8016xf32, #tpu.memory_space<vmem>> -> memref<8000xf32, #tpu.memory_space<vmem>>
        %dma_wait3A_127 = tpu.memref_slice %arg3[%sub3A_115] : memref<51200xf32, #tpu.memory_space<hbm>> -> memref<8000xf32, #tpu.memory_space<hbm>>
        tpu.wait_dma2 semaphore(%run_scoped3A : memref<!tpu.dma_semaphore, #tpu.memory_space<semaphore_mem>>) src(%dma_wait3A_127 : memref<8000xf32, #tpu.memory_space<hbm>>) dst(%dma_wait3A_126 : memref<8000xf32, #tpu.memory_space<vmem>>)
        tpu.yield
      }) : () -> ()
    } else {
    }
    %iota3A = tpu.iota {dimensions = array<i32: 0>} : vector<16xi32>
    %scan3A = arith.constant 0 : i32
    %scan3A_18 = arith.constant 0 : i32
    %scan3A_19 = arith.constant 13 : i32
    %scan3A_20 = arith.addi %scan3A_18, %scan3A_19 : i32
    %scan3A_21 = arith.constant 1 : i32
    scf.for %scan3A_115 = %scan3A_18 to %scan3A_20 step %scan3A_21  : i32 {
      %mul3A_116 = arith.constant 16 : i32
      %mul3A_117 = arith.muli %mul3A_116, %scan3A_115 : i32
      %mul3A_118 = arith.constant 16 : i32
      %mul3A_119 = arith.muli %mul3A_118, %scan3A_115 : i32
      %add3A_120 = arith.constant 0 : i32
      %add3A_121 = arith.addi %add3A_120, %mul3A_119 : i32
      %get3A = arith.index_cast %add3A_121 : i32 to index
      %get3A_122 = tpu.vector_load %arg8[%get3A] {strides = array<i32>} : memref<8016xf32, #tpu.memory_space<vmem>>, vector<16xf32>,
      %get3A_123 = vector.shape_cast %get3A_122 : vector<16xf32> to vector<16xf32>
      %convert_element_type3A_124 = arith.fptosi %get3A_123 : vector<16xf32> to vector<16xi32>
      %and3A = arith.constant 1048575 : i32
      %and3A_125 = vector.broadcast %and3A : i32 to vector<16xi32>
      %and3A_126 = arith.andi %convert_element_type3A_124, %and3A_125 : vector<16xi32>
      %shift_right_logical3A = arith.constant 20 : i32
      %shift_right_logical3A_127 = vector.broadcast %shift_right_logical3A : i32 to vector<16xi32>
      %shift_right_logical3A_128 = arith.shrui %convert_element_type3A_124, %shift_right_logical3A_127 : vector<16xi32>
      %add3A_129 = arith.constant 0 : i32
      %add3A_130 = arith.addi %mul3A_2, %add3A_129 : i32
      %mul3A_131 = arith.constant 16 : i32
      %mul3A_132 = arith.muli %mul3A_131, %scan3A_115 : i32
      %add3A_133 = arith.addi %add3A_130, %mul3A_132 : i32
      %add3A_134 = vector.broadcast %add3A_133 : i32 to vector<16xi32>
      %add3A_135 = arith.addi %add3A_134, %iota3A : vector<16xi32>
      %mul3A_136 = arith.constant 200 : i32
      %mul3A_137 = vector.broadcast %mul3A_136 : i32 to vector<16xi32>
      %mul3A_138 = arith.muli %shift_right_logical3A_128, %mul3A_137 : vector<16xi32>
      %rem3A = arith.constant 200 : i32
      %rem3A_139 = vector.broadcast %rem3A : i32 to vector<16xi32>
      %rem3A_140 = arith.remsi %add3A_135, %rem3A_139 : vector<16xi32>
      %add3A_141 = arith.addi %mul3A_138, %rem3A_140 : vector<16xi32>
      %mul3A_142 = arith.constant 50 : i32
      %mul3A_143 = vector.broadcast %mul3A_142 : i32 to vector<16xi32>
      %mul3A_144 = arith.muli %shift_right_logical3A_128, %mul3A_143 : vector<16xi32>
      %add3A_145 = arith.constant 800 : i32
      %add3A_146 = vector.broadcast %add3A_145 : i32 to vector<16xi32>
      %add3A_147 = arith.addi %add3A_146, %mul3A_144 : vector<16xi32>
      %sub3A = arith.constant 204800 : i32
      %sub3A_148 = vector.broadcast %sub3A : i32 to vector<16xi32>
      %sub3A_149 = arith.subi %add3A_135, %sub3A_148 : vector<16xi32>
      %rem3A_150 = arith.constant 50 : i32
      %rem3A_151 = vector.broadcast %rem3A_150 : i32 to vector<16xi32>
      %rem3A_152 = arith.remsi %sub3A_149, %rem3A_151 : vector<16xi32>
      %add3A_153 = arith.addi %add3A_147, %rem3A_152 : vector<16xi32>
      %swap3A = arith.index_cast %mul3A_117 : i32 to index
      %swap3A_154 = tpu.vector_load %arg9[%swap3A] {strides = array<i32>} : memref<208xi32, #tpu.memory_space<vmem>>, vector<16xi32>,
      %swap3A_155 = vector.shape_cast %swap3A_154 : vector<16xi32> to vector<16xi32>
      %swap3A_156 = vector.shape_cast %and3A_126 : vector<16xi32> to vector<16xi32>
      tpu.vector_store %arg9[%swap3A], %swap3A_156 {strides = array<i32>} : memref<208xi32, #tpu.memory_space<vmem>>, vector<16xi32>,
      %lt3A_157 = arith.constant 204800 : i32
      %lt3A_158 = vector.broadcast %lt3A_157 : i32 to vector<16xi32>
      %lt3A_159 = arith.cmpi slt, %add3A_135, %lt3A_158 : vector<16xi32>
      %select_n3A = arith.select %lt3A_159, %add3A_141, %add3A_153 : vector<16xi1>, vector<16xi32>
      %swap3A_160 = arith.index_cast %mul3A_117 : i32 to index
      %swap3A_161 = tpu.vector_load %arg10[%swap3A_160] {strides = array<i32>} : memref<208xi32, #tpu.memory_space<vmem>>, vector<16xi32>,
      %swap3A_162 = vector.shape_cast %swap3A_161 : vector<16xi32> to vector<16xi32>
      %swap3A_163 = vector.shape_cast %select_n3A : vector<16xi32> to vector<16xi32>
      tpu.vector_store %arg10[%swap3A_160], %swap3A_163 {strides = array<i32>} : memref<208xi32, #tpu.memory_space<vmem>>, vector<16xi32>,
    }
    %scan3A_22 = arith.constant 13 : i32
    %dma_start3A = arith.constant 0 : i32
    %dma_start3A_23 = arith.constant 0 : i32
    %dma_start3A_24 = tpu.memref_slice %arg13[%dma_start3A, %dma_start3A_23] : memref<200x128xf32, #tpu.memory_space<vmem>> -> memref<96x128xf32, #tpu.memory_space<vmem>>
    %dma_start3A_25 = arith.constant 0 : i32
    %dma_start3A_26 = tpu.memref_slice %arg9[%dma_start3A_25] : memref<208xi32, #tpu.memory_space<vmem>> -> memref<96xi32, #tpu.memory_space<vmem>>
    %dma_start3A_27 = arith.constant 0 : i32
    %dma_start3A_28 = arith.constant 0 : i32
    %dma_start3A_29 = tpu.memref_slice %arg4[%dma_start3A_27, %dma_start3A_28] : memref<100000x128xf32, #tpu.memory_space<hbm>> -> memref<100000x128xf32, #tpu.memory_space<hbm>>
    tpu.enqueue_indirect_dma source(%dma_start3A_29 : memref<100000x128xf32, #tpu.memory_space<hbm>>) target(%dma_start3A_24 : memref<96x128xf32, #tpu.memory_space<vmem>>) offsets(%dma_start3A_26 : memref<96xi32, #tpu.memory_space<vmem>>) semaphore(%arg18 : memref<!tpu.dma_semaphore, #tpu.memory_space<semaphore_mem>>)
    %dma_start3A_30 = arith.constant 96 : i32
    %dma_start3A_31 = arith.constant 0 : i32
    %dma_start3A_32 = tpu.memref_slice %arg13[%dma_start3A_30, %dma_start3A_31] : memref<200x128xf32, #tpu.memory_space<vmem>> -> memref<104x128xf32, #tpu.memory_space<vmem>>
    %dma_start3A_33 = arith.constant 96 : i32
    %dma_start3A_34 = tpu.memref_slice %arg9[%dma_start3A_33] : memref<208xi32, #tpu.memory_space<vmem>> -> memref<104xi32, #tpu.memory_space<vmem>>
    %dma_start3A_35 = arith.constant 0 : i32
    %dma_start3A_36 = arith.constant 0 : i32
    %dma_start3A_37 = tpu.memref_slice %arg4[%dma_start3A_35, %dma_start3A_36] : memref<100000x128xf32, #tpu.memory_space<hbm>> -> memref<100000x128xf32, #tpu.memory_space<hbm>>
    tpu.enqueue_indirect_dma source(%dma_start3A_37 : memref<100000x128xf32, #tpu.memory_space<hbm>>) target(%dma_start3A_32 : memref<104x128xf32, #tpu.memory_space<vmem>>) offsets(%dma_start3A_34 : memref<104xi32, #tpu.memory_space<vmem>>) semaphore(%arg18 : memref<!tpu.dma_semaphore, #tpu.memory_space<semaphore_mem>>)
    %dma_start3A_38 = arith.constant 0 : i32
    %dma_start3A_39 = arith.constant 0 : i32
    %dma_start3A_40 = tpu.memref_slice %arg14[%dma_start3A_38, %dma_start3A_39] : memref<200x128xf32, #tpu.memory_space<vmem>> -> memref<96x128xf32, #tpu.memory_space<vmem>>
    %dma_start3A_41 = arith.constant 0 : i32
    %dma_start3A_42 = tpu.memref_slice %arg10[%dma_start3A_41] : memref<208xi32, #tpu.memory_space<vmem>> -> memref<96xi32, #tpu.memory_space<vmem>>
    %dma_start3A_43 = arith.constant 0 : i32
    %dma_start3A_44 = arith.constant 0 : i32
    %dma_start3A_45 = tpu.memref_slice %arg17[%dma_start3A_43, %dma_start3A_44] : memref<1000x128xf32, #tpu.memory_space<vmem_shared>> -> memref<1000x128xf32, #tpu.memory_space<vmem_shared>>
    tpu.enqueue_indirect_dma source(%dma_start3A_45 : memref<1000x128xf32, #tpu.memory_space<vmem_shared>>) target(%dma_start3A_40 : memref<96x128xf32, #tpu.memory_space<vmem>>) offsets(%dma_start3A_42 : memref<96xi32, #tpu.memory_space<vmem>>) semaphore(%arg19 : memref<!tpu.dma_semaphore, #tpu.memory_space<semaphore_mem>>)
    %dma_start3A_46 = arith.constant 96 : i32
    %dma_start3A_47 = arith.constant 0 : i32
    %dma_start3A_48 = tpu.memref_slice %arg14[%dma_start3A_46, %dma_start3A_47] : memref<200x128xf32, #tpu.memory_space<vmem>> -> memref<104x128xf32, #tpu.memory_space<vmem>>
    %dma_start3A_49 = arith.constant 96 : i32
    %dma_start3A_50 = tpu.memref_slice %arg10[%dma_start3A_49] : memref<208xi32, #tpu.memory_space<vmem>> -> memref<104xi32, #tpu.memory_space<vmem>>
    %dma_start3A_51 = arith.constant 0 : i32
    %dma_start3A_52 = arith.constant 0 : i32
    %dma_start3A_53 = tpu.memref_slice %arg17[%dma_start3A_51, %dma_start3A_52] : memref<1000x128xf32, #tpu.memory_space<vmem_shared>> -> memref<1000x128xf32, #tpu.memory_space<vmem_shared>>
    tpu.enqueue_indirect_dma source(%dma_start3A_53 : memref<1000x128xf32, #tpu.memory_space<vmem_shared>>) target(%dma_start3A_48 : memref<104x128xf32, #tpu.memory_space<vmem>>) offsets(%dma_start3A_50 : memref<104xi32, #tpu.memory_space<vmem>>) semaphore(%arg19 : memref<!tpu.dma_semaphore, #tpu.memory_space<semaphore_mem>>)
    %scan3A_54 = arith.constant 0 : i32
    %scan3A_55 = arith.constant 0 : i32
    %scan3A_56 = arith.constant 13 : i32
    %scan3A_57 = arith.addi %scan3A_55, %scan3A_56 : i32
    %scan3A_58 = arith.constant 1 : i32
    scf.for %scan3A_115 = %scan3A_55 to %scan3A_57 step %scan3A_58  : i32 {
      %mul3A_116 = arith.constant 16 : i32
      %mul3A_117 = arith.muli %mul3A_116, %scan3A_115 : i32
      %mul3A_118 = arith.constant 16 : i32
      %mul3A_119 = arith.muli %mul3A_118, %scan3A_115 : i32
      %add3A_120 = arith.constant 200 : i32
      %add3A_121 = arith.addi %add3A_120, %mul3A_119 : i32
      %get3A = arith.index_cast %add3A_121 : i32 to index
      %get3A_122 = tpu.vector_load %arg8[%get3A] {strides = array<i32>} : memref<8016xf32, #tpu.memory_space<vmem>>, vector<16xf32>,
      %get3A_123 = vector.shape_cast %get3A_122 : vector<16xf32> to vector<16xf32>
      %convert_element_type3A_124 = arith.fptosi %get3A_123 : vector<16xf32> to vector<16xi32>
      %and3A = arith.constant 1048575 : i32
      %and3A_125 = vector.broadcast %and3A : i32 to vector<16xi32>
      %and3A_126 = arith.andi %convert_element_type3A_124, %and3A_125 : vector<16xi32>
      %shift_right_logical3A = arith.constant 20 : i32
      %shift_right_logical3A_127 = vector.broadcast %shift_right_logical3A : i32 to vector<16xi32>
      %shift_right_logical3A_128 = arith.shrui %convert_element_type3A_124, %shift_right_logical3A_127 : vector<16xi32>
      %add3A_129 = arith.constant 200 : i32
      %add3A_130 = arith.addi %mul3A_2, %add3A_129 : i32
      %mul3A_131 = arith.constant 16 : i32
      %mul3A_132 = arith.muli %mul3A_131, %scan3A_115 : i32
      %add3A_133 = arith.addi %add3A_130, %mul3A_132 : i32
      %add3A_134 = vector.broadcast %add3A_133 : i32 to vector<16xi32>
      %add3A_135 = arith.addi %add3A_134, %iota3A : vector<16xi32>
      %mul3A_136 = arith.constant 200 : i32
      %mul3A_137 = vector.broadcast %mul3A_136 : i32 to vector<16xi32>
      %mul3A_138 = arith.muli %shift_right_logical3A_128, %mul3A_137 : vector<16xi32>
      %rem3A = arith.constant 200 : i32
      %rem3A_139 = vector.broadcast %rem3A : i32 to vector<16xi32>
      %rem3A_140 = arith.remsi %add3A_135, %rem3A_139 : vector<16xi32>
      %add3A_141 = arith.addi %mul3A_138, %rem3A_140 : vector<16xi32>
      %mul3A_142 = arith.constant 50 : i32
      %mul3A_143 = vector.broadcast %mul3A_142 : i32 to vector<16xi32>
      %mul3A_144 = arith.muli %shift_right_logical3A_128, %mul3A_143 : vector<16xi32>
      %add3A_145 = arith.constant 800 : i32
      %add3A_146 = vector.broadcast %add3A_145 : i32 to vector<16xi32>
      %add3A_147 = arith.addi %add3A_146, %mul3A_144 : vector<16xi32>
      %sub3A = arith.constant 204800 : i32
      %sub3A_148 = vector.broadcast %sub3A : i32 to vector<16xi32>
      %sub3A_149 = arith.subi %add3A_135, %sub3A_148 : vector<16xi32>
      %rem3A_150 = arith.constant 50 : i32
      %rem3A_151 = vector.broadcast %rem3A_150 : i32 to vector<16xi32>
      %rem3A_152 = arith.remsi %sub3A_149, %rem3A_151 : vector<16xi32>
      %add3A_153 = arith.addi %add3A_147, %rem3A_152 : vector<16xi32>
      %swap3A = arith.index_cast %mul3A_117 : i32 to index
      %swap3A_154 = tpu.vector_load %arg11[%swap3A] {strides = array<i32>} : memref<208xi32, #tpu.memory_space<vmem>>, vector<16xi32>,
      %swap3A_155 = vector.shape_cast %swap3A_154 : vector<16xi32> to vector<16xi32>
      %swap3A_156 = vector.shape_cast %and3A_126 : vector<16xi32> to vector<16xi32>
      tpu.vector_store %arg11[%swap3A], %swap3A_156 {strides = array<i32>} : memref<208xi32, #tpu.memory_space<vmem>>, vector<16xi32>,
      %lt3A_157 = arith.constant 204800 : i32
      %lt3A_158 = vector.broadcast %lt3A_157 : i32 to vector<16xi32>
      %lt3A_159 = arith.cmpi slt, %add3A_135, %lt3A_158 : vector<16xi32>
      %select_n3A = arith.select %lt3A_159, %add3A_141, %add3A_153 : vector<16xi1>, vector<16xi32>
      %swap3A_160 = arith.index_cast %mul3A_117 : i32 to index
      %swap3A_161 = tpu.vector_load %arg12[%swap3A_160] {strides = array<i32>} : memref<208xi32, #tpu.memory_space<vmem>>, vector<16xi32>,
      %swap3A_162 = vector.shape_cast %swap3A_161 : vector<16xi32> to vector<16xi32>
      %swap3A_163 = vector.shape_cast %select_n3A : vector<16xi32> to vector<16xi32>
      tpu.vector_store %arg12[%swap3A_160], %swap3A_163 {strides = array<i32>} : memref<208xi32, #tpu.memory_space<vmem>>, vector<16xi32>,
    }
    %scan3A_59 = arith.constant 13 : i32
    %dma_start3A_60 = arith.constant 0 : i32
    %dma_start3A_61 = arith.constant 0 : i32
    %dma_start3A_62 = tpu.memref_slice %arg15[%dma_start3A_60, %dma_start3A_61] : memref<200x128xf32, #tpu.memory_space<vmem>> -> memref<96x128xf32, #tpu.memory_space<vmem>>
    %dma_start3A_63 = arith.constant 0 : i32
    %dma_start3A_64 = tpu.memref_slice %arg11[%dma_start3A_63] : memref<208xi32, #tpu.memory_space<vmem>> -> memref<96xi32, #tpu.memory_space<vmem>>
    %dma_start3A_65 = arith.constant 0 : i32
    %dma_start3A_66 = arith.constant 0 : i32
    %dma_start3A_67 = tpu.memref_slice %arg4[%dma_start3A_65, %dma_start3A_66] : memref<100000x128xf32, #tpu.memory_space<hbm>> -> memref<100000x128xf32, #tpu.memory_space<hbm>>
    tpu.enqueue_indirect_dma source(%dma_start3A_67 : memref<100000x128xf32, #tpu.memory_space<hbm>>) target(%dma_start3A_62 : memref<96x128xf32, #tpu.memory_space<vmem>>) offsets(%dma_start3A_64 : memref<96xi32, #tpu.memory_space<vmem>>) semaphore(%arg20 : memref<!tpu.dma_semaphore, #tpu.memory_space<semaphore_mem>>)
    %dma_start3A_68 = arith.constant 96 : i32
    %dma_start3A_69 = arith.constant 0 : i32
    %dma_start3A_70 = tpu.memref_slice %arg15[%dma_start3A_68, %dma_start3A_69] : memref<200x128xf32, #tpu.memory_space<vmem>> -> memref<104x128xf32, #tpu.memory_space<vmem>>
    %dma_start3A_71 = arith.constant 96 : i32
    %dma_start3A_72 = tpu.memref_slice %arg11[%dma_start3A_71] : memref<208xi32, #tpu.memory_space<vmem>> -> memref<104xi32, #tpu.memory_space<vmem>>
    %dma_start3A_73 = arith.constant 0 : i32
    %dma_start3A_74 = arith.constant 0 : i32
    %dma_start3A_75 = tpu.memref_slice %arg4[%dma_start3A_73, %dma_start3A_74] : memref<100000x128xf32, #tpu.memory_space<hbm>> -> memref<100000x128xf32, #tpu.memory_space<hbm>>
    tpu.enqueue_indirect_dma source(%dma_start3A_75 : memref<100000x128xf32, #tpu.memory_space<hbm>>) target(%dma_start3A_70 : memref<104x128xf32, #tpu.memory_space<vmem>>) offsets(%dma_start3A_72 : memref<104xi32, #tpu.memory_space<vmem>>) semaphore(%arg20 : memref<!tpu.dma_semaphore, #tpu.memory_space<semaphore_mem>>)
    %dma_start3A_76 = arith.constant 0 : i32
    %dma_start3A_77 = arith.constant 0 : i32
    %dma_start3A_78 = tpu.memref_slice %arg16[%dma_start3A_76, %dma_start3A_77] : memref<200x128xf32, #tpu.memory_space<vmem>> -> memref<96x128xf32, #tpu.memory_space<vmem>>
    %dma_start3A_79 = arith.constant 0 : i32
    %dma_start3A_80 = tpu.memref_slice %arg12[%dma_start3A_79] : memref<208xi32, #tpu.memory_space<vmem>> -> memref<96xi32, #tpu.memory_space<vmem>>
    %dma_start3A_81 = arith.constant 0 : i32
    %dma_start3A_82 = arith.constant 0 : i32
    %dma_start3A_83 = tpu.memref_slice %arg17[%dma_start3A_81, %dma_start3A_82] : memref<1000x128xf32, #tpu.memory_space<vmem_shared>> -> memref<1000x128xf32, #tpu.memory_space<vmem_shared>>
    tpu.enqueue_indirect_dma source(%dma_start3A_83 : memref<1000x128xf32, #tpu.memory_space<vmem_shared>>) target(%dma_start3A_78 : memref<96x128xf32, #tpu.memory_space<vmem>>) offsets(%dma_start3A_80 : memref<96xi32, #tpu.memory_space<vmem>>) semaphore(%arg21 : memref<!tpu.dma_semaphore, #tpu.memory_space<semaphore_mem>>)
    %dma_start3A_84 = arith.constant 96 : i32
    %dma_start3A_85 = arith.constant 0 : i32
    %dma_start3A_86 = tpu.memref_slice %arg16[%dma_start3A_84, %dma_start3A_85] : memref<200x128xf32, #tpu.memory_space<vmem>> -> memref<104x128xf32, #tpu.memory_space<vmem>>
    %dma_start3A_87 = arith.constant 96 : i32
    %dma_start3A_88 = tpu.memref_slice %arg12[%dma_start3A_87] : memref<208xi32, #tpu.memory_space<vmem>> -> memref<104xi32, #tpu.memory_space<vmem>>
    %dma_start3A_89 = arith.constant 0 : i32
    %dma_start3A_90 = arith.constant 0 : i32
    %dma_start3A_91 = tpu.memref_slice %arg17[%dma_start3A_89, %dma_start3A_90] : memref<1000x128xf32, #tpu.memory_space<vmem_shared>> -> memref<1000x128xf32, #tpu.memory_space<vmem_shared>>
    tpu.enqueue_indirect_dma source(%dma_start3A_91 : memref<1000x128xf32, #tpu.memory_space<vmem_shared>>) target(%dma_start3A_86 : memref<104x128xf32, #tpu.memory_space<vmem>>) offsets(%dma_start3A_88 : memref<104xi32, #tpu.memory_space<vmem>>) semaphore(%arg21 : memref<!tpu.dma_semaphore, #tpu.memory_space<semaphore_mem>>)
    %scan3A_92 = arith.constant 0 : i32
    %scan3A_93 = arith.constant 0 : i32
    %scan3A_94 = arith.constant 20 : i32
    %scan3A_95 = arith.addi %scan3A_93, %scan3A_94 : i32
    %scan3A_96 = arith.constant 1 : i32
    scf.for %scan3A_115 = %scan3A_93 to %scan3A_95 step %scan3A_96  : i32 {
      %mul3A_116 = arith.constant 2 : i32
      %mul3A_117 = arith.muli %mul3A_116, %scan3A_115 : i32
      %dma_wait3A_118 = arith.constant 0 : i32
      %dma_wait3A_119 = arith.constant 0 : i32
      %dma_wait3A_120 = tpu.memref_slice %arg13[%dma_wait3A_118, %dma_wait3A_119] : memref<200x128xf32, #tpu.memory_space<vmem>> -> memref<96x128xf32, #tpu.memory_space<vmem>>
      %dma_wait3A_121 = arith.constant 0 : i32
      %dma_wait3A_122 = tpu.memref_slice %arg9[%dma_wait3A_121] : memref<208xi32, #tpu.memory_space<vmem>> -> memref<96xi32, #tpu.memory_space<vmem>>
      %dma_wait3A_123 = arith.constant 0 : i32
      %dma_wait3A_124 = arith.constant 0 : i32
      %dma_wait3A_125 = tpu.memref_slice %arg4[%dma_wait3A_123, %dma_wait3A_124] : memref<100000x128xf32, #tpu.memory_space<hbm>> -> memref<100000x128xf32, #tpu.memory_space<hbm>>
      tpu.wait_indirect_dma semaphore(%arg18 : memref<!tpu.dma_semaphore, #tpu.memory_space<semaphore_mem>>) src(%dma_wait3A_125 : memref<100000x128xf32, #tpu.memory_space<hbm>>) dst(%dma_wait3A_120 : memref<96x128xf32, #tpu.memory_space<vmem>>)
      %dma_wait3A_126 = arith.constant 96 : i32
      %dma_wait3A_127 = arith.constant 0 : i32
      %dma_wait3A_128 = tpu.memref_slice %arg13[%dma_wait3A_126, %dma_wait3A_127] : memref<200x128xf32, #tpu.memory_space<vmem>> -> memref<104x128xf32, #tpu.memory_space<vmem>>
      %dma_wait3A_129 = arith.constant 96 : i32
      %dma_wait3A_130 = tpu.memref_slice %arg9[%dma_wait3A_129] : memref<208xi32, #tpu.memory_space<vmem>> -> memref<104xi32, #tpu.memory_space<vmem>>
      %dma_wait3A_131 = arith.constant 0 : i32
      %dma_wait3A_132 = arith.constant 0 : i32
      %dma_wait3A_133 = tpu.memref_slice %arg4[%dma_wait3A_131, %dma_wait3A_132] : memref<100000x128xf32, #tpu.memory_space<hbm>> -> memref<100000x128xf32, #tpu.memory_space<hbm>>
      tpu.wait_indirect_dma semaphore(%arg18 : memref<!tpu.dma_semaphore, #tpu.memory_space<semaphore_mem>>) src(%dma_wait3A_133 : memref<100000x128xf32, #tpu.memory_space<hbm>>) dst(%dma_wait3A_128 : memref<104x128xf32, #tpu.memory_space<vmem>>)
      %dma_wait3A_134 = arith.constant 0 : i32
      %dma_wait3A_135 = arith.constant 0 : i32
      %dma_wait3A_136 = tpu.memref_slice %arg14[%dma_wait3A_134, %dma_wait3A_135] : memref<200x128xf32, #tpu.memory_space<vmem>> -> memref<96x128xf32, #tpu.memory_space<vmem>>
      %dma_wait3A_137 = arith.constant 0 : i32
      %dma_wait3A_138 = tpu.memref_slice %arg10[%dma_wait3A_137] : memref<208xi32, #tpu.memory_space<vmem>> -> memref<96xi32, #tpu.memory_space<vmem>>
      %dma_wait3A_139 = arith.constant 0 : i32
      %dma_wait3A_140 = arith.constant 0 : i32
      %dma_wait3A_141 = tpu.memref_slice %arg17[%dma_wait3A_139, %dma_wait3A_140] : memref<1000x128xf32, #tpu.memory_space<vmem_shared>> -> memref<1000x128xf32, #tpu.memory_space<vmem_shared>>
      tpu.wait_indirect_dma semaphore(%arg19 : memref<!tpu.dma_semaphore, #tpu.memory_space<semaphore_mem>>) src(%dma_wait3A_141 : memref<1000x128xf32, #tpu.memory_space<vmem_shared>>) dst(%dma_wait3A_136 : memref<96x128xf32, #tpu.memory_space<vmem>>)
      %dma_wait3A_142 = arith.constant 96 : i32
      %dma_wait3A_143 = arith.constant 0 : i32
      %dma_wait3A_144 = tpu.memref_slice %arg14[%dma_wait3A_142, %dma_wait3A_143] : memref<200x128xf32, #tpu.memory_space<vmem>> -> memref<104x128xf32, #tpu.memory_space<vmem>>
      %dma_wait3A_145 = arith.constant 96 : i32
      %dma_wait3A_146 = tpu.memref_slice %arg10[%dma_wait3A_145] : memref<208xi32, #tpu.memory_space<vmem>> -> memref<104xi32, #tpu.memory_space<vmem>>
      %dma_wait3A_147 = arith.constant 0 : i32
      %dma_wait3A_148 = arith.constant 0 : i32
      %dma_wait3A_149 = tpu.memref_slice %arg17[%dma_wait3A_147, %dma_wait3A_148] : memref<1000x128xf32, #tpu.memory_space<vmem_shared>> -> memref<1000x128xf32, #tpu.memory_space<vmem_shared>>
      tpu.wait_indirect_dma semaphore(%arg19 : memref<!tpu.dma_semaphore, #tpu.memory_space<semaphore_mem>>) src(%dma_wait3A_149 : memref<1000x128xf32, #tpu.memory_space<vmem_shared>>) dst(%dma_wait3A_144 : memref<104x128xf32, #tpu.memory_space<vmem>>)
      %scan3A_150 = arith.constant 0 : i32
      %scan3A_151 = arith.constant 0 : i32
      %scan3A_152 = arith.constant 200 : i32
      %scan3A_153 = arith.addi %scan3A_151, %scan3A_152 : i32
      %scan3A_154 = arith.constant 1 : i32
      scf.for %scan3A_235 = %scan3A_151 to %scan3A_153 step %scan3A_154  : i32 {
        %get3A = arith.index_cast %scan3A_235 : i32 to index
        %get3A_236 = arith.constant 0 : index
        %get3A_237 = tpu.vector_load %arg13[%get3A, %get3A_236] {strides = array<i32>} : memref<200x128xf32, #tpu.memory_space<vmem>>, vector<1x16xf32>,
        %get3A_238 = vector.shape_cast %get3A_237 : vector<1x16xf32> to vector<16xf32>
        %get3A_239 = arith.index_cast %scan3A_235 : i32 to index
        %get3A_240 = arith.constant 0 : index
        %get3A_241 = tpu.vector_load %arg14[%get3A_239, %get3A_240] {strides = array<i32>} : memref<200x128xf32, #tpu.memory_space<vmem>>, vector<1x16xf32>,
        %get3A_242 = vector.shape_cast %get3A_241 : vector<1x16xf32> to vector<16xf32>
        %add3A_243 = arith.addf %get3A_238, %get3A_242 : vector<16xf32>
        %swap3A = arith.index_cast %scan3A_235 : i32 to index
        %swap3A_244 = arith.constant 0 : index
        %swap3A_245 = tpu.vector_load %arg13[%swap3A, %swap3A_244] {strides = array<i32>} : memref<200x128xf32, #tpu.memory_space<vmem>>, vector<1x16xf32>,
        %swap3A_246 = vector.shape_cast %swap3A_245 : vector<1x16xf32> to vector<16xf32>
        %swap3A_247 = vector.shape_cast %add3A_243 : vector<16xf32> to vector<1x16xf32>
        tpu.vector_store %arg13[%swap3A, %swap3A_244], %swap3A_247 {strides = array<i32>} : memref<200x128xf32, #tpu.memory_space<vmem>>, vector<1x16xf32>,
        %get3A_248 = arith.index_cast %scan3A_235 : i32 to index
        %get3A_249 = arith.constant 16 : index
        %get3A_250 = tpu.vector_load %arg13[%get3A_248, %get3A_249] {strides = array<i32>} : memref<200x128xf32, #tpu.memory_space<vmem>>, vector<1x16xf32>,
        %get3A_251 = vector.shape_cast %get3A_250 : vector<1x16xf32> to vector<16xf32>
        %get3A_252 = arith.index_cast %scan3A_235 : i32 to index
        %get3A_253 = arith.constant 16 : index
        %get3A_254 = tpu.vector_load %arg14[%get3A_252, %get3A_253] {strides = array<i32>} : memref<200x128xf32, #tpu.memory_space<vmem>>, vector<1x16xf32>,
        %get3A_255 = vector.shape_cast %get3A_254 : vector<1x16xf32> to vector<16xf32>
        %add3A_256 = arith.addf %get3A_251, %get3A_255 : vector<16xf32>
        %swap3A_257 = arith.index_cast %scan3A_235 : i32 to index
        %swap3A_258 = arith.constant 16 : index
        %swap3A_259 = tpu.vector_load %arg13[%swap3A_257, %swap3A_258] {strides = array<i32>} : memref<200x128xf32, #tpu.memory_space<vmem>>, vector<1x16xf32>,
        %swap3A_260 = vector.shape_cast %swap3A_259 : vector<1x16xf32> to vector<16xf32>
        %swap3A_261 = vector.shape_cast %add3A_256 : vector<16xf32> to vector<1x16xf32>
        tpu.vector_store %arg13[%swap3A_257, %swap3A_258], %swap3A_261 {strides = array<i32>} : memref<200x128xf32, #tpu.memory_space<vmem>>, vector<1x16xf32>,
        %get3A_262 = arith.index_cast %scan3A_235 : i32 to index
        %get3A_263 = arith.constant 32 : index
        %get3A_264 = tpu.vector_load %arg13[%get3A_262, %get3A_263] {strides = array<i32>} : memref<200x128xf32, #tpu.memory_space<vmem>>, vector<1x16xf32>,
        %get3A_265 = vector.shape_cast %get3A_264 : vector<1x16xf32> to vector<16xf32>
        %get3A_266 = arith.index_cast %scan3A_235 : i32 to index
        %get3A_267 = arith.constant 32 : index
        %get3A_268 = tpu.vector_load %arg14[%get3A_266, %get3A_267] {strides = array<i32>} : memref<200x128xf32, #tpu.memory_space<vmem>>, vector<1x16xf32>,
        %get3A_269 = vector.shape_cast %get3A_268 : vector<1x16xf32> to vector<16xf32>
        %add3A_270 = arith.addf %get3A_265, %get3A_269 : vector<16xf32>
        %swap3A_271 = arith.index_cast %scan3A_235 : i32 to index
        %swap3A_272 = arith.constant 32 : index
        %swap3A_273 = tpu.vector_load %arg13[%swap3A_271, %swap3A_272] {strides = array<i32>} : memref<200x128xf32, #tpu.memory_space<vmem>>, vector<1x16xf32>,
        %swap3A_274 = vector.shape_cast %swap3A_273 : vector<1x16xf32> to vector<16xf32>
        %swap3A_275 = vector.shape_cast %add3A_270 : vector<16xf32> to vector<1x16xf32>
        tpu.vector_store %arg13[%swap3A_271, %swap3A_272], %swap3A_275 {strides = array<i32>} : memref<200x128xf32, #tpu.memory_space<vmem>>, vector<1x16xf32>,
        %get3A_276 = arith.index_cast %scan3A_235 : i32 to index
        %get3A_277 = arith.constant 48 : index
        %get3A_278 = tpu.vector_load %arg13[%get3A_276, %get3A_277] {strides = array<i32>} : memref<200x128xf32, #tpu.memory_space<vmem>>, vector<1x16xf32>,
        %get3A_279 = vector.shape_cast %get3A_278 : vector<1x16xf32> to vector<16xf32>
        %get3A_280 = arith.index_cast %scan3A_235 : i32 to index
        %get3A_281 = arith.constant 48 : index
        %get3A_282 = tpu.vector_load %arg14[%get3A_280, %get3A_281] {strides = array<i32>} : memref<200x128xf32, #tpu.memory_space<vmem>>, vector<1x16xf32>,
        %get3A_283 = vector.shape_cast %get3A_282 : vector<1x16xf32> to vector<16xf32>
        %add3A_284 = arith.addf %get3A_279, %get3A_283 : vector<16xf32>
        %swap3A_285 = arith.index_cast %scan3A_235 : i32 to index
        %swap3A_286 = arith.constant 48 : index
        %swap3A_287 = tpu.vector_load %arg13[%swap3A_285, %swap3A_286] {strides = array<i32>} : memref<200x128xf32, #tpu.memory_space<vmem>>, vector<1x16xf32>,
        %swap3A_288 = vector.shape_cast %swap3A_287 : vector<1x16xf32> to vector<16xf32>
        %swap3A_289 = vector.shape_cast %add3A_284 : vector<16xf32> to vector<1x16xf32>
        tpu.vector_store %arg13[%swap3A_285, %swap3A_286], %swap3A_289 {strides = array<i32>} : memref<200x128xf32, #tpu.memory_space<vmem>>, vector<1x16xf32>,
        %get3A_290 = arith.index_cast %scan3A_235 : i32 to index
        %get3A_291 = arith.constant 64 : index
        %get3A_292 = tpu.vector_load %arg13[%get3A_290, %get3A_291] {strides = array<i32>} : memref<200x128xf32, #tpu.memory_space<vmem>>, vector<1x16xf32>,
        %get3A_293 = vector.shape_cast %get3A_292 : vector<1x16xf32> to vector<16xf32>
        %get3A_294 = arith.index_cast %scan3A_235 : i32 to index
        %get3A_295 = arith.constant 64 : index
        %get3A_296 = tpu.vector_load %arg14[%get3A_294, %get3A_295] {strides = array<i32>} : memref<200x128xf32, #tpu.memory_space<vmem>>, vector<1x16xf32>,
        %get3A_297 = vector.shape_cast %get3A_296 : vector<1x16xf32> to vector<16xf32>
        %add3A_298 = arith.addf %get3A_293, %get3A_297 : vector<16xf32>
        %swap3A_299 = arith.index_cast %scan3A_235 : i32 to index
        %swap3A_300 = arith.constant 64 : index
        %swap3A_301 = tpu.vector_load %arg13[%swap3A_299, %swap3A_300] {strides = array<i32>} : memref<200x128xf32, #tpu.memory_space<vmem>>, vector<1x16xf32>,
        %swap3A_302 = vector.shape_cast %swap3A_301 : vector<1x16xf32> to vector<16xf32>
        %swap3A_303 = vector.shape_cast %add3A_298 : vector<16xf32> to vector<1x16xf32>
        tpu.vector_store %arg13[%swap3A_299, %swap3A_300], %swap3A_303 {strides = array<i32>} : memref<200x128xf32, #tpu.memory_space<vmem>>, vector<1x16xf32>,
        %get3A_304 = arith.index_cast %scan3A_235 : i32 to index
        %get3A_305 = arith.constant 80 : index
        %get3A_306 = tpu.vector_load %arg13[%get3A_304, %get3A_305] {strides = array<i32>} : memref<200x128xf32, #tpu.memory_space<vmem>>, vector<1x16xf32>,
        %get3A_307 = vector.shape_cast %get3A_306 : vector<1x16xf32> to vector<16xf32>
        %get3A_308 = arith.index_cast %scan3A_235 : i32 to index
        %get3A_309 = arith.constant 80 : index
        %get3A_310 = tpu.vector_load %arg14[%get3A_308, %get3A_309] {strides = array<i32>} : memref<200x128xf32, #tpu.memory_space<vmem>>, vector<1x16xf32>,
        %get3A_311 = vector.shape_cast %get3A_310 : vector<1x16xf32> to vector<16xf32>
        %add3A_312 = arith.addf %get3A_307, %get3A_311 : vector<16xf32>
        %swap3A_313 = arith.index_cast %scan3A_235 : i32 to index
        %swap3A_314 = arith.constant 80 : index
        %swap3A_315 = tpu.vector_load %arg13[%swap3A_313, %swap3A_314] {strides = array<i32>} : memref<200x128xf32, #tpu.memory_space<vmem>>, vector<1x16xf32>,
        %swap3A_316 = vector.shape_cast %swap3A_315 : vector<1x16xf32> to vector<16xf32>
        %swap3A_317 = vector.shape_cast %add3A_312 : vector<16xf32> to vector<1x16xf32>
        tpu.vector_store %arg13[%swap3A_313, %swap3A_314], %swap3A_317 {strides = array<i32>} : memref<200x128xf32, #tpu.memory_space<vmem>>, vector<1x16xf32>,
        %get3A_318 = arith.index_cast %scan3A_235 : i32 to index
        %get3A_319 = arith.constant 96 : index
        %get3A_320 = tpu.vector_load %arg13[%get3A_318, %get3A_319] {strides = array<i32>} : memref<200x128xf32, #tpu.memory_space<vmem>>, vector<1x16xf32>,
        %get3A_321 = vector.shape_cast %get3A_320 : vector<1x16xf32> to vector<16xf32>
        %get3A_322 = arith.index_cast %scan3A_235 : i32 to index
        %get3A_323 = arith.constant 96 : index
        %get3A_324 = tpu.vector_load %arg14[%get3A_322, %get3A_323] {strides = array<i32>} : memref<200x128xf32, #tpu.memory_space<vmem>>, vector<1x16xf32>,
        %get3A_325 = vector.shape_cast %get3A_324 : vector<1x16xf32> to vector<16xf32>
        %add3A_326 = arith.addf %get3A_321, %get3A_325 : vector<16xf32>
        %swap3A_327 = arith.index_cast %scan3A_235 : i32 to index
        %swap3A_328 = arith.constant 96 : index
        %swap3A_329 = tpu.vector_load %arg13[%swap3A_327, %swap3A_328] {strides = array<i32>} : memref<200x128xf32, #tpu.memory_space<vmem>>, vector<1x16xf32>,
        %swap3A_330 = vector.shape_cast %swap3A_329 : vector<1x16xf32> to vector<16xf32>
        %swap3A_331 = vector.shape_cast %add3A_326 : vector<16xf32> to vector<1x16xf32>
        tpu.vector_store %arg13[%swap3A_327, %swap3A_328], %swap3A_331 {strides = array<i32>} : memref<200x128xf32, #tpu.memory_space<vmem>>, vector<1x16xf32>,
        %get3A_332 = arith.index_cast %scan3A_235 : i32 to index
        %get3A_333 = arith.constant 112 : index
        %get3A_334 = tpu.vector_load %arg13[%get3A_332, %get3A_333] {strides = array<i32>} : memref<200x128xf32, #tpu.memory_space<vmem>>, vector<1x16xf32>,
        %get3A_335 = vector.shape_cast %get3A_334 : vector<1x16xf32> to vector<16xf32>
        %get3A_336 = arith.index_cast %scan3A_235 : i32 to index
        %get3A_337 = arith.constant 112 : index
        %get3A_338 = tpu.vector_load %arg14[%get3A_336, %get3A_337] {strides = array<i32>} : memref<200x128xf32, #tpu.memory_space<vmem>>, vector<1x16xf32>,
        %get3A_339 = vector.shape_cast %get3A_338 : vector<1x16xf32> to vector<16xf32>
        %add3A_340 = arith.addf %get3A_335, %get3A_339 : vector<16xf32>
        %swap3A_341 = arith.index_cast %scan3A_235 : i32 to index
        %swap3A_342 = arith.constant 112 : index
        %swap3A_343 = tpu.vector_load %arg13[%swap3A_341, %swap3A_342] {strides = array<i32>} : memref<200x128xf32, #tpu.memory_space<vmem>>, vector<1x16xf32>,
        %swap3A_344 = vector.shape_cast %swap3A_343 : vector<1x16xf32> to vector<16xf32>
        %swap3A_345 = vector.shape_cast %add3A_340 : vector<16xf32> to vector<1x16xf32>
        tpu.vector_store %arg13[%swap3A_341, %swap3A_342], %swap3A_345 {strides = array<i32>} : memref<200x128xf32, #tpu.memory_space<vmem>>, vector<1x16xf32>,
      }
      %scan3A_155 = arith.constant 200 : i32
      %mul3A_156 = arith.constant 200 : i32
      %mul3A_157 = arith.muli %mul3A_117, %mul3A_156 : i32
      %add3A_158 = arith.addi %mul3A_2, %mul3A_157 : i32
      %lt3A_159 = arith.constant 204800 : i32
      %lt3A_160 = arith.cmpi slt, %add3A_158, %lt3A_159 : i32
      %convert_element_type3A_161 = arith.extui %lt3A_160 : i1 to i32
      %cond3A_162 = arith.constant 0 : i32
      %cond3A_163 = arith.cmpi ne, %convert_element_type3A_161, %cond3A_162 : i32
      scf.if %cond3A_163 {
        %jit3A = arith.constant 200 : i32
        %div3A = arith.divsi %add3A_158, %jit3A : i32
        %sign3A = arith.constant 0 : i32
        %sign3A_235 = arith.cmpi sgt, %add3A_158, %sign3A : i32
        %sign3A_236 = arith.extui %sign3A_235 : i1 to i32
        %sign3A_237 = arith.constant 0 : i32
        %sign3A_238 = arith.cmpi slt, %add3A_158, %sign3A_237 : i32
        %sign3A_239 = arith.extui %sign3A_238 : i1 to i32
        %sign3A_240 = arith.subi %sign3A_236, %sign3A_239 : i32
        %sign3A_241 = arith.constant 0 : i32
        %sign3A_242 = arith.cmpi sgt, %jit3A, %sign3A_241 : i32
        %sign3A_243 = arith.extui %sign3A_242 : i1 to i32
        %sign3A_244 = arith.constant 0 : i32
        %sign3A_245 = arith.cmpi slt, %jit3A, %sign3A_244 : i32
        %sign3A_246 = arith.extui %sign3A_245 : i1 to i32
        %sign3A_247 = arith.subi %sign3A_243, %sign3A_246 : i32
        %ne3A = arith.cmpi ne, %sign3A_240, %sign3A_247 : i32
        %rem3A = arith.remsi %add3A_158, %jit3A : i32
        %ne3A_248 = arith.constant 0 : i32
        %ne3A_249 = arith.cmpi ne, %rem3A, %ne3A_248 : i32
        %and3A = arith.andi %ne3A, %ne3A_249 : i1
        %sub3A = arith.constant 1 : i32
        %sub3A_250 = arith.subi %div3A, %sub3A : i32
        %select_n3A = arith.select %and3A, %sub3A_250, %div3A : i32
        %dma_start3A_251 = arith.constant 0 : i32
        %dma_start3A_252 = arith.constant 0 : i32
        %dma_start3A_253 = tpu.memref_slice %arg6[%select_n3A, %dma_start3A_251, %dma_start3A_252] : memref<1024x200x128xf32, #tpu.memory_space<hbm>> -> memref<1x200x128xf32, #tpu.memory_space<hbm>>
        %dma_start3A_254 = tpu.memref_squeeze %dma_start3A_253 : memref<1x200x128xf32, #tpu.memory_space<hbm>> -> memref<200x128xf32, #tpu.memory_space<hbm>>
        %dma_start3A_255 = arith.constant 0 : i32
        %dma_start3A_256 = arith.constant 0 : i32
        %dma_start3A_257 = tpu.memref_slice %arg6[%select_n3A, %dma_start3A_255, %dma_start3A_256] : memref<1024x200x128xf32, #tpu.memory_space<hbm>> -> memref<1x200x128xf32, #tpu.memory_space<hbm>>
        %dma_start3A_258 = tpu.memref_squeeze %dma_start3A_257 : memref<1x200x128xf32, #tpu.memory_space<hbm>> -> memref<200x128xf32, #tpu.memory_space<hbm>>
        tpu.enqueue_dma source(%arg13 : memref<200x128xf32, #tpu.memory_space<vmem>>) target(%dma_start3A_258 : memref<200x128xf32, #tpu.memory_space<hbm>>) target_semaphore(%arg22 : memref<!tpu.dma_semaphore, #tpu.memory_space<semaphore_mem>>)
      } else {
      }
      %ge3A = arith.constant 204800 : i32
      %ge3A_164 = arith.cmpi sge, %add3A_158, %ge3A : i32
      %convert_element_type3A_165 = arith.extui %ge3A_164 : i1 to i32
      %cond3A_166 = arith.constant 0 : i32
      %cond3A_167 = arith.cmpi ne, %convert_element_type3A_165, %cond3A_166 : i32
      scf.if %cond3A_167 {
        %sub3A = arith.constant 204800 : i32
        %sub3A_235 = arith.subi %add3A_158, %sub3A : i32
        %jit3A = arith.constant 50 : i32
        %div3A = arith.divsi %sub3A_235, %jit3A : i32
        %sign3A = arith.constant 0 : i32
        %sign3A_236 = arith.cmpi sgt, %sub3A_235, %sign3A : i32
        %sign3A_237 = arith.extui %sign3A_236 : i1 to i32
        %sign3A_238 = arith.constant 0 : i32
        %sign3A_239 = arith.cmpi slt, %sub3A_235, %sign3A_238 : i32
        %sign3A_240 = arith.extui %sign3A_239 : i1 to i32
        %sign3A_241 = arith.subi %sign3A_237, %sign3A_240 : i32
        %sign3A_242 = arith.constant 0 : i32
        %sign3A_243 = arith.cmpi sgt, %jit3A, %sign3A_242 : i32
        %sign3A_244 = arith.extui %sign3A_243 : i1 to i32
        %sign3A_245 = arith.constant 0 : i32
        %sign3A_246 = arith.cmpi slt, %jit3A, %sign3A_245 : i32
        %sign3A_247 = arith.extui %sign3A_246 : i1 to i32
        %sign3A_248 = arith.subi %sign3A_244, %sign3A_247 : i32
        %ne3A = arith.cmpi ne, %sign3A_241, %sign3A_248 : i32
        %rem3A = arith.remsi %sub3A_235, %jit3A : i32
        %ne3A_249 = arith.constant 0 : i32
        %ne3A_250 = arith.cmpi ne, %rem3A, %ne3A_249 : i32
        %and3A = arith.andi %ne3A, %ne3A_250 : i1
        %sub3A_251 = arith.constant 1 : i32
        %sub3A_252 = arith.subi %div3A, %sub3A_251 : i32
        %select_n3A = arith.select %and3A, %sub3A_252, %div3A : i32
        %add3A_253 = arith.constant 0 : i32
        %add3A_254 = arith.addi %select_n3A, %add3A_253 : i32
        %dma_start3A_255 = arith.constant 0 : i32
        %dma_start3A_256 = arith.constant 0 : i32
        %dma_start3A_257 = tpu.memref_slice %arg13[%dma_start3A_255, %dma_start3A_256] : memref<200x128xf32, #tpu.memory_space<vmem>> -> memref<50x128xf32, #tpu.memory_space<vmem>>
        %dma_start3A_258 = arith.constant 0 : i32
        %dma_start3A_259 = arith.constant 0 : i32
        %dma_start3A_260 = tpu.memref_slice %arg7[%add3A_254, %dma_start3A_258, %dma_start3A_259] : memref<1024x50x128xf32, #tpu.memory_space<hbm>> -> memref<1x50x128xf32, #tpu.memory_space<hbm>>
        %dma_start3A_261 = tpu.memref_squeeze %dma_start3A_260 : memref<1x50x128xf32, #tpu.memory_space<hbm>> -> memref<50x128xf32, #tpu.memory_space<hbm>>
        %dma_start3A_262 = arith.constant 0 : i32
        %dma_start3A_263 = arith.constant 0 : i32
        %dma_start3A_264 = tpu.memref_slice %arg7[%add3A_254, %dma_start3A_262, %dma_start3A_263] : memref<1024x50x128xf32, #tpu.memory_space<hbm>> -> memref<1x50x128xf32, #tpu.memory_space<hbm>>
        %dma_start3A_265 = tpu.memref_squeeze %dma_start3A_264 : memref<1x50x128xf32, #tpu.memory_space<hbm>> -> memref<50x128xf32, #tpu.memory_space<hbm>>
        %dma_start3A_266 = arith.constant 0 : i32
        %dma_start3A_267 = arith.constant 0 : i32
        %dma_start3A_268 = tpu.memref_slice %arg13[%dma_start3A_266, %dma_start3A_267] : memref<200x128xf32, #tpu.memory_space<vmem>> -> memref<50x128xf32, #tpu.memory_space<vmem>>
        tpu.enqueue_dma source(%dma_start3A_268 : memref<50x128xf32, #tpu.memory_space<vmem>>) target(%dma_start3A_265 : memref<50x128xf32, #tpu.memory_space<hbm>>) target_semaphore(%arg22 : memref<!tpu.dma_semaphore, #tpu.memory_space<semaphore_mem>>)
        %add3A_269 = arith.constant 1 : i32
        %add3A_270 = arith.addi %select_n3A, %add3A_269 : i32
        %dma_start3A_271 = arith.constant 50 : i32
        %dma_start3A_272 = arith.constant 0 : i32
        %dma_start3A_273 = tpu.memref_slice %arg13[%dma_start3A_271, %dma_start3A_272] : memref<200x128xf32, #tpu.memory_space<vmem>> -> memref<50x128xf32, #tpu.memory_space<vmem>>
        %dma_start3A_274 = arith.constant 0 : i32
        %dma_start3A_275 = arith.constant 0 : i32
        %dma_start3A_276 = tpu.memref_slice %arg7[%add3A_270, %dma_start3A_274, %dma_start3A_275] : memref<1024x50x128xf32, #tpu.memory_space<hbm>> -> memref<1x50x128xf32, #tpu.memory_space<hbm>>
        %dma_start3A_277 = tpu.memref_squeeze %dma_start3A_276 : memref<1x50x128xf32, #tpu.memory_space<hbm>> -> memref<50x128xf32, #tpu.memory_space<hbm>>
        %dma_start3A_278 = arith.constant 0 : i32
        %dma_start3A_279 = arith.constant 0 : i32
        %dma_start3A_280 = tpu.memref_slice %arg7[%add3A_270, %dma_start3A_278, %dma_start3A_279] : memref<1024x50x128xf32, #tpu.memory_space<hbm>> -> memref<1x50x128xf32, #tpu.memory_space<hbm>>
        %dma_start3A_281 = tpu.memref_squeeze %dma_start3A_280 : memref<1x50x128xf32, #tpu.memory_space<hbm>> -> memref<50x128xf32, #tpu.memory_space<hbm>>
        %dma_start3A_282 = arith.constant 50 : i32
        %dma_start3A_283 = arith.constant 0 : i32
        %dma_start3A_284 = tpu.memref_slice %arg13[%dma_start3A_282, %dma_start3A_283] : memref<200x128xf32, #tpu.memory_space<vmem>> -> memref<50x128xf32, #tpu.memory_space<vmem>>
        tpu.enqueue_dma source(%dma_start3A_284 : memref<50x128xf32, #tpu.memory_space<vmem>>) target(%dma_start3A_281 : memref<50x128xf32, #tpu.memory_space<hbm>>) target_semaphore(%arg22 : memref<!tpu.dma_semaphore, #tpu.memory_space<semaphore_mem>>)
        %add3A_285 = arith.constant 2 : i32
        %add3A_286 = arith.addi %select_n3A, %add3A_285 : i32
        %dma_start3A_287 = arith.constant 100 : i32
        %dma_start3A_288 = arith.constant 0 : i32
        %dma_start3A_289 = tpu.memref_slice %arg13[%dma_start3A_287, %dma_start3A_288] : memref<200x128xf32, #tpu.memory_space<vmem>> -> memref<50x128xf32, #tpu.memory_space<vmem>>
        %dma_start3A_290 = arith.constant 0 : i32
        %dma_start3A_291 = arith.constant 0 : i32
        %dma_start3A_292 = tpu.memref_slice %arg7[%add3A_286, %dma_start3A_290, %dma_start3A_291] : memref<1024x50x128xf32, #tpu.memory_space<hbm>> -> memref<1x50x128xf32, #tpu.memory_space<hbm>>
        %dma_start3A_293 = tpu.memref_squeeze %dma_start3A_292 : memref<1x50x128xf32, #tpu.memory_space<hbm>> -> memref<50x128xf32, #tpu.memory_space<hbm>>
        %dma_start3A_294 = arith.constant 0 : i32
        %dma_start3A_295 = arith.constant 0 : i32
        %dma_start3A_296 = tpu.memref_slice %arg7[%add3A_286, %dma_start3A_294, %dma_start3A_295] : memref<1024x50x128xf32, #tpu.memory_space<hbm>> -> memref<1x50x128xf32, #tpu.memory_space<hbm>>
        %dma_start3A_297 = tpu.memref_squeeze %dma_start3A_296 : memref<1x50x128xf32, #tpu.memory_space<hbm>> -> memref<50x128xf32, #tpu.memory_space<hbm>>
        %dma_start3A_298 = arith.constant 100 : i32
        %dma_start3A_299 = arith.constant 0 : i32
        %dma_start3A_300 = tpu.memref_slice %arg13[%dma_start3A_298, %dma_start3A_299] : memref<200x128xf32, #tpu.memory_space<vmem>> -> memref<50x128xf32, #tpu.memory_space<vmem>>
        tpu.enqueue_dma source(%dma_start3A_300 : memref<50x128xf32, #tpu.memory_space<vmem>>) target(%dma_start3A_297 : memref<50x128xf32, #tpu.memory_space<hbm>>) target_semaphore(%arg22 : memref<!tpu.dma_semaphore, #tpu.memory_space<semaphore_mem>>)
        %add3A_301 = arith.constant 3 : i32
        %add3A_302 = arith.addi %select_n3A, %add3A_301 : i32
        %dma_start3A_303 = arith.constant 150 : i32
        %dma_start3A_304 = arith.constant 0 : i32
        %dma_start3A_305 = tpu.memref_slice %arg13[%dma_start3A_303, %dma_start3A_304] : memref<200x128xf32, #tpu.memory_space<vmem>> -> memref<50x128xf32, #tpu.memory_space<vmem>>
        %dma_start3A_306 = arith.constant 0 : i32
        %dma_start3A_307 = arith.constant 0 : i32
        %dma_start3A_308 = tpu.memref_slice %arg7[%add3A_302, %dma_start3A_306, %dma_start3A_307] : memref<1024x50x128xf32, #tpu.memory_space<hbm>> -> memref<1x50x128xf32, #tpu.memory_space<hbm>>
        %dma_start3A_309 = tpu.memref_squeeze %dma_start3A_308 : memref<1x50x128xf32, #tpu.memory_space<hbm>> -> memref<50x128xf32, #tpu.memory_space<hbm>>
        %dma_start3A_310 = arith.constant 0 : i32
        %dma_start3A_311 = arith.constant 0 : i32
        %dma_start3A_312 = tpu.memref_slice %arg7[%add3A_302, %dma_start3A_310, %dma_start3A_311] : memref<1024x50x128xf32, #tpu.memory_space<hbm>> -> memref<1x50x128xf32, #tpu.memory_space<hbm>>
        %dma_start3A_313 = tpu.memref_squeeze %dma_start3A_312 : memref<1x50x128xf32, #tpu.memory_space<hbm>> -> memref<50x128xf32, #tpu.memory_space<hbm>>
        %dma_start3A_314 = arith.constant 150 : i32
        %dma_start3A_315 = arith.constant 0 : i32
        %dma_start3A_316 = tpu.memref_slice %arg13[%dma_start3A_314, %dma_start3A_315] : memref<200x128xf32, #tpu.memory_space<vmem>> -> memref<50x128xf32, #tpu.memory_space<vmem>>
        tpu.enqueue_dma source(%dma_start3A_316 : memref<50x128xf32, #tpu.memory_space<vmem>>) target(%dma_start3A_313 : memref<50x128xf32, #tpu.memory_space<hbm>>) target_semaphore(%arg22 : memref<!tpu.dma_semaphore, #tpu.memory_space<semaphore_mem>>)
      } else {
      }
      %dma_wait3A_168 = arith.constant 0 : i32
      %dma_wait3A_169 = arith.constant 0 : i32
      %dma_wait3A_170 = tpu.memref_slice %arg15[%dma_wait3A_168, %dma_wait3A_169] : memref<200x128xf32, #tpu.memory_space<vmem>> -> memref<96x128xf32, #tpu.memory_space<vmem>>
      %dma_wait3A_171 = arith.constant 0 : i32
      %dma_wait3A_172 = tpu.memref_slice %arg11[%dma_wait3A_171] : memref<208xi32, #tpu.memory_space<vmem>> -> memref<96xi32, #tpu.memory_space<vmem>>
      %dma_wait3A_173 = arith.constant 0 : i32
      %dma_wait3A_174 = arith.constant 0 : i32
      %dma_wait3A_175 = tpu.memref_slice %arg4[%dma_wait3A_173, %dma_wait3A_174] : memref<100000x128xf32, #tpu.memory_space<hbm>> -> memref<100000x128xf32, #tpu.memory_space<hbm>>
      tpu.wait_indirect_dma semaphore(%arg20 : memref<!tpu.dma_semaphore, #tpu.memory_space<semaphore_mem>>) src(%dma_wait3A_175 : memref<100000x128xf32, #tpu.memory_space<hbm>>) dst(%dma_wait3A_170 : memref<96x128xf32, #tpu.memory_space<vmem>>)
      %dma_wait3A_176 = arith.constant 96 : i32
      %dma_wait3A_177 = arith.constant 0 : i32
      %dma_wait3A_178 = tpu.memref_slice %arg15[%dma_wait3A_176, %dma_wait3A_177] : memref<200x128xf32, #tpu.memory_space<vmem>> -> memref<104x128xf32, #tpu.memory_space<vmem>>
      %dma_wait3A_179 = arith.constant 96 : i32
      %dma_wait3A_180 = tpu.memref_slice %arg11[%dma_wait3A_179] : memref<208xi32, #tpu.memory_space<vmem>> -> memref<104xi32, #tpu.memory_space<vmem>>
      %dma_wait3A_181 = arith.constant 0 : i32
      %dma_wait3A_182 = arith.constant 0 : i32
      %dma_wait3A_183 = tpu.memref_slice %arg4[%dma_wait3A_181, %dma_wait3A_182] : memref<100000x128xf32, #tpu.memory_space<hbm>> -> memref<100000x128xf32, #tpu.memory_space<hbm>>
      tpu.wait_indirect_dma semaphore(%arg20 : memref<!tpu.dma_semaphore, #tpu.memory_space<semaphore_mem>>) src(%dma_wait3A_183 : memref<100000x128xf32, #tpu.memory_space<hbm>>) dst(%dma_wait3A_178 : memref<104x128xf32, #tpu.memory_space<vmem>>)
      %dma_wait3A_184 = arith.constant 0 : i32
      %dma_wait3A_185 = arith.constant 0 : i32
      %dma_wait3A_186 = tpu.memref_slice %arg16[%dma_wait3A_184, %dma_wait3A_185] : memref<200x128xf32, #tpu.memory_space<vmem>> -> memref<96x128xf32, #tpu.memory_space<vmem>>
      %dma_wait3A_187 = arith.constant 0 : i32
      %dma_wait3A_188 = tpu.memref_slice %arg12[%dma_wait3A_187] : memref<208xi32, #tpu.memory_space<vmem>> -> memref<96xi32, #tpu.memory_space<vmem>>
      %dma_wait3A_189 = arith.constant 0 : i32
      %dma_wait3A_190 = arith.constant 0 : i32
      %dma_wait3A_191 = tpu.memref_slice %arg17[%dma_wait3A_189, %dma_wait3A_190] : memref<1000x128xf32, #tpu.memory_space<vmem_shared>> -> memref<1000x128xf32, #tpu.memory_space<vmem_shared>>
      tpu.wait_indirect_dma semaphore(%arg21 : memref<!tpu.dma_semaphore, #tpu.memory_space<semaphore_mem>>) src(%dma_wait3A_191 : memref<1000x128xf32, #tpu.memory_space<vmem_shared>>) dst(%dma_wait3A_186 : memref<96x128xf32, #tpu.memory_space<vmem>>)
      %dma_wait3A_192 = arith.constant 96 : i32
      %dma_wait3A_193 = arith.constant 0 : i32
      %dma_wait3A_194 = tpu.memref_slice %arg16[%dma_wait3A_192, %dma_wait3A_193] : memref<200x128xf32, #tpu.memory_space<vmem>> -> memref<104x128xf32, #tpu.memory_space<vmem>>
      %dma_wait3A_195 = arith.constant 96 : i32
      %dma_wait3A_196 = tpu.memref_slice %arg12[%dma_wait3A_195] : memref<208xi32, #tpu.memory_space<vmem>> -> memref<104xi32, #tpu.memory_space<vmem>>
      %dma_wait3A_197 = arith.constant 0 : i32
      %dma_wait3A_198 = arith.constant 0 : i32
      %dma_wait3A_199 = tpu.memref_slice %arg17[%dma_wait3A_197, %dma_wait3A_198] : memref<1000x128xf32, #tpu.memory_space<vmem_shared>> -> memref<1000x128xf32, #tpu.memory_space<vmem_shared>>
      tpu.wait_indirect_dma semaphore(%arg21 : memref<!tpu.dma_semaphore, #tpu.memory_space<semaphore_mem>>) src(%dma_wait3A_199 : memref<1000x128xf32, #tpu.memory_space<vmem_shared>>) dst(%dma_wait3A_194 : memref<104x128xf32, #tpu.memory_space<vmem>>)
      %scan3A_200 = arith.constant 0 : i32
      %scan3A_201 = arith.constant 0 : i32
      %scan3A_202 = arith.constant 200 : i32
      %scan3A_203 = arith.addi %scan3A_201, %scan3A_202 : i32
      %scan3A_204 = arith.constant 1 : i32
      scf.for %scan3A_235 = %scan3A_201 to %scan3A_203 step %scan3A_204  : i32 {
        %get3A = arith.index_cast %scan3A_235 : i32 to index
        %get3A_236 = arith.constant 0 : index
        %get3A_237 = tpu.vector_load %arg15[%get3A, %get3A_236] {strides = array<i32>} : memref<200x128xf32, #tpu.memory_space<vmem>>, vector<1x16xf32>,
        %get3A_238 = vector.shape_cast %get3A_237 : vector<1x16xf32> to vector<16xf32>
        %get3A_239 = arith.index_cast %scan3A_235 : i32 to index
        %get3A_240 = arith.constant 0 : index
        %get3A_241 = tpu.vector_load %arg16[%get3A_239, %get3A_240] {strides = array<i32>} : memref<200x128xf32, #tpu.memory_space<vmem>>, vector<1x16xf32>,
        %get3A_242 = vector.shape_cast %get3A_241 : vector<1x16xf32> to vector<16xf32>
        %add3A_243 = arith.addf %get3A_238, %get3A_242 : vector<16xf32>
        %swap3A = arith.index_cast %scan3A_235 : i32 to index
        %swap3A_244 = arith.constant 0 : index
        %swap3A_245 = tpu.vector_load %arg15[%swap3A, %swap3A_244] {strides = array<i32>} : memref<200x128xf32, #tpu.memory_space<vmem>>, vector<1x16xf32>,
        %swap3A_246 = vector.shape_cast %swap3A_245 : vector<1x16xf32> to vector<16xf32>
        %swap3A_247 = vector.shape_cast %add3A_243 : vector<16xf32> to vector<1x16xf32>
        tpu.vector_store %arg15[%swap3A, %swap3A_244], %swap3A_247 {strides = array<i32>} : memref<200x128xf32, #tpu.memory_space<vmem>>, vector<1x16xf32>,
        %get3A_248 = arith.index_cast %scan3A_235 : i32 to index
        %get3A_249 = arith.constant 16 : index
        %get3A_250 = tpu.vector_load %arg15[%get3A_248, %get3A_249] {strides = array<i32>} : memref<200x128xf32, #tpu.memory_space<vmem>>, vector<1x16xf32>,
        %get3A_251 = vector.shape_cast %get3A_250 : vector<1x16xf32> to vector<16xf32>
        %get3A_252 = arith.index_cast %scan3A_235 : i32 to index
        %get3A_253 = arith.constant 16 : index
        %get3A_254 = tpu.vector_load %arg16[%get3A_252, %get3A_253] {strides = array<i32>} : memref<200x128xf32, #tpu.memory_space<vmem>>, vector<1x16xf32>,
        %get3A_255 = vector.shape_cast %get3A_254 : vector<1x16xf32> to vector<16xf32>
        %add3A_256 = arith.addf %get3A_251, %get3A_255 : vector<16xf32>
        %swap3A_257 = arith.index_cast %scan3A_235 : i32 to index
        %swap3A_258 = arith.constant 16 : index
        %swap3A_259 = tpu.vector_load %arg15[%swap3A_257, %swap3A_258] {strides = array<i32>} : memref<200x128xf32, #tpu.memory_space<vmem>>, vector<1x16xf32>,
        %swap3A_260 = vector.shape_cast %swap3A_259 : vector<1x16xf32> to vector<16xf32>
        %swap3A_261 = vector.shape_cast %add3A_256 : vector<16xf32> to vector<1x16xf32>
        tpu.vector_store %arg15[%swap3A_257, %swap3A_258], %swap3A_261 {strides = array<i32>} : memref<200x128xf32, #tpu.memory_space<vmem>>, vector<1x16xf32>,
        %get3A_262 = arith.index_cast %scan3A_235 : i32 to index
        %get3A_263 = arith.constant 32 : index
        %get3A_264 = tpu.vector_load %arg15[%get3A_262, %get3A_263] {strides = array<i32>} : memref<200x128xf32, #tpu.memory_space<vmem>>, vector<1x16xf32>,
        %get3A_265 = vector.shape_cast %get3A_264 : vector<1x16xf32> to vector<16xf32>
        %get3A_266 = arith.index_cast %scan3A_235 : i32 to index
        %get3A_267 = arith.constant 32 : index
        %get3A_268 = tpu.vector_load %arg16[%get3A_266, %get3A_267] {strides = array<i32>} : memref<200x128xf32, #tpu.memory_space<vmem>>, vector<1x16xf32>,
        %get3A_269 = vector.shape_cast %get3A_268 : vector<1x16xf32> to vector<16xf32>
        %add3A_270 = arith.addf %get3A_265, %get3A_269 : vector<16xf32>
        %swap3A_271 = arith.index_cast %scan3A_235 : i32 to index
        %swap3A_272 = arith.constant 32 : index
        %swap3A_273 = tpu.vector_load %arg15[%swap3A_271, %swap3A_272] {strides = array<i32>} : memref<200x128xf32, #tpu.memory_space<vmem>>, vector<1x16xf32>,
        %swap3A_274 = vector.shape_cast %swap3A_273 : vector<1x16xf32> to vector<16xf32>
        %swap3A_275 = vector.shape_cast %add3A_270 : vector<16xf32> to vector<1x16xf32>
        tpu.vector_store %arg15[%swap3A_271, %swap3A_272], %swap3A_275 {strides = array<i32>} : memref<200x128xf32, #tpu.memory_space<vmem>>, vector<1x16xf32>,
        %get3A_276 = arith.index_cast %scan3A_235 : i32 to index
        %get3A_277 = arith.constant 48 : index
        %get3A_278 = tpu.vector_load %arg15[%get3A_276, %get3A_277] {strides = array<i32>} : memref<200x128xf32, #tpu.memory_space<vmem>>, vector<1x16xf32>,
        %get3A_279 = vector.shape_cast %get3A_278 : vector<1x16xf32> to vector<16xf32>
        %get3A_280 = arith.index_cast %scan3A_235 : i32 to index
        %get3A_281 = arith.constant 48 : index
        %get3A_282 = tpu.vector_load %arg16[%get3A_280, %get3A_281] {strides = array<i32>} : memref<200x128xf32, #tpu.memory_space<vmem>>, vector<1x16xf32>,
        %get3A_283 = vector.shape_cast %get3A_282 : vector<1x16xf32> to vector<16xf32>
        %add3A_284 = arith.addf %get3A_279, %get3A_283 : vector<16xf32>
        %swap3A_285 = arith.index_cast %scan3A_235 : i32 to index
        %swap3A_286 = arith.constant 48 : index
        %swap3A_287 = tpu.vector_load %arg15[%swap3A_285, %swap3A_286] {strides = array<i32>} : memref<200x128xf32, #tpu.memory_space<vmem>>, vector<1x16xf32>,
        %swap3A_288 = vector.shape_cast %swap3A_287 : vector<1x16xf32> to vector<16xf32>
        %swap3A_289 = vector.shape_cast %add3A_284 : vector<16xf32> to vector<1x16xf32>
        tpu.vector_store %arg15[%swap3A_285, %swap3A_286], %swap3A_289 {strides = array<i32>} : memref<200x128xf32, #tpu.memory_space<vmem>>, vector<1x16xf32>,
        %get3A_290 = arith.index_cast %scan3A_235 : i32 to index
        %get3A_291 = arith.constant 64 : index
        %get3A_292 = tpu.vector_load %arg15[%get3A_290, %get3A_291] {strides = array<i32>} : memref<200x128xf32, #tpu.memory_space<vmem>>, vector<1x16xf32>,
        %get3A_293 = vector.shape_cast %get3A_292 : vector<1x16xf32> to vector<16xf32>
        %get3A_294 = arith.index_cast %scan3A_235 : i32 to index
        %get3A_295 = arith.constant 64 : index
        %get3A_296 = tpu.vector_load %arg16[%get3A_294, %get3A_295] {strides = array<i32>} : memref<200x128xf32, #tpu.memory_space<vmem>>, vector<1x16xf32>,
        %get3A_297 = vector.shape_cast %get3A_296 : vector<1x16xf32> to vector<16xf32>
        %add3A_298 = arith.addf %get3A_293, %get3A_297 : vector<16xf32>
        %swap3A_299 = arith.index_cast %scan3A_235 : i32 to index
        %swap3A_300 = arith.constant 64 : index
        %swap3A_301 = tpu.vector_load %arg15[%swap3A_299, %swap3A_300] {strides = array<i32>} : memref<200x128xf32, #tpu.memory_space<vmem>>, vector<1x16xf32>,
        %swap3A_302 = vector.shape_cast %swap3A_301 : vector<1x16xf32> to vector<16xf32>
        %swap3A_303 = vector.shape_cast %add3A_298 : vector<16xf32> to vector<1x16xf32>
        tpu.vector_store %arg15[%swap3A_299, %swap3A_300], %swap3A_303 {strides = array<i32>} : memref<200x128xf32, #tpu.memory_space<vmem>>, vector<1x16xf32>,
        %get3A_304 = arith.index_cast %scan3A_235 : i32 to index
        %get3A_305 = arith.constant 80 : index
        %get3A_306 = tpu.vector_load %arg15[%get3A_304, %get3A_305] {strides = array<i32>} : memref<200x128xf32, #tpu.memory_space<vmem>>, vector<1x16xf32>,
        %get3A_307 = vector.shape_cast %get3A_306 : vector<1x16xf32> to vector<16xf32>
        %get3A_308 = arith.index_cast %scan3A_235 : i32 to index
        %get3A_309 = arith.constant 80 : index
        %get3A_310 = tpu.vector_load %arg16[%get3A_308, %get3A_309] {strides = array<i32>} : memref<200x128xf32, #tpu.memory_space<vmem>>, vector<1x16xf32>,
        %get3A_311 = vector.shape_cast %get3A_310 : vector<1x16xf32> to vector<16xf32>
        %add3A_312 = arith.addf %get3A_307, %get3A_311 : vector<16xf32>
        %swap3A_313 = arith.index_cast %scan3A_235 : i32 to index
        %swap3A_314 = arith.constant 80 : index
        %swap3A_315 = tpu.vector_load %arg15[%swap3A_313, %swap3A_314] {strides = array<i32>} : memref<200x128xf32, #tpu.memory_space<vmem>>, vector<1x16xf32>,
        %swap3A_316 = vector.shape_cast %swap3A_315 : vector<1x16xf32> to vector<16xf32>
        %swap3A_317 = vector.shape_cast %add3A_312 : vector<16xf32> to vector<1x16xf32>
        tpu.vector_store %arg15[%swap3A_313, %swap3A_314], %swap3A_317 {strides = array<i32>} : memref<200x128xf32, #tpu.memory_space<vmem>>, vector<1x16xf32>,
        %get3A_318 = arith.index_cast %scan3A_235 : i32 to index
        %get3A_319 = arith.constant 96 : index
        %get3A_320 = tpu.vector_load %arg15[%get3A_318, %get3A_319] {strides = array<i32>} : memref<200x128xf32, #tpu.memory_space<vmem>>, vector<1x16xf32>,
        %get3A_321 = vector.shape_cast %get3A_320 : vector<1x16xf32> to vector<16xf32>
        %get3A_322 = arith.index_cast %scan3A_235 : i32 to index
        %get3A_323 = arith.constant 96 : index
        %get3A_324 = tpu.vector_load %arg16[%get3A_322, %get3A_323] {strides = array<i32>} : memref<200x128xf32, #tpu.memory_space<vmem>>, vector<1x16xf32>,
        %get3A_325 = vector.shape_cast %get3A_324 : vector<1x16xf32> to vector<16xf32>
        %add3A_326 = arith.addf %get3A_321, %get3A_325 : vector<16xf32>
        %swap3A_327 = arith.index_cast %scan3A_235 : i32 to index
        %swap3A_328 = arith.constant 96 : index
        %swap3A_329 = tpu.vector_load %arg15[%swap3A_327, %swap3A_328] {strides = array<i32>} : memref<200x128xf32, #tpu.memory_space<vmem>>, vector<1x16xf32>,
        %swap3A_330 = vector.shape_cast %swap3A_329 : vector<1x16xf32> to vector<16xf32>
        %swap3A_331 = vector.shape_cast %add3A_326 : vector<16xf32> to vector<1x16xf32>
        tpu.vector_store %arg15[%swap3A_327, %swap3A_328], %swap3A_331 {strides = array<i32>} : memref<200x128xf32, #tpu.memory_space<vmem>>, vector<1x16xf32>,
        %get3A_332 = arith.index_cast %scan3A_235 : i32 to index
        %get3A_333 = arith.constant 112 : index
        %get3A_334 = tpu.vector_load %arg15[%get3A_332, %get3A_333] {strides = array<i32>} : memref<200x128xf32, #tpu.memory_space<vmem>>, vector<1x16xf32>,
        %get3A_335 = vector.shape_cast %get3A_334 : vector<1x16xf32> to vector<16xf32>
        %get3A_336 = arith.index_cast %scan3A_235 : i32 to index
        %get3A_337 = arith.constant 112 : index
        %get3A_338 = tpu.vector_load %arg16[%get3A_336, %get3A_337] {strides = array<i32>} : memref<200x128xf32, #tpu.memory_space<vmem>>, vector<1x16xf32>,
        %get3A_339 = vector.shape_cast %get3A_338 : vector<1x16xf32> to vector<16xf32>
        %add3A_340 = arith.addf %get3A_335, %get3A_339 : vector<16xf32>
        %swap3A_341 = arith.index_cast %scan3A_235 : i32 to index
        %swap3A_342 = arith.constant 112 : index
        %swap3A_343 = tpu.vector_load %arg15[%swap3A_341, %swap3A_342] {strides = array<i32>} : memref<200x128xf32, #tpu.memory_space<vmem>>, vector<1x16xf32>,
        %swap3A_344 = vector.shape_cast %swap3A_343 : vector<1x16xf32> to vector<16xf32>
        %swap3A_345 = vector.shape_cast %add3A_340 : vector<16xf32> to vector<1x16xf32>
        tpu.vector_store %arg15[%swap3A_341, %swap3A_342], %swap3A_345 {strides = array<i32>} : memref<200x128xf32, #tpu.memory_space<vmem>>, vector<1x16xf32>,
      }
      %scan3A_205 = arith.constant 200 : i32
      %add3A_206 = arith.constant 1 : i32
      %add3A_207 = arith.addi %mul3A_117, %add3A_206 : i32
      %mul3A_208 = arith.constant 200 : i32
      %mul3A_209 = arith.muli %add3A_207, %mul3A_208 : i32
      %add3A_210 = arith.addi %mul3A_2, %mul3A_209 : i32
      %lt3A_211 = arith.constant 204800 : i32
      %lt3A_212 = arith.cmpi slt, %add3A_210, %lt3A_211 : i32
      %convert_element_type3A_213 = arith.extui %lt3A_212 : i1 to i32
      %cond3A_214 = arith.constant 0 : i32
      %cond3A_215 = arith.cmpi ne, %convert_element_type3A_213, %cond3A_214 : i32
      scf.if %cond3A_215 {
        %jit3A = arith.constant 200 : i32
        %div3A = arith.divsi %add3A_210, %jit3A : i32
        %sign3A = arith.constant 0 : i32
        %sign3A_235 = arith.cmpi sgt, %add3A_210, %sign3A : i32
        %sign3A_236 = arith.extui %sign3A_235 : i1 to i32
        %sign3A_237 = arith.constant 0 : i32
        %sign3A_238 = arith.cmpi slt, %add3A_210, %sign3A_237 : i32
        %sign3A_239 = arith.extui %sign3A_238 : i1 to i32
        %sign3A_240 = arith.subi %sign3A_236, %sign3A_239 : i32
        %sign3A_241 = arith.constant 0 : i32
        %sign3A_242 = arith.cmpi sgt, %jit3A, %sign3A_241 : i32
        %sign3A_243 = arith.extui %sign3A_242 : i1 to i32
        %sign3A_244 = arith.constant 0 : i32
        %sign3A_245 = arith.cmpi slt, %jit3A, %sign3A_244 : i32
        %sign3A_246 = arith.extui %sign3A_245 : i1 to i32
        %sign3A_247 = arith.subi %sign3A_243, %sign3A_246 : i32
        %ne3A = arith.cmpi ne, %sign3A_240, %sign3A_247 : i32
        %rem3A = arith.remsi %add3A_210, %jit3A : i32
        %ne3A_248 = arith.constant 0 : i32
        %ne3A_249 = arith.cmpi ne, %rem3A, %ne3A_248 : i32
        %and3A = arith.andi %ne3A, %ne3A_249 : i1
        %sub3A = arith.constant 1 : i32
        %sub3A_250 = arith.subi %div3A, %sub3A : i32
        %select_n3A = arith.select %and3A, %sub3A_250, %div3A : i32
        %dma_start3A_251 = arith.constant 0 : i32
        %dma_start3A_252 = arith.constant 0 : i32
        %dma_start3A_253 = tpu.memref_slice %arg6[%select_n3A, %dma_start3A_251, %dma_start3A_252] : memref<1024x200x128xf32, #tpu.memory_space<hbm>> -> memref<1x200x128xf32, #tpu.memory_space<hbm>>
        %dma_start3A_254 = tpu.memref_squeeze %dma_start3A_253 : memref<1x200x128xf32, #tpu.memory_space<hbm>> -> memref<200x128xf32, #tpu.memory_space<hbm>>
        %dma_start3A_255 = arith.constant 0 : i32
        %dma_start3A_256 = arith.constant 0 : i32
        %dma_start3A_257 = tpu.memref_slice %arg6[%select_n3A, %dma_start3A_255, %dma_start3A_256] : memref<1024x200x128xf32, #tpu.memory_space<hbm>> -> memref<1x200x128xf32, #tpu.memory_space<hbm>>
        %dma_start3A_258 = tpu.memref_squeeze %dma_start3A_257 : memref<1x200x128xf32, #tpu.memory_space<hbm>> -> memref<200x128xf32, #tpu.memory_space<hbm>>
        tpu.enqueue_dma source(%arg15 : memref<200x128xf32, #tpu.memory_space<vmem>>) target(%dma_start3A_258 : memref<200x128xf32, #tpu.memory_space<hbm>>) target_semaphore(%arg23 : memref<!tpu.dma_semaphore, #tpu.memory_space<semaphore_mem>>)
      } else {
      }
      %ge3A_216 = arith.constant 204800 : i32
      %ge3A_217 = arith.cmpi sge, %add3A_210, %ge3A_216 : i32
      %convert_element_type3A_218 = arith.extui %ge3A_217 : i1 to i32
      %cond3A_219 = arith.constant 0 : i32
      %cond3A_220 = arith.cmpi ne, %convert_element_type3A_218, %cond3A_219 : i32
      scf.if %cond3A_220 {
        %sub3A = arith.constant 204800 : i32
        %sub3A_235 = arith.subi %add3A_210, %sub3A : i32
        %jit3A = arith.constant 50 : i32
        %div3A = arith.divsi %sub3A_235, %jit3A : i32
        %sign3A = arith.constant 0 : i32
        %sign3A_236 = arith.cmpi sgt, %sub3A_235, %sign3A : i32
        %sign3A_237 = arith.extui %sign3A_236 : i1 to i32
        %sign3A_238 = arith.constant 0 : i32
        %sign3A_239 = arith.cmpi slt, %sub3A_235, %sign3A_238 : i32
        %sign3A_240 = arith.extui %sign3A_239 : i1 to i32
        %sign3A_241 = arith.subi %sign3A_237, %sign3A_240 : i32
        %sign3A_242 = arith.constant 0 : i32
        %sign3A_243 = arith.cmpi sgt, %jit3A, %sign3A_242 : i32
        %sign3A_244 = arith.extui %sign3A_243 : i1 to i32
        %sign3A_245 = arith.constant 0 : i32
        %sign3A_246 = arith.cmpi slt, %jit3A, %sign3A_245 : i32
        %sign3A_247 = arith.extui %sign3A_246 : i1 to i32
        %sign3A_248 = arith.subi %sign3A_244, %sign3A_247 : i32
        %ne3A = arith.cmpi ne, %sign3A_241, %sign3A_248 : i32
        %rem3A = arith.remsi %sub3A_235, %jit3A : i32
        %ne3A_249 = arith.constant 0 : i32
        %ne3A_250 = arith.cmpi ne, %rem3A, %ne3A_249 : i32
        %and3A = arith.andi %ne3A, %ne3A_250 : i1
        %sub3A_251 = arith.constant 1 : i32
        %sub3A_252 = arith.subi %div3A, %sub3A_251 : i32
        %select_n3A = arith.select %and3A, %sub3A_252, %div3A : i32
        %add3A_253 = arith.constant 0 : i32
        %add3A_254 = arith.addi %select_n3A, %add3A_253 : i32
        %dma_start3A_255 = arith.constant 0 : i32
        %dma_start3A_256 = arith.constant 0 : i32
        %dma_start3A_257 = tpu.memref_slice %arg15[%dma_start3A_255, %dma_start3A_256] : memref<200x128xf32, #tpu.memory_space<vmem>> -> memref<50x128xf32, #tpu.memory_space<vmem>>
        %dma_start3A_258 = arith.constant 0 : i32
        %dma_start3A_259 = arith.constant 0 : i32
        %dma_start3A_260 = tpu.memref_slice %arg7[%add3A_254, %dma_start3A_258, %dma_start3A_259] : memref<1024x50x128xf32, #tpu.memory_space<hbm>> -> memref<1x50x128xf32, #tpu.memory_space<hbm>>
        %dma_start3A_261 = tpu.memref_squeeze %dma_start3A_260 : memref<1x50x128xf32, #tpu.memory_space<hbm>> -> memref<50x128xf32, #tpu.memory_space<hbm>>
        %dma_start3A_262 = arith.constant 0 : i32
        %dma_start3A_263 = arith.constant 0 : i32
        %dma_start3A_264 = tpu.memref_slice %arg7[%add3A_254, %dma_start3A_262, %dma_start3A_263] : memref<1024x50x128xf32, #tpu.memory_space<hbm>> -> memref<1x50x128xf32, #tpu.memory_space<hbm>>
        %dma_start3A_265 = tpu.memref_squeeze %dma_start3A_264 : memref<1x50x128xf32, #tpu.memory_space<hbm>> -> memref<50x128xf32, #tpu.memory_space<hbm>>
        %dma_start3A_266 = arith.constant 0 : i32
        %dma_start3A_267 = arith.constant 0 : i32
        %dma_start3A_268 = tpu.memref_slice %arg15[%dma_start3A_266, %dma_start3A_267] : memref<200x128xf32, #tpu.memory_space<vmem>> -> memref<50x128xf32, #tpu.memory_space<vmem>>
        tpu.enqueue_dma source(%dma_start3A_268 : memref<50x128xf32, #tpu.memory_space<vmem>>) target(%dma_start3A_265 : memref<50x128xf32, #tpu.memory_space<hbm>>) target_semaphore(%arg23 : memref<!tpu.dma_semaphore, #tpu.memory_space<semaphore_mem>>)
        %add3A_269 = arith.constant 1 : i32
        %add3A_270 = arith.addi %select_n3A, %add3A_269 : i32
        %dma_start3A_271 = arith.constant 50 : i32
        %dma_start3A_272 = arith.constant 0 : i32
        %dma_start3A_273 = tpu.memref_slice %arg15[%dma_start3A_271, %dma_start3A_272] : memref<200x128xf32, #tpu.memory_space<vmem>> -> memref<50x128xf32, #tpu.memory_space<vmem>>
        %dma_start3A_274 = arith.constant 0 : i32
        %dma_start3A_275 = arith.constant 0 : i32
        %dma_start3A_276 = tpu.memref_slice %arg7[%add3A_270, %dma_start3A_274, %dma_start3A_275] : memref<1024x50x128xf32, #tpu.memory_space<hbm>> -> memref<1x50x128xf32, #tpu.memory_space<hbm>>
        %dma_start3A_277 = tpu.memref_squeeze %dma_start3A_276 : memref<1x50x128xf32, #tpu.memory_space<hbm>> -> memref<50x128xf32, #tpu.memory_space<hbm>>
        %dma_start3A_278 = arith.constant 0 : i32
        %dma_start3A_279 = arith.constant 0 : i32
        %dma_start3A_280 = tpu.memref_slice %arg7[%add3A_270, %dma_start3A_278, %dma_start3A_279] : memref<1024x50x128xf32, #tpu.memory_space<hbm>> -> memref<1x50x128xf32, #tpu.memory_space<hbm>>
        %dma_start3A_281 = tpu.memref_squeeze %dma_start3A_280 : memref<1x50x128xf32, #tpu.memory_space<hbm>> -> memref<50x128xf32, #tpu.memory_space<hbm>>
        %dma_start3A_282 = arith.constant 50 : i32
        %dma_start3A_283 = arith.constant 0 : i32
        %dma_start3A_284 = tpu.memref_slice %arg15[%dma_start3A_282, %dma_start3A_283] : memref<200x128xf32, #tpu.memory_space<vmem>> -> memref<50x128xf32, #tpu.memory_space<vmem>>
        tpu.enqueue_dma source(%dma_start3A_284 : memref<50x128xf32, #tpu.memory_space<vmem>>) target(%dma_start3A_281 : memref<50x128xf32, #tpu.memory_space<hbm>>) target_semaphore(%arg23 : memref<!tpu.dma_semaphore, #tpu.memory_space<semaphore_mem>>)
        %add3A_285 = arith.constant 2 : i32
        %add3A_286 = arith.addi %select_n3A, %add3A_285 : i32
        %dma_start3A_287 = arith.constant 100 : i32
        %dma_start3A_288 = arith.constant 0 : i32
        %dma_start3A_289 = tpu.memref_slice %arg15[%dma_start3A_287, %dma_start3A_288] : memref<200x128xf32, #tpu.memory_space<vmem>> -> memref<50x128xf32, #tpu.memory_space<vmem>>
        %dma_start3A_290 = arith.constant 0 : i32
        %dma_start3A_291 = arith.constant 0 : i32
        %dma_start3A_292 = tpu.memref_slice %arg7[%add3A_286, %dma_start3A_290, %dma_start3A_291] : memref<1024x50x128xf32, #tpu.memory_space<hbm>> -> memref<1x50x128xf32, #tpu.memory_space<hbm>>
        %dma_start3A_293 = tpu.memref_squeeze %dma_start3A_292 : memref<1x50x128xf32, #tpu.memory_space<hbm>> -> memref<50x128xf32, #tpu.memory_space<hbm>>
        %dma_start3A_294 = arith.constant 0 : i32
        %dma_start3A_295 = arith.constant 0 : i32
        %dma_start3A_296 = tpu.memref_slice %arg7[%add3A_286, %dma_start3A_294, %dma_start3A_295] : memref<1024x50x128xf32, #tpu.memory_space<hbm>> -> memref<1x50x128xf32, #tpu.memory_space<hbm>>
        %dma_start3A_297 = tpu.memref_squeeze %dma_start3A_296 : memref<1x50x128xf32, #tpu.memory_space<hbm>> -> memref<50x128xf32, #tpu.memory_space<hbm>>
        %dma_start3A_298 = arith.constant 100 : i32
        %dma_start3A_299 = arith.constant 0 : i32
        %dma_start3A_300 = tpu.memref_slice %arg15[%dma_start3A_298, %dma_start3A_299] : memref<200x128xf32, #tpu.memory_space<vmem>> -> memref<50x128xf32, #tpu.memory_space<vmem>>
        tpu.enqueue_dma source(%dma_start3A_300 : memref<50x128xf32, #tpu.memory_space<vmem>>) target(%dma_start3A_297 : memref<50x128xf32, #tpu.memory_space<hbm>>) target_semaphore(%arg23 : memref<!tpu.dma_semaphore, #tpu.memory_space<semaphore_mem>>)
        %add3A_301 = arith.constant 3 : i32
        %add3A_302 = arith.addi %select_n3A, %add3A_301 : i32
        %dma_start3A_303 = arith.constant 150 : i32
        %dma_start3A_304 = arith.constant 0 : i32
        %dma_start3A_305 = tpu.memref_slice %arg15[%dma_start3A_303, %dma_start3A_304] : memref<200x128xf32, #tpu.memory_space<vmem>> -> memref<50x128xf32, #tpu.memory_space<vmem>>
        %dma_start3A_306 = arith.constant 0 : i32
        %dma_start3A_307 = arith.constant 0 : i32
        %dma_start3A_308 = tpu.memref_slice %arg7[%add3A_302, %dma_start3A_306, %dma_start3A_307] : memref<1024x50x128xf32, #tpu.memory_space<hbm>> -> memref<1x50x128xf32, #tpu.memory_space<hbm>>
        %dma_start3A_309 = tpu.memref_squeeze %dma_start3A_308 : memref<1x50x128xf32, #tpu.memory_space<hbm>> -> memref<50x128xf32, #tpu.memory_space<hbm>>
        %dma_start3A_310 = arith.constant 0 : i32
        %dma_start3A_311 = arith.constant 0 : i32
        %dma_start3A_312 = tpu.memref_slice %arg7[%add3A_302, %dma_start3A_310, %dma_start3A_311] : memref<1024x50x128xf32, #tpu.memory_space<hbm>> -> memref<1x50x128xf32, #tpu.memory_space<hbm>>
        %dma_start3A_313 = tpu.memref_squeeze %dma_start3A_312 : memref<1x50x128xf32, #tpu.memory_space<hbm>> -> memref<50x128xf32, #tpu.memory_space<hbm>>
        %dma_start3A_314 = arith.constant 150 : i32
        %dma_start3A_315 = arith.constant 0 : i32
        %dma_start3A_316 = tpu.memref_slice %arg15[%dma_start3A_314, %dma_start3A_315] : memref<200x128xf32, #tpu.memory_space<vmem>> -> memref<50x128xf32, #tpu.memory_space<vmem>>
        tpu.enqueue_dma source(%dma_start3A_316 : memref<50x128xf32, #tpu.memory_space<vmem>>) target(%dma_start3A_313 : memref<50x128xf32, #tpu.memory_space<hbm>>) target_semaphore(%arg23 : memref<!tpu.dma_semaphore, #tpu.memory_space<semaphore_mem>>)
      } else {
      }
      %add3A_221 = arith.constant 2 : i32
      %add3A_222 = arith.addi %mul3A_117, %add3A_221 : i32
      %lt3A_223 = arith.constant 40 : i32
      %lt3A_224 = arith.cmpi slt, %add3A_222, %lt3A_223 : i32
      %convert_element_type3A_225 = arith.extui %lt3A_224 : i1 to i32
      %cond3A_226 = arith.constant 0 : i32
      %cond3A_227 = arith.cmpi ne, %convert_element_type3A_225, %cond3A_226 : i32
      scf.if %cond3A_227 {
        %dma_wait3A_235 = arith.constant 0 : i32
        %dma_wait3A_236 = arith.constant 0 : i32
        %dma_wait3A_237 = arith.constant 0 : i32
        %dma_wait3A_238 = tpu.memref_slice %arg6[%dma_wait3A_235, %dma_wait3A_236, %dma_wait3A_237] : memref<1024x200x128xf32, #tpu.memory_space<hbm>> -> memref<1x200x128xf32, #tpu.memory_space<hbm>>
        %dma_wait3A_239 = tpu.memref_squeeze %dma_wait3A_238 : memref<1x200x128xf32, #tpu.memory_space<hbm>> -> memref<200x128xf32, #tpu.memory_space<hbm>>
        %dma_wait3A_240 = arith.constant 0 : i32
        %dma_wait3A_241 = arith.constant 0 : i32
        %dma_wait3A_242 = tpu.memref_slice %arg6[%dma_wait3A_235, %dma_wait3A_240, %dma_wait3A_241] : memref<1024x200x128xf32, #tpu.memory_space<hbm>> -> memref<1x200x128xf32, #tpu.memory_space<hbm>>
        %dma_wait3A_243 = tpu.memref_squeeze %dma_wait3A_242 : memref<1x200x128xf32, #tpu.memory_space<hbm>> -> memref<200x128xf32, #tpu.memory_space<hbm>>
        tpu.wait_dma2 semaphore(%arg22 : memref<!tpu.dma_semaphore, #tpu.memory_space<semaphore_mem>>) src(%arg13 : memref<200x128xf32, #tpu.memory_space<vmem>>) dst(%dma_wait3A_243 : memref<200x128xf32, #tpu.memory_space<hbm>>)
        %add3A_244 = arith.constant 2 : i32
        %add3A_245 = arith.addi %mul3A_117, %add3A_244 : i32
        %scan3A_246 = arith.constant 0 : i32
        %scan3A_247 = arith.constant 0 : i32
        %scan3A_248 = arith.constant 13 : i32
        %scan3A_249 = arith.addi %scan3A_247, %scan3A_248 : i32
        %scan3A_250 = arith.constant 1 : i32
        scf.for %scan3A_284 = %scan3A_247 to %scan3A_249 step %scan3A_250  : i32 {
          %mul3A_285 = arith.constant 16 : i32
          %mul3A_286 = arith.muli %mul3A_285, %scan3A_284 : i32
          %mul3A_287 = arith.constant 200 : i32
          %mul3A_288 = arith.muli %add3A_245, %mul3A_287 : i32
          %mul3A_289 = arith.constant 16 : i32
          %mul3A_290 = arith.muli %mul3A_289, %scan3A_284 : i32
          %add3A_291 = arith.addi %mul3A_288, %mul3A_290 : i32
          %get3A = arith.index_cast %add3A_291 : i32 to index
          %get3A_292 = tpu.vector_load %arg8[%get3A] {strides = array<i32>} : memref<8016xf32, #tpu.memory_space<vmem>>, vector<16xf32>,
          %get3A_293 = vector.shape_cast %get3A_292 : vector<16xf32> to vector<16xf32>
          %convert_element_type3A_294 = arith.fptosi %get3A_293 : vector<16xf32> to vector<16xi32>
          %and3A = arith.constant 1048575 : i32
          %and3A_295 = vector.broadcast %and3A : i32 to vector<16xi32>
          %and3A_296 = arith.andi %convert_element_type3A_294, %and3A_295 : vector<16xi32>
          %shift_right_logical3A = arith.constant 20 : i32
          %shift_right_logical3A_297 = vector.broadcast %shift_right_logical3A : i32 to vector<16xi32>
          %shift_right_logical3A_298 = arith.shrui %convert_element_type3A_294, %shift_right_logical3A_297 : vector<16xi32>
          %mul3A_299 = arith.constant 200 : i32
          %mul3A_300 = arith.muli %add3A_245, %mul3A_299 : i32
          %add3A_301 = arith.addi %mul3A_2, %mul3A_300 : i32
          %mul3A_302 = arith.constant 16 : i32
          %mul3A_303 = arith.muli %mul3A_302, %scan3A_284 : i32
          %add3A_304 = arith.addi %add3A_301, %mul3A_303 : i32
          %add3A_305 = vector.broadcast %add3A_304 : i32 to vector<16xi32>
          %add3A_306 = arith.addi %add3A_305, %iota3A : vector<16xi32>
          %mul3A_307 = arith.constant 200 : i32
          %mul3A_308 = vector.broadcast %mul3A_307 : i32 to vector<16xi32>
          %mul3A_309 = arith.muli %shift_right_logical3A_298, %mul3A_308 : vector<16xi32>
          %rem3A = arith.constant 200 : i32
          %rem3A_310 = vector.broadcast %rem3A : i32 to vector<16xi32>
          %rem3A_311 = arith.remsi %add3A_306, %rem3A_310 : vector<16xi32>
          %add3A_312 = arith.addi %mul3A_309, %rem3A_311 : vector<16xi32>
          %mul3A_313 = arith.constant 50 : i32
          %mul3A_314 = vector.broadcast %mul3A_313 : i32 to vector<16xi32>
          %mul3A_315 = arith.muli %shift_right_logical3A_298, %mul3A_314 : vector<16xi32>
          %add3A_316 = arith.constant 800 : i32
          %add3A_317 = vector.broadcast %add3A_316 : i32 to vector<16xi32>
          %add3A_318 = arith.addi %add3A_317, %mul3A_315 : vector<16xi32>
          %sub3A = arith.constant 204800 : i32
          %sub3A_319 = vector.broadcast %sub3A : i32 to vector<16xi32>
          %sub3A_320 = arith.subi %add3A_306, %sub3A_319 : vector<16xi32>
          %rem3A_321 = arith.constant 50 : i32
          %rem3A_322 = vector.broadcast %rem3A_321 : i32 to vector<16xi32>
          %rem3A_323 = arith.remsi %sub3A_320, %rem3A_322 : vector<16xi32>
          %add3A_324 = arith.addi %add3A_318, %rem3A_323 : vector<16xi32>
          %swap3A = arith.index_cast %mul3A_286 : i32 to index
          %swap3A_325 = tpu.vector_load %arg9[%swap3A] {strides = array<i32>} : memref<208xi32, #tpu.memory_space<vmem>>, vector<16xi32>,
          %swap3A_326 = vector.shape_cast %swap3A_325 : vector<16xi32> to vector<16xi32>
          %swap3A_327 = vector.shape_cast %and3A_296 : vector<16xi32> to vector<16xi32>
          tpu.vector_store %arg9[%swap3A], %swap3A_327 {strides = array<i32>} : memref<208xi32, #tpu.memory_space<vmem>>, vector<16xi32>,
          %lt3A_328 = arith.constant 204800 : i32
          %lt3A_329 = vector.broadcast %lt3A_328 : i32 to vector<16xi32>
          %lt3A_330 = arith.cmpi slt, %add3A_306, %lt3A_329 : vector<16xi32>
          %select_n3A = arith.select %lt3A_330, %add3A_312, %add3A_324 : vector<16xi1>, vector<16xi32>
          %swap3A_331 = arith.index_cast %mul3A_286 : i32 to index
          %swap3A_332 = tpu.vector_load %arg10[%swap3A_331] {strides = array<i32>} : memref<208xi32, #tpu.memory_space<vmem>>, vector<16xi32>,
          %swap3A_333 = vector.shape_cast %swap3A_332 : vector<16xi32> to vector<16xi32>
          %swap3A_334 = vector.shape_cast %select_n3A : vector<16xi32> to vector<16xi32>
          tpu.vector_store %arg10[%swap3A_331], %swap3A_334 {strides = array<i32>} : memref<208xi32, #tpu.memory_space<vmem>>, vector<16xi32>,
        }
        %scan3A_251 = arith.constant 13 : i32
        %dma_start3A_252 = arith.constant 0 : i32
        %dma_start3A_253 = arith.constant 0 : i32
        %dma_start3A_254 = tpu.memref_slice %arg13[%dma_start3A_252, %dma_start3A_253] : memref<200x128xf32, #tpu.memory_space<vmem>> -> memref<96x128xf32, #tpu.memory_space<vmem>>
        %dma_start3A_255 = arith.constant 0 : i32
        %dma_start3A_256 = tpu.memref_slice %arg9[%dma_start3A_255] : memref<208xi32, #tpu.memory_space<vmem>> -> memref<96xi32, #tpu.memory_space<vmem>>
        %dma_start3A_257 = arith.constant 0 : i32
        %dma_start3A_258 = arith.constant 0 : i32
        %dma_start3A_259 = tpu.memref_slice %arg4[%dma_start3A_257, %dma_start3A_258] : memref<100000x128xf32, #tpu.memory_space<hbm>> -> memref<100000x128xf32, #tpu.memory_space<hbm>>
        tpu.enqueue_indirect_dma source(%dma_start3A_259 : memref<100000x128xf32, #tpu.memory_space<hbm>>) target(%dma_start3A_254 : memref<96x128xf32, #tpu.memory_space<vmem>>) offsets(%dma_start3A_256 : memref<96xi32, #tpu.memory_space<vmem>>) semaphore(%arg18 : memref<!tpu.dma_semaphore, #tpu.memory_space<semaphore_mem>>)
        %dma_start3A_260 = arith.constant 96 : i32
        %dma_start3A_261 = arith.constant 0 : i32
        %dma_start3A_262 = tpu.memref_slice %arg13[%dma_start3A_260, %dma_start3A_261] : memref<200x128xf32, #tpu.memory_space<vmem>> -> memref<104x128xf32, #tpu.memory_space<vmem>>
        %dma_start3A_263 = arith.constant 96 : i32
        %dma_start3A_264 = tpu.memref_slice %arg9[%dma_start3A_263] : memref<208xi32, #tpu.memory_space<vmem>> -> memref<104xi32, #tpu.memory_space<vmem>>
        %dma_start3A_265 = arith.constant 0 : i32
        %dma_start3A_266 = arith.constant 0 : i32
        %dma_start3A_267 = tpu.memref_slice %arg4[%dma_start3A_265, %dma_start3A_266] : memref<100000x128xf32, #tpu.memory_space<hbm>> -> memref<100000x128xf32, #tpu.memory_space<hbm>>
        tpu.enqueue_indirect_dma source(%dma_start3A_267 : memref<100000x128xf32, #tpu.memory_space<hbm>>) target(%dma_start3A_262 : memref<104x128xf32, #tpu.memory_space<vmem>>) offsets(%dma_start3A_264 : memref<104xi32, #tpu.memory_space<vmem>>) semaphore(%arg18 : memref<!tpu.dma_semaphore, #tpu.memory_space<semaphore_mem>>)
        %dma_start3A_268 = arith.constant 0 : i32
        %dma_start3A_269 = arith.constant 0 : i32
        %dma_start3A_270 = tpu.memref_slice %arg14[%dma_start3A_268, %dma_start3A_269] : memref<200x128xf32, #tpu.memory_space<vmem>> -> memref<96x128xf32, #tpu.memory_space<vmem>>
        %dma_start3A_271 = arith.constant 0 : i32
        %dma_start3A_272 = tpu.memref_slice %arg10[%dma_start3A_271] : memref<208xi32, #tpu.memory_space<vmem>> -> memref<96xi32, #tpu.memory_space<vmem>>
        %dma_start3A_273 = arith.constant 0 : i32
        %dma_start3A_274 = arith.constant 0 : i32
        %dma_start3A_275 = tpu.memref_slice %arg17[%dma_start3A_273, %dma_start3A_274] : memref<1000x128xf32, #tpu.memory_space<vmem_shared>> -> memref<1000x128xf32, #tpu.memory_space<vmem_shared>>
        tpu.enqueue_indirect_dma source(%dma_start3A_275 : memref<1000x128xf32, #tpu.memory_space<vmem_shared>>) target(%dma_start3A_270 : memref<96x128xf32, #tpu.memory_space<vmem>>) offsets(%dma_start3A_272 : memref<96xi32, #tpu.memory_space<vmem>>) semaphore(%arg19 : memref<!tpu.dma_semaphore, #tpu.memory_space<semaphore_mem>>)
        %dma_start3A_276 = arith.constant 96 : i32
        %dma_start3A_277 = arith.constant 0 : i32
        %dma_start3A_278 = tpu.memref_slice %arg14[%dma_start3A_276, %dma_start3A_277] : memref<200x128xf32, #tpu.memory_space<vmem>> -> memref<104x128xf32, #tpu.memory_space<vmem>>
        %dma_start3A_279 = arith.constant 96 : i32
        %dma_start3A_280 = tpu.memref_slice %arg10[%dma_start3A_279] : memref<208xi32, #tpu.memory_space<vmem>> -> memref<104xi32, #tpu.memory_space<vmem>>
        %dma_start3A_281 = arith.constant 0 : i32
        %dma_start3A_282 = arith.constant 0 : i32
        %dma_start3A_283 = tpu.memref_slice %arg17[%dma_start3A_281, %dma_start3A_282] : memref<1000x128xf32, #tpu.memory_space<vmem_shared>> -> memref<1000x128xf32, #tpu.memory_space<vmem_shared>>
        tpu.enqueue_indirect_dma source(%dma_start3A_283 : memref<1000x128xf32, #tpu.memory_space<vmem_shared>>) target(%dma_start3A_278 : memref<104x128xf32, #tpu.memory_space<vmem>>) offsets(%dma_start3A_280 : memref<104xi32, #tpu.memory_space<vmem>>) semaphore(%arg19 : memref<!tpu.dma_semaphore, #tpu.memory_space<semaphore_mem>>)
      } else {
      }
      %add3A_228 = arith.constant 3 : i32
      %add3A_229 = arith.addi %mul3A_117, %add3A_228 : i32
      %lt3A_230 = arith.constant 40 : i32
      %lt3A_231 = arith.cmpi slt, %add3A_229, %lt3A_230 : i32
      %convert_element_type3A_232 = arith.extui %lt3A_231 : i1 to i32
      %cond3A_233 = arith.constant 0 : i32
      %cond3A_234 = arith.cmpi ne, %convert_element_type3A_232, %cond3A_233 : i32
      scf.if %cond3A_234 {
        %dma_wait3A_235 = arith.constant 0 : i32
        %dma_wait3A_236 = arith.constant 0 : i32
        %dma_wait3A_237 = arith.constant 0 : i32
        %dma_wait3A_238 = tpu.memref_slice %arg6[%dma_wait3A_235, %dma_wait3A_236, %dma_wait3A_237] : memref<1024x200x128xf32, #tpu.memory_space<hbm>> -> memref<1x200x128xf32, #tpu.memory_space<hbm>>
        %dma_wait3A_239 = tpu.memref_squeeze %dma_wait3A_238 : memref<1x200x128xf32, #tpu.memory_space<hbm>> -> memref<200x128xf32, #tpu.memory_space<hbm>>
        %dma_wait3A_240 = arith.constant 0 : i32
        %dma_wait3A_241 = arith.constant 0 : i32
        %dma_wait3A_242 = tpu.memref_slice %arg6[%dma_wait3A_235, %dma_wait3A_240, %dma_wait3A_241] : memref<1024x200x128xf32, #tpu.memory_space<hbm>> -> memref<1x200x128xf32, #tpu.memory_space<hbm>>
        %dma_wait3A_243 = tpu.memref_squeeze %dma_wait3A_242 : memref<1x200x128xf32, #tpu.memory_space<hbm>> -> memref<200x128xf32, #tpu.memory_space<hbm>>
        tpu.wait_dma2 semaphore(%arg23 : memref<!tpu.dma_semaphore, #tpu.memory_space<semaphore_mem>>) src(%arg15 : memref<200x128xf32, #tpu.memory_space<vmem>>) dst(%dma_wait3A_243 : memref<200x128xf32, #tpu.memory_space<hbm>>)
        %add3A_244 = arith.constant 3 : i32
        %add3A_245 = arith.addi %mul3A_117, %add3A_244 : i32
        %scan3A_246 = arith.constant 0 : i32
        %scan3A_247 = arith.constant 0 : i32
        %scan3A_248 = arith.constant 13 : i32
        %scan3A_249 = arith.addi %scan3A_247, %scan3A_248 : i32
        %scan3A_250 = arith.constant 1 : i32
        scf.for %scan3A_284 = %scan3A_247 to %scan3A_249 step %scan3A_250  : i32 {
          %mul3A_285 = arith.constant 16 : i32
          %mul3A_286 = arith.muli %mul3A_285, %scan3A_284 : i32
          %mul3A_287 = arith.constant 200 : i32
          %mul3A_288 = arith.muli %add3A_245, %mul3A_287 : i32
          %mul3A_289 = arith.constant 16 : i32
          %mul3A_290 = arith.muli %mul3A_289, %scan3A_284 : i32
          %add3A_291 = arith.addi %mul3A_288, %mul3A_290 : i32
          %get3A = arith.index_cast %add3A_291 : i32 to index
          %get3A_292 = tpu.vector_load %arg8[%get3A] {strides = array<i32>} : memref<8016xf32, #tpu.memory_space<vmem>>, vector<16xf32>,
          %get3A_293 = vector.shape_cast %get3A_292 : vector<16xf32> to vector<16xf32>
          %convert_element_type3A_294 = arith.fptosi %get3A_293 : vector<16xf32> to vector<16xi32>
          %and3A = arith.constant 1048575 : i32
          %and3A_295 = vector.broadcast %and3A : i32 to vector<16xi32>
          %and3A_296 = arith.andi %convert_element_type3A_294, %and3A_295 : vector<16xi32>
          %shift_right_logical3A = arith.constant 20 : i32
          %shift_right_logical3A_297 = vector.broadcast %shift_right_logical3A : i32 to vector<16xi32>
          %shift_right_logical3A_298 = arith.shrui %convert_element_type3A_294, %shift_right_logical3A_297 : vector<16xi32>
          %mul3A_299 = arith.constant 200 : i32
          %mul3A_300 = arith.muli %add3A_245, %mul3A_299 : i32
          %add3A_301 = arith.addi %mul3A_2, %mul3A_300 : i32
          %mul3A_302 = arith.constant 16 : i32
          %mul3A_303 = arith.muli %mul3A_302, %scan3A_284 : i32
          %add3A_304 = arith.addi %add3A_301, %mul3A_303 : i32
          %add3A_305 = vector.broadcast %add3A_304 : i32 to vector<16xi32>
          %add3A_306 = arith.addi %add3A_305, %iota3A : vector<16xi32>
          %mul3A_307 = arith.constant 200 : i32
          %mul3A_308 = vector.broadcast %mul3A_307 : i32 to vector<16xi32>
          %mul3A_309 = arith.muli %shift_right_logical3A_298, %mul3A_308 : vector<16xi32>
          %rem3A = arith.constant 200 : i32
          %rem3A_310 = vector.broadcast %rem3A : i32 to vector<16xi32>
          %rem3A_311 = arith.remsi %add3A_306, %rem3A_310 : vector<16xi32>
          %add3A_312 = arith.addi %mul3A_309, %rem3A_311 : vector<16xi32>
          %mul3A_313 = arith.constant 50 : i32
          %mul3A_314 = vector.broadcast %mul3A_313 : i32 to vector<16xi32>
          %mul3A_315 = arith.muli %shift_right_logical3A_298, %mul3A_314 : vector<16xi32>
          %add3A_316 = arith.constant 800 : i32
          %add3A_317 = vector.broadcast %add3A_316 : i32 to vector<16xi32>
          %add3A_318 = arith.addi %add3A_317, %mul3A_315 : vector<16xi32>
          %sub3A = arith.constant 204800 : i32
          %sub3A_319 = vector.broadcast %sub3A : i32 to vector<16xi32>
          %sub3A_320 = arith.subi %add3A_306, %sub3A_319 : vector<16xi32>
          %rem3A_321 = arith.constant 50 : i32
          %rem3A_322 = vector.broadcast %rem3A_321 : i32 to vector<16xi32>
          %rem3A_323 = arith.remsi %sub3A_320, %rem3A_322 : vector<16xi32>
          %add3A_324 = arith.addi %add3A_318, %rem3A_323 : vector<16xi32>
          %swap3A = arith.index_cast %mul3A_286 : i32 to index
          %swap3A_325 = tpu.vector_load %arg11[%swap3A] {strides = array<i32>} : memref<208xi32, #tpu.memory_space<vmem>>, vector<16xi32>,
          %swap3A_326 = vector.shape_cast %swap3A_325 : vector<16xi32> to vector<16xi32>
          %swap3A_327 = vector.shape_cast %and3A_296 : vector<16xi32> to vector<16xi32>
          tpu.vector_store %arg11[%swap3A], %swap3A_327 {strides = array<i32>} : memref<208xi32, #tpu.memory_space<vmem>>, vector<16xi32>,
          %lt3A_328 = arith.constant 204800 : i32
          %lt3A_329 = vector.broadcast %lt3A_328 : i32 to vector<16xi32>
          %lt3A_330 = arith.cmpi slt, %add3A_306, %lt3A_329 : vector<16xi32>
          %select_n3A = arith.select %lt3A_330, %add3A_312, %add3A_324 : vector<16xi1>, vector<16xi32>
          %swap3A_331 = arith.index_cast %mul3A_286 : i32 to index
          %swap3A_332 = tpu.vector_load %arg12[%swap3A_331] {strides = array<i32>} : memref<208xi32, #tpu.memory_space<vmem>>, vector<16xi32>,
          %swap3A_333 = vector.shape_cast %swap3A_332 : vector<16xi32> to vector<16xi32>
          %swap3A_334 = vector.shape_cast %select_n3A : vector<16xi32> to vector<16xi32>
          tpu.vector_store %arg12[%swap3A_331], %swap3A_334 {strides = array<i32>} : memref<208xi32, #tpu.memory_space<vmem>>, vector<16xi32>,
        }
        %scan3A_251 = arith.constant 13 : i32
        %dma_start3A_252 = arith.constant 0 : i32
        %dma_start3A_253 = arith.constant 0 : i32
        %dma_start3A_254 = tpu.memref_slice %arg15[%dma_start3A_252, %dma_start3A_253] : memref<200x128xf32, #tpu.memory_space<vmem>> -> memref<96x128xf32, #tpu.memory_space<vmem>>
        %dma_start3A_255 = arith.constant 0 : i32
        %dma_start3A_256 = tpu.memref_slice %arg11[%dma_start3A_255] : memref<208xi32, #tpu.memory_space<vmem>> -> memref<96xi32, #tpu.memory_space<vmem>>
        %dma_start3A_257 = arith.constant 0 : i32
        %dma_start3A_258 = arith.constant 0 : i32
        %dma_start3A_259 = tpu.memref_slice %arg4[%dma_start3A_257, %dma_start3A_258] : memref<100000x128xf32, #tpu.memory_space<hbm>> -> memref<100000x128xf32, #tpu.memory_space<hbm>>
        tpu.enqueue_indirect_dma source(%dma_start3A_259 : memref<100000x128xf32, #tpu.memory_space<hbm>>) target(%dma_start3A_254 : memref<96x128xf32, #tpu.memory_space<vmem>>) offsets(%dma_start3A_256 : memref<96xi32, #tpu.memory_space<vmem>>) semaphore(%arg20 : memref<!tpu.dma_semaphore, #tpu.memory_space<semaphore_mem>>)
        %dma_start3A_260 = arith.constant 96 : i32
        %dma_start3A_261 = arith.constant 0 : i32
        %dma_start3A_262 = tpu.memref_slice %arg15[%dma_start3A_260, %dma_start3A_261] : memref<200x128xf32, #tpu.memory_space<vmem>> -> memref<104x128xf32, #tpu.memory_space<vmem>>
        %dma_start3A_263 = arith.constant 96 : i32
        %dma_start3A_264 = tpu.memref_slice %arg11[%dma_start3A_263] : memref<208xi32, #tpu.memory_space<vmem>> -> memref<104xi32, #tpu.memory_space<vmem>>
        %dma_start3A_265 = arith.constant 0 : i32
        %dma_start3A_266 = arith.constant 0 : i32
        %dma_start3A_267 = tpu.memref_slice %arg4[%dma_start3A_265, %dma_start3A_266] : memref<100000x128xf32, #tpu.memory_space<hbm>> -> memref<100000x128xf32, #tpu.memory_space<hbm>>
        tpu.enqueue_indirect_dma source(%dma_start3A_267 : memref<100000x128xf32, #tpu.memory_space<hbm>>) target(%dma_start3A_262 : memref<104x128xf32, #tpu.memory_space<vmem>>) offsets(%dma_start3A_264 : memref<104xi32, #tpu.memory_space<vmem>>) semaphore(%arg20 : memref<!tpu.dma_semaphore, #tpu.memory_space<semaphore_mem>>)
        %dma_start3A_268 = arith.constant 0 : i32
        %dma_start3A_269 = arith.constant 0 : i32
        %dma_start3A_270 = tpu.memref_slice %arg16[%dma_start3A_268, %dma_start3A_269] : memref<200x128xf32, #tpu.memory_space<vmem>> -> memref<96x128xf32, #tpu.memory_space<vmem>>
        %dma_start3A_271 = arith.constant 0 : i32
        %dma_start3A_272 = tpu.memref_slice %arg12[%dma_start3A_271] : memref<208xi32, #tpu.memory_space<vmem>> -> memref<96xi32, #tpu.memory_space<vmem>>
        %dma_start3A_273 = arith.constant 0 : i32
        %dma_start3A_274 = arith.constant 0 : i32
        %dma_start3A_275 = tpu.memref_slice %arg17[%dma_start3A_273, %dma_start3A_274] : memref<1000x128xf32, #tpu.memory_space<vmem_shared>> -> memref<1000x128xf32, #tpu.memory_space<vmem_shared>>
        tpu.enqueue_indirect_dma source(%dma_start3A_275 : memref<1000x128xf32, #tpu.memory_space<vmem_shared>>) target(%dma_start3A_270 : memref<96x128xf32, #tpu.memory_space<vmem>>) offsets(%dma_start3A_272 : memref<96xi32, #tpu.memory_space<vmem>>) semaphore(%arg21 : memref<!tpu.dma_semaphore, #tpu.memory_space<semaphore_mem>>)
        %dma_start3A_276 = arith.constant 96 : i32
        %dma_start3A_277 = arith.constant 0 : i32
        %dma_start3A_278 = tpu.memref_slice %arg16[%dma_start3A_276, %dma_start3A_277] : memref<200x128xf32, #tpu.memory_space<vmem>> -> memref<104x128xf32, #tpu.memory_space<vmem>>
        %dma_start3A_279 = arith.constant 96 : i32
        %dma_start3A_280 = tpu.memref_slice %arg12[%dma_start3A_279] : memref<208xi32, #tpu.memory_space<vmem>> -> memref<104xi32, #tpu.memory_space<vmem>>
        %dma_start3A_281 = arith.constant 0 : i32
        %dma_start3A_282 = arith.constant 0 : i32
        %dma_start3A_283 = tpu.memref_slice %arg17[%dma_start3A_281, %dma_start3A_282] : memref<1000x128xf32, #tpu.memory_space<vmem_shared>> -> memref<1000x128xf32, #tpu.memory_space<vmem_shared>>
        tpu.enqueue_indirect_dma source(%dma_start3A_283 : memref<1000x128xf32, #tpu.memory_space<vmem_shared>>) target(%dma_start3A_278 : memref<104x128xf32, #tpu.memory_space<vmem>>) offsets(%dma_start3A_280 : memref<104xi32, #tpu.memory_space<vmem>>) semaphore(%arg21 : memref<!tpu.dma_semaphore, #tpu.memory_space<semaphore_mem>>)
      } else {
      }
    }
    %scan3A_97 = arith.constant 20 : i32
    %dma_wait3A = arith.constant 0 : i32
    %dma_wait3A_98 = arith.constant 0 : i32
    %dma_wait3A_99 = arith.constant 0 : i32
    %dma_wait3A_100 = tpu.memref_slice %arg6[%dma_wait3A, %dma_wait3A_98, %dma_wait3A_99] : memref<1024x200x128xf32, #tpu.memory_space<hbm>> -> memref<1x200x128xf32, #tpu.memory_space<hbm>>
    %dma_wait3A_101 = tpu.memref_squeeze %dma_wait3A_100 : memref<1x200x128xf32, #tpu.memory_space<hbm>> -> memref<200x128xf32, #tpu.memory_space<hbm>>
    %dma_wait3A_102 = arith.constant 0 : i32
    %dma_wait3A_103 = arith.constant 0 : i32
    %dma_wait3A_104 = tpu.memref_slice %arg6[%dma_wait3A, %dma_wait3A_102, %dma_wait3A_103] : memref<1024x200x128xf32, #tpu.memory_space<hbm>> -> memref<1x200x128xf32, #tpu.memory_space<hbm>>
    %dma_wait3A_105 = tpu.memref_squeeze %dma_wait3A_104 : memref<1x200x128xf32, #tpu.memory_space<hbm>> -> memref<200x128xf32, #tpu.memory_space<hbm>>
    tpu.wait_dma2 semaphore(%arg22 : memref<!tpu.dma_semaphore, #tpu.memory_space<semaphore_mem>>) src(%arg13 : memref<200x128xf32, #tpu.memory_space<vmem>>) dst(%dma_wait3A_105 : memref<200x128xf32, #tpu.memory_space<hbm>>)
    %dma_wait3A_106 = arith.constant 0 : i32
    %dma_wait3A_107 = arith.constant 0 : i32
    %dma_wait3A_108 = arith.constant 0 : i32
    %dma_wait3A_109 = tpu.memref_slice %arg6[%dma_wait3A_106, %dma_wait3A_107, %dma_wait3A_108] : memref<1024x200x128xf32, #tpu.memory_space<hbm>> -> memref<1x200x128xf32, #tpu.memory_space<hbm>>
    %dma_wait3A_110 = tpu.memref_squeeze %dma_wait3A_109 : memref<1x200x128xf32, #tpu.memory_space<hbm>> -> memref<200x128xf32, #tpu.memory_space<hbm>>
    %dma_wait3A_111 = arith.constant 0 : i32
    %dma_wait3A_112 = arith.constant 0 : i32
    %dma_wait3A_113 = tpu.memref_slice %arg6[%dma_wait3A_106, %dma_wait3A_111, %dma_wait3A_112] : memref<1024x200x128xf32, #tpu.memory_space<hbm>> -> memref<1x200x128xf32, #tpu.memory_space<hbm>>
    %dma_wait3A_114 = tpu.memref_squeeze %dma_wait3A_113 : memref<1x200x128xf32, #tpu.memory_space<hbm>> -> memref<200x128xf32, #tpu.memory_space<hbm>>
    tpu.wait_dma2 semaphore(%arg23 : memref<!tpu.dma_semaphore, #tpu.memory_space<semaphore_mem>>) src(%arg15 : memref<200x128xf32, #tpu.memory_space<vmem>>) dst(%dma_wait3A_114 : memref<200x128xf32, #tpu.memory_space<hbm>>)
    return
  }
}

module attributes {stable_mosaic.version = 14 : i64} {
  func.func @_state_mm_body(%arg0: i32, %arg1: memref<128x35x256xf32, #tpu.memory_space<vmem>>, %arg2: memref<128x35x256xf32, #tpu.memory_space<vmem>>, %arg3: memref<35x256x128xf32, #tpu.memory_space<vmem>>, %arg4: memref<128x35x128xf32, #tpu.memory_space<vmem>>, %arg5: memref<128x35x128xf32, #tpu.memory_space<vmem>>) attributes {dimension_semantics = [#tpu.dimension_semantics<arbitrary>], iteration_bounds = array<i64: 8>, scalar_prefetch = 0 : i64, scratch_operands = 0 : i64, tpu.core_type = #tpu.core_type<tc>, window_params = [{transform_indices = @transform_0, window_bounds = array<i64: 128, 35, 256>}, {transform_indices = @transform_1, window_bounds = array<i64: 128, 35, 256>}, {pipeline_mode = #tpu.pipeline_mode<synchronous>, transform_indices = @transform_2, window_bounds = array<i64: 35, 256, 128>}, {transform_indices = @transform_3, window_bounds = array<i64: 128, 35, 128>}, {transform_indices = @transform_4, window_bounds = array<i64: 128, 35, 128>}]} {
    %get3A = arith.constant 0 : index
    %get3A_0 = arith.constant 0 : index
    %get3A_1 = arith.constant 0 : index
    %get3A_2 = vector.load %arg3[%get3A, %get3A_0, %get3A_1] : memref<35x256x128xf32, #tpu.memory_space<vmem>>, vector<1x256x128xf32>
    %get3A_3 = vector.shape_cast %get3A_2 : vector<1x256x128xf32> to vector<256x128xf32>
    %get3A_4 = arith.constant 0 : index
    %get3A_5 = arith.constant 0 : index
    %get3A_6 = arith.constant 0 : index
    %get3A_7 = vector.load %arg1[%get3A_4, %get3A_5, %get3A_6] : memref<128x35x256xf32, #tpu.memory_space<vmem>>, vector<128x1x256xf32>
    %get3A_8 = vector.shape_cast %get3A_7 : vector<128x1x256xf32> to vector<128x256xf32>
    %dot_general3A = arith.constant dense<0.000000e+00> : vector<128x128xf32>
    %dot_general3A_9 = tpu.matmul %get3A_8, %get3A_3, %dot_general3A {dimension_numbers = #tpu.dot_dimension_numbers<[1], [0], [0], [1], [0, 0, 1, 1], [], []>, transpose_lhs_hint = false} : vector<128x256xf32>, vector<256x128xf32>, vector<128x128xf32> -> vector<128x128xf32>
    %swap3A = arith.constant 0 : index
    %swap3A_10 = arith.constant 0 : index
    %swap3A_11 = arith.constant 0 : index
    %swap3A_12 = vector.load %arg4[%swap3A, %swap3A_10, %swap3A_11] : memref<128x35x128xf32, #tpu.memory_space<vmem>>, vector<128x1x128xf32>
    %swap3A_13 = vector.shape_cast %swap3A_12 : vector<128x1x128xf32> to vector<128x128xf32>
    %swap3A_14 = vector.shape_cast %dot_general3A_9 : vector<128x128xf32> to vector<128x1x128xf32>
    tpu.vector_store %arg4[%swap3A, %swap3A_10, %swap3A_11], %swap3A_14 {strides = array<i32>} : memref<128x35x128xf32, #tpu.memory_space<vmem>>, vector<128x1x128xf32>,
    %get3A_15 = arith.constant 0 : index
    %get3A_16 = arith.constant 0 : index
    %get3A_17 = arith.constant 0 : index
    %get3A_18 = vector.load %arg2[%get3A_15, %get3A_16, %get3A_17] : memref<128x35x256xf32, #tpu.memory_space<vmem>>, vector<128x1x256xf32>
    %get3A_19 = vector.shape_cast %get3A_18 : vector<128x1x256xf32> to vector<128x256xf32>
    %dot_general3A_20 = arith.constant dense<0.000000e+00> : vector<128x128xf32>
    %dot_general3A_21 = tpu.matmul %get3A_19, %get3A_3, %dot_general3A_20 {dimension_numbers = #tpu.dot_dimension_numbers<[1], [0], [0], [1], [0, 0, 1, 1], [], []>, transpose_lhs_hint = false} : vector<128x256xf32>, vector<256x128xf32>, vector<128x128xf32> -> vector<128x128xf32>
    %swap3A_22 = arith.constant 0 : index
    %swap3A_23 = arith.constant 0 : index
    %swap3A_24 = arith.constant 0 : index
    %swap3A_25 = vector.load %arg5[%swap3A_22, %swap3A_23, %swap3A_24] : memref<128x35x128xf32, #tpu.memory_space<vmem>>, vector<128x1x128xf32>
    %swap3A_26 = vector.shape_cast %swap3A_25 : vector<128x1x128xf32> to vector<128x128xf32>
    %swap3A_27 = vector.shape_cast %dot_general3A_21 : vector<128x128xf32> to vector<128x1x128xf32>
    tpu.vector_store %arg5[%swap3A_22, %swap3A_23, %swap3A_24], %swap3A_27 {strides = array<i32>} : memref<128x35x128xf32, #tpu.memory_space<vmem>>, vector<128x1x128xf32>,
    %get3A_28 = arith.constant 1 : index
    %get3A_29 = arith.constant 0 : index
    %get3A_30 = arith.constant 0 : index
    %get3A_31 = vector.load %arg3[%get3A_28, %get3A_29, %get3A_30] : memref<35x256x128xf32, #tpu.memory_space<vmem>>, vector<1x256x128xf32>
    %get3A_32 = vector.shape_cast %get3A_31 : vector<1x256x128xf32> to vector<256x128xf32>
    %get3A_33 = arith.constant 0 : index
    %get3A_34 = arith.constant 1 : index
    %get3A_35 = arith.constant 0 : index
    %get3A_36 = vector.load %arg1[%get3A_33, %get3A_34, %get3A_35] : memref<128x35x256xf32, #tpu.memory_space<vmem>>, vector<128x1x256xf32>
    %get3A_37 = vector.shape_cast %get3A_36 : vector<128x1x256xf32> to vector<128x256xf32>
    %dot_general3A_38 = arith.constant dense<0.000000e+00> : vector<128x128xf32>
    %dot_general3A_39 = tpu.matmul %get3A_37, %get3A_32, %dot_general3A_38 {dimension_numbers = #tpu.dot_dimension_numbers<[1], [0], [0], [1], [0, 0, 1, 1], [], []>, transpose_lhs_hint = false} : vector<128x256xf32>, vector<256x128xf32>, vector<128x128xf32> -> vector<128x128xf32>
    %swap3A_40 = arith.constant 0 : index
    %swap3A_41 = arith.constant 1 : index
    %swap3A_42 = arith.constant 0 : index
    %swap3A_43 = vector.load %arg4[%swap3A_40, %swap3A_41, %swap3A_42] : memref<128x35x128xf32, #tpu.memory_space<vmem>>, vector<128x1x128xf32>
    %swap3A_44 = vector.shape_cast %swap3A_43 : vector<128x1x128xf32> to vector<128x128xf32>
    %swap3A_45 = vector.shape_cast %dot_general3A_39 : vector<128x128xf32> to vector<128x1x128xf32>
    tpu.vector_store %arg4[%swap3A_40, %swap3A_41, %swap3A_42], %swap3A_45 {strides = array<i32>} : memref<128x35x128xf32, #tpu.memory_space<vmem>>, vector<128x1x128xf32>,
    %get3A_46 = arith.constant 0 : index
    %get3A_47 = arith.constant 1 : index
    %get3A_48 = arith.constant 0 : index
    %get3A_49 = vector.load %arg2[%get3A_46, %get3A_47, %get3A_48] : memref<128x35x256xf32, #tpu.memory_space<vmem>>, vector<128x1x256xf32>
    %get3A_50 = vector.shape_cast %get3A_49 : vector<128x1x256xf32> to vector<128x256xf32>
    %dot_general3A_51 = arith.constant dense<0.000000e+00> : vector<128x128xf32>
    %dot_general3A_52 = tpu.matmul %get3A_50, %get3A_32, %dot_general3A_51 {dimension_numbers = #tpu.dot_dimension_numbers<[1], [0], [0], [1], [0, 0, 1, 1], [], []>, transpose_lhs_hint = false} : vector<128x256xf32>, vector<256x128xf32>, vector<128x128xf32> -> vector<128x128xf32>
    %swap3A_53 = arith.constant 0 : index
    %swap3A_54 = arith.constant 1 : index
    %swap3A_55 = arith.constant 0 : index
    %swap3A_56 = vector.load %arg5[%swap3A_53, %swap3A_54, %swap3A_55] : memref<128x35x128xf32, #tpu.memory_space<vmem>>, vector<128x1x128xf32>
    %swap3A_57 = vector.shape_cast %swap3A_56 : vector<128x1x128xf32> to vector<128x128xf32>
    %swap3A_58 = vector.shape_cast %dot_general3A_52 : vector<128x128xf32> to vector<128x1x128xf32>
    tpu.vector_store %arg5[%swap3A_53, %swap3A_54, %swap3A_55], %swap3A_58 {strides = array<i32>} : memref<128x35x128xf32, #tpu.memory_space<vmem>>, vector<128x1x128xf32>,
    %get3A_59 = arith.constant 2 : index
    %get3A_60 = arith.constant 0 : index
    %get3A_61 = arith.constant 0 : index
    %get3A_62 = vector.load %arg3[%get3A_59, %get3A_60, %get3A_61] : memref<35x256x128xf32, #tpu.memory_space<vmem>>, vector<1x256x128xf32>
    %get3A_63 = vector.shape_cast %get3A_62 : vector<1x256x128xf32> to vector<256x128xf32>
    %get3A_64 = arith.constant 0 : index
    %get3A_65 = arith.constant 2 : index
    %get3A_66 = arith.constant 0 : index
    %get3A_67 = vector.load %arg1[%get3A_64, %get3A_65, %get3A_66] : memref<128x35x256xf32, #tpu.memory_space<vmem>>, vector<128x1x256xf32>
    %get3A_68 = vector.shape_cast %get3A_67 : vector<128x1x256xf32> to vector<128x256xf32>
    %dot_general3A_69 = arith.constant dense<0.000000e+00> : vector<128x128xf32>
    %dot_general3A_70 = tpu.matmul %get3A_68, %get3A_63, %dot_general3A_69 {dimension_numbers = #tpu.dot_dimension_numbers<[1], [0], [0], [1], [0, 0, 1, 1], [], []>, transpose_lhs_hint = false} : vector<128x256xf32>, vector<256x128xf32>, vector<128x128xf32> -> vector<128x128xf32>
    %swap3A_71 = arith.constant 0 : index
    %swap3A_72 = arith.constant 2 : index
    %swap3A_73 = arith.constant 0 : index
    %swap3A_74 = vector.load %arg4[%swap3A_71, %swap3A_72, %swap3A_73] : memref<128x35x128xf32, #tpu.memory_space<vmem>>, vector<128x1x128xf32>
    %swap3A_75 = vector.shape_cast %swap3A_74 : vector<128x1x128xf32> to vector<128x128xf32>
    %swap3A_76 = vector.shape_cast %dot_general3A_70 : vector<128x128xf32> to vector<128x1x128xf32>
    tpu.vector_store %arg4[%swap3A_71, %swap3A_72, %swap3A_73], %swap3A_76 {strides = array<i32>} : memref<128x35x128xf32, #tpu.memory_space<vmem>>, vector<128x1x128xf32>,
    %get3A_77 = arith.constant 0 : index
    %get3A_78 = arith.constant 2 : index
    %get3A_79 = arith.constant 0 : index
    %get3A_80 = vector.load %arg2[%get3A_77, %get3A_78, %get3A_79] : memref<128x35x256xf32, #tpu.memory_space<vmem>>, vector<128x1x256xf32>
    %get3A_81 = vector.shape_cast %get3A_80 : vector<128x1x256xf32> to vector<128x256xf32>
    %dot_general3A_82 = arith.constant dense<0.000000e+00> : vector<128x128xf32>
    %dot_general3A_83 = tpu.matmul %get3A_81, %get3A_63, %dot_general3A_82 {dimension_numbers = #tpu.dot_dimension_numbers<[1], [0], [0], [1], [0, 0, 1, 1], [], []>, transpose_lhs_hint = false} : vector<128x256xf32>, vector<256x128xf32>, vector<128x128xf32> -> vector<128x128xf32>
    %swap3A_84 = arith.constant 0 : index
    %swap3A_85 = arith.constant 2 : index
    %swap3A_86 = arith.constant 0 : index
    %swap3A_87 = vector.load %arg5[%swap3A_84, %swap3A_85, %swap3A_86] : memref<128x35x128xf32, #tpu.memory_space<vmem>>, vector<128x1x128xf32>
    %swap3A_88 = vector.shape_cast %swap3A_87 : vector<128x1x128xf32> to vector<128x128xf32>
    %swap3A_89 = vector.shape_cast %dot_general3A_83 : vector<128x128xf32> to vector<128x1x128xf32>
    tpu.vector_store %arg5[%swap3A_84, %swap3A_85, %swap3A_86], %swap3A_89 {strides = array<i32>} : memref<128x35x128xf32, #tpu.memory_space<vmem>>, vector<128x1x128xf32>,
    %get3A_90 = arith.constant 3 : index
    %get3A_91 = arith.constant 0 : index
    %get3A_92 = arith.constant 0 : index
    %get3A_93 = vector.load %arg3[%get3A_90, %get3A_91, %get3A_92] : memref<35x256x128xf32, #tpu.memory_space<vmem>>, vector<1x256x128xf32>
    %get3A_94 = vector.shape_cast %get3A_93 : vector<1x256x128xf32> to vector<256x128xf32>
    %get3A_95 = arith.constant 0 : index
    %get3A_96 = arith.constant 3 : index
    %get3A_97 = arith.constant 0 : index
    %get3A_98 = vector.load %arg1[%get3A_95, %get3A_96, %get3A_97] : memref<128x35x256xf32, #tpu.memory_space<vmem>>, vector<128x1x256xf32>
    %get3A_99 = vector.shape_cast %get3A_98 : vector<128x1x256xf32> to vector<128x256xf32>
    %dot_general3A_100 = arith.constant dense<0.000000e+00> : vector<128x128xf32>
    %dot_general3A_101 = tpu.matmul %get3A_99, %get3A_94, %dot_general3A_100 {dimension_numbers = #tpu.dot_dimension_numbers<[1], [0], [0], [1], [0, 0, 1, 1], [], []>, transpose_lhs_hint = false} : vector<128x256xf32>, vector<256x128xf32>, vector<128x128xf32> -> vector<128x128xf32>
    %swap3A_102 = arith.constant 0 : index
    %swap3A_103 = arith.constant 3 : index
    %swap3A_104 = arith.constant 0 : index
    %swap3A_105 = vector.load %arg4[%swap3A_102, %swap3A_103, %swap3A_104] : memref<128x35x128xf32, #tpu.memory_space<vmem>>, vector<128x1x128xf32>
    %swap3A_106 = vector.shape_cast %swap3A_105 : vector<128x1x128xf32> to vector<128x128xf32>
    %swap3A_107 = vector.shape_cast %dot_general3A_101 : vector<128x128xf32> to vector<128x1x128xf32>
    tpu.vector_store %arg4[%swap3A_102, %swap3A_103, %swap3A_104], %swap3A_107 {strides = array<i32>} : memref<128x35x128xf32, #tpu.memory_space<vmem>>, vector<128x1x128xf32>,
    %get3A_108 = arith.constant 0 : index
    %get3A_109 = arith.constant 3 : index
    %get3A_110 = arith.constant 0 : index
    %get3A_111 = vector.load %arg2[%get3A_108, %get3A_109, %get3A_110] : memref<128x35x256xf32, #tpu.memory_space<vmem>>, vector<128x1x256xf32>
    %get3A_112 = vector.shape_cast %get3A_111 : vector<128x1x256xf32> to vector<128x256xf32>
    %dot_general3A_113 = arith.constant dense<0.000000e+00> : vector<128x128xf32>
    %dot_general3A_114 = tpu.matmul %get3A_112, %get3A_94, %dot_general3A_113 {dimension_numbers = #tpu.dot_dimension_numbers<[1], [0], [0], [1], [0, 0, 1, 1], [], []>, transpose_lhs_hint = false} : vector<128x256xf32>, vector<256x128xf32>, vector<128x128xf32> -> vector<128x128xf32>
    %swap3A_115 = arith.constant 0 : index
    %swap3A_116 = arith.constant 3 : index
    %swap3A_117 = arith.constant 0 : index
    %swap3A_118 = vector.load %arg5[%swap3A_115, %swap3A_116, %swap3A_117] : memref<128x35x128xf32, #tpu.memory_space<vmem>>, vector<128x1x128xf32>
    %swap3A_119 = vector.shape_cast %swap3A_118 : vector<128x1x128xf32> to vector<128x128xf32>
    %swap3A_120 = vector.shape_cast %dot_general3A_114 : vector<128x128xf32> to vector<128x1x128xf32>
    tpu.vector_store %arg5[%swap3A_115, %swap3A_116, %swap3A_117], %swap3A_120 {strides = array<i32>} : memref<128x35x128xf32, #tpu.memory_space<vmem>>, vector<128x1x128xf32>,
    %get3A_121 = arith.constant 4 : index
    %get3A_122 = arith.constant 0 : index
    %get3A_123 = arith.constant 0 : index
    %get3A_124 = vector.load %arg3[%get3A_121, %get3A_122, %get3A_123] : memref<35x256x128xf32, #tpu.memory_space<vmem>>, vector<1x256x128xf32>
    %get3A_125 = vector.shape_cast %get3A_124 : vector<1x256x128xf32> to vector<256x128xf32>
    %get3A_126 = arith.constant 0 : index
    %get3A_127 = arith.constant 4 : index
    %get3A_128 = arith.constant 0 : index
    %get3A_129 = vector.load %arg1[%get3A_126, %get3A_127, %get3A_128] : memref<128x35x256xf32, #tpu.memory_space<vmem>>, vector<128x1x256xf32>
    %get3A_130 = vector.shape_cast %get3A_129 : vector<128x1x256xf32> to vector<128x256xf32>
    %dot_general3A_131 = arith.constant dense<0.000000e+00> : vector<128x128xf32>
    %dot_general3A_132 = tpu.matmul %get3A_130, %get3A_125, %dot_general3A_131 {dimension_numbers = #tpu.dot_dimension_numbers<[1], [0], [0], [1], [0, 0, 1, 1], [], []>, transpose_lhs_hint = false} : vector<128x256xf32>, vector<256x128xf32>, vector<128x128xf32> -> vector<128x128xf32>
    %swap3A_133 = arith.constant 0 : index
    %swap3A_134 = arith.constant 4 : index
    %swap3A_135 = arith.constant 0 : index
    %swap3A_136 = vector.load %arg4[%swap3A_133, %swap3A_134, %swap3A_135] : memref<128x35x128xf32, #tpu.memory_space<vmem>>, vector<128x1x128xf32>
    %swap3A_137 = vector.shape_cast %swap3A_136 : vector<128x1x128xf32> to vector<128x128xf32>
    %swap3A_138 = vector.shape_cast %dot_general3A_132 : vector<128x128xf32> to vector<128x1x128xf32>
    tpu.vector_store %arg4[%swap3A_133, %swap3A_134, %swap3A_135], %swap3A_138 {strides = array<i32>} : memref<128x35x128xf32, #tpu.memory_space<vmem>>, vector<128x1x128xf32>,
    %get3A_139 = arith.constant 0 : index
    %get3A_140 = arith.constant 4 : index
    %get3A_141 = arith.constant 0 : index
    %get3A_142 = vector.load %arg2[%get3A_139, %get3A_140, %get3A_141] : memref<128x35x256xf32, #tpu.memory_space<vmem>>, vector<128x1x256xf32>
    %get3A_143 = vector.shape_cast %get3A_142 : vector<128x1x256xf32> to vector<128x256xf32>
    %dot_general3A_144 = arith.constant dense<0.000000e+00> : vector<128x128xf32>
    %dot_general3A_145 = tpu.matmul %get3A_143, %get3A_125, %dot_general3A_144 {dimension_numbers = #tpu.dot_dimension_numbers<[1], [0], [0], [1], [0, 0, 1, 1], [], []>, transpose_lhs_hint = false} : vector<128x256xf32>, vector<256x128xf32>, vector<128x128xf32> -> vector<128x128xf32>
    %swap3A_146 = arith.constant 0 : index
    %swap3A_147 = arith.constant 4 : index
    %swap3A_148 = arith.constant 0 : index
    %swap3A_149 = vector.load %arg5[%swap3A_146, %swap3A_147, %swap3A_148] : memref<128x35x128xf32, #tpu.memory_space<vmem>>, vector<128x1x128xf32>
    %swap3A_150 = vector.shape_cast %swap3A_149 : vector<128x1x128xf32> to vector<128x128xf32>
    %swap3A_151 = vector.shape_cast %dot_general3A_145 : vector<128x128xf32> to vector<128x1x128xf32>
    tpu.vector_store %arg5[%swap3A_146, %swap3A_147, %swap3A_148], %swap3A_151 {strides = array<i32>} : memref<128x35x128xf32, #tpu.memory_space<vmem>>, vector<128x1x128xf32>,
    %get3A_152 = arith.constant 5 : index
    %get3A_153 = arith.constant 0 : index
    %get3A_154 = arith.constant 0 : index
    %get3A_155 = vector.load %arg3[%get3A_152, %get3A_153, %get3A_154] : memref<35x256x128xf32, #tpu.memory_space<vmem>>, vector<1x256x128xf32>
    %get3A_156 = vector.shape_cast %get3A_155 : vector<1x256x128xf32> to vector<256x128xf32>
    %get3A_157 = arith.constant 0 : index
    %get3A_158 = arith.constant 5 : index
    %get3A_159 = arith.constant 0 : index
    %get3A_160 = vector.load %arg1[%get3A_157, %get3A_158, %get3A_159] : memref<128x35x256xf32, #tpu.memory_space<vmem>>, vector<128x1x256xf32>
    %get3A_161 = vector.shape_cast %get3A_160 : vector<128x1x256xf32> to vector<128x256xf32>
    %dot_general3A_162 = arith.constant dense<0.000000e+00> : vector<128x128xf32>
    %dot_general3A_163 = tpu.matmul %get3A_161, %get3A_156, %dot_general3A_162 {dimension_numbers = #tpu.dot_dimension_numbers<[1], [0], [0], [1], [0, 0, 1, 1], [], []>, transpose_lhs_hint = false} : vector<128x256xf32>, vector<256x128xf32>, vector<128x128xf32> -> vector<128x128xf32>
    %swap3A_164 = arith.constant 0 : index
    %swap3A_165 = arith.constant 5 : index
    %swap3A_166 = arith.constant 0 : index
    %swap3A_167 = vector.load %arg4[%swap3A_164, %swap3A_165, %swap3A_166] : memref<128x35x128xf32, #tpu.memory_space<vmem>>, vector<128x1x128xf32>
    %swap3A_168 = vector.shape_cast %swap3A_167 : vector<128x1x128xf32> to vector<128x128xf32>
    %swap3A_169 = vector.shape_cast %dot_general3A_163 : vector<128x128xf32> to vector<128x1x128xf32>
    tpu.vector_store %arg4[%swap3A_164, %swap3A_165, %swap3A_166], %swap3A_169 {strides = array<i32>} : memref<128x35x128xf32, #tpu.memory_space<vmem>>, vector<128x1x128xf32>,
    %get3A_170 = arith.constant 0 : index
    %get3A_171 = arith.constant 5 : index
    %get3A_172 = arith.constant 0 : index
    %get3A_173 = vector.load %arg2[%get3A_170, %get3A_171, %get3A_172] : memref<128x35x256xf32, #tpu.memory_space<vmem>>, vector<128x1x256xf32>
    %get3A_174 = vector.shape_cast %get3A_173 : vector<128x1x256xf32> to vector<128x256xf32>
    %dot_general3A_175 = arith.constant dense<0.000000e+00> : vector<128x128xf32>
    %dot_general3A_176 = tpu.matmul %get3A_174, %get3A_156, %dot_general3A_175 {dimension_numbers = #tpu.dot_dimension_numbers<[1], [0], [0], [1], [0, 0, 1, 1], [], []>, transpose_lhs_hint = false} : vector<128x256xf32>, vector<256x128xf32>, vector<128x128xf32> -> vector<128x128xf32>
    %swap3A_177 = arith.constant 0 : index
    %swap3A_178 = arith.constant 5 : index
    %swap3A_179 = arith.constant 0 : index
    %swap3A_180 = vector.load %arg5[%swap3A_177, %swap3A_178, %swap3A_179] : memref<128x35x128xf32, #tpu.memory_space<vmem>>, vector<128x1x128xf32>
    %swap3A_181 = vector.shape_cast %swap3A_180 : vector<128x1x128xf32> to vector<128x128xf32>
    %swap3A_182 = vector.shape_cast %dot_general3A_176 : vector<128x128xf32> to vector<128x1x128xf32>
    tpu.vector_store %arg5[%swap3A_177, %swap3A_178, %swap3A_179], %swap3A_182 {strides = array<i32>} : memref<128x35x128xf32, #tpu.memory_space<vmem>>, vector<128x1x128xf32>,
    %get3A_183 = arith.constant 6 : index
    %get3A_184 = arith.constant 0 : index
    %get3A_185 = arith.constant 0 : index
    %get3A_186 = vector.load %arg3[%get3A_183, %get3A_184, %get3A_185] : memref<35x256x128xf32, #tpu.memory_space<vmem>>, vector<1x256x128xf32>
    %get3A_187 = vector.shape_cast %get3A_186 : vector<1x256x128xf32> to vector<256x128xf32>
    %get3A_188 = arith.constant 0 : index
    %get3A_189 = arith.constant 6 : index
    %get3A_190 = arith.constant 0 : index
    %get3A_191 = vector.load %arg1[%get3A_188, %get3A_189, %get3A_190] : memref<128x35x256xf32, #tpu.memory_space<vmem>>, vector<128x1x256xf32>
    %get3A_192 = vector.shape_cast %get3A_191 : vector<128x1x256xf32> to vector<128x256xf32>
    %dot_general3A_193 = arith.constant dense<0.000000e+00> : vector<128x128xf32>
    %dot_general3A_194 = tpu.matmul %get3A_192, %get3A_187, %dot_general3A_193 {dimension_numbers = #tpu.dot_dimension_numbers<[1], [0], [0], [1], [0, 0, 1, 1], [], []>, transpose_lhs_hint = false} : vector<128x256xf32>, vector<256x128xf32>, vector<128x128xf32> -> vector<128x128xf32>
    %swap3A_195 = arith.constant 0 : index
    %swap3A_196 = arith.constant 6 : index
    %swap3A_197 = arith.constant 0 : index
    %swap3A_198 = vector.load %arg4[%swap3A_195, %swap3A_196, %swap3A_197] : memref<128x35x128xf32, #tpu.memory_space<vmem>>, vector<128x1x128xf32>
    %swap3A_199 = vector.shape_cast %swap3A_198 : vector<128x1x128xf32> to vector<128x128xf32>
    %swap3A_200 = vector.shape_cast %dot_general3A_194 : vector<128x128xf32> to vector<128x1x128xf32>
    tpu.vector_store %arg4[%swap3A_195, %swap3A_196, %swap3A_197], %swap3A_200 {strides = array<i32>} : memref<128x35x128xf32, #tpu.memory_space<vmem>>, vector<128x1x128xf32>,
    %get3A_201 = arith.constant 0 : index
    %get3A_202 = arith.constant 6 : index
    %get3A_203 = arith.constant 0 : index
    %get3A_204 = vector.load %arg2[%get3A_201, %get3A_202, %get3A_203] : memref<128x35x256xf32, #tpu.memory_space<vmem>>, vector<128x1x256xf32>
    %get3A_205 = vector.shape_cast %get3A_204 : vector<128x1x256xf32> to vector<128x256xf32>
    %dot_general3A_206 = arith.constant dense<0.000000e+00> : vector<128x128xf32>
    %dot_general3A_207 = tpu.matmul %get3A_205, %get3A_187, %dot_general3A_206 {dimension_numbers = #tpu.dot_dimension_numbers<[1], [0], [0], [1], [0, 0, 1, 1], [], []>, transpose_lhs_hint = false} : vector<128x256xf32>, vector<256x128xf32>, vector<128x128xf32> -> vector<128x128xf32>
    %swap3A_208 = arith.constant 0 : index
    %swap3A_209 = arith.constant 6 : index
    %swap3A_210 = arith.constant 0 : index
    %swap3A_211 = vector.load %arg5[%swap3A_208, %swap3A_209, %swap3A_210] : memref<128x35x128xf32, #tpu.memory_space<vmem>>, vector<128x1x128xf32>
    %swap3A_212 = vector.shape_cast %swap3A_211 : vector<128x1x128xf32> to vector<128x128xf32>
    %swap3A_213 = vector.shape_cast %dot_general3A_207 : vector<128x128xf32> to vector<128x1x128xf32>
    tpu.vector_store %arg5[%swap3A_208, %swap3A_209, %swap3A_210], %swap3A_213 {strides = array<i32>} : memref<128x35x128xf32, #tpu.memory_space<vmem>>, vector<128x1x128xf32>,
    %get3A_214 = arith.constant 7 : index
    %get3A_215 = arith.constant 0 : index
    %get3A_216 = arith.constant 0 : index
    %get3A_217 = vector.load %arg3[%get3A_214, %get3A_215, %get3A_216] : memref<35x256x128xf32, #tpu.memory_space<vmem>>, vector<1x256x128xf32>
    %get3A_218 = vector.shape_cast %get3A_217 : vector<1x256x128xf32> to vector<256x128xf32>
    %get3A_219 = arith.constant 0 : index
    %get3A_220 = arith.constant 7 : index
    %get3A_221 = arith.constant 0 : index
    %get3A_222 = vector.load %arg1[%get3A_219, %get3A_220, %get3A_221] : memref<128x35x256xf32, #tpu.memory_space<vmem>>, vector<128x1x256xf32>
    %get3A_223 = vector.shape_cast %get3A_222 : vector<128x1x256xf32> to vector<128x256xf32>
    %dot_general3A_224 = arith.constant dense<0.000000e+00> : vector<128x128xf32>
    %dot_general3A_225 = tpu.matmul %get3A_223, %get3A_218, %dot_general3A_224 {dimension_numbers = #tpu.dot_dimension_numbers<[1], [0], [0], [1], [0, 0, 1, 1], [], []>, transpose_lhs_hint = false} : vector<128x256xf32>, vector<256x128xf32>, vector<128x128xf32> -> vector<128x128xf32>
    %swap3A_226 = arith.constant 0 : index
    %swap3A_227 = arith.constant 7 : index
    %swap3A_228 = arith.constant 0 : index
    %swap3A_229 = vector.load %arg4[%swap3A_226, %swap3A_227, %swap3A_228] : memref<128x35x128xf32, #tpu.memory_space<vmem>>, vector<128x1x128xf32>
    %swap3A_230 = vector.shape_cast %swap3A_229 : vector<128x1x128xf32> to vector<128x128xf32>
    %swap3A_231 = vector.shape_cast %dot_general3A_225 : vector<128x128xf32> to vector<128x1x128xf32>
    tpu.vector_store %arg4[%swap3A_226, %swap3A_227, %swap3A_228], %swap3A_231 {strides = array<i32>} : memref<128x35x128xf32, #tpu.memory_space<vmem>>, vector<128x1x128xf32>,
    %get3A_232 = arith.constant 0 : index
    %get3A_233 = arith.constant 7 : index
    %get3A_234 = arith.constant 0 : index
    %get3A_235 = vector.load %arg2[%get3A_232, %get3A_233, %get3A_234] : memref<128x35x256xf32, #tpu.memory_space<vmem>>, vector<128x1x256xf32>
    %get3A_236 = vector.shape_cast %get3A_235 : vector<128x1x256xf32> to vector<128x256xf32>
    %dot_general3A_237 = arith.constant dense<0.000000e+00> : vector<128x128xf32>
    %dot_general3A_238 = tpu.matmul %get3A_236, %get3A_218, %dot_general3A_237 {dimension_numbers = #tpu.dot_dimension_numbers<[1], [0], [0], [1], [0, 0, 1, 1], [], []>, transpose_lhs_hint = false} : vector<128x256xf32>, vector<256x128xf32>, vector<128x128xf32> -> vector<128x128xf32>
    %swap3A_239 = arith.constant 0 : index
    %swap3A_240 = arith.constant 7 : index
    %swap3A_241 = arith.constant 0 : index
    %swap3A_242 = vector.load %arg5[%swap3A_239, %swap3A_240, %swap3A_241] : memref<128x35x128xf32, #tpu.memory_space<vmem>>, vector<128x1x128xf32>
    %swap3A_243 = vector.shape_cast %swap3A_242 : vector<128x1x128xf32> to vector<128x128xf32>
    %swap3A_244 = vector.shape_cast %dot_general3A_238 : vector<128x128xf32> to vector<128x1x128xf32>
    tpu.vector_store %arg5[%swap3A_239, %swap3A_240, %swap3A_241], %swap3A_244 {strides = array<i32>} : memref<128x35x128xf32, #tpu.memory_space<vmem>>, vector<128x1x128xf32>,
    %get3A_245 = arith.constant 8 : index
    %get3A_246 = arith.constant 0 : index
    %get3A_247 = arith.constant 0 : index
    %get3A_248 = vector.load %arg3[%get3A_245, %get3A_246, %get3A_247] : memref<35x256x128xf32, #tpu.memory_space<vmem>>, vector<1x256x128xf32>
    %get3A_249 = vector.shape_cast %get3A_248 : vector<1x256x128xf32> to vector<256x128xf32>
    %get3A_250 = arith.constant 0 : index
    %get3A_251 = arith.constant 8 : index
    %get3A_252 = arith.constant 0 : index
    %get3A_253 = vector.load %arg1[%get3A_250, %get3A_251, %get3A_252] : memref<128x35x256xf32, #tpu.memory_space<vmem>>, vector<128x1x256xf32>
    %get3A_254 = vector.shape_cast %get3A_253 : vector<128x1x256xf32> to vector<128x256xf32>
    %dot_general3A_255 = arith.constant dense<0.000000e+00> : vector<128x128xf32>
    %dot_general3A_256 = tpu.matmul %get3A_254, %get3A_249, %dot_general3A_255 {dimension_numbers = #tpu.dot_dimension_numbers<[1], [0], [0], [1], [0, 0, 1, 1], [], []>, transpose_lhs_hint = false} : vector<128x256xf32>, vector<256x128xf32>, vector<128x128xf32> -> vector<128x128xf32>
    %swap3A_257 = arith.constant 0 : index
    %swap3A_258 = arith.constant 8 : index
    %swap3A_259 = arith.constant 0 : index
    %swap3A_260 = vector.load %arg4[%swap3A_257, %swap3A_258, %swap3A_259] : memref<128x35x128xf32, #tpu.memory_space<vmem>>, vector<128x1x128xf32>
    %swap3A_261 = vector.shape_cast %swap3A_260 : vector<128x1x128xf32> to vector<128x128xf32>
    %swap3A_262 = vector.shape_cast %dot_general3A_256 : vector<128x128xf32> to vector<128x1x128xf32>
    tpu.vector_store %arg4[%swap3A_257, %swap3A_258, %swap3A_259], %swap3A_262 {strides = array<i32>} : memref<128x35x128xf32, #tpu.memory_space<vmem>>, vector<128x1x128xf32>,
    %get3A_263 = arith.constant 0 : index
    %get3A_264 = arith.constant 8 : index
    %get3A_265 = arith.constant 0 : index
    %get3A_266 = vector.load %arg2[%get3A_263, %get3A_264, %get3A_265] : memref<128x35x256xf32, #tpu.memory_space<vmem>>, vector<128x1x256xf32>
    %get3A_267 = vector.shape_cast %get3A_266 : vector<128x1x256xf32> to vector<128x256xf32>
    %dot_general3A_268 = arith.constant dense<0.000000e+00> : vector<128x128xf32>
    %dot_general3A_269 = tpu.matmul %get3A_267, %get3A_249, %dot_general3A_268 {dimension_numbers = #tpu.dot_dimension_numbers<[1], [0], [0], [1], [0, 0, 1, 1], [], []>, transpose_lhs_hint = false} : vector<128x256xf32>, vector<256x128xf32>, vector<128x128xf32> -> vector<128x128xf32>
    %swap3A_270 = arith.constant 0 : index
    %swap3A_271 = arith.constant 8 : index
    %swap3A_272 = arith.constant 0 : index
    %swap3A_273 = vector.load %arg5[%swap3A_270, %swap3A_271, %swap3A_272] : memref<128x35x128xf32, #tpu.memory_space<vmem>>, vector<128x1x128xf32>
    %swap3A_274 = vector.shape_cast %swap3A_273 : vector<128x1x128xf32> to vector<128x128xf32>
    %swap3A_275 = vector.shape_cast %dot_general3A_269 : vector<128x128xf32> to vector<128x1x128xf32>
    tpu.vector_store %arg5[%swap3A_270, %swap3A_271, %swap3A_272], %swap3A_275 {strides = array<i32>} : memref<128x35x128xf32, #tpu.memory_space<vmem>>, vector<128x1x128xf32>,
    %get3A_276 = arith.constant 9 : index
    %get3A_277 = arith.constant 0 : index
    %get3A_278 = arith.constant 0 : index
    %get3A_279 = vector.load %arg3[%get3A_276, %get3A_277, %get3A_278] : memref<35x256x128xf32, #tpu.memory_space<vmem>>, vector<1x256x128xf32>
    %get3A_280 = vector.shape_cast %get3A_279 : vector<1x256x128xf32> to vector<256x128xf32>
    %get3A_281 = arith.constant 0 : index
    %get3A_282 = arith.constant 9 : index
    %get3A_283 = arith.constant 0 : index
    %get3A_284 = vector.load %arg1[%get3A_281, %get3A_282, %get3A_283] : memref<128x35x256xf32, #tpu.memory_space<vmem>>, vector<128x1x256xf32>
    %get3A_285 = vector.shape_cast %get3A_284 : vector<128x1x256xf32> to vector<128x256xf32>
    %dot_general3A_286 = arith.constant dense<0.000000e+00> : vector<128x128xf32>
    %dot_general3A_287 = tpu.matmul %get3A_285, %get3A_280, %dot_general3A_286 {dimension_numbers = #tpu.dot_dimension_numbers<[1], [0], [0], [1], [0, 0, 1, 1], [], []>, transpose_lhs_hint = false} : vector<128x256xf32>, vector<256x128xf32>, vector<128x128xf32> -> vector<128x128xf32>
    %swap3A_288 = arith.constant 0 : index
    %swap3A_289 = arith.constant 9 : index
    %swap3A_290 = arith.constant 0 : index
    %swap3A_291 = vector.load %arg4[%swap3A_288, %swap3A_289, %swap3A_290] : memref<128x35x128xf32, #tpu.memory_space<vmem>>, vector<128x1x128xf32>
    %swap3A_292 = vector.shape_cast %swap3A_291 : vector<128x1x128xf32> to vector<128x128xf32>
    %swap3A_293 = vector.shape_cast %dot_general3A_287 : vector<128x128xf32> to vector<128x1x128xf32>
    tpu.vector_store %arg4[%swap3A_288, %swap3A_289, %swap3A_290], %swap3A_293 {strides = array<i32>} : memref<128x35x128xf32, #tpu.memory_space<vmem>>, vector<128x1x128xf32>,
    %get3A_294 = arith.constant 0 : index
    %get3A_295 = arith.constant 9 : index
    %get3A_296 = arith.constant 0 : index
    %get3A_297 = vector.load %arg2[%get3A_294, %get3A_295, %get3A_296] : memref<128x35x256xf32, #tpu.memory_space<vmem>>, vector<128x1x256xf32>
    %get3A_298 = vector.shape_cast %get3A_297 : vector<128x1x256xf32> to vector<128x256xf32>
    %dot_general3A_299 = arith.constant dense<0.000000e+00> : vector<128x128xf32>
    %dot_general3A_300 = tpu.matmul %get3A_298, %get3A_280, %dot_general3A_299 {dimension_numbers = #tpu.dot_dimension_numbers<[1], [0], [0], [1], [0, 0, 1, 1], [], []>, transpose_lhs_hint = false} : vector<128x256xf32>, vector<256x128xf32>, vector<128x128xf32> -> vector<128x128xf32>
    %swap3A_301 = arith.constant 0 : index
    %swap3A_302 = arith.constant 9 : index
    %swap3A_303 = arith.constant 0 : index
    %swap3A_304 = vector.load %arg5[%swap3A_301, %swap3A_302, %swap3A_303] : memref<128x35x128xf32, #tpu.memory_space<vmem>>, vector<128x1x128xf32>
    %swap3A_305 = vector.shape_cast %swap3A_304 : vector<128x1x128xf32> to vector<128x128xf32>
    %swap3A_306 = vector.shape_cast %dot_general3A_300 : vector<128x128xf32> to vector<128x1x128xf32>
    tpu.vector_store %arg5[%swap3A_301, %swap3A_302, %swap3A_303], %swap3A_306 {strides = array<i32>} : memref<128x35x128xf32, #tpu.memory_space<vmem>>, vector<128x1x128xf32>,
    %get3A_307 = arith.constant 10 : index
    %get3A_308 = arith.constant 0 : index
    %get3A_309 = arith.constant 0 : index
    %get3A_310 = vector.load %arg3[%get3A_307, %get3A_308, %get3A_309] : memref<35x256x128xf32, #tpu.memory_space<vmem>>, vector<1x256x128xf32>
    %get3A_311 = vector.shape_cast %get3A_310 : vector<1x256x128xf32> to vector<256x128xf32>
    %get3A_312 = arith.constant 0 : index
    %get3A_313 = arith.constant 10 : index
    %get3A_314 = arith.constant 0 : index
    %get3A_315 = vector.load %arg1[%get3A_312, %get3A_313, %get3A_314] : memref<128x35x256xf32, #tpu.memory_space<vmem>>, vector<128x1x256xf32>
    %get3A_316 = vector.shape_cast %get3A_315 : vector<128x1x256xf32> to vector<128x256xf32>
    %dot_general3A_317 = arith.constant dense<0.000000e+00> : vector<128x128xf32>
    %dot_general3A_318 = tpu.matmul %get3A_316, %get3A_311, %dot_general3A_317 {dimension_numbers = #tpu.dot_dimension_numbers<[1], [0], [0], [1], [0, 0, 1, 1], [], []>, transpose_lhs_hint = false} : vector<128x256xf32>, vector<256x128xf32>, vector<128x128xf32> -> vector<128x128xf32>
    %swap3A_319 = arith.constant 0 : index
    %swap3A_320 = arith.constant 10 : index
    %swap3A_321 = arith.constant 0 : index
    %swap3A_322 = vector.load %arg4[%swap3A_319, %swap3A_320, %swap3A_321] : memref<128x35x128xf32, #tpu.memory_space<vmem>>, vector<128x1x128xf32>
    %swap3A_323 = vector.shape_cast %swap3A_322 : vector<128x1x128xf32> to vector<128x128xf32>
    %swap3A_324 = vector.shape_cast %dot_general3A_318 : vector<128x128xf32> to vector<128x1x128xf32>
    tpu.vector_store %arg4[%swap3A_319, %swap3A_320, %swap3A_321], %swap3A_324 {strides = array<i32>} : memref<128x35x128xf32, #tpu.memory_space<vmem>>, vector<128x1x128xf32>,
    %get3A_325 = arith.constant 0 : index
    %get3A_326 = arith.constant 10 : index
    %get3A_327 = arith.constant 0 : index
    %get3A_328 = vector.load %arg2[%get3A_325, %get3A_326, %get3A_327] : memref<128x35x256xf32, #tpu.memory_space<vmem>>, vector<128x1x256xf32>
    %get3A_329 = vector.shape_cast %get3A_328 : vector<128x1x256xf32> to vector<128x256xf32>
    %dot_general3A_330 = arith.constant dense<0.000000e+00> : vector<128x128xf32>
    %dot_general3A_331 = tpu.matmul %get3A_329, %get3A_311, %dot_general3A_330 {dimension_numbers = #tpu.dot_dimension_numbers<[1], [0], [0], [1], [0, 0, 1, 1], [], []>, transpose_lhs_hint = false} : vector<128x256xf32>, vector<256x128xf32>, vector<128x128xf32> -> vector<128x128xf32>
    %swap3A_332 = arith.constant 0 : index
    %swap3A_333 = arith.constant 10 : index
    %swap3A_334 = arith.constant 0 : index
    %swap3A_335 = vector.load %arg5[%swap3A_332, %swap3A_333, %swap3A_334] : memref<128x35x128xf32, #tpu.memory_space<vmem>>, vector<128x1x128xf32>
    %swap3A_336 = vector.shape_cast %swap3A_335 : vector<128x1x128xf32> to vector<128x128xf32>
    %swap3A_337 = vector.shape_cast %dot_general3A_331 : vector<128x128xf32> to vector<128x1x128xf32>
    tpu.vector_store %arg5[%swap3A_332, %swap3A_333, %swap3A_334], %swap3A_337 {strides = array<i32>} : memref<128x35x128xf32, #tpu.memory_space<vmem>>, vector<128x1x128xf32>,
    %get3A_338 = arith.constant 11 : index
    %get3A_339 = arith.constant 0 : index
    %get3A_340 = arith.constant 0 : index
    %get3A_341 = vector.load %arg3[%get3A_338, %get3A_339, %get3A_340] : memref<35x256x128xf32, #tpu.memory_space<vmem>>, vector<1x256x128xf32>
    %get3A_342 = vector.shape_cast %get3A_341 : vector<1x256x128xf32> to vector<256x128xf32>
    %get3A_343 = arith.constant 0 : index
    %get3A_344 = arith.constant 11 : index
    %get3A_345 = arith.constant 0 : index
    %get3A_346 = vector.load %arg1[%get3A_343, %get3A_344, %get3A_345] : memref<128x35x256xf32, #tpu.memory_space<vmem>>, vector<128x1x256xf32>
    %get3A_347 = vector.shape_cast %get3A_346 : vector<128x1x256xf32> to vector<128x256xf32>
    %dot_general3A_348 = arith.constant dense<0.000000e+00> : vector<128x128xf32>
    %dot_general3A_349 = tpu.matmul %get3A_347, %get3A_342, %dot_general3A_348 {dimension_numbers = #tpu.dot_dimension_numbers<[1], [0], [0], [1], [0, 0, 1, 1], [], []>, transpose_lhs_hint = false} : vector<128x256xf32>, vector<256x128xf32>, vector<128x128xf32> -> vector<128x128xf32>
    %swap3A_350 = arith.constant 0 : index
    %swap3A_351 = arith.constant 11 : index
    %swap3A_352 = arith.constant 0 : index
    %swap3A_353 = vector.load %arg4[%swap3A_350, %swap3A_351, %swap3A_352] : memref<128x35x128xf32, #tpu.memory_space<vmem>>, vector<128x1x128xf32>
    %swap3A_354 = vector.shape_cast %swap3A_353 : vector<128x1x128xf32> to vector<128x128xf32>
    %swap3A_355 = vector.shape_cast %dot_general3A_349 : vector<128x128xf32> to vector<128x1x128xf32>
    tpu.vector_store %arg4[%swap3A_350, %swap3A_351, %swap3A_352], %swap3A_355 {strides = array<i32>} : memref<128x35x128xf32, #tpu.memory_space<vmem>>, vector<128x1x128xf32>,
    %get3A_356 = arith.constant 0 : index
    %get3A_357 = arith.constant 11 : index
    %get3A_358 = arith.constant 0 : index
    %get3A_359 = vector.load %arg2[%get3A_356, %get3A_357, %get3A_358] : memref<128x35x256xf32, #tpu.memory_space<vmem>>, vector<128x1x256xf32>
    %get3A_360 = vector.shape_cast %get3A_359 : vector<128x1x256xf32> to vector<128x256xf32>
    %dot_general3A_361 = arith.constant dense<0.000000e+00> : vector<128x128xf32>
    %dot_general3A_362 = tpu.matmul %get3A_360, %get3A_342, %dot_general3A_361 {dimension_numbers = #tpu.dot_dimension_numbers<[1], [0], [0], [1], [0, 0, 1, 1], [], []>, transpose_lhs_hint = false} : vector<128x256xf32>, vector<256x128xf32>, vector<128x128xf32> -> vector<128x128xf32>
    %swap3A_363 = arith.constant 0 : index
    %swap3A_364 = arith.constant 11 : index
    %swap3A_365 = arith.constant 0 : index
    %swap3A_366 = vector.load %arg5[%swap3A_363, %swap3A_364, %swap3A_365] : memref<128x35x128xf32, #tpu.memory_space<vmem>>, vector<128x1x128xf32>
    %swap3A_367 = vector.shape_cast %swap3A_366 : vector<128x1x128xf32> to vector<128x128xf32>
    %swap3A_368 = vector.shape_cast %dot_general3A_362 : vector<128x128xf32> to vector<128x1x128xf32>
    tpu.vector_store %arg5[%swap3A_363, %swap3A_364, %swap3A_365], %swap3A_368 {strides = array<i32>} : memref<128x35x128xf32, #tpu.memory_space<vmem>>, vector<128x1x128xf32>,
    %get3A_369 = arith.constant 12 : index
    %get3A_370 = arith.constant 0 : index
    %get3A_371 = arith.constant 0 : index
    %get3A_372 = vector.load %arg3[%get3A_369, %get3A_370, %get3A_371] : memref<35x256x128xf32, #tpu.memory_space<vmem>>, vector<1x256x128xf32>
    %get3A_373 = vector.shape_cast %get3A_372 : vector<1x256x128xf32> to vector<256x128xf32>
    %get3A_374 = arith.constant 0 : index
    %get3A_375 = arith.constant 12 : index
    %get3A_376 = arith.constant 0 : index
    %get3A_377 = vector.load %arg1[%get3A_374, %get3A_375, %get3A_376] : memref<128x35x256xf32, #tpu.memory_space<vmem>>, vector<128x1x256xf32>
    %get3A_378 = vector.shape_cast %get3A_377 : vector<128x1x256xf32> to vector<128x256xf32>
    %dot_general3A_379 = arith.constant dense<0.000000e+00> : vector<128x128xf32>
    %dot_general3A_380 = tpu.matmul %get3A_378, %get3A_373, %dot_general3A_379 {dimension_numbers = #tpu.dot_dimension_numbers<[1], [0], [0], [1], [0, 0, 1, 1], [], []>, transpose_lhs_hint = false} : vector<128x256xf32>, vector<256x128xf32>, vector<128x128xf32> -> vector<128x128xf32>
    %swap3A_381 = arith.constant 0 : index
    %swap3A_382 = arith.constant 12 : index
    %swap3A_383 = arith.constant 0 : index
    %swap3A_384 = vector.load %arg4[%swap3A_381, %swap3A_382, %swap3A_383] : memref<128x35x128xf32, #tpu.memory_space<vmem>>, vector<128x1x128xf32>
    %swap3A_385 = vector.shape_cast %swap3A_384 : vector<128x1x128xf32> to vector<128x128xf32>
    %swap3A_386 = vector.shape_cast %dot_general3A_380 : vector<128x128xf32> to vector<128x1x128xf32>
    tpu.vector_store %arg4[%swap3A_381, %swap3A_382, %swap3A_383], %swap3A_386 {strides = array<i32>} : memref<128x35x128xf32, #tpu.memory_space<vmem>>, vector<128x1x128xf32>,
    %get3A_387 = arith.constant 0 : index
    %get3A_388 = arith.constant 12 : index
    %get3A_389 = arith.constant 0 : index
    %get3A_390 = vector.load %arg2[%get3A_387, %get3A_388, %get3A_389] : memref<128x35x256xf32, #tpu.memory_space<vmem>>, vector<128x1x256xf32>
    %get3A_391 = vector.shape_cast %get3A_390 : vector<128x1x256xf32> to vector<128x256xf32>
    %dot_general3A_392 = arith.constant dense<0.000000e+00> : vector<128x128xf32>
    %dot_general3A_393 = tpu.matmul %get3A_391, %get3A_373, %dot_general3A_392 {dimension_numbers = #tpu.dot_dimension_numbers<[1], [0], [0], [1], [0, 0, 1, 1], [], []>, transpose_lhs_hint = false} : vector<128x256xf32>, vector<256x128xf32>, vector<128x128xf32> -> vector<128x128xf32>
    %swap3A_394 = arith.constant 0 : index
    %swap3A_395 = arith.constant 12 : index
    %swap3A_396 = arith.constant 0 : index
    %swap3A_397 = vector.load %arg5[%swap3A_394, %swap3A_395, %swap3A_396] : memref<128x35x128xf32, #tpu.memory_space<vmem>>, vector<128x1x128xf32>
    %swap3A_398 = vector.shape_cast %swap3A_397 : vector<128x1x128xf32> to vector<128x128xf32>
    %swap3A_399 = vector.shape_cast %dot_general3A_393 : vector<128x128xf32> to vector<128x1x128xf32>
    tpu.vector_store %arg5[%swap3A_394, %swap3A_395, %swap3A_396], %swap3A_399 {strides = array<i32>} : memref<128x35x128xf32, #tpu.memory_space<vmem>>, vector<128x1x128xf32>,
    %get3A_400 = arith.constant 13 : index
    %get3A_401 = arith.constant 0 : index
    %get3A_402 = arith.constant 0 : index
    %get3A_403 = vector.load %arg3[%get3A_400, %get3A_401, %get3A_402] : memref<35x256x128xf32, #tpu.memory_space<vmem>>, vector<1x256x128xf32>
    %get3A_404 = vector.shape_cast %get3A_403 : vector<1x256x128xf32> to vector<256x128xf32>
    %get3A_405 = arith.constant 0 : index
    %get3A_406 = arith.constant 13 : index
    %get3A_407 = arith.constant 0 : index
    %get3A_408 = vector.load %arg1[%get3A_405, %get3A_406, %get3A_407] : memref<128x35x256xf32, #tpu.memory_space<vmem>>, vector<128x1x256xf32>
    %get3A_409 = vector.shape_cast %get3A_408 : vector<128x1x256xf32> to vector<128x256xf32>
    %dot_general3A_410 = arith.constant dense<0.000000e+00> : vector<128x128xf32>
    %dot_general3A_411 = tpu.matmul %get3A_409, %get3A_404, %dot_general3A_410 {dimension_numbers = #tpu.dot_dimension_numbers<[1], [0], [0], [1], [0, 0, 1, 1], [], []>, transpose_lhs_hint = false} : vector<128x256xf32>, vector<256x128xf32>, vector<128x128xf32> -> vector<128x128xf32>
    %swap3A_412 = arith.constant 0 : index
    %swap3A_413 = arith.constant 13 : index
    %swap3A_414 = arith.constant 0 : index
    %swap3A_415 = vector.load %arg4[%swap3A_412, %swap3A_413, %swap3A_414] : memref<128x35x128xf32, #tpu.memory_space<vmem>>, vector<128x1x128xf32>
    %swap3A_416 = vector.shape_cast %swap3A_415 : vector<128x1x128xf32> to vector<128x128xf32>
    %swap3A_417 = vector.shape_cast %dot_general3A_411 : vector<128x128xf32> to vector<128x1x128xf32>
    tpu.vector_store %arg4[%swap3A_412, %swap3A_413, %swap3A_414], %swap3A_417 {strides = array<i32>} : memref<128x35x128xf32, #tpu.memory_space<vmem>>, vector<128x1x128xf32>,
    %get3A_418 = arith.constant 0 : index
    %get3A_419 = arith.constant 13 : index
    %get3A_420 = arith.constant 0 : index
    %get3A_421 = vector.load %arg2[%get3A_418, %get3A_419, %get3A_420] : memref<128x35x256xf32, #tpu.memory_space<vmem>>, vector<128x1x256xf32>
    %get3A_422 = vector.shape_cast %get3A_421 : vector<128x1x256xf32> to vector<128x256xf32>
    %dot_general3A_423 = arith.constant dense<0.000000e+00> : vector<128x128xf32>
    %dot_general3A_424 = tpu.matmul %get3A_422, %get3A_404, %dot_general3A_423 {dimension_numbers = #tpu.dot_dimension_numbers<[1], [0], [0], [1], [0, 0, 1, 1], [], []>, transpose_lhs_hint = false} : vector<128x256xf32>, vector<256x128xf32>, vector<128x128xf32> -> vector<128x128xf32>
    %swap3A_425 = arith.constant 0 : index
    %swap3A_426 = arith.constant 13 : index
    %swap3A_427 = arith.constant 0 : index
    %swap3A_428 = vector.load %arg5[%swap3A_425, %swap3A_426, %swap3A_427] : memref<128x35x128xf32, #tpu.memory_space<vmem>>, vector<128x1x128xf32>
    %swap3A_429 = vector.shape_cast %swap3A_428 : vector<128x1x128xf32> to vector<128x128xf32>
    %swap3A_430 = vector.shape_cast %dot_general3A_424 : vector<128x128xf32> to vector<128x1x128xf32>
    tpu.vector_store %arg5[%swap3A_425, %swap3A_426, %swap3A_427], %swap3A_430 {strides = array<i32>} : memref<128x35x128xf32, #tpu.memory_space<vmem>>, vector<128x1x128xf32>,
    %get3A_431 = arith.constant 14 : index
    %get3A_432 = arith.constant 0 : index
    %get3A_433 = arith.constant 0 : index
    %get3A_434 = vector.load %arg3[%get3A_431, %get3A_432, %get3A_433] : memref<35x256x128xf32, #tpu.memory_space<vmem>>, vector<1x256x128xf32>
    %get3A_435 = vector.shape_cast %get3A_434 : vector<1x256x128xf32> to vector<256x128xf32>
    %get3A_436 = arith.constant 0 : index
    %get3A_437 = arith.constant 14 : index
    %get3A_438 = arith.constant 0 : index
    %get3A_439 = vector.load %arg1[%get3A_436, %get3A_437, %get3A_438] : memref<128x35x256xf32, #tpu.memory_space<vmem>>, vector<128x1x256xf32>
    %get3A_440 = vector.shape_cast %get3A_439 : vector<128x1x256xf32> to vector<128x256xf32>
    %dot_general3A_441 = arith.constant dense<0.000000e+00> : vector<128x128xf32>
    %dot_general3A_442 = tpu.matmul %get3A_440, %get3A_435, %dot_general3A_441 {dimension_numbers = #tpu.dot_dimension_numbers<[1], [0], [0], [1], [0, 0, 1, 1], [], []>, transpose_lhs_hint = false} : vector<128x256xf32>, vector<256x128xf32>, vector<128x128xf32> -> vector<128x128xf32>
    %swap3A_443 = arith.constant 0 : index
    %swap3A_444 = arith.constant 14 : index
    %swap3A_445 = arith.constant 0 : index
    %swap3A_446 = vector.load %arg4[%swap3A_443, %swap3A_444, %swap3A_445] : memref<128x35x128xf32, #tpu.memory_space<vmem>>, vector<128x1x128xf32>
    %swap3A_447 = vector.shape_cast %swap3A_446 : vector<128x1x128xf32> to vector<128x128xf32>
    %swap3A_448 = vector.shape_cast %dot_general3A_442 : vector<128x128xf32> to vector<128x1x128xf32>
    tpu.vector_store %arg4[%swap3A_443, %swap3A_444, %swap3A_445], %swap3A_448 {strides = array<i32>} : memref<128x35x128xf32, #tpu.memory_space<vmem>>, vector<128x1x128xf32>,
    %get3A_449 = arith.constant 0 : index
    %get3A_450 = arith.constant 14 : index
    %get3A_451 = arith.constant 0 : index
    %get3A_452 = vector.load %arg2[%get3A_449, %get3A_450, %get3A_451] : memref<128x35x256xf32, #tpu.memory_space<vmem>>, vector<128x1x256xf32>
    %get3A_453 = vector.shape_cast %get3A_452 : vector<128x1x256xf32> to vector<128x256xf32>
    %dot_general3A_454 = arith.constant dense<0.000000e+00> : vector<128x128xf32>
    %dot_general3A_455 = tpu.matmul %get3A_453, %get3A_435, %dot_general3A_454 {dimension_numbers = #tpu.dot_dimension_numbers<[1], [0], [0], [1], [0, 0, 1, 1], [], []>, transpose_lhs_hint = false} : vector<128x256xf32>, vector<256x128xf32>, vector<128x128xf32> -> vector<128x128xf32>
    %swap3A_456 = arith.constant 0 : index
    %swap3A_457 = arith.constant 14 : index
    %swap3A_458 = arith.constant 0 : index
    %swap3A_459 = vector.load %arg5[%swap3A_456, %swap3A_457, %swap3A_458] : memref<128x35x128xf32, #tpu.memory_space<vmem>>, vector<128x1x128xf32>
    %swap3A_460 = vector.shape_cast %swap3A_459 : vector<128x1x128xf32> to vector<128x128xf32>
    %swap3A_461 = vector.shape_cast %dot_general3A_455 : vector<128x128xf32> to vector<128x1x128xf32>
    tpu.vector_store %arg5[%swap3A_456, %swap3A_457, %swap3A_458], %swap3A_461 {strides = array<i32>} : memref<128x35x128xf32, #tpu.memory_space<vmem>>, vector<128x1x128xf32>,
    %get3A_462 = arith.constant 15 : index
    %get3A_463 = arith.constant 0 : index
    %get3A_464 = arith.constant 0 : index
    %get3A_465 = vector.load %arg3[%get3A_462, %get3A_463, %get3A_464] : memref<35x256x128xf32, #tpu.memory_space<vmem>>, vector<1x256x128xf32>
    %get3A_466 = vector.shape_cast %get3A_465 : vector<1x256x128xf32> to vector<256x128xf32>
    %get3A_467 = arith.constant 0 : index
    %get3A_468 = arith.constant 15 : index
    %get3A_469 = arith.constant 0 : index
    %get3A_470 = vector.load %arg1[%get3A_467, %get3A_468, %get3A_469] : memref<128x35x256xf32, #tpu.memory_space<vmem>>, vector<128x1x256xf32>
    %get3A_471 = vector.shape_cast %get3A_470 : vector<128x1x256xf32> to vector<128x256xf32>
    %dot_general3A_472 = arith.constant dense<0.000000e+00> : vector<128x128xf32>
    %dot_general3A_473 = tpu.matmul %get3A_471, %get3A_466, %dot_general3A_472 {dimension_numbers = #tpu.dot_dimension_numbers<[1], [0], [0], [1], [0, 0, 1, 1], [], []>, transpose_lhs_hint = false} : vector<128x256xf32>, vector<256x128xf32>, vector<128x128xf32> -> vector<128x128xf32>
    %swap3A_474 = arith.constant 0 : index
    %swap3A_475 = arith.constant 15 : index
    %swap3A_476 = arith.constant 0 : index
    %swap3A_477 = vector.load %arg4[%swap3A_474, %swap3A_475, %swap3A_476] : memref<128x35x128xf32, #tpu.memory_space<vmem>>, vector<128x1x128xf32>
    %swap3A_478 = vector.shape_cast %swap3A_477 : vector<128x1x128xf32> to vector<128x128xf32>
    %swap3A_479 = vector.shape_cast %dot_general3A_473 : vector<128x128xf32> to vector<128x1x128xf32>
    tpu.vector_store %arg4[%swap3A_474, %swap3A_475, %swap3A_476], %swap3A_479 {strides = array<i32>} : memref<128x35x128xf32, #tpu.memory_space<vmem>>, vector<128x1x128xf32>,
    %get3A_480 = arith.constant 0 : index
    %get3A_481 = arith.constant 15 : index
    %get3A_482 = arith.constant 0 : index
    %get3A_483 = vector.load %arg2[%get3A_480, %get3A_481, %get3A_482] : memref<128x35x256xf32, #tpu.memory_space<vmem>>, vector<128x1x256xf32>
    %get3A_484 = vector.shape_cast %get3A_483 : vector<128x1x256xf32> to vector<128x256xf32>
    %dot_general3A_485 = arith.constant dense<0.000000e+00> : vector<128x128xf32>
    %dot_general3A_486 = tpu.matmul %get3A_484, %get3A_466, %dot_general3A_485 {dimension_numbers = #tpu.dot_dimension_numbers<[1], [0], [0], [1], [0, 0, 1, 1], [], []>, transpose_lhs_hint = false} : vector<128x256xf32>, vector<256x128xf32>, vector<128x128xf32> -> vector<128x128xf32>
    %swap3A_487 = arith.constant 0 : index
    %swap3A_488 = arith.constant 15 : index
    %swap3A_489 = arith.constant 0 : index
    %swap3A_490 = vector.load %arg5[%swap3A_487, %swap3A_488, %swap3A_489] : memref<128x35x128xf32, #tpu.memory_space<vmem>>, vector<128x1x128xf32>
    %swap3A_491 = vector.shape_cast %swap3A_490 : vector<128x1x128xf32> to vector<128x128xf32>
    %swap3A_492 = vector.shape_cast %dot_general3A_486 : vector<128x128xf32> to vector<128x1x128xf32>
    tpu.vector_store %arg5[%swap3A_487, %swap3A_488, %swap3A_489], %swap3A_492 {strides = array<i32>} : memref<128x35x128xf32, #tpu.memory_space<vmem>>, vector<128x1x128xf32>,
    %get3A_493 = arith.constant 16 : index
    %get3A_494 = arith.constant 0 : index
    %get3A_495 = arith.constant 0 : index
    %get3A_496 = vector.load %arg3[%get3A_493, %get3A_494, %get3A_495] : memref<35x256x128xf32, #tpu.memory_space<vmem>>, vector<1x256x128xf32>
    %get3A_497 = vector.shape_cast %get3A_496 : vector<1x256x128xf32> to vector<256x128xf32>
    %get3A_498 = arith.constant 0 : index
    %get3A_499 = arith.constant 16 : index
    %get3A_500 = arith.constant 0 : index
    %get3A_501 = vector.load %arg1[%get3A_498, %get3A_499, %get3A_500] : memref<128x35x256xf32, #tpu.memory_space<vmem>>, vector<128x1x256xf32>
    %get3A_502 = vector.shape_cast %get3A_501 : vector<128x1x256xf32> to vector<128x256xf32>
    %dot_general3A_503 = arith.constant dense<0.000000e+00> : vector<128x128xf32>
    %dot_general3A_504 = tpu.matmul %get3A_502, %get3A_497, %dot_general3A_503 {dimension_numbers = #tpu.dot_dimension_numbers<[1], [0], [0], [1], [0, 0, 1, 1], [], []>, transpose_lhs_hint = false} : vector<128x256xf32>, vector<256x128xf32>, vector<128x128xf32> -> vector<128x128xf32>
    %swap3A_505 = arith.constant 0 : index
    %swap3A_506 = arith.constant 16 : index
    %swap3A_507 = arith.constant 0 : index
    %swap3A_508 = vector.load %arg4[%swap3A_505, %swap3A_506, %swap3A_507] : memref<128x35x128xf32, #tpu.memory_space<vmem>>, vector<128x1x128xf32>
    %swap3A_509 = vector.shape_cast %swap3A_508 : vector<128x1x128xf32> to vector<128x128xf32>
    %swap3A_510 = vector.shape_cast %dot_general3A_504 : vector<128x128xf32> to vector<128x1x128xf32>
    tpu.vector_store %arg4[%swap3A_505, %swap3A_506, %swap3A_507], %swap3A_510 {strides = array<i32>} : memref<128x35x128xf32, #tpu.memory_space<vmem>>, vector<128x1x128xf32>,
    %get3A_511 = arith.constant 0 : index
    %get3A_512 = arith.constant 16 : index
    %get3A_513 = arith.constant 0 : index
    %get3A_514 = vector.load %arg2[%get3A_511, %get3A_512, %get3A_513] : memref<128x35x256xf32, #tpu.memory_space<vmem>>, vector<128x1x256xf32>
    %get3A_515 = vector.shape_cast %get3A_514 : vector<128x1x256xf32> to vector<128x256xf32>
    %dot_general3A_516 = arith.constant dense<0.000000e+00> : vector<128x128xf32>
    %dot_general3A_517 = tpu.matmul %get3A_515, %get3A_497, %dot_general3A_516 {dimension_numbers = #tpu.dot_dimension_numbers<[1], [0], [0], [1], [0, 0, 1, 1], [], []>, transpose_lhs_hint = false} : vector<128x256xf32>, vector<256x128xf32>, vector<128x128xf32> -> vector<128x128xf32>
    %swap3A_518 = arith.constant 0 : index
    %swap3A_519 = arith.constant 16 : index
    %swap3A_520 = arith.constant 0 : index
    %swap3A_521 = vector.load %arg5[%swap3A_518, %swap3A_519, %swap3A_520] : memref<128x35x128xf32, #tpu.memory_space<vmem>>, vector<128x1x128xf32>
    %swap3A_522 = vector.shape_cast %swap3A_521 : vector<128x1x128xf32> to vector<128x128xf32>
    %swap3A_523 = vector.shape_cast %dot_general3A_517 : vector<128x128xf32> to vector<128x1x128xf32>
    tpu.vector_store %arg5[%swap3A_518, %swap3A_519, %swap3A_520], %swap3A_523 {strides = array<i32>} : memref<128x35x128xf32, #tpu.memory_space<vmem>>, vector<128x1x128xf32>,
    %get3A_524 = arith.constant 17 : index
    %get3A_525 = arith.constant 0 : index
    %get3A_526 = arith.constant 0 : index
    %get3A_527 = vector.load %arg3[%get3A_524, %get3A_525, %get3A_526] : memref<35x256x128xf32, #tpu.memory_space<vmem>>, vector<1x256x128xf32>
    %get3A_528 = vector.shape_cast %get3A_527 : vector<1x256x128xf32> to vector<256x128xf32>
    %get3A_529 = arith.constant 0 : index
    %get3A_530 = arith.constant 17 : index
    %get3A_531 = arith.constant 0 : index
    %get3A_532 = vector.load %arg1[%get3A_529, %get3A_530, %get3A_531] : memref<128x35x256xf32, #tpu.memory_space<vmem>>, vector<128x1x256xf32>
    %get3A_533 = vector.shape_cast %get3A_532 : vector<128x1x256xf32> to vector<128x256xf32>
    %dot_general3A_534 = arith.constant dense<0.000000e+00> : vector<128x128xf32>
    %dot_general3A_535 = tpu.matmul %get3A_533, %get3A_528, %dot_general3A_534 {dimension_numbers = #tpu.dot_dimension_numbers<[1], [0], [0], [1], [0, 0, 1, 1], [], []>, transpose_lhs_hint = false} : vector<128x256xf32>, vector<256x128xf32>, vector<128x128xf32> -> vector<128x128xf32>
    %swap3A_536 = arith.constant 0 : index
    %swap3A_537 = arith.constant 17 : index
    %swap3A_538 = arith.constant 0 : index
    %swap3A_539 = vector.load %arg4[%swap3A_536, %swap3A_537, %swap3A_538] : memref<128x35x128xf32, #tpu.memory_space<vmem>>, vector<128x1x128xf32>
    %swap3A_540 = vector.shape_cast %swap3A_539 : vector<128x1x128xf32> to vector<128x128xf32>
    %swap3A_541 = vector.shape_cast %dot_general3A_535 : vector<128x128xf32> to vector<128x1x128xf32>
    tpu.vector_store %arg4[%swap3A_536, %swap3A_537, %swap3A_538], %swap3A_541 {strides = array<i32>} : memref<128x35x128xf32, #tpu.memory_space<vmem>>, vector<128x1x128xf32>,
    %get3A_542 = arith.constant 0 : index
    %get3A_543 = arith.constant 17 : index
    %get3A_544 = arith.constant 0 : index
    %get3A_545 = vector.load %arg2[%get3A_542, %get3A_543, %get3A_544] : memref<128x35x256xf32, #tpu.memory_space<vmem>>, vector<128x1x256xf32>
    %get3A_546 = vector.shape_cast %get3A_545 : vector<128x1x256xf32> to vector<128x256xf32>
    %dot_general3A_547 = arith.constant dense<0.000000e+00> : vector<128x128xf32>
    %dot_general3A_548 = tpu.matmul %get3A_546, %get3A_528, %dot_general3A_547 {dimension_numbers = #tpu.dot_dimension_numbers<[1], [0], [0], [1], [0, 0, 1, 1], [], []>, transpose_lhs_hint = false} : vector<128x256xf32>, vector<256x128xf32>, vector<128x128xf32> -> vector<128x128xf32>
    %swap3A_549 = arith.constant 0 : index
    %swap3A_550 = arith.constant 17 : index
    %swap3A_551 = arith.constant 0 : index
    %swap3A_552 = vector.load %arg5[%swap3A_549, %swap3A_550, %swap3A_551] : memref<128x35x128xf32, #tpu.memory_space<vmem>>, vector<128x1x128xf32>
    %swap3A_553 = vector.shape_cast %swap3A_552 : vector<128x1x128xf32> to vector<128x128xf32>
    %swap3A_554 = vector.shape_cast %dot_general3A_548 : vector<128x128xf32> to vector<128x1x128xf32>
    tpu.vector_store %arg5[%swap3A_549, %swap3A_550, %swap3A_551], %swap3A_554 {strides = array<i32>} : memref<128x35x128xf32, #tpu.memory_space<vmem>>, vector<128x1x128xf32>,
    %get3A_555 = arith.constant 18 : index
    %get3A_556 = arith.constant 0 : index
    %get3A_557 = arith.constant 0 : index
    %get3A_558 = vector.load %arg3[%get3A_555, %get3A_556, %get3A_557] : memref<35x256x128xf32, #tpu.memory_space<vmem>>, vector<1x256x128xf32>
    %get3A_559 = vector.shape_cast %get3A_558 : vector<1x256x128xf32> to vector<256x128xf32>
    %get3A_560 = arith.constant 0 : index
    %get3A_561 = arith.constant 18 : index
    %get3A_562 = arith.constant 0 : index
    %get3A_563 = vector.load %arg1[%get3A_560, %get3A_561, %get3A_562] : memref<128x35x256xf32, #tpu.memory_space<vmem>>, vector<128x1x256xf32>
    %get3A_564 = vector.shape_cast %get3A_563 : vector<128x1x256xf32> to vector<128x256xf32>
    %dot_general3A_565 = arith.constant dense<0.000000e+00> : vector<128x128xf32>
    %dot_general3A_566 = tpu.matmul %get3A_564, %get3A_559, %dot_general3A_565 {dimension_numbers = #tpu.dot_dimension_numbers<[1], [0], [0], [1], [0, 0, 1, 1], [], []>, transpose_lhs_hint = false} : vector<128x256xf32>, vector<256x128xf32>, vector<128x128xf32> -> vector<128x128xf32>
    %swap3A_567 = arith.constant 0 : index
    %swap3A_568 = arith.constant 18 : index
    %swap3A_569 = arith.constant 0 : index
    %swap3A_570 = vector.load %arg4[%swap3A_567, %swap3A_568, %swap3A_569] : memref<128x35x128xf32, #tpu.memory_space<vmem>>, vector<128x1x128xf32>
    %swap3A_571 = vector.shape_cast %swap3A_570 : vector<128x1x128xf32> to vector<128x128xf32>
    %swap3A_572 = vector.shape_cast %dot_general3A_566 : vector<128x128xf32> to vector<128x1x128xf32>
    tpu.vector_store %arg4[%swap3A_567, %swap3A_568, %swap3A_569], %swap3A_572 {strides = array<i32>} : memref<128x35x128xf32, #tpu.memory_space<vmem>>, vector<128x1x128xf32>,
    %get3A_573 = arith.constant 0 : index
    %get3A_574 = arith.constant 18 : index
    %get3A_575 = arith.constant 0 : index
    %get3A_576 = vector.load %arg2[%get3A_573, %get3A_574, %get3A_575] : memref<128x35x256xf32, #tpu.memory_space<vmem>>, vector<128x1x256xf32>
    %get3A_577 = vector.shape_cast %get3A_576 : vector<128x1x256xf32> to vector<128x256xf32>
    %dot_general3A_578 = arith.constant dense<0.000000e+00> : vector<128x128xf32>
    %dot_general3A_579 = tpu.matmul %get3A_577, %get3A_559, %dot_general3A_578 {dimension_numbers = #tpu.dot_dimension_numbers<[1], [0], [0], [1], [0, 0, 1, 1], [], []>, transpose_lhs_hint = false} : vector<128x256xf32>, vector<256x128xf32>, vector<128x128xf32> -> vector<128x128xf32>
    %swap3A_580 = arith.constant 0 : index
    %swap3A_581 = arith.constant 18 : index
    %swap3A_582 = arith.constant 0 : index
    %swap3A_583 = vector.load %arg5[%swap3A_580, %swap3A_581, %swap3A_582] : memref<128x35x128xf32, #tpu.memory_space<vmem>>, vector<128x1x128xf32>
    %swap3A_584 = vector.shape_cast %swap3A_583 : vector<128x1x128xf32> to vector<128x128xf32>
    %swap3A_585 = vector.shape_cast %dot_general3A_579 : vector<128x128xf32> to vector<128x1x128xf32>
    tpu.vector_store %arg5[%swap3A_580, %swap3A_581, %swap3A_582], %swap3A_585 {strides = array<i32>} : memref<128x35x128xf32, #tpu.memory_space<vmem>>, vector<128x1x128xf32>,
    %get3A_586 = arith.constant 19 : index
    %get3A_587 = arith.constant 0 : index
    %get3A_588 = arith.constant 0 : index
    %get3A_589 = vector.load %arg3[%get3A_586, %get3A_587, %get3A_588] : memref<35x256x128xf32, #tpu.memory_space<vmem>>, vector<1x256x128xf32>
    %get3A_590 = vector.shape_cast %get3A_589 : vector<1x256x128xf32> to vector<256x128xf32>
    %get3A_591 = arith.constant 0 : index
    %get3A_592 = arith.constant 19 : index
    %get3A_593 = arith.constant 0 : index
    %get3A_594 = vector.load %arg1[%get3A_591, %get3A_592, %get3A_593] : memref<128x35x256xf32, #tpu.memory_space<vmem>>, vector<128x1x256xf32>
    %get3A_595 = vector.shape_cast %get3A_594 : vector<128x1x256xf32> to vector<128x256xf32>
    %dot_general3A_596 = arith.constant dense<0.000000e+00> : vector<128x128xf32>
    %dot_general3A_597 = tpu.matmul %get3A_595, %get3A_590, %dot_general3A_596 {dimension_numbers = #tpu.dot_dimension_numbers<[1], [0], [0], [1], [0, 0, 1, 1], [], []>, transpose_lhs_hint = false} : vector<128x256xf32>, vector<256x128xf32>, vector<128x128xf32> -> vector<128x128xf32>
    %swap3A_598 = arith.constant 0 : index
    %swap3A_599 = arith.constant 19 : index
    %swap3A_600 = arith.constant 0 : index
    %swap3A_601 = vector.load %arg4[%swap3A_598, %swap3A_599, %swap3A_600] : memref<128x35x128xf32, #tpu.memory_space<vmem>>, vector<128x1x128xf32>
    %swap3A_602 = vector.shape_cast %swap3A_601 : vector<128x1x128xf32> to vector<128x128xf32>
    %swap3A_603 = vector.shape_cast %dot_general3A_597 : vector<128x128xf32> to vector<128x1x128xf32>
    tpu.vector_store %arg4[%swap3A_598, %swap3A_599, %swap3A_600], %swap3A_603 {strides = array<i32>} : memref<128x35x128xf32, #tpu.memory_space<vmem>>, vector<128x1x128xf32>,
    %get3A_604 = arith.constant 0 : index
    %get3A_605 = arith.constant 19 : index
    %get3A_606 = arith.constant 0 : index
    %get3A_607 = vector.load %arg2[%get3A_604, %get3A_605, %get3A_606] : memref<128x35x256xf32, #tpu.memory_space<vmem>>, vector<128x1x256xf32>
    %get3A_608 = vector.shape_cast %get3A_607 : vector<128x1x256xf32> to vector<128x256xf32>
    %dot_general3A_609 = arith.constant dense<0.000000e+00> : vector<128x128xf32>
    %dot_general3A_610 = tpu.matmul %get3A_608, %get3A_590, %dot_general3A_609 {dimension_numbers = #tpu.dot_dimension_numbers<[1], [0], [0], [1], [0, 0, 1, 1], [], []>, transpose_lhs_hint = false} : vector<128x256xf32>, vector<256x128xf32>, vector<128x128xf32> -> vector<128x128xf32>
    %swap3A_611 = arith.constant 0 : index
    %swap3A_612 = arith.constant 19 : index
    %swap3A_613 = arith.constant 0 : index
    %swap3A_614 = vector.load %arg5[%swap3A_611, %swap3A_612, %swap3A_613] : memref<128x35x128xf32, #tpu.memory_space<vmem>>, vector<128x1x128xf32>
    %swap3A_615 = vector.shape_cast %swap3A_614 : vector<128x1x128xf32> to vector<128x128xf32>
    %swap3A_616 = vector.shape_cast %dot_general3A_610 : vector<128x128xf32> to vector<128x1x128xf32>
    tpu.vector_store %arg5[%swap3A_611, %swap3A_612, %swap3A_613], %swap3A_616 {strides = array<i32>} : memref<128x35x128xf32, #tpu.memory_space<vmem>>, vector<128x1x128xf32>,
    %get3A_617 = arith.constant 20 : index
    %get3A_618 = arith.constant 0 : index
    %get3A_619 = arith.constant 0 : index
    %get3A_620 = vector.load %arg3[%get3A_617, %get3A_618, %get3A_619] : memref<35x256x128xf32, #tpu.memory_space<vmem>>, vector<1x256x128xf32>
    %get3A_621 = vector.shape_cast %get3A_620 : vector<1x256x128xf32> to vector<256x128xf32>
    %get3A_622 = arith.constant 0 : index
    %get3A_623 = arith.constant 20 : index
    %get3A_624 = arith.constant 0 : index
    %get3A_625 = vector.load %arg1[%get3A_622, %get3A_623, %get3A_624] : memref<128x35x256xf32, #tpu.memory_space<vmem>>, vector<128x1x256xf32>
    %get3A_626 = vector.shape_cast %get3A_625 : vector<128x1x256xf32> to vector<128x256xf32>
    %dot_general3A_627 = arith.constant dense<0.000000e+00> : vector<128x128xf32>
    %dot_general3A_628 = tpu.matmul %get3A_626, %get3A_621, %dot_general3A_627 {dimension_numbers = #tpu.dot_dimension_numbers<[1], [0], [0], [1], [0, 0, 1, 1], [], []>, transpose_lhs_hint = false} : vector<128x256xf32>, vector<256x128xf32>, vector<128x128xf32> -> vector<128x128xf32>
    %swap3A_629 = arith.constant 0 : index
    %swap3A_630 = arith.constant 20 : index
    %swap3A_631 = arith.constant 0 : index
    %swap3A_632 = vector.load %arg4[%swap3A_629, %swap3A_630, %swap3A_631] : memref<128x35x128xf32, #tpu.memory_space<vmem>>, vector<128x1x128xf32>
    %swap3A_633 = vector.shape_cast %swap3A_632 : vector<128x1x128xf32> to vector<128x128xf32>
    %swap3A_634 = vector.shape_cast %dot_general3A_628 : vector<128x128xf32> to vector<128x1x128xf32>
    tpu.vector_store %arg4[%swap3A_629, %swap3A_630, %swap3A_631], %swap3A_634 {strides = array<i32>} : memref<128x35x128xf32, #tpu.memory_space<vmem>>, vector<128x1x128xf32>,
    %get3A_635 = arith.constant 0 : index
    %get3A_636 = arith.constant 20 : index
    %get3A_637 = arith.constant 0 : index
    %get3A_638 = vector.load %arg2[%get3A_635, %get3A_636, %get3A_637] : memref<128x35x256xf32, #tpu.memory_space<vmem>>, vector<128x1x256xf32>
    %get3A_639 = vector.shape_cast %get3A_638 : vector<128x1x256xf32> to vector<128x256xf32>
    %dot_general3A_640 = arith.constant dense<0.000000e+00> : vector<128x128xf32>
    %dot_general3A_641 = tpu.matmul %get3A_639, %get3A_621, %dot_general3A_640 {dimension_numbers = #tpu.dot_dimension_numbers<[1], [0], [0], [1], [0, 0, 1, 1], [], []>, transpose_lhs_hint = false} : vector<128x256xf32>, vector<256x128xf32>, vector<128x128xf32> -> vector<128x128xf32>
    %swap3A_642 = arith.constant 0 : index
    %swap3A_643 = arith.constant 20 : index
    %swap3A_644 = arith.constant 0 : index
    %swap3A_645 = vector.load %arg5[%swap3A_642, %swap3A_643, %swap3A_644] : memref<128x35x128xf32, #tpu.memory_space<vmem>>, vector<128x1x128xf32>
    %swap3A_646 = vector.shape_cast %swap3A_645 : vector<128x1x128xf32> to vector<128x128xf32>
    %swap3A_647 = vector.shape_cast %dot_general3A_641 : vector<128x128xf32> to vector<128x1x128xf32>
    tpu.vector_store %arg5[%swap3A_642, %swap3A_643, %swap3A_644], %swap3A_647 {strides = array<i32>} : memref<128x35x128xf32, #tpu.memory_space<vmem>>, vector<128x1x128xf32>,
    %get3A_648 = arith.constant 21 : index
    %get3A_649 = arith.constant 0 : index
    %get3A_650 = arith.constant 0 : index
    %get3A_651 = vector.load %arg3[%get3A_648, %get3A_649, %get3A_650] : memref<35x256x128xf32, #tpu.memory_space<vmem>>, vector<1x256x128xf32>
    %get3A_652 = vector.shape_cast %get3A_651 : vector<1x256x128xf32> to vector<256x128xf32>
    %get3A_653 = arith.constant 0 : index
    %get3A_654 = arith.constant 21 : index
    %get3A_655 = arith.constant 0 : index
    %get3A_656 = vector.load %arg1[%get3A_653, %get3A_654, %get3A_655] : memref<128x35x256xf32, #tpu.memory_space<vmem>>, vector<128x1x256xf32>
    %get3A_657 = vector.shape_cast %get3A_656 : vector<128x1x256xf32> to vector<128x256xf32>
    %dot_general3A_658 = arith.constant dense<0.000000e+00> : vector<128x128xf32>
    %dot_general3A_659 = tpu.matmul %get3A_657, %get3A_652, %dot_general3A_658 {dimension_numbers = #tpu.dot_dimension_numbers<[1], [0], [0], [1], [0, 0, 1, 1], [], []>, transpose_lhs_hint = false} : vector<128x256xf32>, vector<256x128xf32>, vector<128x128xf32> -> vector<128x128xf32>
    %swap3A_660 = arith.constant 0 : index
    %swap3A_661 = arith.constant 21 : index
    %swap3A_662 = arith.constant 0 : index
    %swap3A_663 = vector.load %arg4[%swap3A_660, %swap3A_661, %swap3A_662] : memref<128x35x128xf32, #tpu.memory_space<vmem>>, vector<128x1x128xf32>
    %swap3A_664 = vector.shape_cast %swap3A_663 : vector<128x1x128xf32> to vector<128x128xf32>
    %swap3A_665 = vector.shape_cast %dot_general3A_659 : vector<128x128xf32> to vector<128x1x128xf32>
    tpu.vector_store %arg4[%swap3A_660, %swap3A_661, %swap3A_662], %swap3A_665 {strides = array<i32>} : memref<128x35x128xf32, #tpu.memory_space<vmem>>, vector<128x1x128xf32>,
    %get3A_666 = arith.constant 0 : index
    %get3A_667 = arith.constant 21 : index
    %get3A_668 = arith.constant 0 : index
    %get3A_669 = vector.load %arg2[%get3A_666, %get3A_667, %get3A_668] : memref<128x35x256xf32, #tpu.memory_space<vmem>>, vector<128x1x256xf32>
    %get3A_670 = vector.shape_cast %get3A_669 : vector<128x1x256xf32> to vector<128x256xf32>
    %dot_general3A_671 = arith.constant dense<0.000000e+00> : vector<128x128xf32>
    %dot_general3A_672 = tpu.matmul %get3A_670, %get3A_652, %dot_general3A_671 {dimension_numbers = #tpu.dot_dimension_numbers<[1], [0], [0], [1], [0, 0, 1, 1], [], []>, transpose_lhs_hint = false} : vector<128x256xf32>, vector<256x128xf32>, vector<128x128xf32> -> vector<128x128xf32>
    %swap3A_673 = arith.constant 0 : index
    %swap3A_674 = arith.constant 21 : index
    %swap3A_675 = arith.constant 0 : index
    %swap3A_676 = vector.load %arg5[%swap3A_673, %swap3A_674, %swap3A_675] : memref<128x35x128xf32, #tpu.memory_space<vmem>>, vector<128x1x128xf32>
    %swap3A_677 = vector.shape_cast %swap3A_676 : vector<128x1x128xf32> to vector<128x128xf32>
    %swap3A_678 = vector.shape_cast %dot_general3A_672 : vector<128x128xf32> to vector<128x1x128xf32>
    tpu.vector_store %arg5[%swap3A_673, %swap3A_674, %swap3A_675], %swap3A_678 {strides = array<i32>} : memref<128x35x128xf32, #tpu.memory_space<vmem>>, vector<128x1x128xf32>,
    %get3A_679 = arith.constant 22 : index
    %get3A_680 = arith.constant 0 : index
    %get3A_681 = arith.constant 0 : index
    %get3A_682 = vector.load %arg3[%get3A_679, %get3A_680, %get3A_681] : memref<35x256x128xf32, #tpu.memory_space<vmem>>, vector<1x256x128xf32>
    %get3A_683 = vector.shape_cast %get3A_682 : vector<1x256x128xf32> to vector<256x128xf32>
    %get3A_684 = arith.constant 0 : index
    %get3A_685 = arith.constant 22 : index
    %get3A_686 = arith.constant 0 : index
    %get3A_687 = vector.load %arg1[%get3A_684, %get3A_685, %get3A_686] : memref<128x35x256xf32, #tpu.memory_space<vmem>>, vector<128x1x256xf32>
    %get3A_688 = vector.shape_cast %get3A_687 : vector<128x1x256xf32> to vector<128x256xf32>
    %dot_general3A_689 = arith.constant dense<0.000000e+00> : vector<128x128xf32>
    %dot_general3A_690 = tpu.matmul %get3A_688, %get3A_683, %dot_general3A_689 {dimension_numbers = #tpu.dot_dimension_numbers<[1], [0], [0], [1], [0, 0, 1, 1], [], []>, transpose_lhs_hint = false} : vector<128x256xf32>, vector<256x128xf32>, vector<128x128xf32> -> vector<128x128xf32>
    %swap3A_691 = arith.constant 0 : index
    %swap3A_692 = arith.constant 22 : index
    %swap3A_693 = arith.constant 0 : index
    %swap3A_694 = vector.load %arg4[%swap3A_691, %swap3A_692, %swap3A_693] : memref<128x35x128xf32, #tpu.memory_space<vmem>>, vector<128x1x128xf32>
    %swap3A_695 = vector.shape_cast %swap3A_694 : vector<128x1x128xf32> to vector<128x128xf32>
    %swap3A_696 = vector.shape_cast %dot_general3A_690 : vector<128x128xf32> to vector<128x1x128xf32>
    tpu.vector_store %arg4[%swap3A_691, %swap3A_692, %swap3A_693], %swap3A_696 {strides = array<i32>} : memref<128x35x128xf32, #tpu.memory_space<vmem>>, vector<128x1x128xf32>,
    %get3A_697 = arith.constant 0 : index
    %get3A_698 = arith.constant 22 : index
    %get3A_699 = arith.constant 0 : index
    %get3A_700 = vector.load %arg2[%get3A_697, %get3A_698, %get3A_699] : memref<128x35x256xf32, #tpu.memory_space<vmem>>, vector<128x1x256xf32>
    %get3A_701 = vector.shape_cast %get3A_700 : vector<128x1x256xf32> to vector<128x256xf32>
    %dot_general3A_702 = arith.constant dense<0.000000e+00> : vector<128x128xf32>
    %dot_general3A_703 = tpu.matmul %get3A_701, %get3A_683, %dot_general3A_702 {dimension_numbers = #tpu.dot_dimension_numbers<[1], [0], [0], [1], [0, 0, 1, 1], [], []>, transpose_lhs_hint = false} : vector<128x256xf32>, vector<256x128xf32>, vector<128x128xf32> -> vector<128x128xf32>
    %swap3A_704 = arith.constant 0 : index
    %swap3A_705 = arith.constant 22 : index
    %swap3A_706 = arith.constant 0 : index
    %swap3A_707 = vector.load %arg5[%swap3A_704, %swap3A_705, %swap3A_706] : memref<128x35x128xf32, #tpu.memory_space<vmem>>, vector<128x1x128xf32>
    %swap3A_708 = vector.shape_cast %swap3A_707 : vector<128x1x128xf32> to vector<128x128xf32>
    %swap3A_709 = vector.shape_cast %dot_general3A_703 : vector<128x128xf32> to vector<128x1x128xf32>
    tpu.vector_store %arg5[%swap3A_704, %swap3A_705, %swap3A_706], %swap3A_709 {strides = array<i32>} : memref<128x35x128xf32, #tpu.memory_space<vmem>>, vector<128x1x128xf32>,
    %get3A_710 = arith.constant 23 : index
    %get3A_711 = arith.constant 0 : index
    %get3A_712 = arith.constant 0 : index
    %get3A_713 = vector.load %arg3[%get3A_710, %get3A_711, %get3A_712] : memref<35x256x128xf32, #tpu.memory_space<vmem>>, vector<1x256x128xf32>
    %get3A_714 = vector.shape_cast %get3A_713 : vector<1x256x128xf32> to vector<256x128xf32>
    %get3A_715 = arith.constant 0 : index
    %get3A_716 = arith.constant 23 : index
    %get3A_717 = arith.constant 0 : index
    %get3A_718 = vector.load %arg1[%get3A_715, %get3A_716, %get3A_717] : memref<128x35x256xf32, #tpu.memory_space<vmem>>, vector<128x1x256xf32>
    %get3A_719 = vector.shape_cast %get3A_718 : vector<128x1x256xf32> to vector<128x256xf32>
    %dot_general3A_720 = arith.constant dense<0.000000e+00> : vector<128x128xf32>
    %dot_general3A_721 = tpu.matmul %get3A_719, %get3A_714, %dot_general3A_720 {dimension_numbers = #tpu.dot_dimension_numbers<[1], [0], [0], [1], [0, 0, 1, 1], [], []>, transpose_lhs_hint = false} : vector<128x256xf32>, vector<256x128xf32>, vector<128x128xf32> -> vector<128x128xf32>
    %swap3A_722 = arith.constant 0 : index
    %swap3A_723 = arith.constant 23 : index
    %swap3A_724 = arith.constant 0 : index
    %swap3A_725 = vector.load %arg4[%swap3A_722, %swap3A_723, %swap3A_724] : memref<128x35x128xf32, #tpu.memory_space<vmem>>, vector<128x1x128xf32>
    %swap3A_726 = vector.shape_cast %swap3A_725 : vector<128x1x128xf32> to vector<128x128xf32>
    %swap3A_727 = vector.shape_cast %dot_general3A_721 : vector<128x128xf32> to vector<128x1x128xf32>
    tpu.vector_store %arg4[%swap3A_722, %swap3A_723, %swap3A_724], %swap3A_727 {strides = array<i32>} : memref<128x35x128xf32, #tpu.memory_space<vmem>>, vector<128x1x128xf32>,
    %get3A_728 = arith.constant 0 : index
    %get3A_729 = arith.constant 23 : index
    %get3A_730 = arith.constant 0 : index
    %get3A_731 = vector.load %arg2[%get3A_728, %get3A_729, %get3A_730] : memref<128x35x256xf32, #tpu.memory_space<vmem>>, vector<128x1x256xf32>
    %get3A_732 = vector.shape_cast %get3A_731 : vector<128x1x256xf32> to vector<128x256xf32>
    %dot_general3A_733 = arith.constant dense<0.000000e+00> : vector<128x128xf32>
    %dot_general3A_734 = tpu.matmul %get3A_732, %get3A_714, %dot_general3A_733 {dimension_numbers = #tpu.dot_dimension_numbers<[1], [0], [0], [1], [0, 0, 1, 1], [], []>, transpose_lhs_hint = false} : vector<128x256xf32>, vector<256x128xf32>, vector<128x128xf32> -> vector<128x128xf32>
    %swap3A_735 = arith.constant 0 : index
    %swap3A_736 = arith.constant 23 : index
    %swap3A_737 = arith.constant 0 : index
    %swap3A_738 = vector.load %arg5[%swap3A_735, %swap3A_736, %swap3A_737] : memref<128x35x128xf32, #tpu.memory_space<vmem>>, vector<128x1x128xf32>
    %swap3A_739 = vector.shape_cast %swap3A_738 : vector<128x1x128xf32> to vector<128x128xf32>
    %swap3A_740 = vector.shape_cast %dot_general3A_734 : vector<128x128xf32> to vector<128x1x128xf32>
    tpu.vector_store %arg5[%swap3A_735, %swap3A_736, %swap3A_737], %swap3A_740 {strides = array<i32>} : memref<128x35x128xf32, #tpu.memory_space<vmem>>, vector<128x1x128xf32>,
    %get3A_741 = arith.constant 24 : index
    %get3A_742 = arith.constant 0 : index
    %get3A_743 = arith.constant 0 : index
    %get3A_744 = vector.load %arg3[%get3A_741, %get3A_742, %get3A_743] : memref<35x256x128xf32, #tpu.memory_space<vmem>>, vector<1x256x128xf32>
    %get3A_745 = vector.shape_cast %get3A_744 : vector<1x256x128xf32> to vector<256x128xf32>
    %get3A_746 = arith.constant 0 : index
    %get3A_747 = arith.constant 24 : index
    %get3A_748 = arith.constant 0 : index
    %get3A_749 = vector.load %arg1[%get3A_746, %get3A_747, %get3A_748] : memref<128x35x256xf32, #tpu.memory_space<vmem>>, vector<128x1x256xf32>
    %get3A_750 = vector.shape_cast %get3A_749 : vector<128x1x256xf32> to vector<128x256xf32>
    %dot_general3A_751 = arith.constant dense<0.000000e+00> : vector<128x128xf32>
    %dot_general3A_752 = tpu.matmul %get3A_750, %get3A_745, %dot_general3A_751 {dimension_numbers = #tpu.dot_dimension_numbers<[1], [0], [0], [1], [0, 0, 1, 1], [], []>, transpose_lhs_hint = false} : vector<128x256xf32>, vector<256x128xf32>, vector<128x128xf32> -> vector<128x128xf32>
    %swap3A_753 = arith.constant 0 : index
    %swap3A_754 = arith.constant 24 : index
    %swap3A_755 = arith.constant 0 : index
    %swap3A_756 = vector.load %arg4[%swap3A_753, %swap3A_754, %swap3A_755] : memref<128x35x128xf32, #tpu.memory_space<vmem>>, vector<128x1x128xf32>
    %swap3A_757 = vector.shape_cast %swap3A_756 : vector<128x1x128xf32> to vector<128x128xf32>
    %swap3A_758 = vector.shape_cast %dot_general3A_752 : vector<128x128xf32> to vector<128x1x128xf32>
    tpu.vector_store %arg4[%swap3A_753, %swap3A_754, %swap3A_755], %swap3A_758 {strides = array<i32>} : memref<128x35x128xf32, #tpu.memory_space<vmem>>, vector<128x1x128xf32>,
    %get3A_759 = arith.constant 0 : index
    %get3A_760 = arith.constant 24 : index
    %get3A_761 = arith.constant 0 : index
    %get3A_762 = vector.load %arg2[%get3A_759, %get3A_760, %get3A_761] : memref<128x35x256xf32, #tpu.memory_space<vmem>>, vector<128x1x256xf32>
    %get3A_763 = vector.shape_cast %get3A_762 : vector<128x1x256xf32> to vector<128x256xf32>
    %dot_general3A_764 = arith.constant dense<0.000000e+00> : vector<128x128xf32>
    %dot_general3A_765 = tpu.matmul %get3A_763, %get3A_745, %dot_general3A_764 {dimension_numbers = #tpu.dot_dimension_numbers<[1], [0], [0], [1], [0, 0, 1, 1], [], []>, transpose_lhs_hint = false} : vector<128x256xf32>, vector<256x128xf32>, vector<128x128xf32> -> vector<128x128xf32>
    %swap3A_766 = arith.constant 0 : index
    %swap3A_767 = arith.constant 24 : index
    %swap3A_768 = arith.constant 0 : index
    %swap3A_769 = vector.load %arg5[%swap3A_766, %swap3A_767, %swap3A_768] : memref<128x35x128xf32, #tpu.memory_space<vmem>>, vector<128x1x128xf32>
    %swap3A_770 = vector.shape_cast %swap3A_769 : vector<128x1x128xf32> to vector<128x128xf32>
    %swap3A_771 = vector.shape_cast %dot_general3A_765 : vector<128x128xf32> to vector<128x1x128xf32>
    tpu.vector_store %arg5[%swap3A_766, %swap3A_767, %swap3A_768], %swap3A_771 {strides = array<i32>} : memref<128x35x128xf32, #tpu.memory_space<vmem>>, vector<128x1x128xf32>,
    %get3A_772 = arith.constant 25 : index
    %get3A_773 = arith.constant 0 : index
    %get3A_774 = arith.constant 0 : index
    %get3A_775 = vector.load %arg3[%get3A_772, %get3A_773, %get3A_774] : memref<35x256x128xf32, #tpu.memory_space<vmem>>, vector<1x256x128xf32>
    %get3A_776 = vector.shape_cast %get3A_775 : vector<1x256x128xf32> to vector<256x128xf32>
    %get3A_777 = arith.constant 0 : index
    %get3A_778 = arith.constant 25 : index
    %get3A_779 = arith.constant 0 : index
    %get3A_780 = vector.load %arg1[%get3A_777, %get3A_778, %get3A_779] : memref<128x35x256xf32, #tpu.memory_space<vmem>>, vector<128x1x256xf32>
    %get3A_781 = vector.shape_cast %get3A_780 : vector<128x1x256xf32> to vector<128x256xf32>
    %dot_general3A_782 = arith.constant dense<0.000000e+00> : vector<128x128xf32>
    %dot_general3A_783 = tpu.matmul %get3A_781, %get3A_776, %dot_general3A_782 {dimension_numbers = #tpu.dot_dimension_numbers<[1], [0], [0], [1], [0, 0, 1, 1], [], []>, transpose_lhs_hint = false} : vector<128x256xf32>, vector<256x128xf32>, vector<128x128xf32> -> vector<128x128xf32>
    %swap3A_784 = arith.constant 0 : index
    %swap3A_785 = arith.constant 25 : index
    %swap3A_786 = arith.constant 0 : index
    %swap3A_787 = vector.load %arg4[%swap3A_784, %swap3A_785, %swap3A_786] : memref<128x35x128xf32, #tpu.memory_space<vmem>>, vector<128x1x128xf32>
    %swap3A_788 = vector.shape_cast %swap3A_787 : vector<128x1x128xf32> to vector<128x128xf32>
    %swap3A_789 = vector.shape_cast %dot_general3A_783 : vector<128x128xf32> to vector<128x1x128xf32>
    tpu.vector_store %arg4[%swap3A_784, %swap3A_785, %swap3A_786], %swap3A_789 {strides = array<i32>} : memref<128x35x128xf32, #tpu.memory_space<vmem>>, vector<128x1x128xf32>,
    %get3A_790 = arith.constant 0 : index
    %get3A_791 = arith.constant 25 : index
    %get3A_792 = arith.constant 0 : index
    %get3A_793 = vector.load %arg2[%get3A_790, %get3A_791, %get3A_792] : memref<128x35x256xf32, #tpu.memory_space<vmem>>, vector<128x1x256xf32>
    %get3A_794 = vector.shape_cast %get3A_793 : vector<128x1x256xf32> to vector<128x256xf32>
    %dot_general3A_795 = arith.constant dense<0.000000e+00> : vector<128x128xf32>
    %dot_general3A_796 = tpu.matmul %get3A_794, %get3A_776, %dot_general3A_795 {dimension_numbers = #tpu.dot_dimension_numbers<[1], [0], [0], [1], [0, 0, 1, 1], [], []>, transpose_lhs_hint = false} : vector<128x256xf32>, vector<256x128xf32>, vector<128x128xf32> -> vector<128x128xf32>
    %swap3A_797 = arith.constant 0 : index
    %swap3A_798 = arith.constant 25 : index
    %swap3A_799 = arith.constant 0 : index
    %swap3A_800 = vector.load %arg5[%swap3A_797, %swap3A_798, %swap3A_799] : memref<128x35x128xf32, #tpu.memory_space<vmem>>, vector<128x1x128xf32>
    %swap3A_801 = vector.shape_cast %swap3A_800 : vector<128x1x128xf32> to vector<128x128xf32>
    %swap3A_802 = vector.shape_cast %dot_general3A_796 : vector<128x128xf32> to vector<128x1x128xf32>
    tpu.vector_store %arg5[%swap3A_797, %swap3A_798, %swap3A_799], %swap3A_802 {strides = array<i32>} : memref<128x35x128xf32, #tpu.memory_space<vmem>>, vector<128x1x128xf32>,
    %get3A_803 = arith.constant 26 : index
    %get3A_804 = arith.constant 0 : index
    %get3A_805 = arith.constant 0 : index
    %get3A_806 = vector.load %arg3[%get3A_803, %get3A_804, %get3A_805] : memref<35x256x128xf32, #tpu.memory_space<vmem>>, vector<1x256x128xf32>
    %get3A_807 = vector.shape_cast %get3A_806 : vector<1x256x128xf32> to vector<256x128xf32>
    %get3A_808 = arith.constant 0 : index
    %get3A_809 = arith.constant 26 : index
    %get3A_810 = arith.constant 0 : index
    %get3A_811 = vector.load %arg1[%get3A_808, %get3A_809, %get3A_810] : memref<128x35x256xf32, #tpu.memory_space<vmem>>, vector<128x1x256xf32>
    %get3A_812 = vector.shape_cast %get3A_811 : vector<128x1x256xf32> to vector<128x256xf32>
    %dot_general3A_813 = arith.constant dense<0.000000e+00> : vector<128x128xf32>
    %dot_general3A_814 = tpu.matmul %get3A_812, %get3A_807, %dot_general3A_813 {dimension_numbers = #tpu.dot_dimension_numbers<[1], [0], [0], [1], [0, 0, 1, 1], [], []>, transpose_lhs_hint = false} : vector<128x256xf32>, vector<256x128xf32>, vector<128x128xf32> -> vector<128x128xf32>
    %swap3A_815 = arith.constant 0 : index
    %swap3A_816 = arith.constant 26 : index
    %swap3A_817 = arith.constant 0 : index
    %swap3A_818 = vector.load %arg4[%swap3A_815, %swap3A_816, %swap3A_817] : memref<128x35x128xf32, #tpu.memory_space<vmem>>, vector<128x1x128xf32>
    %swap3A_819 = vector.shape_cast %swap3A_818 : vector<128x1x128xf32> to vector<128x128xf32>
    %swap3A_820 = vector.shape_cast %dot_general3A_814 : vector<128x128xf32> to vector<128x1x128xf32>
    tpu.vector_store %arg4[%swap3A_815, %swap3A_816, %swap3A_817], %swap3A_820 {strides = array<i32>} : memref<128x35x128xf32, #tpu.memory_space<vmem>>, vector<128x1x128xf32>,
    %get3A_821 = arith.constant 0 : index
    %get3A_822 = arith.constant 26 : index
    %get3A_823 = arith.constant 0 : index
    %get3A_824 = vector.load %arg2[%get3A_821, %get3A_822, %get3A_823] : memref<128x35x256xf32, #tpu.memory_space<vmem>>, vector<128x1x256xf32>
    %get3A_825 = vector.shape_cast %get3A_824 : vector<128x1x256xf32> to vector<128x256xf32>
    %dot_general3A_826 = arith.constant dense<0.000000e+00> : vector<128x128xf32>
    %dot_general3A_827 = tpu.matmul %get3A_825, %get3A_807, %dot_general3A_826 {dimension_numbers = #tpu.dot_dimension_numbers<[1], [0], [0], [1], [0, 0, 1, 1], [], []>, transpose_lhs_hint = false} : vector<128x256xf32>, vector<256x128xf32>, vector<128x128xf32> -> vector<128x128xf32>
    %swap3A_828 = arith.constant 0 : index
    %swap3A_829 = arith.constant 26 : index
    %swap3A_830 = arith.constant 0 : index
    %swap3A_831 = vector.load %arg5[%swap3A_828, %swap3A_829, %swap3A_830] : memref<128x35x128xf32, #tpu.memory_space<vmem>>, vector<128x1x128xf32>
    %swap3A_832 = vector.shape_cast %swap3A_831 : vector<128x1x128xf32> to vector<128x128xf32>
    %swap3A_833 = vector.shape_cast %dot_general3A_827 : vector<128x128xf32> to vector<128x1x128xf32>
    tpu.vector_store %arg5[%swap3A_828, %swap3A_829, %swap3A_830], %swap3A_833 {strides = array<i32>} : memref<128x35x128xf32, #tpu.memory_space<vmem>>, vector<128x1x128xf32>,
    %get3A_834 = arith.constant 27 : index
    %get3A_835 = arith.constant 0 : index
    %get3A_836 = arith.constant 0 : index
    %get3A_837 = vector.load %arg3[%get3A_834, %get3A_835, %get3A_836] : memref<35x256x128xf32, #tpu.memory_space<vmem>>, vector<1x256x128xf32>
    %get3A_838 = vector.shape_cast %get3A_837 : vector<1x256x128xf32> to vector<256x128xf32>
    %get3A_839 = arith.constant 0 : index
    %get3A_840 = arith.constant 27 : index
    %get3A_841 = arith.constant 0 : index
    %get3A_842 = vector.load %arg1[%get3A_839, %get3A_840, %get3A_841] : memref<128x35x256xf32, #tpu.memory_space<vmem>>, vector<128x1x256xf32>
    %get3A_843 = vector.shape_cast %get3A_842 : vector<128x1x256xf32> to vector<128x256xf32>
    %dot_general3A_844 = arith.constant dense<0.000000e+00> : vector<128x128xf32>
    %dot_general3A_845 = tpu.matmul %get3A_843, %get3A_838, %dot_general3A_844 {dimension_numbers = #tpu.dot_dimension_numbers<[1], [0], [0], [1], [0, 0, 1, 1], [], []>, transpose_lhs_hint = false} : vector<128x256xf32>, vector<256x128xf32>, vector<128x128xf32> -> vector<128x128xf32>
    %swap3A_846 = arith.constant 0 : index
    %swap3A_847 = arith.constant 27 : index
    %swap3A_848 = arith.constant 0 : index
    %swap3A_849 = vector.load %arg4[%swap3A_846, %swap3A_847, %swap3A_848] : memref<128x35x128xf32, #tpu.memory_space<vmem>>, vector<128x1x128xf32>
    %swap3A_850 = vector.shape_cast %swap3A_849 : vector<128x1x128xf32> to vector<128x128xf32>
    %swap3A_851 = vector.shape_cast %dot_general3A_845 : vector<128x128xf32> to vector<128x1x128xf32>
    tpu.vector_store %arg4[%swap3A_846, %swap3A_847, %swap3A_848], %swap3A_851 {strides = array<i32>} : memref<128x35x128xf32, #tpu.memory_space<vmem>>, vector<128x1x128xf32>,
    %get3A_852 = arith.constant 0 : index
    %get3A_853 = arith.constant 27 : index
    %get3A_854 = arith.constant 0 : index
    %get3A_855 = vector.load %arg2[%get3A_852, %get3A_853, %get3A_854] : memref<128x35x256xf32, #tpu.memory_space<vmem>>, vector<128x1x256xf32>
    %get3A_856 = vector.shape_cast %get3A_855 : vector<128x1x256xf32> to vector<128x256xf32>
    %dot_general3A_857 = arith.constant dense<0.000000e+00> : vector<128x128xf32>
    %dot_general3A_858 = tpu.matmul %get3A_856, %get3A_838, %dot_general3A_857 {dimension_numbers = #tpu.dot_dimension_numbers<[1], [0], [0], [1], [0, 0, 1, 1], [], []>, transpose_lhs_hint = false} : vector<128x256xf32>, vector<256x128xf32>, vector<128x128xf32> -> vector<128x128xf32>
    %swap3A_859 = arith.constant 0 : index
    %swap3A_860 = arith.constant 27 : index
    %swap3A_861 = arith.constant 0 : index
    %swap3A_862 = vector.load %arg5[%swap3A_859, %swap3A_860, %swap3A_861] : memref<128x35x128xf32, #tpu.memory_space<vmem>>, vector<128x1x128xf32>
    %swap3A_863 = vector.shape_cast %swap3A_862 : vector<128x1x128xf32> to vector<128x128xf32>
    %swap3A_864 = vector.shape_cast %dot_general3A_858 : vector<128x128xf32> to vector<128x1x128xf32>
    tpu.vector_store %arg5[%swap3A_859, %swap3A_860, %swap3A_861], %swap3A_864 {strides = array<i32>} : memref<128x35x128xf32, #tpu.memory_space<vmem>>, vector<128x1x128xf32>,
    %get3A_865 = arith.constant 28 : index
    %get3A_866 = arith.constant 0 : index
    %get3A_867 = arith.constant 0 : index
    %get3A_868 = vector.load %arg3[%get3A_865, %get3A_866, %get3A_867] : memref<35x256x128xf32, #tpu.memory_space<vmem>>, vector<1x256x128xf32>
    %get3A_869 = vector.shape_cast %get3A_868 : vector<1x256x128xf32> to vector<256x128xf32>
    %get3A_870 = arith.constant 0 : index
    %get3A_871 = arith.constant 28 : index
    %get3A_872 = arith.constant 0 : index
    %get3A_873 = vector.load %arg1[%get3A_870, %get3A_871, %get3A_872] : memref<128x35x256xf32, #tpu.memory_space<vmem>>, vector<128x1x256xf32>
    %get3A_874 = vector.shape_cast %get3A_873 : vector<128x1x256xf32> to vector<128x256xf32>
    %dot_general3A_875 = arith.constant dense<0.000000e+00> : vector<128x128xf32>
    %dot_general3A_876 = tpu.matmul %get3A_874, %get3A_869, %dot_general3A_875 {dimension_numbers = #tpu.dot_dimension_numbers<[1], [0], [0], [1], [0, 0, 1, 1], [], []>, transpose_lhs_hint = false} : vector<128x256xf32>, vector<256x128xf32>, vector<128x128xf32> -> vector<128x128xf32>
    %swap3A_877 = arith.constant 0 : index
    %swap3A_878 = arith.constant 28 : index
    %swap3A_879 = arith.constant 0 : index
    %swap3A_880 = vector.load %arg4[%swap3A_877, %swap3A_878, %swap3A_879] : memref<128x35x128xf32, #tpu.memory_space<vmem>>, vector<128x1x128xf32>
    %swap3A_881 = vector.shape_cast %swap3A_880 : vector<128x1x128xf32> to vector<128x128xf32>
    %swap3A_882 = vector.shape_cast %dot_general3A_876 : vector<128x128xf32> to vector<128x1x128xf32>
    tpu.vector_store %arg4[%swap3A_877, %swap3A_878, %swap3A_879], %swap3A_882 {strides = array<i32>} : memref<128x35x128xf32, #tpu.memory_space<vmem>>, vector<128x1x128xf32>,
    %get3A_883 = arith.constant 0 : index
    %get3A_884 = arith.constant 28 : index
    %get3A_885 = arith.constant 0 : index
    %get3A_886 = vector.load %arg2[%get3A_883, %get3A_884, %get3A_885] : memref<128x35x256xf32, #tpu.memory_space<vmem>>, vector<128x1x256xf32>
    %get3A_887 = vector.shape_cast %get3A_886 : vector<128x1x256xf32> to vector<128x256xf32>
    %dot_general3A_888 = arith.constant dense<0.000000e+00> : vector<128x128xf32>
    %dot_general3A_889 = tpu.matmul %get3A_887, %get3A_869, %dot_general3A_888 {dimension_numbers = #tpu.dot_dimension_numbers<[1], [0], [0], [1], [0, 0, 1, 1], [], []>, transpose_lhs_hint = false} : vector<128x256xf32>, vector<256x128xf32>, vector<128x128xf32> -> vector<128x128xf32>
    %swap3A_890 = arith.constant 0 : index
    %swap3A_891 = arith.constant 28 : index
    %swap3A_892 = arith.constant 0 : index
    %swap3A_893 = vector.load %arg5[%swap3A_890, %swap3A_891, %swap3A_892] : memref<128x35x128xf32, #tpu.memory_space<vmem>>, vector<128x1x128xf32>
    %swap3A_894 = vector.shape_cast %swap3A_893 : vector<128x1x128xf32> to vector<128x128xf32>
    %swap3A_895 = vector.shape_cast %dot_general3A_889 : vector<128x128xf32> to vector<128x1x128xf32>
    tpu.vector_store %arg5[%swap3A_890, %swap3A_891, %swap3A_892], %swap3A_895 {strides = array<i32>} : memref<128x35x128xf32, #tpu.memory_space<vmem>>, vector<128x1x128xf32>,
    %get3A_896 = arith.constant 29 : index
    %get3A_897 = arith.constant 0 : index
    %get3A_898 = arith.constant 0 : index
    %get3A_899 = vector.load %arg3[%get3A_896, %get3A_897, %get3A_898] : memref<35x256x128xf32, #tpu.memory_space<vmem>>, vector<1x256x128xf32>
    %get3A_900 = vector.shape_cast %get3A_899 : vector<1x256x128xf32> to vector<256x128xf32>
    %get3A_901 = arith.constant 0 : index
    %get3A_902 = arith.constant 29 : index
    %get3A_903 = arith.constant 0 : index
    %get3A_904 = vector.load %arg1[%get3A_901, %get3A_902, %get3A_903] : memref<128x35x256xf32, #tpu.memory_space<vmem>>, vector<128x1x256xf32>
    %get3A_905 = vector.shape_cast %get3A_904 : vector<128x1x256xf32> to vector<128x256xf32>
    %dot_general3A_906 = arith.constant dense<0.000000e+00> : vector<128x128xf32>
    %dot_general3A_907 = tpu.matmul %get3A_905, %get3A_900, %dot_general3A_906 {dimension_numbers = #tpu.dot_dimension_numbers<[1], [0], [0], [1], [0, 0, 1, 1], [], []>, transpose_lhs_hint = false} : vector<128x256xf32>, vector<256x128xf32>, vector<128x128xf32> -> vector<128x128xf32>
    %swap3A_908 = arith.constant 0 : index
    %swap3A_909 = arith.constant 29 : index
    %swap3A_910 = arith.constant 0 : index
    %swap3A_911 = vector.load %arg4[%swap3A_908, %swap3A_909, %swap3A_910] : memref<128x35x128xf32, #tpu.memory_space<vmem>>, vector<128x1x128xf32>
    %swap3A_912 = vector.shape_cast %swap3A_911 : vector<128x1x128xf32> to vector<128x128xf32>
    %swap3A_913 = vector.shape_cast %dot_general3A_907 : vector<128x128xf32> to vector<128x1x128xf32>
    tpu.vector_store %arg4[%swap3A_908, %swap3A_909, %swap3A_910], %swap3A_913 {strides = array<i32>} : memref<128x35x128xf32, #tpu.memory_space<vmem>>, vector<128x1x128xf32>,
    %get3A_914 = arith.constant 0 : index
    %get3A_915 = arith.constant 29 : index
    %get3A_916 = arith.constant 0 : index
    %get3A_917 = vector.load %arg2[%get3A_914, %get3A_915, %get3A_916] : memref<128x35x256xf32, #tpu.memory_space<vmem>>, vector<128x1x256xf32>
    %get3A_918 = vector.shape_cast %get3A_917 : vector<128x1x256xf32> to vector<128x256xf32>
    %dot_general3A_919 = arith.constant dense<0.000000e+00> : vector<128x128xf32>
    %dot_general3A_920 = tpu.matmul %get3A_918, %get3A_900, %dot_general3A_919 {dimension_numbers = #tpu.dot_dimension_numbers<[1], [0], [0], [1], [0, 0, 1, 1], [], []>, transpose_lhs_hint = false} : vector<128x256xf32>, vector<256x128xf32>, vector<128x128xf32> -> vector<128x128xf32>
    %swap3A_921 = arith.constant 0 : index
    %swap3A_922 = arith.constant 29 : index
    %swap3A_923 = arith.constant 0 : index
    %swap3A_924 = vector.load %arg5[%swap3A_921, %swap3A_922, %swap3A_923] : memref<128x35x128xf32, #tpu.memory_space<vmem>>, vector<128x1x128xf32>
    %swap3A_925 = vector.shape_cast %swap3A_924 : vector<128x1x128xf32> to vector<128x128xf32>
    %swap3A_926 = vector.shape_cast %dot_general3A_920 : vector<128x128xf32> to vector<128x1x128xf32>
    tpu.vector_store %arg5[%swap3A_921, %swap3A_922, %swap3A_923], %swap3A_926 {strides = array<i32>} : memref<128x35x128xf32, #tpu.memory_space<vmem>>, vector<128x1x128xf32>,
    %get3A_927 = arith.constant 30 : index
    %get3A_928 = arith.constant 0 : index
    %get3A_929 = arith.constant 0 : index
    %get3A_930 = vector.load %arg3[%get3A_927, %get3A_928, %get3A_929] : memref<35x256x128xf32, #tpu.memory_space<vmem>>, vector<1x256x128xf32>
    %get3A_931 = vector.shape_cast %get3A_930 : vector<1x256x128xf32> to vector<256x128xf32>
    %get3A_932 = arith.constant 0 : index
    %get3A_933 = arith.constant 30 : index
    %get3A_934 = arith.constant 0 : index
    %get3A_935 = vector.load %arg1[%get3A_932, %get3A_933, %get3A_934] : memref<128x35x256xf32, #tpu.memory_space<vmem>>, vector<128x1x256xf32>
    %get3A_936 = vector.shape_cast %get3A_935 : vector<128x1x256xf32> to vector<128x256xf32>
    %dot_general3A_937 = arith.constant dense<0.000000e+00> : vector<128x128xf32>
    %dot_general3A_938 = tpu.matmul %get3A_936, %get3A_931, %dot_general3A_937 {dimension_numbers = #tpu.dot_dimension_numbers<[1], [0], [0], [1], [0, 0, 1, 1], [], []>, transpose_lhs_hint = false} : vector<128x256xf32>, vector<256x128xf32>, vector<128x128xf32> -> vector<128x128xf32>
    %swap3A_939 = arith.constant 0 : index
    %swap3A_940 = arith.constant 30 : index
    %swap3A_941 = arith.constant 0 : index
    %swap3A_942 = vector.load %arg4[%swap3A_939, %swap3A_940, %swap3A_941] : memref<128x35x128xf32, #tpu.memory_space<vmem>>, vector<128x1x128xf32>
    %swap3A_943 = vector.shape_cast %swap3A_942 : vector<128x1x128xf32> to vector<128x128xf32>
    %swap3A_944 = vector.shape_cast %dot_general3A_938 : vector<128x128xf32> to vector<128x1x128xf32>
    tpu.vector_store %arg4[%swap3A_939, %swap3A_940, %swap3A_941], %swap3A_944 {strides = array<i32>} : memref<128x35x128xf32, #tpu.memory_space<vmem>>, vector<128x1x128xf32>,
    %get3A_945 = arith.constant 0 : index
    %get3A_946 = arith.constant 30 : index
    %get3A_947 = arith.constant 0 : index
    %get3A_948 = vector.load %arg2[%get3A_945, %get3A_946, %get3A_947] : memref<128x35x256xf32, #tpu.memory_space<vmem>>, vector<128x1x256xf32>
    %get3A_949 = vector.shape_cast %get3A_948 : vector<128x1x256xf32> to vector<128x256xf32>
    %dot_general3A_950 = arith.constant dense<0.000000e+00> : vector<128x128xf32>
    %dot_general3A_951 = tpu.matmul %get3A_949, %get3A_931, %dot_general3A_950 {dimension_numbers = #tpu.dot_dimension_numbers<[1], [0], [0], [1], [0, 0, 1, 1], [], []>, transpose_lhs_hint = false} : vector<128x256xf32>, vector<256x128xf32>, vector<128x128xf32> -> vector<128x128xf32>
    %swap3A_952 = arith.constant 0 : index
    %swap3A_953 = arith.constant 30 : index
    %swap3A_954 = arith.constant 0 : index
    %swap3A_955 = vector.load %arg5[%swap3A_952, %swap3A_953, %swap3A_954] : memref<128x35x128xf32, #tpu.memory_space<vmem>>, vector<128x1x128xf32>
    %swap3A_956 = vector.shape_cast %swap3A_955 : vector<128x1x128xf32> to vector<128x128xf32>
    %swap3A_957 = vector.shape_cast %dot_general3A_951 : vector<128x128xf32> to vector<128x1x128xf32>
    tpu.vector_store %arg5[%swap3A_952, %swap3A_953, %swap3A_954], %swap3A_957 {strides = array<i32>} : memref<128x35x128xf32, #tpu.memory_space<vmem>>, vector<128x1x128xf32>,
    %get3A_958 = arith.constant 31 : index
    %get3A_959 = arith.constant 0 : index
    %get3A_960 = arith.constant 0 : index
    %get3A_961 = vector.load %arg3[%get3A_958, %get3A_959, %get3A_960] : memref<35x256x128xf32, #tpu.memory_space<vmem>>, vector<1x256x128xf32>
    %get3A_962 = vector.shape_cast %get3A_961 : vector<1x256x128xf32> to vector<256x128xf32>
    %get3A_963 = arith.constant 0 : index
    %get3A_964 = arith.constant 31 : index
    %get3A_965 = arith.constant 0 : index
    %get3A_966 = vector.load %arg1[%get3A_963, %get3A_964, %get3A_965] : memref<128x35x256xf32, #tpu.memory_space<vmem>>, vector<128x1x256xf32>
    %get3A_967 = vector.shape_cast %get3A_966 : vector<128x1x256xf32> to vector<128x256xf32>
    %dot_general3A_968 = arith.constant dense<0.000000e+00> : vector<128x128xf32>
    %dot_general3A_969 = tpu.matmul %get3A_967, %get3A_962, %dot_general3A_968 {dimension_numbers = #tpu.dot_dimension_numbers<[1], [0], [0], [1], [0, 0, 1, 1], [], []>, transpose_lhs_hint = false} : vector<128x256xf32>, vector<256x128xf32>, vector<128x128xf32> -> vector<128x128xf32>
    %swap3A_970 = arith.constant 0 : index
    %swap3A_971 = arith.constant 31 : index
    %swap3A_972 = arith.constant 0 : index
    %swap3A_973 = vector.load %arg4[%swap3A_970, %swap3A_971, %swap3A_972] : memref<128x35x128xf32, #tpu.memory_space<vmem>>, vector<128x1x128xf32>
    %swap3A_974 = vector.shape_cast %swap3A_973 : vector<128x1x128xf32> to vector<128x128xf32>
    %swap3A_975 = vector.shape_cast %dot_general3A_969 : vector<128x128xf32> to vector<128x1x128xf32>
    tpu.vector_store %arg4[%swap3A_970, %swap3A_971, %swap3A_972], %swap3A_975 {strides = array<i32>} : memref<128x35x128xf32, #tpu.memory_space<vmem>>, vector<128x1x128xf32>,
    %get3A_976 = arith.constant 0 : index
    %get3A_977 = arith.constant 31 : index
    %get3A_978 = arith.constant 0 : index
    %get3A_979 = vector.load %arg2[%get3A_976, %get3A_977, %get3A_978] : memref<128x35x256xf32, #tpu.memory_space<vmem>>, vector<128x1x256xf32>
    %get3A_980 = vector.shape_cast %get3A_979 : vector<128x1x256xf32> to vector<128x256xf32>
    %dot_general3A_981 = arith.constant dense<0.000000e+00> : vector<128x128xf32>
    %dot_general3A_982 = tpu.matmul %get3A_980, %get3A_962, %dot_general3A_981 {dimension_numbers = #tpu.dot_dimension_numbers<[1], [0], [0], [1], [0, 0, 1, 1], [], []>, transpose_lhs_hint = false} : vector<128x256xf32>, vector<256x128xf32>, vector<128x128xf32> -> vector<128x128xf32>
    %swap3A_983 = arith.constant 0 : index
    %swap3A_984 = arith.constant 31 : index
    %swap3A_985 = arith.constant 0 : index
    %swap3A_986 = vector.load %arg5[%swap3A_983, %swap3A_984, %swap3A_985] : memref<128x35x128xf32, #tpu.memory_space<vmem>>, vector<128x1x128xf32>
    %swap3A_987 = vector.shape_cast %swap3A_986 : vector<128x1x128xf32> to vector<128x128xf32>
    %swap3A_988 = vector.shape_cast %dot_general3A_982 : vector<128x128xf32> to vector<128x1x128xf32>
    tpu.vector_store %arg5[%swap3A_983, %swap3A_984, %swap3A_985], %swap3A_988 {strides = array<i32>} : memref<128x35x128xf32, #tpu.memory_space<vmem>>, vector<128x1x128xf32>,
    %get3A_989 = arith.constant 32 : index
    %get3A_990 = arith.constant 0 : index
    %get3A_991 = arith.constant 0 : index
    %get3A_992 = vector.load %arg3[%get3A_989, %get3A_990, %get3A_991] : memref<35x256x128xf32, #tpu.memory_space<vmem>>, vector<1x256x128xf32>
    %get3A_993 = vector.shape_cast %get3A_992 : vector<1x256x128xf32> to vector<256x128xf32>
    %get3A_994 = arith.constant 0 : index
    %get3A_995 = arith.constant 32 : index
    %get3A_996 = arith.constant 0 : index
    %get3A_997 = vector.load %arg1[%get3A_994, %get3A_995, %get3A_996] : memref<128x35x256xf32, #tpu.memory_space<vmem>>, vector<128x1x256xf32>
    %get3A_998 = vector.shape_cast %get3A_997 : vector<128x1x256xf32> to vector<128x256xf32>
    %dot_general3A_999 = arith.constant dense<0.000000e+00> : vector<128x128xf32>
    %dot_general3A_1000 = tpu.matmul %get3A_998, %get3A_993, %dot_general3A_999 {dimension_numbers = #tpu.dot_dimension_numbers<[1], [0], [0], [1], [0, 0, 1, 1], [], []>, transpose_lhs_hint = false} : vector<128x256xf32>, vector<256x128xf32>, vector<128x128xf32> -> vector<128x128xf32>
    %swap3A_1001 = arith.constant 0 : index
    %swap3A_1002 = arith.constant 32 : index
    %swap3A_1003 = arith.constant 0 : index
    %swap3A_1004 = vector.load %arg4[%swap3A_1001, %swap3A_1002, %swap3A_1003] : memref<128x35x128xf32, #tpu.memory_space<vmem>>, vector<128x1x128xf32>
    %swap3A_1005 = vector.shape_cast %swap3A_1004 : vector<128x1x128xf32> to vector<128x128xf32>
    %swap3A_1006 = vector.shape_cast %dot_general3A_1000 : vector<128x128xf32> to vector<128x1x128xf32>
    tpu.vector_store %arg4[%swap3A_1001, %swap3A_1002, %swap3A_1003], %swap3A_1006 {strides = array<i32>} : memref<128x35x128xf32, #tpu.memory_space<vmem>>, vector<128x1x128xf32>,
    %get3A_1007 = arith.constant 0 : index
    %get3A_1008 = arith.constant 32 : index
    %get3A_1009 = arith.constant 0 : index
    %get3A_1010 = vector.load %arg2[%get3A_1007, %get3A_1008, %get3A_1009] : memref<128x35x256xf32, #tpu.memory_space<vmem>>, vector<128x1x256xf32>
    %get3A_1011 = vector.shape_cast %get3A_1010 : vector<128x1x256xf32> to vector<128x256xf32>
    %dot_general3A_1012 = arith.constant dense<0.000000e+00> : vector<128x128xf32>
    %dot_general3A_1013 = tpu.matmul %get3A_1011, %get3A_993, %dot_general3A_1012 {dimension_numbers = #tpu.dot_dimension_numbers<[1], [0], [0], [1], [0, 0, 1, 1], [], []>, transpose_lhs_hint = false} : vector<128x256xf32>, vector<256x128xf32>, vector<128x128xf32> -> vector<128x128xf32>
    %swap3A_1014 = arith.constant 0 : index
    %swap3A_1015 = arith.constant 32 : index
    %swap3A_1016 = arith.constant 0 : index
    %swap3A_1017 = vector.load %arg5[%swap3A_1014, %swap3A_1015, %swap3A_1016] : memref<128x35x128xf32, #tpu.memory_space<vmem>>, vector<128x1x128xf32>
    %swap3A_1018 = vector.shape_cast %swap3A_1017 : vector<128x1x128xf32> to vector<128x128xf32>
    %swap3A_1019 = vector.shape_cast %dot_general3A_1013 : vector<128x128xf32> to vector<128x1x128xf32>
    tpu.vector_store %arg5[%swap3A_1014, %swap3A_1015, %swap3A_1016], %swap3A_1019 {strides = array<i32>} : memref<128x35x128xf32, #tpu.memory_space<vmem>>, vector<128x1x128xf32>,
    %get3A_1020 = arith.constant 33 : index
    %get3A_1021 = arith.constant 0 : index
    %get3A_1022 = arith.constant 0 : index
    %get3A_1023 = vector.load %arg3[%get3A_1020, %get3A_1021, %get3A_1022] : memref<35x256x128xf32, #tpu.memory_space<vmem>>, vector<1x256x128xf32>
    %get3A_1024 = vector.shape_cast %get3A_1023 : vector<1x256x128xf32> to vector<256x128xf32>
    %get3A_1025 = arith.constant 0 : index
    %get3A_1026 = arith.constant 33 : index
    %get3A_1027 = arith.constant 0 : index
    %get3A_1028 = vector.load %arg1[%get3A_1025, %get3A_1026, %get3A_1027] : memref<128x35x256xf32, #tpu.memory_space<vmem>>, vector<128x1x256xf32>
    %get3A_1029 = vector.shape_cast %get3A_1028 : vector<128x1x256xf32> to vector<128x256xf32>
    %dot_general3A_1030 = arith.constant dense<0.000000e+00> : vector<128x128xf32>
    %dot_general3A_1031 = tpu.matmul %get3A_1029, %get3A_1024, %dot_general3A_1030 {dimension_numbers = #tpu.dot_dimension_numbers<[1], [0], [0], [1], [0, 0, 1, 1], [], []>, transpose_lhs_hint = false} : vector<128x256xf32>, vector<256x128xf32>, vector<128x128xf32> -> vector<128x128xf32>
    %swap3A_1032 = arith.constant 0 : index
    %swap3A_1033 = arith.constant 33 : index
    %swap3A_1034 = arith.constant 0 : index
    %swap3A_1035 = vector.load %arg4[%swap3A_1032, %swap3A_1033, %swap3A_1034] : memref<128x35x128xf32, #tpu.memory_space<vmem>>, vector<128x1x128xf32>
    %swap3A_1036 = vector.shape_cast %swap3A_1035 : vector<128x1x128xf32> to vector<128x128xf32>
    %swap3A_1037 = vector.shape_cast %dot_general3A_1031 : vector<128x128xf32> to vector<128x1x128xf32>
    tpu.vector_store %arg4[%swap3A_1032, %swap3A_1033, %swap3A_1034], %swap3A_1037 {strides = array<i32>} : memref<128x35x128xf32, #tpu.memory_space<vmem>>, vector<128x1x128xf32>,
    %get3A_1038 = arith.constant 0 : index
    %get3A_1039 = arith.constant 33 : index
    %get3A_1040 = arith.constant 0 : index
    %get3A_1041 = vector.load %arg2[%get3A_1038, %get3A_1039, %get3A_1040] : memref<128x35x256xf32, #tpu.memory_space<vmem>>, vector<128x1x256xf32>
    %get3A_1042 = vector.shape_cast %get3A_1041 : vector<128x1x256xf32> to vector<128x256xf32>
    %dot_general3A_1043 = arith.constant dense<0.000000e+00> : vector<128x128xf32>
    %dot_general3A_1044 = tpu.matmul %get3A_1042, %get3A_1024, %dot_general3A_1043 {dimension_numbers = #tpu.dot_dimension_numbers<[1], [0], [0], [1], [0, 0, 1, 1], [], []>, transpose_lhs_hint = false} : vector<128x256xf32>, vector<256x128xf32>, vector<128x128xf32> -> vector<128x128xf32>
    %swap3A_1045 = arith.constant 0 : index
    %swap3A_1046 = arith.constant 33 : index
    %swap3A_1047 = arith.constant 0 : index
    %swap3A_1048 = vector.load %arg5[%swap3A_1045, %swap3A_1046, %swap3A_1047] : memref<128x35x128xf32, #tpu.memory_space<vmem>>, vector<128x1x128xf32>
    %swap3A_1049 = vector.shape_cast %swap3A_1048 : vector<128x1x128xf32> to vector<128x128xf32>
    %swap3A_1050 = vector.shape_cast %dot_general3A_1044 : vector<128x128xf32> to vector<128x1x128xf32>
    tpu.vector_store %arg5[%swap3A_1045, %swap3A_1046, %swap3A_1047], %swap3A_1050 {strides = array<i32>} : memref<128x35x128xf32, #tpu.memory_space<vmem>>, vector<128x1x128xf32>,
    %get3A_1051 = arith.constant 34 : index
    %get3A_1052 = arith.constant 0 : index
    %get3A_1053 = arith.constant 0 : index
    %get3A_1054 = vector.load %arg3[%get3A_1051, %get3A_1052, %get3A_1053] : memref<35x256x128xf32, #tpu.memory_space<vmem>>, vector<1x256x128xf32>
    %get3A_1055 = vector.shape_cast %get3A_1054 : vector<1x256x128xf32> to vector<256x128xf32>
    %get3A_1056 = arith.constant 0 : index
    %get3A_1057 = arith.constant 34 : index
    %get3A_1058 = arith.constant 0 : index
    %get3A_1059 = vector.load %arg1[%get3A_1056, %get3A_1057, %get3A_1058] : memref<128x35x256xf32, #tpu.memory_space<vmem>>, vector<128x1x256xf32>
    %get3A_1060 = vector.shape_cast %get3A_1059 : vector<128x1x256xf32> to vector<128x256xf32>
    %dot_general3A_1061 = arith.constant dense<0.000000e+00> : vector<128x128xf32>
    %dot_general3A_1062 = tpu.matmul %get3A_1060, %get3A_1055, %dot_general3A_1061 {dimension_numbers = #tpu.dot_dimension_numbers<[1], [0], [0], [1], [0, 0, 1, 1], [], []>, transpose_lhs_hint = false} : vector<128x256xf32>, vector<256x128xf32>, vector<128x128xf32> -> vector<128x128xf32>
    %swap3A_1063 = arith.constant 0 : index
    %swap3A_1064 = arith.constant 34 : index
    %swap3A_1065 = arith.constant 0 : index
    %swap3A_1066 = vector.load %arg4[%swap3A_1063, %swap3A_1064, %swap3A_1065] : memref<128x35x128xf32, #tpu.memory_space<vmem>>, vector<128x1x128xf32>
    %swap3A_1067 = vector.shape_cast %swap3A_1066 : vector<128x1x128xf32> to vector<128x128xf32>
    %swap3A_1068 = vector.shape_cast %dot_general3A_1062 : vector<128x128xf32> to vector<128x1x128xf32>
    tpu.vector_store %arg4[%swap3A_1063, %swap3A_1064, %swap3A_1065], %swap3A_1068 {strides = array<i32>} : memref<128x35x128xf32, #tpu.memory_space<vmem>>, vector<128x1x128xf32>,
    %get3A_1069 = arith.constant 0 : index
    %get3A_1070 = arith.constant 34 : index
    %get3A_1071 = arith.constant 0 : index
    %get3A_1072 = vector.load %arg2[%get3A_1069, %get3A_1070, %get3A_1071] : memref<128x35x256xf32, #tpu.memory_space<vmem>>, vector<128x1x256xf32>
    %get3A_1073 = vector.shape_cast %get3A_1072 : vector<128x1x256xf32> to vector<128x256xf32>
    %dot_general3A_1074 = arith.constant dense<0.000000e+00> : vector<128x128xf32>
    %dot_general3A_1075 = tpu.matmul %get3A_1073, %get3A_1055, %dot_general3A_1074 {dimension_numbers = #tpu.dot_dimension_numbers<[1], [0], [0], [1], [0, 0, 1, 1], [], []>, transpose_lhs_hint = false} : vector<128x256xf32>, vector<256x128xf32>, vector<128x128xf32> -> vector<128x128xf32>
    %swap3A_1076 = arith.constant 0 : index
    %swap3A_1077 = arith.constant 34 : index
    %swap3A_1078 = arith.constant 0 : index
    %swap3A_1079 = vector.load %arg5[%swap3A_1076, %swap3A_1077, %swap3A_1078] : memref<128x35x128xf32, #tpu.memory_space<vmem>>, vector<128x1x128xf32>
    %swap3A_1080 = vector.shape_cast %swap3A_1079 : vector<128x1x128xf32> to vector<128x128xf32>
    %swap3A_1081 = vector.shape_cast %dot_general3A_1075 : vector<128x128xf32> to vector<128x1x128xf32>
    tpu.vector_store %arg5[%swap3A_1076, %swap3A_1077, %swap3A_1078], %swap3A_1081 {strides = array<i32>} : memref<128x35x128xf32, #tpu.memory_space<vmem>>, vector<128x1x128xf32>,
    return
  }
  func.func @transform_0(%arg0: i32) -> (i32, i32, i32) {
    %c0_i32 = arith.constant 0 : i32
    %c0_i32_0 = arith.constant 0 : i32
    %c0_i32_1 = arith.constant 0 : i32
    return %arg0, %c0_i32, %c0_i32_0 : i32, i32, i32
  }
  func.func @transform_1(%arg0: i32) -> (i32, i32, i32) {
    %c0_i32 = arith.constant 0 : i32
    %c0_i32_0 = arith.constant 0 : i32
    %c0_i32_1 = arith.constant 0 : i32
    return %arg0, %c0_i32, %c0_i32_0 : i32, i32, i32
  }
  func.func @transform_2(%arg0: i32) -> (i32, i32, i32) {
    %c0_i32 = arith.constant 0 : i32
    %c0_i32_0 = arith.constant 0 : i32
    %c0_i32_1 = arith.constant 0 : i32
    %c0_i32_2 = arith.constant 0 : i32
    return %c0_i32, %c0_i32_0, %c0_i32_1 : i32, i32, i32
  }
  func.func @transform_3(%arg0: i32) -> (i32, i32, i32) {
    %c0_i32 = arith.constant 0 : i32
    %c0_i32_0 = arith.constant 0 : i32
    %c0_i32_1 = arith.constant 0 : i32
    return %arg0, %c0_i32, %c0_i32_0 : i32, i32, i32
  }
  func.func @transform_4(%arg0: i32) -> (i32, i32, i32) {
    %c0_i32 = arith.constant 0 : i32
    %c0_i32_0 = arith.constant 0 : i32
    %c0_i32_1 = arith.constant 0 : i32
    return %arg0, %c0_i32, %c0_i32_0 : i32, i32, i32
  }
}

</mosaic_0001>

<sc_bundles>
// kernel: kernel.4.cloned.1.call-start
scs
__scs_entry_jumppad:
0x0: {  	(pc) =	sbr.rel $0x88, $3  }
0x1: {  	(tag) =	ssettag $0x0;
	lr =	simm.s32 $0x1  }
0x2: {  	[smem:$0x3F99] =	sst lr;
	_ =	strace $0xD0000000  }
0x3: {  	_ = 	snop  }
0x4: {  	_ = 	snop  }
0x5: {  	_ = 	snop  }
0x6: {  	_ = 	snop  }
0x7: {  	_ = 	snop  }
__scs_overlays_trampoline_lowered:
0x8: {  	[smem:$0x3FA8] =	sst s0  }
0x9: {  	[smem:$0x3FA9] =	sst s1  }
0xa: {  	[smem:$0x3FAA] =	sst s2  }
0xb: {  	[smem:$0x3FAB] =	sst s3  }
0xc: {  	[smem:$0x3FAC] =	sst s4  }
0xd: {  	[smem:$0x3FAD] =	sst s5  }
0xe: {  	[smem:$0x3FAE] =	sst s6  }
0xf: {  	[smem:$0x3FAF] =	sst s7  }
0x10: {  	[smem:$0x3FB0] =	sst s8  }
0x11: {  	[smem:$0x3FB1] =	sst s9;
	s0 =	simm.s32 @!p0 $0x0  }
0x12: {  	s1 =	sld [smem:$0x3F97];
	s0 =	simm.s32 @p0 $0x1  }
0x13: {  	[smem:$0x3FB2] =	sst s0;
	s0 =	simm.s32 @!p1 $0x0  }
0x14: {  	s2 =	sld [smem:$0x3F96];
	s0 =	simm.s32 @p1 $0x1  }
0x15: {  	[smem:$0x3FB3] =	sst s0;
	s0 =	simm.s32 @!p2 $0x0  }
0x16: {  	s3 =	sld [smem:$0x3FDB];
	s0 =	simm.s32 @p2 $0x1  }
0x17: {  	s4 =	simm.s32 $0x1BF5;
	[smem:$0x3FB5] =	sst s0  }
0x18: {  	s0 =	sld [smem:$0x3F98];
	_ =	swait.ge [sflag:s4], $0x0  }
0x19: {  	s7 =	sld [smem:$0x3F99]  }
0x1a: {  	s8 =	sadd.s32 $0xFFFFE003, lr  }
0x1b: {  	s9 =	sadd.s32 $0xFFFFFEF7, lr;
	s5 =	simm.s32 $0xFFFFFFFF;
	p2 =	slt.u32 s8, $0xFFFFF086  }
0x1c: {  	p1 =	slt.u32 s9, $0xF7A;
	s5 =	simm.s32 @!p2 $0x0  }
0x1d: {  	s5 =	simm.s32 @p1 $0x1;
	p0 =	seq.s32 s7, s2  }
0x1e: {  	s7 =	smul.u32 @!p0 $0xF7A, s2;
	p2 =	seq.s32 @!p0 s5, $0x0  }
0x1f: {  	s9 =	smul.u32 $0xF7A, s1;
	s8 =	simm.s32 @!p0 $0x1BF5;
	p2 =	por !p2, p0  }
0x20: {  	[sflag:s8] =	ssyncset.s32 @!p0 $0xFFFFF086;
	s6 =	sadd.s32 @!p0 s3, s7;
	s7 =	simm.s32 @!p0 $0x108  }
0x21: {  	s3 =	sadd.s32 s3, s9;
	s6 =	sadd.s32 @!p0 $0x88, s6;
	s7 =	simm.s32 @p2 $0x1082  }
0x22: {  	[simem:s7], [sflag:s8] =	dma.local @!p0 [hbm:s6], $0xF7A  }
0x23: {  	s9 =	sor.u32 $0xD0000000, s2;
	s6 =	simm.s32 $0x108;
	_ =	swait.ge @!p0 [sflag:s8], $0x0  }
0x24: {  	s3 =	sadd.s32 $0x88, s3;
	s6 =	simm.s32 @!p1 $0x1082;
	[sflag:s4] =	ssyncset.s32 $0xFFFFF086  }
0x25: {  	[simem:s6], [sflag:s4] =	dma.local [hbm:s3], $0xF7A  }
0x26: {  	[smem:$0x3F99] =	sst s1;
	(tag) =	ssettag s2;
	_ =	strace s9  }
0x27: {  	s1 =	sld [smem:$0x3FA9]  }
0x28: {  	s2 =	sld [smem:$0x3FAA]  }
0x29: {  	s4 =	sld [smem:$0x3FAC]  }
0x2a: {  	p0 =	seq.s32 s5, $0x0;
	s5 =	sld [smem:$0x3FAD]  }
0x2b: {  	s6 =	sld [smem:$0x3FAE]  }
0x2c: {  	s7 =	sld [smem:$0x3FAF]  }
0x2d: {  	s3 =	simm.s32 $0x108;
	s8 =	sld [smem:$0x3FB0]  }
0x2e: {  	s3 =	simm.s32 @!p0 $0x1082;
	s9 =	sld [smem:$0x3FB1]  }
0x2f: {  	lr =	sadd.s32 s0, s3;
	s0 =	sld [smem:$0x3FA8]  }
0x30: {  	s3 =	sld [smem:$0x3FAB]  }
0x31: {  	[smem:$0x3FB4] =	sst s10  }
0x32: {  	s10 =	sld [smem:$0x3FB2];
	_ =	sdelay $0x3  }
0x33: {  	p0 =	seq.s32 s10, $0x1;
	s10 =	sld [smem:$0x3FB4];
	_ =	sdelay $0x3  }
0x34: {  	[smem:$0x3FB4] =	sst s10  }
0x35: {  	s10 =	sld [smem:$0x3FB3];
	_ =	sdelay $0x3  }
0x36: {  	p1 =	seq.s32 s10, $0x1;
	s10 =	sld [smem:$0x3FB4];
	_ =	sdelay $0x3  }
0x37: {  	[smem:$0x3FB4] =	sst s10  }
0x38: {  	s10 =	sld [smem:$0x3FB5]  }
0x39: {  	_ = 	snop;
	(pc) =	sbr.ind lr, $3  }
0x3a: {  	_ = 	snop  }
0x3b: {  	_ = 	snop  }
0x3c: {  	p2 =	seq.s32 s10, $0x1;
	s10 =	sld [smem:$0x3FB4]  }
0x3d: {  	_ =	shalt  }
0x3e: {  	_ =	shalt  }
0x3f: {  	_ =	shalt  }
0x40: {  	_ =	shalt  }
0x41: {  	_ =	shalt  }
0x42: {  	_ =	shalt  }
0x43: {  	_ =	shalt  }
0x44: {  	_ =	shalt  }
0x45: {  	_ =	shalt  }
0x46: {  	_ =	shalt  }
0x47: {  	_ =	shalt  }
0x48: {  	_ =	shalt  }
0x49: {  	_ =	shalt  }
0x4a: {  	_ =	shalt  }
0x4b: {  	_ =	shalt  }
0x4c: {  	_ =	shalt  }
0x4d: {  	_ =	shalt  }
0x4e: {  	_ =	shalt  }
0x4f: {  	_ =	shalt  }
0x50: {  	_ =	shalt  }
0x51: {  	_ =	shalt  }
0x52: {  	_ =	shalt  }
0x53: {  	_ =	shalt  }
0x54: {  	_ =	shalt  }
0x55: {  	_ =	shalt  }
0x56: {  	_ =	shalt  }
0x57: {  	_ =	shalt  }
0x58: {  	_ =	shalt  }
0x59: {  	_ =	shalt  }
0x5a: {  	_ =	shalt  }
0x5b: {  	_ =	shalt  }
0x5c: {  	_ =	shalt  }
0x5d: {  	_ =	shalt  }
0x5e: {  	_ =	shalt  }
0x5f: {  	_ =	shalt  }
0x60: {  	_ =	shalt  }
0x61: {  	_ =	shalt  }
0x62: {  	_ =	shalt  }
0x63: {  	_ =	shalt  }
0x64: {  	_ =	shalt  }
0x65: {  	_ =	shalt  }
0x66: {  	_ =	shalt  }
0x67: {  	_ =	shalt  }
0x68: {  	_ =	shalt  }
0x69: {  	_ =	shalt  }
0x6a: {  	_ =	shalt  }
0x6b: {  	_ =	shalt  }
0x6c: {  	_ =	shalt  }
0x6d: {  	_ =	shalt  }
0x6e: {  	_ =	shalt  }
0x6f: {  	_ =	shalt  }
0x70: {  	_ =	shalt  }
0x71: {  	_ =	shalt  }
0x72: {  	_ =	shalt  }
0x73: {  	_ =	shalt  }
0x74: {  	_ =	shalt  }
0x75: {  	_ =	shalt  }
0x76: {  	_ =	shalt  }
0x77: {  	_ =	shalt  }
0x78: {  	_ =	shalt  }
0x79: {  	_ =	shalt  }
0x7a: {  	_ =	shalt  }
0x7b: {  	_ =	shalt  }
0x7c: {  	_ =	shalt  }
0x7d: {  	_ =	shalt  }
0x7e: {  	_ =	shalt  }
0x7f: {  	_ =	shalt  }
0x80: {  	_ =	shalt  }
0x81: {  	_ =	shalt  }
0x82: {  	_ =	shalt  }
0x83: {  	_ =	shalt  }
0x84: {  	_ =	shalt  }
0x85: {  	_ =	shalt  }
0x86: {  	_ =	shalt  }
0x87: {  	_ =	shalt  }
.Lfunc_end0:
.L_simem_size_0:
called_computation_lowered:
.L_overlay_start_0:
0x88: {  	s2 =	sld [smem:$0x3FD9]  }
0x89: {  	s3 =	sld [smem:$0x3FFE];
	_ =	sdelay $0x1  }
0x8a: {  	s1 =	srdreg.scid  }
0x8b: {  	s0 =	sand.u32 $0x1, s1  }
0x8c: {  	s14 =	sshll.u32 s0, $0xA;
	s2 =	sadd.s32 s3, s2  }
0x8d: {  	s2 =	sadd.s32 s2, s14  }
0x8e: {  	[smem:$0x3FC0] =	sst s2  }
0x8f: {  	_ = 	snop  }
0x90: {  	s2 =	sld [smem:$0x3FD0];
	_ =	sdelay $0x2  }
0x91: {  	s4 =	simm.s32 $0xA;
	s5 =	simm.s32 $0x10;
	s15 =	sld [smem:$0x3FC3]  }
0x92: {  	[smem:s5], [sflag:s4] =	dma.local [hbm:s2], $0x1  }
0x93: {  	_ =	swait.eq [sflag:s4], $0x1  }
0x94: {  	[sflag:s4] =	ssyncset.done $0x0  }
0x95: {  	[sflag:s4] =	ssyncadd.s32 $0xFFFFFFFF  }
0x96: {  	s16 =	sld [smem:$0x12];
	(tm) =	ssettm $0x1  }
0x97: {  	s17 =	sld [smem:$0x3FFB];
	_ =	sdelay $0x3  }
0x98: {  	_ =	strace s17  }
0x99: {  	s4 =	sld [smem:$0x3FFC];
	_ =	sdelay $0x3  }
0x9a: {  	_ =	strace s4  }
0x9b: {  	s4 =	sld [smem:$0x3FFD];
	_ =	sdelay $0x3  }
0x9c: {  	_ =	strace s4  }
0x9d: {  	_ =	strace $0x8FFFFFFF  }
0x9e: {  	s18 =	sld [smem:$0x3FDB];
	_ =	sdelay $0x1  }
0x9f: {  	s19 =	simm.s32 $_scs_section_size  }
0xa0: {  	s6 =	simm.s32 $_size__tile_overlayer_lowered;
	s7 =	simm.s32 $_tile_overlayer_lowered  }
0xa1: {  	s22 =	simm.s32 $0x1BFF;
	s21 =	sshll.u32 s7, $0x1;
	s4 =	sadd.s32 s19, s18  }
0xa2: {  	s8 =	simm.s32 $0x0;
	s20 =	sshll.u32 s6, $0x1;
	s6 =	sadd.s32 s21, s4  }
0xa3: {  	[timem:s8], [sflag:s22] =	dma.local [hbm:s6], s20  }
0xa4: {  	_ =	swait.ge [sflag:s22], s20  }
0xa5: {  	s5 =	ssub.s32 $0x0, s20;
	[sflag:s22] =	ssyncset.done $0x0  }
0xa6: {  	[sflag:s22] =	ssyncadd.s32 s5;
	_ =	sdelay $0x1  }
0xa7: {  	s23 =	simm.s32 $0x1B8B  }
0xa8: {  	_ =	swait.ge [sflag:s23], $0x1  }
0xa9: {  	[sflag:s23] =	ssyncset.done $0x0  }
0xaa: {  	s25 =	simm.s32 $0x1B8E;
	s24 =	sld [smem:$0x3FFE];
	[sflag:s23] =	ssyncadd.s32 $0xFFFFFFFF  }
0xab: {  	s26 =	simm.s32 $execute0_lowered;
	[smem:$0x3FD2] =	sst s25  }
0xac: {  	s6 =	sshll.u32 s26, $0x1;
	_ =	strace $0x80000046;
	[dreg:$0x1] =	wrdreg $0xFFFFFFFF  }
0xad: {  	s28 =	simm.s32 $_size_execute0_lowered;
	s4 =	sadd.s32 s4, s6;
	[dreg:$0x0] =	wrdreg $0x0  }
0xae: {  	s6 =	sshll.u32 s28, $0x1;
	[dreg:$0x2] =	wrdreg s4  }
0xaf: {  	[dreg:$0x3] =	wrdreg s6  }
0xb0: {  	[dreg:$0x4] =	wrdreg $0xC0  }
0xb1: {  	_ =	task [dreg:s8], $0x5FFFF  }
0xb2: {  	[dreg:$0x1] =	wrdreg $0xFFFFFFFF  }
0xb3: {  	[dreg:$0x0] =	wrdreg $0x60  }
0xb4: {  	[dreg:$0x2] =	wrdreg s24  }
0xb5: {  	[dreg:$0x3] =	wrdreg s15  }
0xb6: {  	[dreg:$0x4] =	wrdreg s16  }
0xb7: {  	[dreg:$0x5] =	wrdreg $0x1B3800  }
0xb8: {  	[dreg:$0x6] =	wrdreg $0x9  }
0xb9: {  	_ =	task.clear_ibuf [dreg:s8], $0x7FFFF;
	_ =	strace $0x90000046  }
0xba: {  	s29 =	simm.s32 $0x9;
	_ =	strace $0x80000048  }
0xbb: {  	_ =	swait.ge [sflag:s29], $0x1  }
0xbc: {  	[sflag:s29] =	ssyncadd.s32 $0xFFFFFFFF  }
0xbd: {  	_ =	strace $0x90000048  }
0xbe: {  	_ =	sfence  }
0xbf: {  	s30 =	sld [smem:$0x0];
	_ =	sdelay $0x2  }
0xc0: {  	s31 =	sshll.u32 s1, $0xD;
	s1 =	sshrl.u32 s1, $0x2  }
0xc1: {  	s3 =	sand.u32 $0x4000, s31;
	s1 =	sadd.s32 s1, s30  }
0xc2: {  	s0 =	sor.u32 s3, s0;
	s1 =	sshll.u32 s1, $0x11  }
0xc3: {  	s0 =	sor.u32 s1, s0  }
0xc4: {  	s0 =	sadd.s32 $0x8F2B, s0  }
0xc5: {  	[sflag:s0] =	ssyncadd.remote.s32 $0x1  }
0xc6: {  	_ =	sfence.sel $0xFFFF  }
0xc7: {  	[dreg:$0x0] =	wrdreg $0xFFFFFFFF;
	(pc) =	sbr.abs _section_cstart, $3  }
0xc8: {  	[dreg:$0x1] =	wrdreg $0xFFFFFFFF  }
0xc9: {  	_ =	task.clear_ibuf [dreg:s8], $0x2FFFF;
	_ =	strace $0x9FFFFFFF  }
0xca: {  	(tm) =	ssettm $0x7FFFFFFF  }
0xcb: {  	_ =	shalt  }
tec
execute0_lowered:
.L_overlay_start_1:
0x0: {  	(tag) =	ssettag $0x1  }
0x1: {  	s0 =	rddreg [dreg:$0x0];
	s1 =	srdreg.scid  }
0x2: {  	s2 =	stileid.u32;
	s9 =	rddreg [dreg:$0x3]  }
0x3: {  	s11 =	simm.s32 $0x0;
	s1 =	sand.u32 $0x1, s1;
	s3 =	sshll.u32 s2, $0x1  }
0x4: {  	[smem:$0x7FF] =	sst s11;
	s12 =	sadd.s32 $0x2600, s0;
	s5 =	sadd.s32 $0xA400, s0  }
0x5: {  	s8 =	smul.u32 $0x3E80, s2;
	s3 =	sor.u32 s1, s3;
	_ =	strace $0x80000047  }
0x6: {  	[dreg:$0xd] =	wrdreg s5;
	s23 =	ssub.s32 $0x2, s1;
	s1 =	smul.u32 $0x1F40, s1  }
0x7: {  	s13 =	sadd.s32 $0xE400, s0;
	[dreg:$0xc] =	wrdreg s12;
	s10 =	smul.u32 $0x1F40, s3  }
0x8: {  	[dreg:$0xe] =	wrdreg s13  }
0x9: {  	s6 =	sshrl.u32 s23, $0x1;
	s30 =	sadd.s32 s1, s8;
	[dreg:$0xa] =	wrdreg s10  }
0xa: {  	s5 =	ssub.s32 s23, s6;
	s28 =	sadd.s32 $0xC8, s10;
	[dreg:$0x14] =	wrdreg s30  }
0xb: {  	s4 =	sshrl.u32 s10, $0x3;
	s29 =	smax.u32 s5, $0x1;
	[dreg:$0x12] =	wrdreg s28  }
0xc: {  	s7 =	sadd.s32 $0xFFFCE000, s10;
	s1 =	sadd.s32 $0xC8, s30;
	[dreg:$0x13] =	wrdreg s29  }
0xd: {  	v0 =	vlaneseq.u32;
	s31 =	sadd.s32 $0x190, s30;
	s4 =	sadd.s32 s4, s0;
	[dreg:$0x15] =	wrdreg s1  }
0xe: {  	v2 =	vimm.s32 $0xECA86420;
	vm0 =	vcmask $0xB08;
	vm1 =	vcmask $0x1310;
	s24 =	sshrl.u32 s7, $0x3;
	s0 =	sadd.s32 $0xA1A8, s0;
	[dreg:$0x16] =	wrdreg s31  }
.Ltmp0:
0xf: {  	vm2 =	vcmask $0x1B18;
	vm4 =	vcmask $0x300;
	vm5 =	vcmask $0x2320;
	[dreg:$0xf] =	wrdreg s0;
	s25 =	sadd.s32 $0x4000, s4;
	(pc) =	sbr.rel .LBB2_1-.Ltmp0, $4  }
0x10: {  	vm6 =	vcmask $0x2B28;
	vm7 =	vcmask $0x3330;
	vm10 =	vcmask $0x3B38;
	p0 =	sne.s32 s2, $0x0;
	s26 =	sadd.s32 s12, s24;
	[dreg:$0x10] =	wrdreg s25  }
0x11: {  	vm8 =	vmmov $0xff;
	vm9 =	vcmask $0x704;
	v2 =	vunpack.c.l.s4.s8 v2;
	p1 =	sgt.u32 s3, $0x18;
	s0 =	sadd.s32 $0x258, s30;
	[dreg:$0x11] =	wrdreg s26  }
0x12: {  	vm14 =	vcmask $0x2724;
	vm15 =	vcmask $0x2F2C;
	vm3 =	vcmask $0x3734;
	p2 =	sne.s32 @p1 s3, $0x19;
	[dreg:$0x17] =	wrdreg s0;
	s0 =	sshrl.u32 @!p0 s9, $0x3  }
0x13: {  	p3 =	slt.u32 s2, $0xD;
	v1 =	vor.u32 $0xFFFCE000, v0;
	v3 =	vmul.u32 $0x2, v0;
	v2 =	vunpack.c.0.s8.s32 v2;
	p2 =	por p2, !p1;
	[dreg:$0x18] =	wrdreg s0  }
.LBB2_16:
0x14: {  	s1 =	simm.s32 $0x6  }
0x15: {  	_ =	swait.ge [sflag:s1], $0x6400  }
0x16: {  	s11 =	rddreg [dreg:$0xb]  }
0x17: {  	s0 =	rddreg [dreg:$0x13];
	s11 =	sadd.s32 $0x1, s11  }
0x18: {  	p4 =	sne.s32 s11, s0  }
.Ltmp1:
0x19: {  	_ = 	snop;
	(pc) =	sbr.rel @!p4 .LBB2_17-.Ltmp1, $3  }
0x1a: {  	_ =	sdelay $0x1  }
0x1b: {  	[sflag:s1] =	ssyncset.done $0x0  }
0x1c: {  	[sflag:s1] =	ssyncadd.s32 $0xFFFF9C00  }
.LBB2_1:
0x1d: {  	[dreg:$0xb] =	wrdreg s11  }
0x1e: {  	s1 =	rddreg [dreg:$0xd]  }
0x1f: {  	s0 =	simm.s32 @!p0 $0x1C07;
	s2 =	rddreg [dreg:$0x18]  }
0x20: {  	[spmem:s2], [sflag:s0] =	dma.local @!p0 [hbm:s1], $0x3E80  }
0x21: {  	s0 =	simm.s32 @!p0 $0x7  }
0x22: {  	_ =	swait.ge @!p0 [sflag:s0], $0x3E80  }
0x23: {  	[sflag:s0] =	ssyncset.done @!p0 $0x0  }
0x24: {  	[sflag:s0] =	ssyncadd.s32 @!p0 $0xFFFFC180  }
0x25: {  	[bflag:$0x0] =	sbarrier.arrive $0xFFFF  }
0x26: {  	s0 =	simm.s32 @!p2 $0x0;
	s1 =	rddreg [dreg:$0xf]  }
0x27: {  	[tilespmem:s0], [sflag:$0x7] =	stream.linear.gather @!p2 [hbm4b:s1+s0], $0x12C0, $0x38;
	[tilespmem:$0x1D2C0] =	vst v63  }
0x28: {  	s1 =	simm.s32 @!p2 $0x7  }
0x29: {  	_ =	swait.ge @!p2 [sflag:s1], $0x12C0  }
0x2a: {  	[sflag:s1] =	ssyncset.done @!p2 $0x0  }
0x2b: {  	s2 =	simm.s32 @!p2 $0x12C0;
	s3 =	rddreg [dreg:$0xc];
	[sflag:s1] =	ssyncadd.s32 @!p2 $0xFFFFED40  }
0x2c: {  	[tilespmem:s2], [sflag:$0x7] =	stream.linear.gather @!p2 [hbm4b:s3+s0], $0xC80, $0x38;
	[tilespmem:$0x1D2C0] =	vst v63  }
0x2d: {  	_ =	swait.ge @!p2 [sflag:s1], $0xC80  }
0x2e: {  	[sflag:s1] =	ssyncset.done @!p2 $0x0  }
0x2f: {  	s0 =	simm.s32 @!p1 $0x0;
	[sflag:s1] =	ssyncadd.s32 @!p2 $0xFFFFF380;
	s1 =	rddreg [dreg:$0x10]  }
0x30: {  	[tilespmem:s0], [sflag:$0x7] =	stream.linear.gather @!p1 [hbm4b:s1+s0], $0x1F40, $0x38;
	[tilespmem:$0x1D2C0] =	vst v63  }
0x31: {  	s0 =	simm.s32 @!p1 $0x7  }
0x32: {  	_ =	swait.ge @!p1 [sflag:s0], $0x1F40  }
0x33: {  	[sflag:s0] =	ssyncset.done @!p1 $0x0  }
0x34: {  	s1 =	rddreg [dreg:$0x11];
	[sflag:s0] =	ssyncadd.s32 @!p1 $0xFFFFE0C0;
	s0 =	simm.s32 @!p3 $0x0  }
0x35: {  	[tilespmem:s0], [sflag:$0x7] =	stream.linear.gather @!p3 [hbm4b:s1+s0], $0x1F40, $0x38;
	[tilespmem:$0x1D2C0] =	vst v63  }
0x36: {  	s0 =	simm.s32 @!p3 $0x7  }
0x37: {  	_ =	swait.ge @!p3 [sflag:s0], $0x1F40  }
0x38: {  	s5 =	rddreg [dreg:$0x14]  }
0x39: {  	v4 =	vadd.s32 s5, v1  }
0x3a: {  	(v2sf) =	vpush v4, $0x0  }
0x3b: {  	(v2sf) =	vpush v4, $0x7;
	_ =	sdelay $0x1  }
0x3c: {  	(v2sf) =	vpush v4, $0x1  }
0x3d: {  	(v2sf) =	vpush v4, $0x2;
	_ =	sdelay $0x1  }
0x3e: {  	(v2sf) =	vpush v4, $0x3;
	_ =	sdelay $0x1  }
0x3f: {  	(v2sf) =	vpush v4, $0x4;
	_ =	sdelay $0x2  }
0x40: {  	(v2sf) =	vpush v4, $0xC  }
0x41: {  	[sflag:s0] =	ssyncset.done @!p3 $0x0  }
0x42: {  	s20 =	simm.s32 $0x0;
	[sflag:s0] =	ssyncadd.s32 @!p3 $0xFFFFE0C0;
	(v2sf) =	vpush v4, $0x8  }
0x43: {  	v5 =	vld [tilespmem:s20+$0x0]  }
0x44: {  	(v2sf) =	vpush v4, $0xE;
	s17 =	spop (v2sf)  }
0x45: {  	s0 =	smulhi.u32 $0x51EB851F, s17;
	s18 =	spop (v2sf)  }
0x46: {  	s19 =	sshra.s32 s18, $0x1F;
	s2 =	smulhi.u32 $0x51EB851F, s18  }
0x47: {  	(v2sf) =	vpush v4, $0xD;
	s4 =	spop (v2sf);
	s3 =	smul.u32 $0x51EB851F, s19  }
0x48: {  	s26 =	simm.s32 $0x10;
	v5 =	vtrunc.f32 v5;
	s21 =	spop (v2sf);
	s7 =	smulhi.u32 $0x51EB851F, s4  }
0x49: {  	s31 =	simm.s32 $0x80;
	v5 =	vcvt.f32.s32 v5;
	s4 =	sshra.s32 s4, $0x1F;
	s1 =	smulhi.u32 $0x51EB851F, s21  }
0x4a: {  	s8 =	sshra.s32 s21, $0x1F;
	s9 =	spop (v2sf);
	s4 =	smul.u32 $0x51EB851F, s4  }
0x4b: {  	s23 =	sadd.s32 $0x10, s5;
	v6 =	vand.u32 $0xFFFFF, v5;
	s10 =	sshra.s32 s9, $0x1F;
	s8 =	smul.u32 $0x51EB851F, s8  }
0x4c: {  	[tilespmem:s20+$0x1F80] =	vst v6;
	s20 =	simm.s32 $0x10;
	(v2sf) =	vpush v4, $0x9;
	s22 =	spop (v2sf);
	s10 =	smul.u32 $0x51EB851F, s10  }
0x4d: {  	(v2sf) =	vpush v4, $0xA;
	s21 =	sadd.s32 s3, s2;
	s3 =	sadd.s32 s4, s7;
	s4 =	smulhi.u32 $0x51EB851F, s9  }
0x4e: {  	s6 =	sshra.s32 s17, $0x1F;
	s12 =	sshra.s32 s22, $0x1F;
	s11 =	smulhi.u32 $0x51EB851F, s22  }
0x4f: {  	s19 =	simm.s32 $0x0;
	s13 =	spop (v2sf);
	s12 =	smul.u32 $0x51EB851F, s12  }
0x50: {  	[dreg:$0x6] =	wrdreg s19;
	(v2sf) =	vpush v4, $0xB;
	s15 =	sshra.s32 s13, $0x1F;
	s13 =	smulhi.u32 $0x51EB851F, s13  }
0x51: {  	s16 =	sshra.s32 s21, $0x1F;
	s14 =	spop (v2sf);
	s15 =	smul.u32 $0x51EB851F, s15  }
0x52: {  	s7 =	sadd.s32 s8, s1;
	s9 =	sadd.s32 s10, s4;
	s4 =	smul.u32 $0x51EB851F, s6  }
0x53: {  	v7 =	vor.u32 s5, v0;
	s24 =	sshra.s32 s14, $0x1F;
	s17 =	spop (v2sf);
	s14 =	smulhi.u32 $0x51EB851F, s14  }
0x54: {  	v6 =	vmulhi.u32 $0x51EB851F, v7;
	s1 =	sshrl.u32 s7, $0x1F;
	s29 =	sshra.s32 s7, $0x4;
	s18 =	smul.u32 $0x51EB851F, s24  }
0x55: {  	v8 =	vld [tilespmem:s26+$0x0];
	s26 =	sshra.s32 s7, $0x1F;
	s2 =	sshra.s32 s17, $0x1F;
	s8 =	smulhi.u32 $0x51EB851F, s17  }
0x56: {  	v6 =	vshrl.u32 v6, $0x6;
	s17 =	spop (v2sf);
	s24 =	sshrl.u32 s3, $0x1F;
	s12 =	sadd.s32 s12, s11  }
0x57: {  	v9 =	vmul.u32 $0xC8, v6;
	s28 =	sshrl.u32 s9, $0x1F;
	s19 =	sshra.s32 s17, $0x1F;
	s17 =	smulhi.u32 $0x51EB851F, s17  }
0x58: {  	s6 =	sadd.s32 s15, s13;
	s7 =	sadd.s32 s4, s0;
	s19 =	smul.u32 $0x51EB851F, s19  }
0x59: {  	v7 =	vsub.s32 v7, v9;
	v9 =	vmov s16;
	s2 =	smul.u32 $0x51EB851F, s2;
	s16 =	sadd.s32 s18, s14;
	s14 =	sshra.s32 s7, $0x4  }
0x5a: {  	v10 =	vor.u32 s23, v0;
	s30 =	sshra.s32 s12, $0x1F;
	s18 =	sshra.s32 s7, $0x1F;
	v9 =	vsel vm4, s14, v9;
	s14 =	sadd.s32 s19, s17  }
0x5b: {  	v11 =	vmulhi.u32 $0x51EB851F, v10;
	v16 =	vsel vm9, s18, v9;
	s19 =	sshrl.u32 s16, $0x1F;
	s18 =	sshra.s32 s16, $0x4;
	s25 =	spop (v2sf)  }
0x5c: {  	vm11 =	vcmask $0xF0C;
	vm12 =	vcmask $0x1714;
	s22 =	sshra.s32 s25, $0x1F;
	s25 =	smulhi.u32 $0x51EB851F, s25;
	s10 =	spop (v2sf)  }
0x5d: {  	vm13 =	vcmask $0x1F1C;
	v14 =	vshrl.u32 v11, $0x6;
	v11 =	vadd.s32 s23, v1;
	s13 =	smul.u32 $0x51EB851F, s22;
	s22 =	sshrl.u32 s6, $0x1F;
	s6 =	sshra.s32 s6, $0x4  }
0x5e: {  	v14 =	vmul.u32 $0xC8, v14;
	v8 =	vtrunc.f32 v8;
	(v2sf) =	vpush v4, $0xF;
	s15 =	smulhi.u32 $0x51EB851F, s10;
	s11 =	sshra.s32 s10, $0x1F;
	s10 =	sadd.s32 s2, s8  }
0x5f: {  	v8 =	vcvt.f32.s32 v8;
	s2 =	sshra.s32 s3, $0x1F;
	v12 =	vmov s22;
	s22 =	sshrl.u32 s7, $0x1F;
	s8 =	spop (v2sf);
	(v2sf) =	vpush v4, $0x5  }
0x60: {  	v10 =	vsub.s32 v10, v14;
	v5 =	vshrl.u32 v5, $0x14;
	s7 =	sshra.s32 s12, $0x4;
	s3 =	sshra.s32 s3, $0x4;
	s4 =	sadd.s32 s13, s25;
	(v2sf) =	vpush v4, $0x6  }
0x61: {  	v6 =	vmov s5;
	v9 =	vand.u32 $0xFFFFF, v8;
	s25 =	sshrl.u32 s12, $0x1F;
	s5 =	smul.u32 $0x51EB851F, s11;
	s11 =	sshra.s32 s10, $0x4;
	(v2sf) =	vpush v11, $0x0  }
0x62: {  	v14 =	vmov s19;
	v15 =	vmov s22;
	s13 =	sshra.s32 s9, $0x1F;
	s22 =	simm.s32 $0x10;
	s19 =	sshra.s32 s4, $0x4;
	(v2sf) =	vpush v11, $0x7  }
0x63: {  	v8 =	vshrl.u32 v8, $0x14;
	v13 =	vmov s6;
	s0 =	smulhi.u32 $0x51EB851F, s8;
	s6 =	sadd.s32 s5, s15;
	s8 =	sshra.s32 s8, $0x1F;
	(v2sf) =	vpush v11, $0x1  }
0x64: {  	[tilespmem:s20+$0x1F80] =	vst v9;
	v9 =	vmov s23;
	v16 =	vsel vm0, s3, v16;
	[dreg:$0x7] =	wrdreg s22;
	s22 =	sshra.s32 s6, $0x4;
	s15 =	smul.u32 $0x51EB851F, s8;
	(v2sf) =	vpush v11, $0x2  }
.LBB2_2:
0x65: {  	_ =	sdelay $0x2  }
0x66: {  	s5 =	rddreg [dreg:$0x6]  }
0x67: {  	s3 =	sshra.s32 s14, $0x4;
	s8 =	sshra.s32 s9, $0x4;
	s16 =	rddreg [dreg:$0x7]  }
0x68: {  	v17 =	vmov s18;
	s18 =	smov.u32 s31;
	s4 =	sshrl.u32 s4, $0x1F;
	s6 =	sshrl.u32 s6, $0x1F  }
0x69: {  	p4 =	sne.s32 s31, $0x300;
	s23 =	sadd.s32 $0x10, s23;
	s12 =	smov.u32 s5  }
0x6a: {  	v15 =	vnsel vm4, $0x0, v15;
	s17 =	smov.u32 s16;
	s5 =	sshra.s32 s31, $0x2;
	s0 =	sadd.s32 s15, s0  }
0x6b: {  	(v2sf) =	vpush v11, $0x3;
	v16 =	vsel vm11, s2, v16;
	v15 =	vsel vm0, s24, v15;
	[dreg:$0x6] =	wrdreg s17;
	s24 =	sshrl.u32 s0, $0x1F;
	s9 =	spop (v2sf)  }
0x6c: {  	v16 =	vsel vm1, s29, v16;
	s0 =	sshra.s32 s0, $0x4;
	s16 =	sshra.s32 s9, $0x1F;
	s9 =	smulhi.u32 $0x51EB851F, s9  }
0x6d: {  	v17 =	vsel vm0, s19, v17;
	v16 =	vsel vm12, s26, v16;
	s26 =	sshrl.u32 s14, $0x1F;
	s20 =	spop (v2sf);
	s19 =	smul.u32 $0x51EB851F, s16  }
0x6e: {  	v18 =	vld [tilespmem:s5+$0x0];
	v17 =	vsel vm1, s22, v17;
	[dreg:$0x7] =	wrdreg s5;
	(v2sf) =	vpush v11, $0x4;
	s22 =	smulhi.u32 $0x51EB851F, s20;
	s2 =	sshra.s32 s20, $0x1F  }
0x6f: {  	v13 =	vsel vm0, s3, v13;
	v14 =	vsel vm0, s4, v14;
	s14 =	sshrl.u32 s10, $0x1F;
	v16 =	vsel vm2, s8, v16;
	s8 =	spop (v2sf);
	s2 =	smul.u32 $0x51EB851F, s2  }
0x70: {  	v14 =	vsel vm1, s6, v14;
	v13 =	vsel vm1, s11, v13;
	(v2sf) =	vpush v11, $0xC;
	s16 =	sshrl.u32 s21, $0x1F;
	s11 =	smulhi.u32 $0x51EB851F, s8;
	s6 =	sshra.s32 s8, $0x1F  }
0x71: {  	v15 =	vsel vm1, s1, v15;
	s20 =	spop (v2sf);
	s3 =	sadd.s32 s19, s9;
	s15 =	smul.u32 $0x51EB851F, s6  }
0x72: {  	v17 =	vsel vm2, s0, v17;
	v14 =	vsel vm2, s24, v14;
	(v2sf) =	vpush v11, $0x8;
	s0 =	smulhi.u32 $0x51EB851F, s20;
	s24 =	spop (v2sf);
	s1 =	sadd.s32 s2, s22  }
0x73: {  	v12 =	vsel vm0, s26, v12;
	v18 =	vtrunc.f32 v18;
	(v2sf) =	vpush v11, $0xE;
	s17 =	sshra.s32 s3, $0x4;
	s3 =	sshrl.u32 s3, $0x1F;
	s2 =	sshra.s32 s20, $0x1F  }
0x74: {  	v16 =	vsel vm13, s13, v16;
	v18 =	vcvt.f32.s32 v18;
	(v2sf) =	vpush v11, $0xD;
	s26 =	spop (v2sf);
	s9 =	sshra.s32 s24, $0x1F;
	s18 =	sshra.s32 s1, $0x4  }
0x75: {  	v15 =	vsel vm2, s28, v15;
	v16 =	vsel vm5, s7, v16;
	(v2sf) =	vpush v11, $0x9;
	s4 =	sadd.s32 s15, s11;
	s19 =	sshra.s32 s1, $0x1F;
	s8 =	smul.u32 $0x51EB851F, s9  }
0x76: {  	v12 =	vsel vm1, s14, v12;
	v16 =	vsel vm14, s30, v16;
	v19 =	vand.u32 $0xFFFFF, v18;
	s1 =	sshrl.u32 s1, $0x1F;
	s13 =	spop (v2sf);
	s2 =	smul.u32 $0x51EB851F, s2  }
0x77: {  	v15 =	vsel vm5, s25, v15;
	[tilespmem:s5+$0x1F80] =	vst v19;
	v13 =	vsel vm2, s17, v13;
	s5 =	sshra.s32 s26, $0x1F;
	s17 =	sshra.s32 s21, $0x4;
	v16 =	vsel vm6, s18, v16;
	s9 =	smulhi.u32 $0x51EB851F, s13  }
0x78: {  	(v2sf) =	vpush v11, $0xA;
	v15 =	vsel vm6, s1, v15;
	s25 =	sshrl.u32 s4, $0x1F;
	s14 =	sshra.s32 s13, $0x1F;
	v16 =	vsel vm15, s19, v16;
	s19 =	smulhi.u32 $0x51EB851F, s26  }
0x79: {  	v12 =	vsel vm2, s3, v12;
	s3 =	sadd.s32 $0x40, s31;
	s22 =	sshra.s32 s4, $0x1F;
	v15 =	vsel vm7, s25, v15;
	s1 =	smul.u32 $0x51EB851F, s14  }
0x7a: {  	s4 =	sshra.s32 s4, $0x4;
	s18 =	spop (v2sf);
	v15 =	vsel vm10, s16, v15;
	s16 =	smulhi.u32 $0x51EB851F, s24  }
0x7b: {  	v13 =	vcombine.low v17, v13;
	v12 =	vcombine.low v14, v12;
	s20 =	sshra.s32 s18, $0x1F;
	s31 =	sadd.s32 s2, s0;
	v16 =	vsel vm7, s4, v16;
	s24 =	smul.u32 $0x51EB851F, s5  }
0x7c: {  	s11 =	smul.u32 $0x51EB851F, s20;
	v14 =	vsel vm3, s22, v16;
	s20 =	sadd.s32 s1, s9;
	s21 =	sadd.s32 s8, s16  }
0x7d: {  	v13 =	vperm.xlane v13, v2;
	v12 =	vperm.xlane v12, v2;
	v14 =	vsel vm10, s17, v14;
	s6 =	sadd.s32 s24, s19;
	s1 =	sshrl.u32 s20, $0x1F;
	s7 =	spop (v2sf)  }
0x7e: {  	v15 =	vperm.xlane v15, v3;
	s29 =	sshra.s32 s20, $0x4;
	v14 =	vperm.xlane v14, v3;
	s22 =	sshra.s32 s7, $0x1F;
	s7 =	smulhi.u32 $0x51EB851F, s7  }
0x7f: {  	s15 =	sshra.s32 s21, $0x1F;
	(v2sf) =	vpush v11, $0xB;
	s25 =	spop (v2sf);
	s10 =	smul.u32 $0x51EB851F, s22  }
0x80: {  	v12 =	vsel vm8, v15, v12;
	s24 =	sshrl.u32 s6, $0x1F;
	v13 =	vsel vm8, v14, v13;
	s26 =	sshra.s32 s25, $0x1F;
	s16 =	smulhi.u32 $0x51EB851F, s25  }
0x81: {  	s2 =	sshra.s32 s6, $0x1F;
	v12 =	vadd.s32 v12, v13;
	s4 =	spop (v2sf);
	s19 =	smul.u32 $0x51EB851F, s26  }
0x82: {  	v12 =	vmul.u32 $0x32, v12;
	s17 =	sshra.s32 s4, $0x1F;
	s5 =	spop (v2sf);
	s26 =	smulhi.u32 $0x51EB851F, s18  }
0x83: {  	v13 =	vmul.u32 $0x32, v5;
	s22 =	sshra.s32 s5, $0x1F;
	s14 =	smul.u32 $0x51EB851F, s17;
	s8 =	spop (v2sf)  }
0x84: {  	v14 =	vmul.u32 $0xC8, v5;
	v12 =	vsub.s32 v4, v12;
	s13 =	smulhi.u32 $0x51EB851F, s5;
	s17 =	sshra.s32 s8, $0x1F;
	s5 =	spop (v2sf)  }
0x85: {  	vm9 =	vlt.u32 v6, $0x32000;
	v12 =	vadd.s32 v13, v12;
	s9 =	sadd.s32 s11, s26;
	s26 =	sshra.s32 s20, $0x1F;
	s25 =	smul.u32 $0x51EB851F, s22  }
0x86: {  	v4 =	vmovc v11;
	v11 =	vadd.s32 v7, v14;
	v14 =	vmov s15;
	v12 =	vadd.s32 $0x320, v12;
	s15 =	sadd.s32 s19, s16;
	s20 =	sadd.s32 s10, s7;
	s8 =	smulhi.u32 $0x51EB851F, s8  }
0x87: {  	v11 =	vsel vm9, v11, v12;
	s28 =	sshra.s32 s5, $0x1F;
	s19 =	spop (v2sf);
	s17 =	smul.u32 $0x51EB851F, s17  }
0x88: {  	v7 =	vmov v10;
	v10 =	vor.u32 s23, v0;
	s16 =	sshrl.u32 s15, $0x1F;
	s11 =	sshra.s32 s15, $0x4;
	[tilespmem:s12+$0x2080] =	vst v11;
	s12 =	smulhi.u32 $0x51EB851F, s5  }
0x89: {  	v13 =	vmulhi.u32 $0x51EB851F, v10;
	s7 =	sshra.s32 s20, $0x4;
	s30 =	sshra.s32 s20, $0x1F;
	s18 =	smul.u32 $0x51EB851F, s28  }
0x8a: {  	v12 =	vmov s16;
	s16 =	smulhi.u32 $0x51EB851F, s19;
	s5 =	sshra.s32 s19, $0x1F;
	s28 =	sshrl.u32 s9, $0x1F  }
0x8b: {  	v11 =	vshrl.u32 v13, $0x6;
	s10 =	sadd.s32 s25, s13;
	s25 =	sshrl.u32 s20, $0x1F;
	s22 =	smul.u32 $0x51EB851F, s5  }
0x8c: {  	(v2sf) =	vpush v4, $0xF;
	s13 =	sshra.s32 s9, $0x1F;
	s20 =	sshrl.u32 s31, $0x1F;
	v11 =	vmul.u32 $0xC8, v11;
	s5 =	smulhi.u32 $0x51EB851F, s4  }
0x8d: {  	(v2sf) =	vpush v4, $0x5;
	v13 =	vmov s11;
	s11 =	sshra.s32 s10, $0x4;
	v15 =	vmov s20;
	s20 =	sshra.s32 s6, $0x4;
	s4 =	sadd.s32 s18, s12  }
.Ltmp2:
0x8e: {  	v10 =	vsub.s32 v10, v11;
	v11 =	vadd.s32 s23, v1;
	s5 =	sadd.s32 s14, s5;
	s15 =	spop (v2sf);
	(v2sf) =	vpush v4, $0x6;
	(pc) =	sbr.rel @p4 .LBB2_2-.Ltmp2, $4  }
0x8f: {  	v16 =	vshrl.u32 v18, $0x14;
	s14 =	sshra.s32 s31, $0x4;
	s6 =	sadd.s32 s22, s16;
	s19 =	sshra.s32 s4, $0x4;
	(v2sf) =	vpush v11, $0x0  }
0x90: {  	v6 =	vmovc v9;
	vm9 =	vcmask $0x704;
	s16 =	sshra.s32 s31, $0x1F;
	s31 =	smov.u32 s3;
	v14 =	vsel vm4, s14, v14;
	s18 =	sshrl.u32 s5, $0x1F;
	(v2sf) =	vpush v11, $0x7  }
0x91: {  	v9 =	vmov s23;
	v5 =	vmovc v8;
	v8 =	vmovc v16;
	s22 =	sshra.s32 s6, $0x4;
	v16 =	vsel vm9, s16, v14;
	s0 =	smulhi.u32 $0x51EB851F, s15;
	s15 =	sshra.s32 s15, $0x1F;
	(v2sf) =	vpush v11, $0x1  }
0x92: {  	s14 =	sadd.s32 s17, s8;
	v14 =	vmov s18;
	s18 =	sshra.s32 s5, $0x4;
	v16 =	vsel vm0, s20, v16;
	s15 =	smul.u32 $0x51EB851F, s15;
	(v2sf) =	vpush v11, $0x2  }
0x93: {  	_ =	sdelay $0x4  }
0x94: {  	(v2sf) =	vpush v11, $0x3;
	_ =	sdelay $0x1  }
0x95: {  	(v2sf) =	vpush v11, $0x4  }
0x96: {  	s3 =	spop (v2sf)  }
0x97: {  	s5 =	sshra.s32 s3, $0x1F;
	s3 =	smulhi.u32 $0x51EB851F, s3  }
0x98: {  	s8 =	spop (v2sf);
	s5 =	smul.u32 $0x51EB851F, s5  }
0x99: {  	(v2sf) =	vpush v11, $0xC;
	s23 =	smulhi.u32 $0x51EB851F, s8;
	s8 =	sshra.s32 s8, $0x1F;
	s16 =	spop (v2sf)  }
0x9a: {  	s31 =	smul.u32 $0x51EB851F, s8;
	[smem:$0x7E0] =	sst s3  }
0x9b: {  	s20 =	spop (v2sf);
	[smem:$0x7DF] =	sst s5  }
0x9c: {  	[smem:$0x7DD] =	sst s23;
	s5 =	smulhi.u32 $0x51EB851F, s16  }
0x9d: {  	(v2sf) =	vpush v11, $0x8;
	s23 =	spop (v2sf);
	[smem:$0x7DE] =	sst s31  }
0x9e: {  	s31 =	sshra.s32 s23, $0x1F;
	s8 =	smulhi.u32 $0x51EB851F, s23;
	s17 =	spop (v2sf)  }
0x9f: {  	(v2sf) =	vpush v11, $0xE;
	[smem:$0x7E1] =	sst s5;
	s12 =	smul.u32 $0x51EB851F, s31  }
0xa0: {  	(v2sf) =	vpush v11, $0xD;
	s23 =	spop (v2sf);
	s31 =	smulhi.u32 $0x51EB851F, s17;
	s3 =	sshra.s32 s17, $0x1F  }
0xa1: {  	(v2sf) =	vpush v11, $0x9;
	[smem:$0x7E2] =	sst s8;
	s3 =	smul.u32 $0x51EB851F, s3  }
0xa2: {  	s5 =	spop (v2sf);
	[smem:$0x7E3] =	sst s12  }
0xa3: {  	s17 =	sshra.s32 s23, $0x1F;
	[smem:$0x7E4] =	sst s31;
	s12 =	smulhi.u32 $0x51EB851F, s23  }
0xa4: {  	s23 =	smul.u32 $0x51EB851F, s17;
	s8 =	spop (v2sf)  }
0xa5: {  	s31 =	sshra.s32 s5, $0x1F;
	s5 =	smulhi.u32 $0x51EB851F, s5;
	[smem:$0x7E5] =	sst s3  }
0xa6: {  	s3 =	smul.u32 $0x51EB851F, s31;
	[smem:$0x7E6] =	sst s12;
	s12 =	sshra.s32 s8, $0x1F  }
0xa7: {  	[smem:$0x7E7] =	sst s23;
	s12 =	smul.u32 $0x51EB851F, s12  }
0xa8: {  	[smem:$0x7E8] =	sst s3;
	s3 =	spop (v2sf)  }
0xa9: {  	[smem:$0x7EE] =	sst s12;
	s12 =	sshra.s32 s3, $0x1F;
	s3 =	smulhi.u32 $0x51EB851F, s3  }
0xaa: {  	(v2sf) =	vpush v11, $0xA;
	[smem:$0x7E9] =	sst s5;
	s17 =	smul.u32 $0x51EB851F, s12  }
0xab: {  	s12 =	smulhi.u32 $0x51EB851F, s20;
	[smem:$0x7EB] =	sst s3  }
0xac: {  	s23 =	spop (v2sf);
	[smem:$0x7EA] =	sst s17  }
0xad: {  	s17 =	sshra.s32 s23, $0x1F;
	[smem:$0x7EC] =	sst s12  }
0xae: {  	s3 =	spop (v2sf);
	s31 =	smul.u32 $0x51EB851F, s17  }
0xaf: {  	s17 =	smulhi.u32 $0x51EB851F, s8;
	s5 =	spop (v2sf)  }
0xb0: {  	s20 =	sshra.s32 s20, $0x1F;
	s8 =	sld [smem:$0x7E0];
	s12 =	spop (v2sf)  }
0xb1: {  	[smem:$0x7F4] =	sst s31;
	s31 =	smul.u32 $0x51EB851F, s20  }
0xb2: {  	[smem:$0x7EF] =	sst s17;
	s17 =	smulhi.u32 $0x51EB851F, s12;
	s20 =	sshra.s32 s12, $0x1F  }
0xb3: {  	s12 =	smul.u32 $0x51EB851F, s20;
	s20 =	sld [smem:$0x7DE]  }
0xb4: {  	[smem:$0x7ED] =	sst s31  }
0xb5: {  	[smem:$0x7F2] =	sst s17;
	s31 =	smulhi.u32 $0x51EB851F, s3  }
0xb6: {  	s17 =	sadd.s32 s15, s0;
	s15 =	sld [smem:$0x7DD]  }
0xb7: {  	s3 =	sshra.s32 s3, $0x1F;
	[smem:$0x7F0] =	sst s31  }
0xb8: {  	s31 =	smul.u32 $0x51EB851F, s3;
	s3 =	sld [smem:$0x7DF]  }
0xb9: {  	[smem:$0x7F3] =	sst s12;
	s12 =	sadd.s32 s20, s15;
	s20 =	spop (v2sf)  }
0xba: {  	[smem:$0x7F1] =	sst s31;
	s31 =	smulhi.u32 $0x51EB851F, s20  }
0xbb: {  	s16 =	sshra.s32 s16, $0x1F;
	s0 =	sadd.s32 s3, s8;
	s8 =	sld [smem:$0x7E1]  }
0xbc: {  	s16 =	smul.u32 $0x51EB851F, s16;
	s15 =	sshra.s32 s5, $0x1F;
	[smem:$0x7F5] =	sst s31  }
0xbd: {  	s31 =	smul.u32 $0x51EB851F, s15;
	s15 =	sld [smem:$0x7E2]  }
0xbe: {  	s8 =	sadd.s32 s16, s8;
	s16 =	sld [smem:$0x7E3]  }
0xbf: {  	s3 =	sld [smem:$0x7E4]  }
0xc0: {  	[smem:$0x7F6] =	sst s0  }
0xc1: {  	s0 =	sadd.s32 s16, s15;
	s15 =	sld [smem:$0x7E5]  }
0xc2: {  	s16 =	sld [smem:$0x7E6]  }
0xc3: {  	s20 =	sshra.s32 s20, $0x1F;
	[smem:$0x7F9] =	sst s0  }
0xc4: {  	s0 =	sadd.s32 s15, s3;
	s15 =	smul.u32 $0x51EB851F, s20;
	s20 =	sld [smem:$0x7E7]  }
0xc5: {  	_ = 	snop  }
0xc6: {  	s3 =	sld [smem:$0x7E8]  }
0xc7: {  	s16 =	sadd.s32 s20, s16;
	s20 =	sld [smem:$0x7E9];
	_ =	sdelay $0x1  }
0xc8: {  	[smem:$0x7F8] =	sst s0  }
0xc9: {  	s0 =	sadd.s32 s3, s20;
	s20 =	sld [smem:$0x7EA]  }
0xca: {  	s3 =	smulhi.u32 $0x51EB851F, s23;
	s23 =	sld [smem:$0x7EB]  }
0xcb: {  	_ = 	snop  }
0xcc: {  	[smem:$0x7FA] =	sst s0  }
0xcd: {  	s0 =	sadd.s32 s20, s23;
	s20 =	sld [smem:$0x7EC]  }
0xce: {  	s23 =	sld [smem:$0x7ED]  }
0xcf: {  	[smem:$0x7F7] =	sst s0  }
0xd0: {  	s0 =	smulhi.u32 $0x51EB851F, s5;
	s5 =	sld [smem:$0x7EE]  }
0xd1: {  	s20 =	sadd.s32 s23, s20;
	s23 =	sld [smem:$0x7EF];
	_ =	sdelay $0x2  }
0xd2: {  	s5 =	sadd.s32 s5, s23;
	s23 =	sld [smem:$0x7F1]  }
0xd3: {  	[smem:$0x7FB] =	sst s5  }
0xd4: {  	s5 =	sld [smem:$0x7F0];
	_ =	sdelay $0x1  }
0xd5: {  	(v2sf) =	vpush v11, $0xB  }
0xd6: {  	v17 =	vmov s18;
	s5 =	sadd.s32 s23, s5;
	s23 =	sld [smem:$0x7F3]  }
0xd7: {  	s4 =	sshrl.u32 s4, $0x1F;
	s6 =	sshrl.u32 s6, $0x1F;
	v17 =	vsel vm0, s19, v17;
	[smem:$0x7FC] =	sst s5  }
0xd8: {  	s10 =	sshrl.u32 s10, $0x1F;
	v17 =	vsel vm1, s22, v17;
	s22 =	sshrl.u32 s21, $0x1F;
	s5 =	sld [smem:$0x7F2]  }
0xd9: {  	v16 =	vsel vm11, s2, v16;
	v15 =	vnsel vm4, $0x0, v15;
	s21 =	sshra.s32 s21, $0x4;
	s2 =	sshra.s32 s12, $0x1F;
	s19 =	sshra.s32 s8, $0x1F  }
0xda: {  	v15 =	vsel vm0, s24, v15;
	(v2sf) =	vpush v11, $0xF;
	s24 =	sshrl.u32 s8, $0x1F;
	s0 =	sadd.s32 s31, s0;
	s31 =	sshra.s32 s14, $0x4  }
0xdb: {  	v15 =	vsel vm1, s1, v15;
	s14 =	sshrl.u32 s14, $0x1F;
	s5 =	sadd.s32 s23, s5;
	s23 =	sld [smem:$0x7F4]  }
0xdc: {  	v16 =	vsel vm1, s29, v16;
	v15 =	vsel vm2, s28, v15;
	s8 =	sshra.s32 s8, $0x4;
	s1 =	sshrl.u32 s16, $0x1F;
	v12 =	vsel vm0, s14, v12;
	s14 =	sld [smem:$0x7F7]  }
0xdd: {  	v15 =	vsel vm5, s25, v15;
	(v2sf) =	vpush v11, $0x5;
	v13 =	vsel vm0, s31, v13;
	s31 =	sshra.s32 s12, $0x4;
	s12 =	sshrl.u32 s12, $0x1F;
	[smem:$0x7FD] =	sst s5  }
0xde: {  	v14 =	vsel vm0, s4, v14;
	v16 =	vsel vm12, s26, v16;
	s4 =	sshra.s32 s16, $0x4;
	v15 =	vsel vm6, s12, v15;
	s5 =	sadd.s32 s23, s3;
	s23 =	sld [smem:$0x7F5]  }
0xdf: {  	v14 =	vsel vm1, s6, v14;
	(v2sf) =	vpush v11, $0x6;
	v15 =	vsel vm7, s24, v15;
	s6 =	sshrl.u32 s14, $0x1F;
	s24 =	sld [smem:$0x7FB];
	s3 =	sshra.s32 s9, $0x4  }
0xe0: {  	s9 =	sshrl.u32 s17, $0x1F;
	v16 =	vsel vm2, s3, v16;
	s3 =	sshra.s32 s16, $0x1F;
	s16 =	sld [smem:$0x7F8]  }
0xe1: {  	s17 =	sshra.s32 s17, $0x4;
	v16 =	vsel vm13, s13, v16;
	s15 =	sadd.s32 s15, s23;
	s23 =	sld [smem:$0x7F6]  }
0xe2: {  	v15 =	vsel vm10, s22, v15;
	s22 =	sld [smem:$0x7FC];
	v17 =	vsel vm2, s17, v17;
	s17 =	sshrl.u32 s20, $0x1F;
	v16 =	vsel vm5, s7, v16;
	s7 =	sshra.s32 s14, $0x4  }
0xe3: {  	v13 =	vsel vm1, s11, v13;
	s11 =	sshrl.u32 s16, $0x1F;
	s13 =	sshra.s32 s16, $0x1F;
	s14 =	sshra.s32 s16, $0x4  }
0xe4: {  	v12 =	vsel vm1, s10, v12;
	v19 =	vmov s6;
	s18 =	sshra.s32 s23, $0x4;
	s29 =	sshrl.u32 s23, $0x1F;
	s23 =	spop (v2sf)  }
0xe5: {  	v14 =	vsel vm2, s9, v14;
	v21 =	vmov s17;
	v16 =	vsel vm14, s30, v16;
	s9 =	smulhi.u32 $0x51EB851F, s23;
	s16 =	sshra.s32 s23, $0x1F;
	s23 =	sld [smem:$0x7F9]  }
0xe6: {  	s25 =	sld [smem:$0x7FA];
	s26 =	sshra.s32 s20, $0x4;
	s28 =	sshra.s32 s20, $0x1F;
	v15 =	vperm.xlane v15, v3;
	v21 =	vnsel vm4, $0x0, v21;
	v16 =	vsel vm6, s31, v16  }
0xe7: {  	v20 =	vmov s7;
	s7 =	sshra.s32 s24, $0x1F;
	v16 =	vsel vm15, s2, v16;
	s2 =	sshra.s32 s22, $0x4;
	v12 =	vsel vm2, s29, v12;
	s29 =	sshrl.u32 s5, $0x1F  }
0xe8: {  	v21 =	vsel vm0, s11, v21;
	v16 =	vsel vm7, s8, v16;
	s5 =	sshra.s32 s5, $0x4;
	v13 =	vsel vm2, s18, v13;
	s18 =	sshrl.u32 s24, $0x1F;
	s30 =	sshra.s32 s23, $0x1F  }
0xe9: {  	v21 =	vsel vm1, s1, v21;
	s12 =	smul.u32 $0x51EB851F, s16;
	v16 =	vsel vm3, s19, v16;
	s16 =	sshrl.u32 s25, $0x1F;
	s19 =	spop (v2sf);
	v18 =	vmov s30  }
0xea: {  	v23 =	vmov s5;
	s5 =	sshra.s32 s24, $0x4;
	v16 =	vsel vm10, s21, v16;
	s31 =	sshra.s32 s19, $0x1F;
	s21 =	sshra.s32 s0, $0x4;
	v18 =	vsel vm4, s26, v18  }
0xeb: {  	v22 =	vmov s29;
	v13 =	vcombine.low v17, v13;
	s0 =	sshrl.u32 s0, $0x1F;
	s6 =	smul.u32 $0x51EB851F, s31;
	s8 =	sadd.s32 s12, s9;
	v18 =	vsel vm9, s28, v18  }
0xec: {  	v12 =	vcombine.low v14, v12;
	v21 =	vsel vm2, s16, v21;
	s12 =	sshrl.u32 s15, $0x1F;
	s26 =	sld [smem:$0x7FD];
	s28 =	spop (v2sf);
	v18 =	vsel vm0, s14, v18  }
0xed: {  	v20 =	vsel vm0, s21, v20;
	s21 =	sshra.s32 s25, $0x4;
	v19 =	vsel vm0, s0, v19;
	s30 =	sshra.s32 s15, $0x4;
	s29 =	smulhi.u32 $0x51EB851F, s28;
	v18 =	vsel vm11, s13, v18  }
0xee: {  	v21 =	vsel vm5, s18, v21;
	v13 =	vperm.xlane v13, v2;
	s10 =	sshra.s32 s28, $0x1F;
	s14 =	smulhi.u32 $0x51EB851F, s19;
	s15 =	spop (v2sf);
	v18 =	vsel vm1, s4, v18  }
0xef: {  	v16 =	vperm.xlane v16, v3;
	v12 =	vperm.xlane v12, v2;
	s28 =	sshra.s32 s25, $0x1F;
	s20 =	sshra.s32 s26, $0x4;
	s10 =	smul.u32 $0x51EB851F, s10;
	v18 =	vsel vm12, s3, v18  }
0xf0: {  	v20 =	vsel vm1, s2, v20;
	s31 =	sshrl.u32 s26, $0x1F;
	s19 =	smulhi.u32 $0x51EB851F, s15;
	v23 =	vsel vm0, s20, v23;
	s20 =	sshra.s32 s15, $0x1F;
	v18 =	vsel vm2, s21, v18  }
0xf1: {  	v22 =	vsel vm0, s31, v22;
	v23 =	vsel vm1, s30, v23;
	s17 =	sadd.s32 s10, s29;
	s26 =	smul.u32 $0x51EB851F, s20;
	s30 =	sshra.s32 s8, $0x4;
	v18 =	vsel vm13, s28, v18  }
0xf2: {  	v22 =	vsel vm1, s12, v22;
	s29 =	sadd.s32 s6, s14;
	s6 =	sshrl.u32 s8, $0x1F;
	s8 =	sshrl.u32 s22, $0x1F;
	v23 =	vsel vm2, s30, v23;
	v18 =	vsel vm5, s5, v18  }
0xf3: {  	v22 =	vsel vm2, s6, v22;
	s9 =	sshrl.u32 s17, $0x1F;
	v19 =	vsel vm1, s8, v19;
	s10 =	sshra.s32 s17, $0x4;
	s1 =	sshra.s32 s29, $0x4;
	v18 =	vsel vm14, s7, v18  }
0xf4: {  	s11 =	sshrl.u32 s29, $0x1F;
	s13 =	sshra.s32 s17, $0x1F;
	s31 =	sadd.s32 s26, s19;
	v21 =	vsel vm6, s9, v21;
	v20 =	vsel vm2, s1, v20;
	v18 =	vsel vm6, s10, v18  }
0xf5: {  	v19 =	vsel vm2, s11, v19;
	s12 =	sshrl.u32 s31, $0x1F;
	v54 =	vcombine.low v23, v20;
	s15 =	sshra.s32 s31, $0x4;
	v53 =	vsel vm15, s13, v18  }
0xf6: {  	s14 =	sshrl.u32 s23, $0x1F;
	s0 =	sshra.s32 s31, $0x1F;
	v56 =	vcombine.low v22, v19;
	v21 =	vsel vm7, s12, v21;
	v17 =	vsel vm7, s15, v53  }
0xf7: {  	s16 =	sshra.s32 s23, $0x4;
	v13 =	vsel vm8, v16, v13;
	v55 =	vsel vm10, s14, v21;
	v17 =	vsel vm3, s0, v17  }
0xf8: {  	v14 =	vperm.xlane v54, v2;
	v16 =	vperm.xlane v56, v2;
	v17 =	vsel vm10, s16, v17  }
0xf9: {  	v12 =	vsel vm8, v15, v12;
	v57 =	vperm.xlane v55, v3;
	v58 =	vperm.xlane v17, v3  }
0xfa: {  	v12 =	vadd.s32 v12, v13  }
0xfb: {  	v12 =	vmul.u32 $0x32, v12;
	v60 =	vsel vm8, v57, v16;
	v13 =	vsel vm8, v58, v14  }
0xfc: {  	v59 =	vmul.u32 $0xC8, v5;
	v5 =	vmul.u32 $0x32, v5;
	v13 =	vadd.s32 v60, v13  }
0xfd: {  	v4 =	vsub.s32 v4, v12;
	v61 =	vmul.u32 $0x32, v13  }
0xfe: {  	v62 =	vmul.u32 $0xC8, v8;
	v4 =	vadd.s32 v5, v4;
	v5 =	vmul.u32 $0x32, v8  }
0xff: {  	v7 =	vadd.s32 v7, v59;
	vm9 =	vlt.u32 v6, $0x32000;
	v63 =	vsub.s32 v11, v61  }
0x100: {  	v6 =	vadd.s32 v10, v62;
	v4 =	vadd.s32 $0x320, v4;
	v5 =	vadd.s32 v5, v63  }
0x101: {  	s17 =	rddreg [dreg:$0x6];
	v4 =	vsel vm9, v7, v4;
	vm9 =	vlt.u32 v9, $0x32000;
	v5 =	vadd.s32 $0x320, v5  }
0x102: {  	s24 =	simm.s32 $0x1FE0;
	s18 =	rddreg [dreg:$0x7];
	s20 =	simm.s32 $0x60;
	[tilespmem:s17+$0x2080] =	vst v4;
	v5 =	vsel vm9, v6, v5  }
0x103: {  	s22 =	simm.s32 $0x2380;
	s21 =	simm.s32 $0x1F80;
	s19 =	rddreg [dreg:$0x1];
	[tilespmem:s18+$0x2080] =	vst v5  }
0x104: {  	[tilespmem:s22], [sflag:$0x1] =	stream.indirect.gather [hbm4b:s19+s20], $0x80, s21, s20, $0xb8;
	[tilespmem:$0x1D2C0] =	vst v63  }
0x105: {  	s25 =	simm.s32 $0x5380;
	s23 =	simm.s32 $0x68;
	s29 =	simm.s32 $0x8780  }
0x106: {  	[tilespmem:s25], [sflag:$0x1] =	stream.indirect.gather [hbm4b:s19+s23], $0x80, s24, s23, $0xb8;
	[tilespmem:$0x1D2C0] =	vst v63  }
0x107: {  	s30 =	simm.s32 $0x20E0;
	s26 =	rddreg [dreg:$0x3];
	s28 =	simm.s32 $0x2080  }
0x108: {  	[tilespmem:s29], [sflag:$0x2] =	stream.indirect.gather [spmem:s26], $0x80, s28, s20, $0xb8;
	[tilespmem:$0x1D2C0] =	vst v63  }
0x109: {  	s31 =	simm.s32 $0xB780;
	s0 =	rddreg [dreg:$0x15];
	s18 =	simm.s32 $0x0  }
0x10a: {  	[tilespmem:s31], [sflag:$0x2] =	stream.indirect.gather [spmem:s26], $0x80, s30, s23, $0xb8;
	[tilespmem:$0x1D2C0] =	vst v63  }
.LBB2_4:
0x10b: {  	v4 =	vadd.s32 s0, v0  }
0x10c: {  	(v2sf) =	vpush v4, $0xD;
	_ =	sdelay $0x1  }
0x10d: {  	(v2sf) =	vpush v4, $0xC;
	_ =	sdelay $0x1  }
0x10e: {  	(v2sf) =	vpush v4, $0xE;
	_ =	sdelay $0x1  }
0x10f: {  	(v2sf) =	vpush v4, $0xF;
	_ =	sdelay $0x1  }
0x110: {  	(v2sf) =	vpush v4, $0x9;
	_ =	sdelay $0x1  }
0x111: {  	(v2sf) =	vpush v4, $0x8;
	_ =	sdelay $0x1  }
0x112: {  	(v2sf) =	vpush v4, $0xA;
	_ =	sdelay $0x1  }
0x113: {  	(v2sf) =	vpush v4, $0xB  }
0x114: {  	[dreg:$0x1f] =	wrdreg s0;
	s17 =	spop (v2sf)  }
0x115: {  	[dreg:$0x1e] =	wrdreg s18;
	(v2sf) =	vpush v4, $0x0;
	s3 =	smulhi.u32 $0x51EB851F, s17;
	s0 =	sshra.s32 s17, $0x1F  }
0x116: {  	s18 =	spop (v2sf);
	s5 =	smul.u32 $0x51EB851F, s0  }
0x117: {  	(v2sf) =	vpush v4, $0x1;
	s4 =	smulhi.u32 $0x51EB851F, s18;
	s0 =	sshra.s32 s18, $0x1F  }
0x118: {  	s19 =	spop (v2sf);
	(v2sf) =	vpush v4, $0x2;
	s26 =	smul.u32 $0x51EB851F, s0  }
0x119: {  	s7 =	smulhi.u32 $0x51EB851F, s19;
	s0 =	sshra.s32 s19, $0x1F  }
0x11a: {  	s20 =	spop (v2sf);
	(v2sf) =	vpush v4, $0x3;
	s28 =	smul.u32 $0x51EB851F, s0  }
0x11b: {  	s9 =	smulhi.u32 $0x51EB851F, s20;
	s0 =	sshra.s32 s20, $0x1F  }
0x11c: {  	s21 =	spop (v2sf);
	(v2sf) =	vpush v4, $0x4;
	s17 =	smul.u32 $0x51EB851F, s0  }
0x11d: {  	s10 =	smulhi.u32 $0x51EB851F, s21;
	s0 =	sshra.s32 s21, $0x1F  }
0x11e: {  	s22 =	spop (v2sf);
	s8 =	smul.u32 $0x51EB851F, s0  }
0x11f: {  	(v2sf) =	vpush v4, $0x5;
	s14 =	smulhi.u32 $0x51EB851F, s22;
	s0 =	sshra.s32 s22, $0x1F  }
0x120: {  	s23 =	spop (v2sf);
	s30 =	smul.u32 $0x51EB851F, s0  }
0x121: {  	(v2sf) =	vpush v4, $0x6;
	s19 =	smulhi.u32 $0x51EB851F, s23;
	s0 =	sshra.s32 s23, $0x1F  }
0x122: {  	s24 =	spop (v2sf);
	s29 =	smul.u32 $0x51EB851F, s0  }
0x123: {  	s31 =	rddreg [dreg:$0x1f];
	s1 =	smulhi.u32 $0x51EB851F, s24;
	s0 =	sshra.s32 s24, $0x1F  }
0x124: {  	(v2sf) =	vpush v4, $0x7;
	s24 =	smul.u32 $0x51EB851F, s0;
	s25 =	spop (v2sf)  }
0x125: {  	[smem:$0x7C2] =	sst s1;
	s2 =	smulhi.u32 $0x51EB851F, s25;
	s0 =	sshra.s32 s25, $0x1F  }
0x126: {  	v5 =	vadd.s32 s31, v1;
	s6 =	spop (v2sf);
	s16 =	smul.u32 $0x51EB851F, s0  }
0x127: {  	(v2sf) =	vpush v5, $0xD;
	s11 =	smulhi.u32 $0x51EB851F, s6;
	s0 =	sshra.s32 s6, $0x1F;
	s12 =	spop (v2sf)  }
0x128: {  	[smem:$0x7C3] =	sst s2;
	s15 =	smul.u32 $0x51EB851F, s0  }
0x129: {  	(v2sf) =	vpush v5, $0xC;
	s13 =	smulhi.u32 $0x51EB851F, s12;
	s0 =	sshra.s32 s12, $0x1F;
	s2 =	spop (v2sf)  }
0x12a: {  	[smem:$0x7C4] =	sst s11;
	s1 =	smul.u32 $0x51EB851F, s0  }
0x12b: {  	(v2sf) =	vpush v5, $0xE;
	s18 =	smulhi.u32 $0x51EB851F, s2;
	s2 =	sshra.s32 s2, $0x1F;
	s6 =	spop (v2sf)  }
0x12c: {  	s30 =	sadd.s32 s30, s14;
	s14 =	sld [smem:$0x7C3];
	s20 =	smul.u32 $0x51EB851F, s2  }
0x12d: {  	[smem:$0x7C5] =	sst s13;
	s21 =	smulhi.u32 $0x51EB851F, s6;
	s6 =	sshra.s32 s6, $0x1F  }
0x12e: {  	(v2sf) =	vpush v5, $0xF;
	s25 =	spop (v2sf);
	s22 =	smul.u32 $0x51EB851F, s6  }
0x12f: {  	[smem:$0x7C6] =	sst s18;
	s23 =	smulhi.u32 $0x51EB851F, s25  }
0x130: {  	(v2sf) =	vpush v5, $0x9;
	s25 =	sshra.s32 s25, $0x1F;
	s2 =	spop (v2sf);
	[smem:$0x7C7] =	sst s20  }
0x131: {  	(v2sf) =	vpush v5, $0x8;
	[smem:$0x7C8] =	sst s21;
	s31 =	smul.u32 $0x51EB851F, s25  }
0x132: {  	s6 =	smulhi.u32 $0x51EB851F, s2;
	[smem:$0x7C9] =	sst s22  }
0x133: {  	(v2sf) =	vpush v5, $0xA;
	s11 =	spop (v2sf);
	[smem:$0x7CA] =	sst s23  }
0x134: {  	s25 =	sshra.s32 s2, $0x1F;
	s12 =	smulhi.u32 $0x51EB851F, s11;
	[smem:$0x7CB] =	sst s31  }
0x135: {  	[smem:$0x7CC] =	sst s6;
	s31 =	smul.u32 $0x51EB851F, s25;
	s25 =	sshra.s32 s11, $0x1F  }
0x136: {  	s18 =	smul.u32 $0x51EB851F, s25;
	s13 =	spop (v2sf)  }
0x137: {  	[smem:$0x7CD] =	sst s12;
	s20 =	smulhi.u32 $0x51EB851F, s13;
	s25 =	sshra.s32 s13, $0x1F  }
0x138: {  	s22 =	spop (v2sf);
	s21 =	smul.u32 $0x51EB851F, s25  }
0x139: {  	s13 =	sld [smem:$0x7C2];
	s23 =	smulhi.u32 $0x51EB851F, s22;
	s2 =	sshra.s32 s22, $0x1F  }
0x13a: {  	s25 =	sadd.s32 s5, s3;
	s3 =	spop (v2sf);
	[smem:$0x7CE] =	sst s20  }
0x13b: {  	(v2sf) =	vpush v5, $0xB;
	s0 =	smul.u32 $0x51EB851F, s2;
	[smem:$0x7CF] =	sst s21  }
0x13c: {  	s28 =	sadd.s32 s28, s7;
	s5 =	smulhi.u32 $0x51EB851F, s3;
	[smem:$0x7D0] =	sst s23  }
0x13d: {  	s6 =	spop (v2sf);
	s24 =	sadd.s32 s24, s13;
	s13 =	sld [smem:$0x7C8]  }
0x13e: {  	s17 =	sadd.s32 s17, s9;
	s7 =	smulhi.u32 $0x51EB851F, s6;
	[smem:$0x7D1] =	sst s0  }
0x13f: {  	s12 =	sadd.s32 s8, s10;
	(v2sf) =	vpush v5, $0x0;
	s8 =	spop (v2sf);
	[smem:$0x7D2] =	sst s5  }
0x140: {  	s0 =	sshra.s32 s3, $0x1F;
	s9 =	smulhi.u32 $0x51EB851F, s8;
	s10 =	spop (v2sf)  }
0x141: {  	s29 =	sadd.s32 s29, s19;
	(v2sf) =	vpush v5, $0x1;
	s22 =	smul.u32 $0x51EB851F, s0;
	[smem:$0x7D3] =	sst s7  }
0x142: {  	s0 =	sshra.s32 s6, $0x1F;
	s19 =	smulhi.u32 $0x51EB851F, s10;
	s21 =	spop (v2sf)  }
0x143: {  	s7 =	sld [smem:$0x7C6];
	s11 =	smul.u32 $0x51EB851F, s0  }
0x144: {  	[smem:$0x7D4] =	sst s9;
	s0 =	sshra.s32 s8, $0x1F;
	s8 =	smulhi.u32 $0x51EB851F, s21  }
0x145: {  	s9 =	sld [smem:$0x7C7];
	s20 =	smul.u32 $0x51EB851F, s0;
	s0 =	sshra.s32 s10, $0x1F  }
0x146: {  	s10 =	smul.u32 $0x51EB851F, s0;
	s0 =	sshra.s32 s21, $0x1F;
	s21 =	sld [smem:$0x7C9]  }
0x147: {  	s3 =	sld [smem:$0x7C5]  }
0x148: {  	s5 =	sadd.s32 s9, s7;
	s7 =	sld [smem:$0x7CA]  }
0x149: {  	s26 =	sadd.s32 s26, s4;
	s9 =	sadd.s32 s21, s13;
	s13 =	sld [smem:$0x7CB]  }
0x14a: {  	s16 =	sadd.s32 s16, s14;
	s4 =	spop (v2sf);
	s21 =	sld [smem:$0x7CC]  }
0x14b: {  	s23 =	sld [smem:$0x7C4];
	s14 =	sadd.s32 s1, s3;
	s3 =	smulhi.u32 $0x51EB851F, s4  }
0x14c: {  	s6 =	smul.u32 $0x51EB851F, s0;
	s0 =	sshra.s32 s4, $0x1F  }
0x14d: {  	(v2sf) =	vpush v5, $0x2;
	s4 =	sadd.s32 s13, s7;
	s7 =	sadd.s32 s31, s21;
	s21 =	sld [smem:$0x7CD]  }
0x14e: {  	s15 =	sadd.s32 s15, s23;
	s2 =	smul.u32 $0x51EB851F, s0;
	s23 =	spop (v2sf)  }
0x14f: {  	s13 =	sld [smem:$0x7CF];
	s1 =	smulhi.u32 $0x51EB851F, s23  }
0x150: {  	(v2sf) =	vpush v5, $0x3;
	s0 =	sshra.s32 s23, $0x1F;
	s23 =	spop (v2sf);
	s21 =	sadd.s32 s18, s21  }
0x151: {  	s31 =	smul.u32 $0x51EB851F, s0;
	[smem:$0x7DC] =	sst s21  }
0x152: {  	s0 =	sshra.s32 s23, $0x1F;
	s21 =	smulhi.u32 $0x51EB851F, s23;
	s23 =	sld [smem:$0x7CE]  }
0x153: {  	_ = 	snop  }
0x154: {  	s18 =	sld [smem:$0x7D0]  }
0x155: {  	s2 =	sadd.s32 s2, s3;
	s23 =	sadd.s32 s13, s23;
	s13 =	sld [smem:$0x7D1]  }
0x156: {  	[smem:$0x7D9] =	sst s2  }
0x157: {  	s10 =	sadd.s32 s10, s19;
	s6 =	sadd.s32 s6, s8;
	(v2sf) =	vpush v5, $0x4;
	[smem:$0x7DA] =	sst s4  }
0x158: {  	s8 =	sshra.s32 s12, $0x6;
	s18 =	sadd.s32 s13, s18;
	s13 =	sld [smem:$0x7D2]  }
0x159: {  	s3 =	sshra.s32 s25, $0x6;
	[smem:$0x7DB] =	sst s7;
	(v2sf) =	vpush v5, $0x5;
	s0 =	smul.u32 $0x51EB851F, s0  }
0x15a: {  	s1 =	sadd.s32 s31, s1;
	s31 =	sshrl.u32 s14, $0x1F;
	[smem:$0x7D5] =	sst s23  }
0x15b: {  	s2 =	sadd.s32 s0, s21;
	s13 =	sadd.s32 s22, s13;
	s22 =	sld [smem:$0x7D3]  }
0x15c: {  	s0 =	sshrl.u32 s25, $0x1F;
	s23 =	spop (v2sf);
	[smem:$0x7D6] =	sst s18  }
0x15d: {  	s21 =	sshra.s32 s28, $0x6;
	s18 =	smulhi.u32 $0x51EB851F, s23;
	[smem:$0x7D7] =	sst s13  }
0x15e: {  	(v2sf) =	vpush v5, $0x6;
	s23 =	sshra.s32 s23, $0x1F;
	s11 =	sadd.s32 s11, s22;
	s22 =	sld [smem:$0x7D4]  }
0x15f: {  	s25 =	sshrl.u32 s12, $0x1F;
	s13 =	smul.u32 $0x51EB851F, s23;
	s23 =	spop (v2sf);
	(v2sf) =	vpush v5, $0x7  }
0x160: {  	[smem:$0x7D8] =	sst s11;
	s11 =	smulhi.u32 $0x51EB851F, s23;
	s23 =	sshra.s32 s23, $0x1F  }
0x161: {  	s12 =	sshrl.u32 s5, $0x1F;
	s23 =	smul.u32 $0x51EB851F, s23;
	s20 =	sadd.s32 s20, s22  }
0x162: {  	s22 =	sadd.s32 s13, s18;
	s13 =	sshra.s32 s26, $0x6;
	s18 =	sshrl.u32 s28, $0x1F  }
0x163: {  	s28 =	sshrl.u32 s15, $0x1F;
	s19 =	sadd.s32 s23, s11;
	s11 =	sshrl.u32 s26, $0x1F  }
0x164: {  	s26 =	sshrl.u32 s16, $0x1F;
	s23 =	sshrl.u32 s17, $0x1F;
	s17 =	sshra.s32 s17, $0x6;
	v10 =	vmov s13  }
0x165: {  	s13 =	smov.u32 s6;
	v6 =	vmov s26;
	s26 =	sshrl.u32 s30, $0x1F;
	v7 =	vmov s11;
	s11 =	sshrl.u32 s24, $0x1F;
	v10 =	vsel vm0, s3, v10  }
0x166: {  	s24 =	sshra.s32 s24, $0x6;
	v6 =	vnsel vm4, $0x0, v6;
	v7 =	vsel vm0, s0, v7;
	v8 =	vmov s26;
	s0 =	spop (v2sf);
	s26 =	sshrl.u32 s7, $0x1F  }
0x167: {  	v10 =	vsel vm1, s21, v10;
	s21 =	sshrl.u32 s20, $0x1F;
	v6 =	vsel vm0, s28, v6;
	s28 =	sshra.s32 s30, $0x6;
	s30 =	sshrl.u32 s29, $0x1F  }
0x168: {  	s29 =	sshra.s32 s29, $0x6;
	v7 =	vsel vm1, s18, v7;
	v8 =	vsel vm0, s25, v8;
	s25 =	spop (v2sf);
	s18 =	rddreg [dreg:$0x1e];
	v6 =	vsel vm1, s31, v6  }
0x169: {  	s31 =	sshra.s32 s16, $0x6;
	s16 =	sshra.s32 s16, $0x1F;
	v7 =	vsel vm2, s23, v7;
	v8 =	vsel vm1, s30, v8;
	s30 =	sld [smem:$0x7DC];
	v11 =	vmov s28  }
0x16a: {  	s23 =	sshra.s32 s15, $0x6;
	v6 =	vsel vm2, s12, v6;
	s12 =	sshrl.u32 s9, $0x1F;
	v8 =	vsel vm2, s11, v8;
	v11 =	vsel vm0, s8, v11;
	s11 =	sld [smem:$0x7D9]  }
0x16b: {  	s3 =	sshra.s32 s18, $0x2;
	v6 =	vsel vm5, s12, v6;
	s12 =	sshrl.u32 s4, $0x1F;
	v11 =	vsel vm1, s29, v11;
	s29 =	sld [smem:$0x7D6]  }
0x16c: {  	v6 =	vsel vm6, s12, v6;
	s7 =	sshrl.u32 s30, $0x1F;
	s12 =	sshra.s32 s30, $0x1F;
	s30 =	smulhi.u32 $0x51EB851F, s0  }
0x16d: {  	s0 =	sshra.s32 s0, $0x1F;
	v6 =	vsel vm7, s26, v6;
	v9 =	vmov s12;
	s26 =	spop (v2sf);
	s12 =	sshra.s32 s14, $0x1F  }
0x16e: {  	vm9 =	vcmask $0x704;
	v6 =	vsel vm10, s7, v6;
	v9 =	vsel vm4, s31, v9;
	s31 =	spop (v2sf);
	s7 =	sshra.s32 s14, $0x6;
	s14 =	sshrl.u32 s10, $0x1F  }
0x16f: {  	s0 =	smul.u32 $0x51EB851F, s0;
	v9 =	vsel vm9, s16, v9;
	s4 =	sshra.s32 s31, $0x1F;
	v13 =	vmov s14;
	s14 =	sld [smem:$0x7D7]  }
0x170: {  	s20 =	sshra.s32 s20, $0x4;
	v15 =	vld [tilespmem:s3+$0xC8];
	v9 =	vsel vm0, s23, v9;
	s23 =	smul.u32 $0x51EB851F, s4;
	s4 =	sld [smem:$0x7D5]  }
0x171: {  	s28 =	sshra.s32 s15, $0x1F;
	s8 =	smulhi.u32 $0x51EB851F, s31;
	s31 =	sshrl.u32 s29, $0x1F  }
0x172: {  	v10 =	vsel vm2, s17, v10;
	s15 =	sadd.s32 s0, s30;
	v12 =	vmov s31;
	v13 =	vsel vm0, s21, v13;
	s31 =	sshrl.u32 s11, $0x1F;
	s21 =	sshra.s32 s1, $0x4  }
0x173: {  	v7 =	vcombine.low v8, v7;
	v11 =	vsel vm2, s24, v11;
	v9 =	vsel vm11, s28, v9;
	s17 =	sshrl.u32 s14, $0x1F;
	s24 =	sadd.s32 s23, s8;
	s28 =	sshrl.u32 s4, $0x1F  }
0x174: {  	v10 =	vcombine.low v11, v10;
	s23 =	sshrl.u32 s6, $0x1F;
	v12 =	vsel vm0, s28, v12;
	s28 =	sshra.s32 s29, $0x4;
	s29 =	sld [smem:$0x7D8]  }
0x175: {  	v7 =	vperm.xlane v7, v2;
	v56 =	vtrunc.f32 v15;
	v9 =	vsel vm1, s7, v9;
	s8 =	sshra.s32 s14, $0x4;
	s14 =	sshra.s32 s10, $0x4;
	s10 =	sshra.s32 s2, $0x4  }
0x176: {  	v6 =	vperm.xlane v6, v3;
	v9 =	vsel vm12, s12, v9;
	v13 =	vsel vm1, s23, v13;
	s6 =	sshra.s32 s4, $0x4;
	s16 =	sshra.s32 s24, $0x1F;
	s23 =	smov.u32 s5  }
0x177: {  	v16 =	vmov s14;
	s12 =	sshra.s32 s11, $0x4;
	s14 =	sld [smem:$0x7DA];
	v17 =	vmov s16;
	v12 =	vsel vm1, s17, v12;
	s30 =	sshrl.u32 s29, $0x1F  }
0x178: {  	v13 =	vsel vm2, s31, v13;
	s31 =	sshra.s32 s23, $0x1F;
	s16 =	sshra.s32 s22, $0x4;
	v17 =	vsel vm4, s21, v17;
	v12 =	vsel vm2, s30, v12;
	s30 =	sshra.s32 s1, $0x1F  }
0x179: {  	v16 =	vsel vm0, s20, v16;
	s20 =	sshrl.u32 s22, $0x1F;
	s23 =	sshra.s32 s25, $0x1F;
	v14 =	vmov s28;
	s28 =	sshra.s32 s5, $0x6;
	v53 =	vsel vm9, s30, v17  }
0x17a: {  	v14 =	vsel vm0, s6, v14;
	v9 =	vsel vm2, s28, v9;
	s17 =	sshra.s32 s29, $0x4;
	s29 =	sshra.s32 s13, $0x4;
	s13 =	sshra.s32 s2, $0x1F;
	v55 =	vsel vm0, s10, v53  }
0x17b: {  	s5 =	sshra.s32 s9, $0x6;
	s21 =	sshra.s32 s22, $0x1F;
	s22 =	smulhi.u32 $0x51EB851F, s25;
	v14 =	vsel vm1, s8, v14;
	v54 =	vcombine.low v13, v12;
	v12 =	vsel vm11, s13, v55  }
0x17c: {  	s25 =	sshra.s32 s19, $0x4;
	s11 =	smul.u32 $0x51EB851F, s23;
	s4 =	sshra.s32 s14, $0x6;
	v9 =	vsel vm13, s31, v9;
	v14 =	vsel vm2, s17, v14;
	v12 =	vsel vm1, s16, v12  }
0x17d: {  	s28 =	sshrl.u32 s19, $0x1F;
	s14 =	sshra.s32 s14, $0x1F;
	v52 =	vsel vm1, s29, v16;
	s1 =	sshrl.u32 s1, $0x1F;
	v9 =	vsel vm5, s5, v9;
	v12 =	vsel vm12, s21, v12  }
0x17e: {  	s8 =	sshra.s32 s9, $0x1F;
	s31 =	sshra.s32 s26, $0x1F;
	s29 =	sshra.s32 s19, $0x1F;
	v8 =	vsel vm2, s12, v52;
	v57 =	vmov s1;
	v12 =	vsel vm2, s25, v12  }
0x17f: {  	s17 =	sshrl.u32 s2, $0x1F;
	s30 =	smulhi.u32 $0x51EB851F, s26;
	v8 =	vcombine.low v8, v14;
	v14 =	vnsel vm4, $0x0, v57;
	s10 =	sshra.s32 s15, $0x4;
	v12 =	vsel vm13, s29, v12  }
0x180: {  	s1 =	sadd.s32 s11, s22;
	s11 =	smul.u32 $0x51EB851F, s31;
	v9 =	vsel vm14, s8, v9;
	v14 =	vsel vm0, s17, v14;
	s13 =	sshra.s32 s15, $0x1F;
	v12 =	vsel vm5, s10, v12  }
0x181: {  	v9 =	vsel vm6, s4, v9;
	s15 =	sshrl.u32 s15, $0x1F;
	v14 =	vsel vm1, s20, v14;
	s16 =	sshra.s32 s1, $0x4;
	s20 =	sld [smem:$0x7DB];
	v12 =	vsel vm14, s13, v12  }
0x182: {  	s17 =	sshrl.u32 s1, $0x1F;
	s19 =	sadd.s32 s11, s30;
	v9 =	vsel vm15, s14, v9;
	s1 =	sshra.s32 s1, $0x1F;
	v14 =	vsel vm2, s28, v14;
	v12 =	vsel vm6, s16, v12  }
0x183: {  	s30 =	sld [smem:$0x7DC];
	v11 =	vperm.xlane v54, v2;
	s23 =	sshra.s32 s19, $0x4;
	v14 =	vsel vm5, s15, v14;
	v12 =	vsel vm15, s1, v12  }
0x184: {  	s22 =	sshrl.u32 s19, $0x1F;
	v8 =	vperm.xlane v8, v2;
	s28 =	sshra.s32 s19, $0x1F;
	s21 =	sshra.s32 s20, $0x6;
	v14 =	vsel vm6, s17, v14;
	v12 =	vsel vm7, s23, v12  }
0x185: {  	s26 =	sshrl.u32 s24, $0x1F;
	s25 =	sshra.s32 s20, $0x1F;
	s29 =	sshra.s32 s24, $0x4;
	v9 =	vsel vm7, s21, v9;
	v14 =	vsel vm7, s22, v14;
	v12 =	vsel vm3, s28, v12  }
0x186: {  	v9 =	vsel vm3, s25, v9;
	v14 =	vsel vm10, s26, v14;
	s1 =	sshra.s32 s30, $0x6;
	v12 =	vsel vm10, s29, v12  }
0x187: {  	v14 =	vperm.xlane v14, v3;
	v9 =	vsel vm10, s1, v9;
	v12 =	vperm.xlane v12, v3  }
0x188: {  	v10 =	vperm.xlane v10, v2;
	v9 =	vperm.xlane v9, v3  }
0x189: {  	v58 =	vcvt.f32.s32 v56;
	v11 =	vsel vm8, v14, v11;
	v8 =	vsel vm8, v12, v8  }
0x18a: {  	v6 =	vsel vm8, v6, v7;
	v59 =	vsel vm8, v9, v10;
	v8 =	vadd.s32 v11, v8  }
0x18b: {  	v60 =	vshrl.u32 v58, $0x14;
	v6 =	vadd.s32 v6, v59;
	v61 =	vmul.u32 $0x32, v8  }
0x18c: {  	p4 =	sne.s32 s18, $0x300;
	v62 =	vmul.u32 $0x32, v60;
	v6 =	vmul.u32 $0xC8, v6  }
.Ltmp3:
0x18d: {  	v9 =	vmul.u32 $0xC8, v60;
	v5 =	vsub.s32 v5, v61;
	(pc) =	sbr.rel @p4 .LBB2_4-.Ltmp3, $4  }
0x18e: {  	v63 =	vand.u32 $0xFFFFF, v58;
	v6 =	vsub.s32 v4, v6;
	v5 =	vadd.s32 v62, v5  }
0x18f: {  	vm9 =	vlt.s32 v4, $0x32000;
	v6 =	vadd.s32 v6, v9;
	v5 =	vadd.s32 $0x320, v5  }
0x190: {  	[tilespmem:s3+$0x2180] =	vst v63;
	s31 =	rddreg [dreg:$0x1f];
	v4 =	vsel vm9, v6, v5  }
0x191: {  	s18 =	sadd.s32 $0x40, s18;
	s0 =	sadd.s32 $0x10, s31;
	[tilespmem:s3+$0x2280] =	vst v4  }
0x192: {  	s0 =	rddreg [dreg:$0x1]  }
0x193: {  	s1 =	simm.s32 $0x60;
	s2 =	simm.s32 $0x2180;
	s3 =	simm.s32 $0xEB80  }
0x194: {  	s22 =	simm.s32 $0x68;
	s23 =	simm.s32 $0x21E0;
	s24 =	rddreg [dreg:$0x3]  }
0x195: {  	s4 =	simm.s32 $0x11B80;
	s30 =	simm.s32 $0x258;
	s31 =	rddreg [dreg:$0x17]  }
0x196: {  	[tilespmem:s3], [sflag:$0x3] =	stream.indirect.gather [hbm4b:s0+s1], $0x80, s2, s1, $0xb8;
	[tilespmem:$0x1D2C0] =	vst v63  }
0x197: {  	s25 =	simm.s32 $0x2280;
	s26 =	simm.s32 $0x14F80;
	[dreg:$0x1a] =	wrdreg s30  }
0x198: {  	[tilespmem:s4], [sflag:$0x3] =	stream.indirect.gather [hbm4b:s0+s22], $0x80, s23, s22, $0xb8;
	[tilespmem:$0x1D2C0] =	vst v63  }
0x199: {  	s28 =	simm.s32 $0x22E0;
	s29 =	simm.s32 $0x17F80;
	[dreg:$0x1b] =	wrdreg s31  }
0x19a: {  	[tilespmem:s26], [sflag:$0x4] =	stream.indirect.gather [spmem:s24], $0x80, s25, s1, $0xb8;
	[tilespmem:$0x1D2C0] =	vst v63  }
0x19b: {  	s7 =	simm.s32 $0x0;
	s20 =	simm.s32 $0x190;
	s25 =	rddreg [dreg:$0x16]  }
0x19c: {  	vm9 =	vcmask $0x704;
	[tilespmem:s29], [sflag:$0x4] =	stream.indirect.gather [spmem:s24], $0x80, s28, s22, $0xb8;
	[tilespmem:$0x1D2C0] =	vst v63  }
.LBB2_6:
0x19d: {  	s0 =	simm.s32 $0x1  }
0x19e: {  	_ =	swait.ge [sflag:s0], $0x3000  }
0x19f: {  	[sflag:s0] =	ssyncset.done $0x0  }
0x1a0: {  	[sflag:s0] =	ssyncadd.s32 $0xFFFFD000  }
0x1a1: {  	_ =	swait.ge [sflag:s0], $0x3400  }
0x1a2: {  	[sflag:s0] =	ssyncset.done $0x0  }
0x1a3: {  	s31 =	simm.s32 $0x2;
	[sflag:s0] =	ssyncadd.s32 $0xFFFFCC00  }
0x1a4: {  	_ =	swait.ge [sflag:s31], $0x3000  }
0x1a5: {  	[sflag:s31] =	ssyncset.done $0x0  }
0x1a6: {  	[sflag:s31] =	ssyncadd.s32 $0xFFFFD000  }
0x1a7: {  	_ =	swait.ge [sflag:s31], $0x3400  }
0x1a8: {  	[sflag:s31] =	ssyncset.done $0x0  }
0x1a9: {  	s1 =	simm.s32 $0x0;
	[sflag:s31] =	ssyncadd.s32 $0xFFFFCC00  }
0x1aa: {  	v10 =	vld [tilespmem:s1+$0x8780]  }
0x1ab: {  	v15 =	vld [tilespmem:s1+$0x8790]  }
0x1ac: {  	v9 =	vld [tilespmem:s1+$0x87A0]  }
0x1ad: {  	v8 =	vld [tilespmem:s1+$0x87B0]  }
0x1ae: {  	v7 =	vld [tilespmem:s1+$0x87C0]  }
0x1af: {  	v6 =	vld [tilespmem:s1+$0x87D0]  }
0x1b0: {  	v5 =	vld [tilespmem:s1+$0x87E0]  }
0x1b1: {  	v4 =	vld [tilespmem:s1+$0x87F0]  }
0x1b2: {  	v16 =	vld [tilespmem:s1+$0x2380]  }
0x1b3: {  	v17 =	vld [tilespmem:s1+$0x2390]  }
0x1b4: {  	v14 =	vld [tilespmem:s1+$0x23A0]  }
0x1b5: {  	vm14 =	vcmask $0x2724;
	v13 =	vld [tilespmem:s1+$0x23B0]  }
0x1b6: {  	vm15 =	vcmask $0x2F2C;
	vm3 =	vcmask $0x3734;
	vm4 =	vcmask $0x300;
	v12 =	vld [tilespmem:s1+$0x23C0]  }
0x1b7: {  	vm5 =	vcmask $0x2320;
	vm6 =	vcmask $0x2B28;
	s13 =	rddreg [dreg:$0xe];
	v11 =	vld [tilespmem:s1+$0x23D0];
	v16 =	vadd.f32 v10, v16  }
0x1b8: {  	vm7 =	vcmask $0x3330;
	vm10 =	vcmask $0x3B38;
	s0 =	simm.s32 $0x200;
	s6 =	rddreg [dreg:$0x2];
	v15 =	vadd.f32 v15, v17;
	v10 =	vld [tilespmem:s1+$0x23E0]  }
.LBB2_7:
0x1b9: {  	s2 =	sshra.s32 s0, $0x2;
	p4 =	sne.s32 s0, $0x18E00;
	[tilespmem:s1+$0x2380] =	vst v16;
	v9 =	vadd.f32 v9, v14;
	v14 =	vld [tilespmem:s1+$0x23F0]  }
0x1ba: {  	v16 =	vld [tilespmem:s2+$0x8780];
	[tilespmem:s1+$0x2390] =	vst v15;
	v8 =	vadd.f32 v8, v13  }
0x1bb: {  	v15 =	vld [tilespmem:s2+$0x8790];
	[tilespmem:s1+$0x23A0] =	vst v9;
	v7 =	vadd.f32 v7, v12  }
0x1bc: {  	v9 =	vld [tilespmem:s2+$0x87A0];
	[tilespmem:s1+$0x23B0] =	vst v8;
	v6 =	vadd.f32 v6, v11  }
0x1bd: {  	v8 =	vld [tilespmem:s2+$0x87B0];
	[tilespmem:s1+$0x23C0] =	vst v7;
	v5 =	vadd.f32 v5, v10  }
0x1be: {  	v7 =	vld [tilespmem:s2+$0x87C0];
	[tilespmem:s1+$0x23D0] =	vst v6;
	v4 =	vadd.f32 v4, v14  }
0x1bf: {  	v6 =	vld [tilespmem:s2+$0x87D0];
	[tilespmem:s1+$0x23E0] =	vst v5  }
0x1c0: {  	v5 =	vld [tilespmem:s2+$0x87E0];
	[tilespmem:s1+$0x23F0] =	vst v4;
	s1 =	smov.u32 s2  }
0x1c1: {  	v4 =	vld [tilespmem:s1+$0x87F0]  }
0x1c2: {  	v10 =	vld [tilespmem:s1+$0x2380]  }
0x1c3: {  	v17 =	vld [tilespmem:s1+$0x2390]  }
.Ltmp4:
0x1c4: {  	v14 =	vld [tilespmem:s1+$0x23A0];
	(pc) =	sbr.rel @p4 .LBB2_7-.Ltmp4, $4  }
0x1c5: {  	v13 =	vld [tilespmem:s1+$0x23B0]  }
0x1c6: {  	v12 =	vld [tilespmem:s1+$0x23C0]  }
0x1c7: {  	v16 =	vadd.f32 v16, v10;
	v11 =	vld [tilespmem:s1+$0x23D0]  }
0x1c8: {  	s0 =	sadd.s32 $0x200, s0;
	v15 =	vadd.f32 v15, v17;
	v10 =	vld [tilespmem:s1+$0x23E0]  }
0x1c9: {  	s0 =	smul.u32 $0x190, s7  }
0x1ca: {  	s2 =	rddreg [dreg:$0xa]  }
0x1cb: {  	s2 =	sadd.s32 s2, s0  }
0x1cc: {  	[tilespmem:s1+$0x2380] =	vst v16;
	v9 =	vadd.f32 v9, v14;
	v14 =	vld [tilespmem:s1+$0x23F0];
	p4 =	sgt.u32 s2, $0x31FFF  }
0x1cd: {  	[tilespmem:s1+$0x2390] =	vst v15;
	v8 =	vadd.f32 v8, v13;
	s3 =	sadd.s32 @p4 $0xFFFCE000, s2  }
0x1ce: {  	[tilespmem:s1+$0x23A0] =	vst v9;
	v7 =	vadd.f32 v7, v12;
	s3 =	smulhi.u32 @p4 $0x51EB851F, s3  }
0x1cf: {  	[tilespmem:s1+$0x23B0] =	vst v8;
	v6 =	vadd.f32 v6, v11  }
0x1d0: {  	[tilespmem:s1+$0x23C0] =	vst v7;
	v5 =	vadd.f32 v5, v10;
	s3 =	sshrl.u32 @p4 s3, $0x4  }
0x1d1: {  	[tilespmem:s1+$0x23D0] =	vst v6;
	v4 =	vadd.f32 v4, v14;
	s4 =	smul.u32 @p4 $0x380, s3  }
0x1d2: {  	s5 =	simm.s32 @p4 $0x2380;
	[tilespmem:s1+$0x23E0] =	vst v5  }
0x1d3: {  	[tilespmem:s1+$0x23F0] =	vst v4;
	s1 =	simm.s32 @p4 $0x0;
	s3 =	smul.u32 @p4 $0x1C00, s3;
	s4 =	sadd.s32 @p4 s13, s4  }
0x1d4: {  	[hbm4b:s4+s1] =	stream.linear.scatter @p4 [tilespmem:s5], [sflag:$0x5], $0x1900, $0x38;
	[tilespmem:$0x1D2C0] =	vst v63  }
0x1d5: {  	s4 =	sadd.s32 @p4 $0x1C00, s3  }
0x1d6: {  	s4 =	sshrl.u32 @p4 s4, $0x3  }
0x1d7: {  	s2 =	smulhi.u32 @!p4 $0x51EB851F, s2;
	s5 =	simm.s32 @p4 $0x3C80;
	s4 =	sadd.s32 @p4 s13, s4  }
0x1d8: {  	[hbm4b:s4+s1] =	stream.linear.scatter @p4 [tilespmem:s5], [sflag:$0x5], $0x1900, $0x38;
	[tilespmem:$0x1D2C0] =	vst v63  }
0x1d9: {  	s30 =	simm.s32 $0x3;
	s4 =	sadd.s32 @p4 $0x3800, s3  }
0x1da: {  	s2 =	sshrl.u32 @!p4 s2, $0x6;
	s3 =	sadd.s32 @p4 $0x5400, s3;
	s4 =	sshrl.u32 @p4 s4, $0x3  }
0x1db: {  	s5 =	simm.s32 @p4 $0x5580;
	s3 =	sshrl.u32 @p4 s3, $0x3;
	s4 =	sadd.s32 @p4 s13, s4  }
0x1dc: {  	[hbm4b:s4+s1] =	stream.linear.scatter @p4 [tilespmem:s5], [sflag:$0x5], $0x1900, $0x38;
	[tilespmem:$0x1D2C0] =	vst v63  }
0x1dd: {  	s2 =	smul.u32 @!p4 $0xC80, s2;
	s3 =	sadd.s32 @p4 s13, s3;
	s4 =	simm.s32 @p4 $0x6E80  }
0x1de: {  	[hbm4b:s3+s1] =	stream.linear.scatter @p4 [tilespmem:s4], [sflag:$0x5], $0x1900, $0x38;
	[tilespmem:$0x1D2C0] =	vst v63  }
0x1df: {  	s1 =	sadd.s32 @!p4 s6, s2;
	s2 =	simm.s32 @!p4 $0x0;
	s3 =	simm.s32 @!p4 $0x2380  }
0x1e0: {  	[hbm4b:s1+s2] =	stream.linear.scatter @!p4 [tilespmem:s3], [sflag:$0x5], $0x6400, $0x38;
	[tilespmem:$0x1D2C0] =	vst v63  }
0x1e1: {  	_ =	swait.ge [sflag:s30], $0x3000  }
0x1e2: {  	[sflag:s30] =	ssyncset.done $0x0  }
0x1e3: {  	[sflag:s30] =	ssyncadd.s32 $0xFFFFD000  }
0x1e4: {  	_ =	swait.ge [sflag:s30], $0x3400  }
0x1e5: {  	[sflag:s30] =	ssyncset.done $0x0  }
0x1e6: {  	s31 =	simm.s32 $0x4;
	[sflag:s30] =	ssyncadd.s32 $0xFFFFCC00  }
0x1e7: {  	_ =	swait.ge [sflag:s31], $0x3000  }
0x1e8: {  	[sflag:s31] =	ssyncset.done $0x0  }
0x1e9: {  	[sflag:s31] =	ssyncadd.s32 $0xFFFFD000  }
0x1ea: {  	_ =	swait.ge [sflag:s31], $0x3400  }
0x1eb: {  	[sflag:s31] =	ssyncset.done $0x0  }
0x1ec: {  	s1 =	simm.s32 $0x0;
	[sflag:s31] =	ssyncadd.s32 $0xFFFFCC00  }
0x1ed: {  	v10 =	vld [tilespmem:s1+$0x14F80]  }
0x1ee: {  	v15 =	vld [tilespmem:s1+$0x14F90]  }
0x1ef: {  	v9 =	vld [tilespmem:s1+$0x14FA0]  }
0x1f0: {  	v8 =	vld [tilespmem:s1+$0x14FB0]  }
0x1f1: {  	v7 =	vld [tilespmem:s1+$0x14FC0]  }
0x1f2: {  	v6 =	vld [tilespmem:s1+$0x14FD0]  }
0x1f3: {  	v5 =	vld [tilespmem:s1+$0x14FE0]  }
0x1f4: {  	v4 =	vld [tilespmem:s1+$0x14FF0]  }
0x1f5: {  	v16 =	vld [tilespmem:s1+$0xEB80]  }
0x1f6: {  	v17 =	vld [tilespmem:s1+$0xEB90]  }
0x1f7: {  	v14 =	vld [tilespmem:s1+$0xEBA0]  }
0x1f8: {  	v13 =	vld [tilespmem:s1+$0xEBB0]  }
0x1f9: {  	v12 =	vld [tilespmem:s1+$0xEBC0]  }
0x1fa: {  	v11 =	vld [tilespmem:s1+$0xEBD0];
	v16 =	vadd.f32 v10, v16  }
0x1fb: {  	s2 =	simm.s32 $0x200;
	v15 =	vadd.f32 v15, v17;
	v10 =	vld [tilespmem:s1+$0xEBE0]  }
.LBB2_9:
0x1fc: {  	s3 =	sshra.s32 s2, $0x2;
	p4 =	sne.s32 s2, $0x18E00;
	[tilespmem:s1+$0xEB80] =	vst v16;
	v9 =	vadd.f32 v9, v14;
	v14 =	vld [tilespmem:s1+$0xEBF0]  }
0x1fd: {  	v16 =	vld [tilespmem:s3+$0x14F80];
	[tilespmem:s1+$0xEB90] =	vst v15;
	v8 =	vadd.f32 v8, v13  }
0x1fe: {  	v15 =	vld [tilespmem:s3+$0x14F90];
	[tilespmem:s1+$0xEBA0] =	vst v9;
	v7 =	vadd.f32 v7, v12  }
0x1ff: {  	v9 =	vld [tilespmem:s3+$0x14FA0];
	[tilespmem:s1+$0xEBB0] =	vst v8;
	v6 =	vadd.f32 v6, v11  }
0x200: {  	v8 =	vld [tilespmem:s3+$0x14FB0];
	[tilespmem:s1+$0xEBC0] =	vst v7;
	v5 =	vadd.f32 v5, v10  }
0x201: {  	v7 =	vld [tilespmem:s3+$0x14FC0];
	[tilespmem:s1+$0xEBD0] =	vst v6;
	v4 =	vadd.f32 v4, v14  }
0x202: {  	v6 =	vld [tilespmem:s3+$0x14FD0];
	[tilespmem:s1+$0xEBE0] =	vst v5  }
0x203: {  	v5 =	vld [tilespmem:s3+$0x14FE0];
	[tilespmem:s1+$0xEBF0] =	vst v4;
	s1 =	smov.u32 s3  }
0x204: {  	v4 =	vld [tilespmem:s1+$0x14FF0]  }
0x205: {  	v10 =	vld [tilespmem:s1+$0xEB80]  }
0x206: {  	v17 =	vld [tilespmem:s1+$0xEB90]  }
.Ltmp5:
0x207: {  	v14 =	vld [tilespmem:s1+$0xEBA0];
	(pc) =	sbr.rel @p4 .LBB2_9-.Ltmp5, $4  }
0x208: {  	v13 =	vld [tilespmem:s1+$0xEBB0]  }
0x209: {  	v12 =	vld [tilespmem:s1+$0xEBC0]  }
0x20a: {  	v16 =	vadd.f32 v16, v10;
	v11 =	vld [tilespmem:s1+$0xEBD0]  }
0x20b: {  	s2 =	sadd.s32 $0x200, s2;
	v15 =	vadd.f32 v15, v17;
	v10 =	vld [tilespmem:s1+$0xEBE0]  }
0x20c: {  	s2 =	rddreg [dreg:$0x12]  }
0x20d: {  	s0 =	sadd.s32 s0, s2  }
0x20e: {  	[tilespmem:s1+$0xEB80] =	vst v16;
	v9 =	vadd.f32 v9, v14;
	v63 =	vld [tilespmem:s1+$0xEBF0];
	p4 =	sgt.u32 s0, $0x31FFF  }
0x20f: {  	[tilespmem:s1+$0xEB90] =	vst v15;
	v8 =	vadd.f32 v8, v13;
	s2 =	sadd.s32 @p4 $0xFFFCE000, s0  }
0x210: {  	[tilespmem:s1+$0xEBA0] =	vst v9;
	v7 =	vadd.f32 v7, v12;
	s2 =	smulhi.u32 @p4 $0x51EB851F, s2  }
0x211: {  	[tilespmem:s1+$0xEBB0] =	vst v8;
	v6 =	vadd.f32 v6, v11  }
0x212: {  	[tilespmem:s1+$0xEBC0] =	vst v7;
	v5 =	vadd.f32 v5, v10;
	s2 =	sshrl.u32 @p4 s2, $0x4  }
0x213: {  	[tilespmem:s1+$0xEBD0] =	vst v6;
	v4 =	vadd.f32 v4, v63;
	s3 =	smul.u32 @p4 $0x380, s2  }
0x214: {  	s4 =	simm.s32 @p4 $0xEB80;
	[tilespmem:s1+$0xEBE0] =	vst v5  }
0x215: {  	[tilespmem:s1+$0xEBF0] =	vst v4;
	s1 =	simm.s32 @p4 $0x0;
	s2 =	smul.u32 @p4 $0x1C00, s2;
	s3 =	sadd.s32 @p4 s13, s3  }
0x216: {  	[hbm4b:s3+s1] =	stream.linear.scatter @p4 [tilespmem:s4], [sflag:$0x6], $0x1900, $0x38;
	[tilespmem:$0x1D2C0] =	vst v63  }
0x217: {  	s3 =	sadd.s32 @p4 $0x1C00, s2  }
0x218: {  	s3 =	sshrl.u32 @p4 s3, $0x3  }
0x219: {  	s0 =	smulhi.u32 @!p4 $0x51EB851F, s0;
	s4 =	simm.s32 @p4 $0x10480;
	s3 =	sadd.s32 @p4 s13, s3  }
0x21a: {  	[hbm4b:s3+s1] =	stream.linear.scatter @p4 [tilespmem:s4], [sflag:$0x6], $0x1900, $0x38;
	[tilespmem:$0x1D2C0] =	vst v63  }
0x21b: {  	s3 =	sadd.s32 @p4 $0x3800, s2  }
0x21c: {  	s0 =	sshrl.u32 @!p4 s0, $0x6;
	s2 =	sadd.s32 @p4 $0x5400, s2;
	s3 =	sshrl.u32 @p4 s3, $0x3  }
0x21d: {  	s4 =	simm.s32 @p4 $0x11D80;
	s2 =	sshrl.u32 @p4 s2, $0x3;
	s3 =	sadd.s32 @p4 s13, s3  }
0x21e: {  	[hbm4b:s3+s1] =	stream.linear.scatter @p4 [tilespmem:s4], [sflag:$0x6], $0x1900, $0x38;
	[tilespmem:$0x1D2C0] =	vst v63  }
0x21f: {  	s0 =	smul.u32 @!p4 $0xC80, s0;
	s2 =	sadd.s32 @p4 s13, s2;
	s3 =	simm.s32 @p4 $0x13680  }
0x220: {  	[hbm4b:s2+s1] =	stream.linear.scatter @p4 [tilespmem:s3], [sflag:$0x6], $0x1900, $0x38;
	[tilespmem:$0x1D2C0] =	vst v63  }
0x221: {  	s0 =	sadd.s32 @!p4 s6, s0;
	s1 =	simm.s32 @!p4 $0x0;
	s2 =	simm.s32 @!p4 $0xEB80  }
0x222: {  	[hbm4b:s0+s1] =	stream.linear.scatter @!p4 [tilespmem:s2], [sflag:$0x6], $0x6400, $0x38;
	[tilespmem:$0x1D2C0] =	vst v63  }
0x223: {  	p4 =	seq.s32 s7, $0x13  }
.Ltmp6:
0x224: {  	_ = 	snop;
	(pc) =	sbr.rel @p4 .LBB2_16-.Ltmp6, $4  }
0x225: {  	s30 =	simm.s32 $0x5  }
0x226: {  	_ =	swait.ge [sflag:s30], $0x6400  }
0x227: {  	[sflag:s30] =	ssyncset.done $0x0  }
0x228: {  	s31 =	simm.s32 $0x0;
	[sflag:s30] =	ssyncadd.s32 $0xFFFF9C00  }
0x229: {  	v4 =	vadd.s32 s25, v1  }
0x22a: {  	(v2sf) =	vpush v4, $0x0  }
0x22b: {  	(v2sf) =	vpush v4, $0x7;
	_ =	sdelay $0x2  }
0x22c: {  	(v2sf) =	vpush v4, $0x1  }
0x22d: {  	(v2sf) =	vpush v4, $0x2;
	_ =	sdelay $0x1  }
0x22e: {  	(v2sf) =	vpush v4, $0x6;
	_ =	sdelay $0x1  }
0x22f: {  	(v2sf) =	vpush v4, $0x3;
	_ =	sdelay $0x1  }
0x230: {  	(v2sf) =	vpush v4, $0x4;
	_ =	sdelay $0x1  }
0x231: {  	(v2sf) =	vpush v4, $0xC  }
0x232: {  	[dreg:$0x19] =	wrdreg s7  }
0x233: {  	[dreg:$0x1c] =	wrdreg s25;
	(v2sf) =	vpush v4, $0x8;
	s0 =	spop (v2sf)  }
0x234: {  	s1 =	spop (v2sf);
	s2 =	smulhi.u32 $0x51EB851F, s0  }
0x235: {  	s0 =	sshra.s32 s0, $0x1F;
	s4 =	sshra.s32 s1, $0x1F;
	s1 =	smulhi.u32 $0x51EB851F, s1  }
0x236: {  	[dreg:$0x5] =	wrdreg s20;
	(v2sf) =	vpush v4, $0xE;
	s0 =	smul.u32 $0x51EB851F, s0  }
0x237: {  	s3 =	spop (v2sf);
	s4 =	smul.u32 $0x51EB851F, s4  }
0x238: {  	s6 =	simm.s32 $0x40;
	s5 =	spop (v2sf);
	s9 =	smulhi.u32 $0x51EB851F, s3  }
0x239: {  	s8 =	sshra.s32 s3, $0x1F;
	s21 =	sshra.s32 s5, $0x1F;
	s5 =	smulhi.u32 $0x51EB851F, s5  }
0x23a: {  	s29 =	simm.s32 $0x80;
	(v2sf) =	vpush v4, $0xD;
	s18 =	spop (v2sf);
	s22 =	smul.u32 $0x51EB851F, s8  }
0x23b: {  	[dreg:$0x8] =	wrdreg s6;
	(v2sf) =	vpush v4, $0xF;
	s19 =	smulhi.u32 $0x51EB851F, s18;
	s6 =	sshra.s32 s18, $0x1F  }
0x23c: {  	(v2sf) =	vpush v4, $0x5;
	s10 =	spop (v2sf);
	s30 =	sadd.s32 s4, s1;
	s3 =	smul.u32 $0x51EB851F, s21  }
0x23d: {  	(v2sf) =	vpush v4, $0xA;
	s1 =	sadd.s32 $0x10, s25;
	s6 =	smul.u32 $0x51EB851F, s6;
	s11 =	sshra.s32 s10, $0x1F  }
0x23e: {  	s12 =	spop (v2sf);
	s4 =	sshra.s32 s30, $0x1F;
	s26 =	sshra.s32 s30, $0x4  }
0x23f: {  	s10 =	smulhi.u32 $0x51EB851F, s10;
	s21 =	sadd.s32 s22, s9;
	s13 =	sshra.s32 s12, $0x1F  }
0x240: {  	(v2sf) =	vpush v4, $0x9;
	s23 =	spop (v2sf);
	s11 =	smul.u32 $0x51EB851F, s11;
	s3 =	sadd.s32 s3, s5  }
0x241: {  	[dreg:$0x9] =	wrdreg s26;
	s12 =	smulhi.u32 $0x51EB851F, s12;
	s28 =	sadd.s32 s6, s19  }
0x242: {  	s7 =	spop (v2sf);
	s24 =	sshra.s32 s23, $0x1F;
	s13 =	smul.u32 $0x51EB851F, s13  }
0x243: {  	s6 =	sshra.s32 s3, $0x1F;
	s18 =	sshra.s32 s3, $0x4;
	s8 =	smulhi.u32 $0x51EB851F, s23  }
0x244: {  	(v2sf) =	vpush v4, $0xB;
	s23 =	sadd.s32 s0, s2;
	s3 =	sshrl.u32 s3, $0x1F;
	s14 =	sshra.s32 s7, $0x1F  }
0x245: {  	s15 =	spop (v2sf);
	s16 =	smul.u32 $0x51EB851F, s24;
	s10 =	sadd.s32 s11, s10  }
0x246: {  	v5 =	vmov s4;
	s4 =	sshra.s32 s23, $0x4;
	s7 =	smulhi.u32 $0x51EB851F, s7;
	s17 =	sshra.s32 s15, $0x1F  }
0x247: {  	s14 =	smul.u32 $0x51EB851F, s14;
	s9 =	sadd.s32 s13, s12;
	v5 =	vsel vm4, s4, v5;
	s13 =	sshra.s32 s23, $0x1F  }
0x248: {  	v6 =	vor.u32 s25, v0;
	s15 =	smulhi.u32 $0x51EB851F, s15;
	s12 =	sshra.s32 s21, $0x4;
	s23 =	sshrl.u32 s23, $0x1F;
	v5 =	vsel vm9, s13, v5  }
0x249: {  	vm11 =	vcmask $0xF0C;
	v7 =	vmulhi.u32 $0x51EB851F, v6;
	s8 =	sadd.s32 s16, s8;
	s16 =	sshra.s32 s21, $0x1F;
	v5 =	vsel vm0, s12, v5;
	s5 =	spop (v2sf)  }
0x24a: {  	vm12 =	vcmask $0x1714;
	s12 =	sshra.s32 s8, $0x4;
	s14 =	sadd.s32 s14, s7;
	v5 =	vsel vm11, s16, v5;
	s19 =	spop (v2sf)  }
0x24b: {  	v7 =	vshrl.u32 v7, $0x6;
	v12 =	vor.u32 s1, v0;
	s7 =	sshra.s32 s9, $0x1F;
	v5 =	vsel vm1, s18, v5;
	s24 =	spop (v2sf);
	s11 =	smulhi.u32 $0x51EB851F, s19  }
0x24c: {  	v7 =	vmul.u32 $0xC8, v7;
	v8 =	vmulhi.u32 $0x51EB851F, v12;
	v5 =	vsel vm12, s6, v5;
	s6 =	sshra.s32 s9, $0x4;
	s26 =	spop (v2sf);
	s13 =	smulhi.u32 $0x51EB851F, s24  }
0x24d: {  	s22 =	sshra.s32 s5, $0x1F;
	s24 =	sshra.s32 s24, $0x1F;
	s2 =	smulhi.u32 $0x51EB851F, s26  }
0x24e: {  	vm13 =	vcmask $0x1F1C;
	v7 =	vsub.s32 v6, v7;
	v8 =	vshrl.u32 v8, $0x6;
	s0 =	sshra.s32 s26, $0x1F;
	s26 =	sshrl.u32 s8, $0x1F;
	s8 =	smul.u32 $0x51EB851F, s22  }
0x24f: {  	v9 =	vadd.s32 s1, v1;
	v14 =	vmul.u32 $0xC8, v8;
	v13 =	vmov s23;
	s19 =	sshra.s32 s19, $0x1F;
	s16 =	spop (v2sf);
	s23 =	smul.u32 $0x51EB851F, s24  }
0x250: {  	v8 =	vmov s25;
	(v2sf) =	vpush v9, $0x0;
	s22 =	sshrl.u32 s21, $0x1F;
	s24 =	sshra.s32 s10, $0x1F;
	v11 =	vmov s26;
	s26 =	smul.u32 $0x51EB851F, s17  }
0x251: {  	v13 =	vnsel vm4, $0x0, v13;
	v10 =	vmov s12;
	(v2sf) =	vpush v9, $0x7;
	s17 =	sshra.s32 s10, $0x4;
	s12 =	smulhi.u32 $0x51EB851F, s16;
	s16 =	sshra.s32 s16, $0x1F  }
0x252: {  	v6 =	vsub.s32 v12, v14;
	(v2sf) =	vpush v9, $0x1;
	v13 =	vsel vm0, s22, v13;
	s18 =	sadd.s32 s23, s13;
	s4 =	sadd.s32 s26, s15;
	s26 =	smulhi.u32 $0x51EB851F, s5  }
0x253: {  	(v2sf) =	vpush v9, $0x2;
	v13 =	vsel vm1, s3, v13;
	s3 =	sshra.s32 s14, $0x4;
	v12 =	vsel vm2, s17, v5;
	s13 =	sshrl.u32 s14, $0x1F;
	s5 =	spop (v2sf)  }
0x254: {  	(v2sf) =	vpush v9, $0x6;
	v5 =	vmov s1;
	v12 =	vsel vm13, s24, v12;
	s14 =	sshrl.u32 s4, $0x1F;
	s15 =	smulhi.u32 $0x51EB851F, s5;
	s22 =	sadd.s32 s8, s26  }
.LBB2_12:
0x255: {  	s5 =	sshra.s32 s5, $0x1F;
	s8 =	sshrl.u32 s10, $0x1F  }
0x256: {  	s17 =	sshra.s32 s18, $0x4;
	s20 =	rddreg [dreg:$0x8];
	s0 =	smul.u32 $0x51EB851F, s0  }
0x257: {  	s26 =	smov.u32 s29;
	s9 =	sshrl.u32 s9, $0x1F;
	s19 =	smul.u32 $0x51EB851F, s19  }
0x258: {  	s23 =	sshrl.u32 s22, $0x1F;
	s16 =	smul.u32 $0x51EB851F, s16;
	s25 =	sshrl.u32 s30, $0x1F  }
0x259: {  	(v2sf) =	vpush v9, $0x3;
	p4 =	sne.s32 s29, $0x300;
	s29 =	sadd.s32 $0x40, s29;
	s1 =	sadd.s32 $0x10, s1  }
0x25a: {  	s10 =	smov.u32 s20;
	[dreg:$0x8] =	wrdreg s26;
	s21 =	smul.u32 $0x51EB851F, s5  }
0x25b: {  	(v2sf) =	vpush v9, $0x4;
	v13 =	vsel vm2, s8, v13;
	s8 =	sshra.s32 s4, $0x4;
	s5 =	sshra.s32 s18, $0x1F;
	s4 =	sshra.s32 s31, $0x2  }
0x25c: {  	v12 =	vsel vm5, s6, v12;
	s18 =	sshrl.u32 s18, $0x1F;
	s20 =	sshrl.u32 s28, $0x1F;
	s26 =	sshra.s32 s22, $0x4;
	(v2sf) =	vpush v9, $0xC  }
0x25d: {  	v12 =	vsel vm14, s7, v12;
	s7 =	sshra.s32 s28, $0x4;
	s22 =	sshra.s32 s28, $0x1F;
	s0 =	sadd.s32 s0, s2  }
0x25e: {  	v11 =	vsel vm0, s23, v11;
	s23 =	sadd.s32 s19, s11;
	s16 =	sadd.s32 s16, s12;
	s31 =	smov.u32 s10;
	(v2sf) =	vpush v9, $0x8  }
0x25f: {  	v13 =	vsel vm5, s9, v13;
	s24 =	sadd.s32 s21, s15;
	s2 =	sshra.s32 s0, $0x4;
	s15 =	sshrl.u32 s23, $0x1F  }
0x260: {  	v13 =	vsel vm6, s18, v13;
	s18 =	sshra.s32 s23, $0x4;
	s19 =	sshrl.u32 s16, $0x1F;
	s6 =	sshrl.u32 s24, $0x1F  }
0x261: {  	v13 =	vsel vm7, s20, v13;
	(v2sf) =	vpush v9, $0xE;
	s11 =	sshra.s32 s24, $0x4;
	s24 =	rddreg [dreg:$0x5];
	s20 =	spop (v2sf)  }
0x262: {  	v14 =	vmov s3;
	v10 =	vsel vm0, s26, v10;
	s21 =	sshra.s32 s16, $0x4;
	(v2sf) =	vpush v9, $0xD;
	s3 =	smulhi.u32 $0x51EB851F, s20;
	s23 =	spop (v2sf)  }
0x263: {  	v12 =	vsel vm6, s17, v12;
	v14 =	vsel vm0, s21, v14;
	s21 =	rddreg [dreg:$0x9];
	v13 =	vsel vm10, s25, v13;
	s25 =	sshra.s32 s23, $0x1F;
	s16 =	smulhi.u32 $0x51EB851F, s23  }
0x264: {  	v11 =	vsel vm1, s14, v11;
	s14 =	sshrl.u32 s0, $0x1F;
	v10 =	vsel vm1, s8, v10;
	v12 =	vsel vm15, s5, v12;
	s26 =	spop (v2sf);
	s5 =	smul.u32 $0x51EB851F, s25  }
0x265: {  	v15 =	vmov s13;
	v10 =	vsel vm2, s18, v10;
	v11 =	vsel vm2, s15, v11;
	s13 =	sadd.s32 s4, s24;
	s18 =	spop (v2sf);
	s23 =	smulhi.u32 $0x51EB851F, s26  }
0x266: {  	v15 =	vsel vm0, s19, v15;
	v12 =	vsel vm7, s7, v12;
	v14 =	vsel vm1, s2, v14;
	s0 =	sshra.s32 s20, $0x1F;
	s15 =	sshra.s32 s26, $0x1F;
	s12 =	smulhi.u32 $0x51EB851F, s18  }
0x267: {  	v15 =	vsel vm1, s14, v15;
	v16 =	vld [tilespmem:s13+$0x0];
	v14 =	vsel vm2, s11, v14;
	(v2sf) =	vpush v9, $0xF;
	s19 =	sshra.s32 s18, $0x1F;
	s20 =	spop (v2sf);
	s2 =	smul.u32 $0x51EB851F, s15  }
0x268: {  	v12 =	vsel vm3, s22, v12;
	v10 =	vcombine.low v14, v10;
	v14 =	vsel vm2, s6, v15;
	s22 =	smulhi.u32 $0x51EB851F, s20;
	s11 =	sshra.s32 s20, $0x1F;
	s17 =	spop (v2sf)  }
0x269: {  	v12 =	vsel vm10, s21, v12;
	v11 =	vcombine.low v14, v11;
	(v2sf) =	vpush v9, $0x5;
	s30 =	sadd.s32 s5, s16;
	s9 =	smul.u32 $0x51EB851F, s19;
	s24 =	sshra.s32 s17, $0x1F  }
0x26a: {  	v13 =	vperm.xlane v13, v3;
	v12 =	vperm.xlane v12, v3;
	s6 =	spop (v2sf);
	s11 =	smul.u32 $0x51EB851F, s11;
	s21 =	sshra.s32 s30, $0x1F  }
0x26b: {  	v10 =	vperm.xlane v10, v2;
	v11 =	vperm.xlane v11, v2;
	(v2sf) =	vpush v9, $0xA;
	s10 =	smulhi.u32 $0x51EB851F, s17;
	s25 =	sshra.s32 s6, $0x1F;
	s26 =	spop (v2sf)  }
0x26c: {  	v14 =	vtrunc.f32 v16;
	s5 =	smul.u32 $0x51EB851F, s24;
	s14 =	sadd.s32 s9, s12;
	s12 =	sadd.s32 s2, s23  }
0x26d: {  	v10 =	vsel vm8, v12, v10;
	v14 =	vcvt.f32.s32 v14;
	v11 =	vsel vm8, v13, v11;
	s6 =	smulhi.u32 $0x51EB851F, s6;
	s28 =	sadd.s32 s11, s22;
	s7 =	spop (v2sf)  }
0x26e: {  	v10 =	vadd.s32 v11, v10;
	(v2sf) =	vpush v9, $0x9;
	s20 =	sshra.s32 s26, $0x1F;
	s8 =	smul.u32 $0x51EB851F, s25;
	s13 =	sshra.s32 s14, $0x1F  }
0x26f: {  	v12 =	vand.u32 $0xFFFFF, v14;
	v14 =	vshrl.u32 v14, $0x14;
	v10 =	vmul.u32 $0x32, v10;
	s25 =	sshra.s32 s30, $0x4;
	s18 =	sshra.s32 s14, $0x4;
	s26 =	smulhi.u32 $0x51EB851F, s26  }
0x270: {  	v13 =	vmul.u32 $0xC8, v14;
	v14 =	vmul.u32 $0x32, v14;
	[tilespmem:s4+$0x1F80] =	vst v12;
	v12 =	vmov s21;
	s11 =	smul.u32 $0x51EB851F, s0;
	s21 =	sshra.s32 s12, $0x1F;
	s24 =	spop (v2sf)  }
0x271: {  	vm9 =	vlt.u32 v8, $0x32000;
	v10 =	vsub.s32 v4, v10;
	s22 =	sshra.s32 s7, $0x1F;
	s9 =	smul.u32 $0x51EB851F, s20;
	s15 =	spop (v2sf);
	(v2sf) =	vpush v9, $0xB  }
0x272: {  	v4 =	vmovc v9;
	v11 =	vadd.s32 v7, v13;
	v7 =	vmovc v6;
	v6 =	vadd.s32 v14, v10;
	s14 =	sshrl.u32 s14, $0x1F;
	[dreg:$0x9] =	wrdreg s25;
	s22 =	smul.u32 $0x51EB851F, s22;
	v9 =	vor.u32 s1, v0  }
0x273: {  	v6 =	vadd.s32 $0x320, v6;
	s10 =	sadd.s32 s5, s10;
	s16 =	sshra.s32 s24, $0x1F;
	s17 =	smulhi.u32 $0x51EB851F, s24;
	v10 =	vmulhi.u32 $0x51EB851F, v9  }
0x274: {  	v6 =	vsel vm9, v11, v6;
	s24 =	sshra.s32 s12, $0x4;
	s3 =	sadd.s32 s11, s3;
	s20 =	sshra.s32 s15, $0x1F  }
0x275: {  	[tilespmem:s4+$0x2080] =	vst v6;
	s4 =	sadd.s32 s9, s26;
	s5 =	sshra.s32 s3, $0x1F;
	s15 =	smulhi.u32 $0x51EB851F, s15;
	v6 =	vshrl.u32 v10, $0x6  }
0x276: {  	s9 =	sshrl.u32 s4, $0x1F;
	s20 =	smul.u32 $0x51EB851F, s20;
	v6 =	vmul.u32 $0xC8, v6;
	s19 =	spop (v2sf)  }
0x277: {  	s4 =	sshra.s32 s4, $0x4;
	v11 =	vmov s9;
	s9 =	sshra.s32 s3, $0x4;
	s11 =	smulhi.u32 $0x51EB851F, s19  }
0x278: {  	vm9 =	vcmask $0x704;
	v6 =	vsub.s32 v9, v6;
	v9 =	vsel vm4, s9, v12;
	s9 =	sadd.s32 s8, s6;
	s6 =	smulhi.u32 $0x51EB851F, s7;
	s23 =	spop (v2sf)  }
0x279: {  	s3 =	sshrl.u32 s3, $0x1F;
	v9 =	vsel vm9, s5, v9;
	s26 =	sshra.s32 s23, $0x1F;
	s23 =	smulhi.u32 $0x51EB851F, s23  }
0x27a: {  	s19 =	sshra.s32 s19, $0x1F;
	s25 =	spop (v2sf);
	v12 =	vsel vm0, s24, v9;
	s24 =	smul.u32 $0x51EB851F, s16  }
0x27b: {  	s8 =	sshra.s32 s10, $0x4;
	s5 =	sshrl.u32 s12, $0x1F;
	s2 =	smulhi.u32 $0x51EB851F, s25  }
0x27c: {  	v8 =	vmov v5;
	v5 =	vmov s1;
	s7 =	sshra.s32 s9, $0x1F;
	v9 =	vadd.s32 s1, v1;
	s22 =	sadd.s32 s22, s6;
	s26 =	smul.u32 $0x51EB851F, s26  }
.Ltmp7:
0x27d: {  	v10 =	vmov s4;
	s0 =	sshra.s32 s25, $0x1F;
	v12 =	vsel vm11, s21, v12;
	s25 =	spop (v2sf);
	(v2sf) =	vpush v9, $0x0;
	(pc) =	sbr.rel @p4 .LBB2_12-.Ltmp7, $4  }
0x27e: {  	v13 =	vmov s3;
	s6 =	sshra.s32 s9, $0x4;
	s21 =	sshra.s32 s10, $0x1F;
	s3 =	sshra.s32 s22, $0x4;
	v12 =	vsel vm1, s18, v12;
	(v2sf) =	vpush v9, $0x7  }
0x27f: {  	v13 =	vnsel vm4, $0x0, v13;
	s4 =	sadd.s32 s24, s17;
	v12 =	vsel vm12, s13, v12;
	s13 =	sshrl.u32 s22, $0x1F;
	s18 =	sadd.s32 s26, s23;
	(v2sf) =	vpush v9, $0x1  }
0x280: {  	v13 =	vsel vm0, s5, v13;
	s22 =	sadd.s32 s20, s15;
	s12 =	smulhi.u32 $0x51EB851F, s25;
	v12 =	vsel vm2, s8, v12;
	s5 =	spop (v2sf);
	(v2sf) =	vpush v9, $0x2  }
0x281: {  	v13 =	vsel vm1, s14, v13;
	s14 =	sshrl.u32 s4, $0x1F;
	s16 =	sshra.s32 s25, $0x1F;
	v12 =	vsel vm13, s21, v12;
	(v2sf) =	vpush v9, $0x6;
	s15 =	smulhi.u32 $0x51EB851F, s5  }
0x282: {  	_ =	sdelay $0x2  }
0x283: {  	(v2sf) =	vpush v9, $0x3  }
0x284: {  	s1 =	sshra.s32 s5, $0x1F  }
0x285: {  	s1 =	smul.u32 $0x51EB851F, s1  }
0x286: {  	s25 =	smul.u32 $0x51EB851F, s0;
	(v2sf) =	vpush v9, $0x4  }
0x287: {  	s24 =	smul.u32 $0x51EB851F, s19;
	[smem:$0x7BD] =	sst s1  }
0x288: {  	s5 =	smul.u32 $0x51EB851F, s16;
	(v2sf) =	vpush v9, $0xC;
	s25 =	sadd.s32 s25, s2;
	s2 =	sld [smem:$0x7BD]  }
0x289: {  	_ = 	snop  }
0x28a: {  	[smem:$0x7BE] =	sst s5;
	s24 =	sadd.s32 s24, s11;
	s8 =	spop (v2sf)  }
0x28b: {  	s2 =	sadd.s32 s2, s15;
	s17 =	spop (v2sf);
	s11 =	smulhi.u32 $0x51EB851F, s8  }
0x28c: {  	s15 =	sld [smem:$0x7BE];
	s8 =	sshra.s32 s8, $0x1F;
	s23 =	smulhi.u32 $0x51EB851F, s17  }
0x28d: {  	s16 =	spop (v2sf);
	s20 =	sshra.s32 s17, $0x1F;
	s8 =	smul.u32 $0x51EB851F, s8  }
0x28e: {  	s21 =	spop (v2sf);
	s20 =	smul.u32 $0x51EB851F, s20  }
0x28f: {  	s29 =	smulhi.u32 $0x51EB851F, s16;
	s19 =	sshra.s32 s16, $0x1F;
	[smem:$0x7BF] =	sst s23  }
0x290: {  	s23 =	spop (v2sf);
	s19 =	smul.u32 $0x51EB851F, s19  }
0x291: {  	s26 =	smulhi.u32 $0x51EB851F, s23;
	s23 =	sshra.s32 s23, $0x1F;
	[smem:$0x7C1] =	sst s29  }
0x292: {  	s15 =	sadd.s32 s15, s12;
	s29 =	spop (v2sf);
	s23 =	smul.u32 $0x51EB851F, s23  }
0x293: {  	s12 =	sld [smem:$0x7BF];
	s1 =	sshra.s32 s29, $0x1F;
	s29 =	smulhi.u32 $0x51EB851F, s29  }
0x294: {  	s10 =	sshrl.u32 s10, $0x1F;
	[smem:$0x7C0] =	sst s26;
	s26 =	smulhi.u32 $0x51EB851F, s21  }
0x295: {  	s9 =	sshrl.u32 s9, $0x1F;
	(v2sf) =	vpush v9, $0x8;
	s5 =	spop (v2sf);
	s17 =	smul.u32 $0x51EB851F, s1  }
0x296: {  	v13 =	vsel vm2, s10, v13;
	s21 =	sshra.s32 s21, $0x1F;
	s16 =	sshra.s32 s5, $0x1F;
	s5 =	smulhi.u32 $0x51EB851F, s5  }
0x297: {  	v13 =	vsel vm5, s9, v13;
	s9 =	sshrl.u32 s24, $0x1F;
	s0 =	spop (v2sf);
	s21 =	smul.u32 $0x51EB851F, s21  }
0x298: {  	s16 =	smul.u32 $0x51EB851F, s16;
	s20 =	sadd.s32 s20, s12;
	s12 =	sld [smem:$0x7C0]  }
0x299: {  	s24 =	sshra.s32 s24, $0x4;
	(v2sf) =	vpush v9, $0xE;
	s1 =	sshra.s32 s0, $0x1F;
	s0 =	smulhi.u32 $0x51EB851F, s0  }
0x29a: {  	s10 =	sshrl.u32 s2, $0x1F;
	s2 =	sshra.s32 s2, $0x4;
	(v2sf) =	vpush v9, $0xD;
	s1 =	smul.u32 $0x51EB851F, s1  }
0x29b: {  	v15 =	vmov s13;
	s13 =	sshra.s32 s20, $0x1F;
	s23 =	sadd.s32 s23, s12;
	s12 =	sadd.s32 s21, s26  }
0x29c: {  	(v2sf) =	vpush v9, $0xF;
	s26 =	sld [smem:$0x7C1];
	s21 =	sadd.s32 s1, s0;
	s1 =	sadd.s32 s8, s11  }
0x29d: {  	s11 =	sadd.s32 s17, s29;
	s0 =	sadd.s32 s16, s5;
	s16 =	sshra.s32 s4, $0x4  }
0x29e: {  	(v2sf) =	vpush v9, $0x5;
	s4 =	sshra.s32 s31, $0x2;
	s17 =	sshra.s32 s18, $0x4;
	s31 =	sshrl.u32 s18, $0x1F  }
0x29f: {  	v12 =	vsel vm5, s6, v12;
	(v2sf) =	vpush v9, $0xA;
	s29 =	sshra.s32 s25, $0x4;
	s8 =	sshrl.u32 s25, $0x1F;
	s25 =	sshrl.u32 s30, $0x1F  }
0x2a0: {  	v14 =	vmov s3;
	v12 =	vsel vm14, s7, v12;
	s5 =	sshrl.u32 s22, $0x1F;
	s22 =	sshra.s32 s22, $0x4;
	s30 =	sshrl.u32 s15, $0x1F  }
0x2a1: {  	v16 =	vmov s13;
	s15 =	sshra.s32 s15, $0x4;
	v12 =	vsel vm6, s17, v12;
	s17 =	sshra.s32 s12, $0x1F;
	v15 =	vsel vm0, s30, v15;
	s30 =	sshra.s32 s1, $0x4  }
0x2a2: {  	(v2sf) =	vpush v9, $0x9;
	v14 =	vsel vm0, s15, v14;
	s15 =	sshra.s32 s12, $0x4;
	s12 =	sshrl.u32 s12, $0x1F;
	v16 =	vsel vm4, s30, v16;
	s30 =	sshra.s32 s1, $0x1F  }
0x2a3: {  	v13 =	vsel vm6, s31, v13;
	s19 =	sadd.s32 s19, s26;
	s26 =	sshra.s32 s18, $0x1F;
	s18 =	sshrl.u32 s28, $0x1F  }
0x2a4: {  	s1 =	sshrl.u32 s1, $0x1F;
	s31 =	spop (v2sf);
	v13 =	vsel vm7, s18, v13;
	s18 =	sshra.s32 s28, $0x4  }
0x2a5: {  	v11 =	vsel vm0, s5, v11;
	v14 =	vsel vm1, s29, v14;
	s28 =	sshra.s32 s28, $0x1F;
	v12 =	vsel vm15, s26, v12;
	s29 =	sshra.s32 s19, $0x4;
	s5 =	sshra.s32 s31, $0x1F  }
0x2a6: {  	v16 =	vsel vm9, s30, v16;
	s7 =	smulhi.u32 $0x51EB851F, s31;
	s31 =	rddreg [dreg:$0x5];
	v12 =	vsel vm7, s18, v12;
	s18 =	sshra.s32 s19, $0x1F  }
0x2a7: {  	v10 =	vsel vm0, s22, v10;
	v16 =	vsel vm0, s29, v16;
	s29 =	sshrl.u32 s21, $0x1F;
	s19 =	sshrl.u32 s19, $0x1F;
	s21 =	sshra.s32 s21, $0x4  }
0x2a8: {  	v10 =	vsel vm1, s16, v10;
	s6 =	smul.u32 $0x51EB851F, s5;
	s5 =	spop (v2sf);
	s16 =	sadd.s32 s4, s31  }
0x2a9: {  	v11 =	vsel vm1, s14, v11;
	v15 =	vsel vm1, s8, v15;
	s14 =	sshra.s32 s5, $0x1F;
	s22 =	smulhi.u32 $0x51EB851F, s5;
	s5 =	spop (v2sf)  }
0x2aa: {  	(v2sf) =	vpush v9, $0xB;
	v16 =	vsel vm11, s18, v16;
	v47 =	vmov s21;
	s21 =	sshra.s32 s0, $0x4;
	v17 =	vld [tilespmem:s16+$0x0];
	s16 =	rddreg [dreg:$0x9];
	s14 =	smul.u32 $0x51EB851F, s14  }
0x2ab: {  	v10 =	vsel vm2, s24, v10;
	v13 =	vsel vm10, s25, v13;
	v16 =	vsel vm1, s15, v16;
	s3 =	spop (v2sf);
	s25 =	sshra.s32 s5, $0x1F;
	s5 =	smulhi.u32 $0x51EB851F, s5  }
0x2ac: {  	v11 =	vsel vm2, s9, v11;
	v14 =	vsel vm2, s2, v14;
	s7 =	sadd.s32 s6, s7;
	v16 =	vsel vm12, s17, v16;
	s17 =	sshrl.u32 s23, $0x1F;
	s9 =	smulhi.u32 $0x51EB851F, s3  }
0x2ad: {  	v15 =	vsel vm2, s10, v15;
	v18 =	vmov s1;
	vm9 =	vlt.u32 v8, $0x32000;
	s24 =	spop (v2sf);
	s30 =	smul.u32 $0x51EB851F, s25;
	s25 =	sshrl.u32 s11, $0x1F  }
0x2ae: {  	v18 =	vnsel vm4, $0x0, v18;
	v11 =	vcombine.low v15, v11;
	v12 =	vsel vm3, s28, v12;
	s3 =	sshra.s32 s3, $0x1F;
	s26 =	spop (v2sf);
	s28 =	smulhi.u32 $0x51EB851F, s24  }
0x2af: {  	v10 =	vcombine.low v14, v10;
	v19 =	vmov s29;
	v45 =	vsel vm0, s19, v18;
	s18 =	sshra.s32 s24, $0x1F;
	s14 =	sadd.s32 s14, s22;
	s24 =	sshra.s32 s11, $0x4  }
0x2b0: {  	v13 =	vperm.xlane v13, v3;
	v11 =	vperm.xlane v11, v2;
	v12 =	vsel vm10, s16, v12;
	s11 =	sshra.s32 s11, $0x1F;
	s22 =	sshrl.u32 s20, $0x1F;
	s3 =	smul.u32 $0x51EB851F, s3  }
0x2b1: {  	v10 =	vperm.xlane v10, v2;
	v14 =	vsel vm1, s12, v45;
	v12 =	vperm.xlane v12, v3;
	s13 =	smulhi.u32 $0x51EB851F, s26;
	s2 =	sshra.s32 s26, $0x1F;
	s10 =	spop (v2sf)  }
0x2b2: {  	v11 =	vsel vm8, v13, v11;
	v14 =	vsel vm2, s25, v14;
	s1 =	smul.u32 $0x51EB851F, s18;
	v16 =	vsel vm2, s24, v16;
	s26 =	sshrl.u32 s0, $0x1F;
	s5 =	sadd.s32 s30, s5  }
0x2b3: {  	v10 =	vsel vm8, v12, v10;
	s18 =	sshrl.u32 s14, $0x1F;
	s0 =	sshra.s32 s0, $0x1F;
	v46 =	vtrunc.f32 v17;
	s12 =	smulhi.u32 $0x51EB851F, s10;
	v14 =	vsel vm5, s26, v14  }
0x2b4: {  	v16 =	vsel vm13, s11, v16;
	s16 =	sshrl.u32 s5, $0x1F;
	v10 =	vadd.s32 v11, v10;
	s2 =	smul.u32 $0x51EB851F, s2;
	s5 =	sshra.s32 s5, $0x4;
	v15 =	vcvt.f32.s32 v46  }
0x2b5: {  	s24 =	sshra.s32 s10, $0x1F;
	s1 =	sadd.s32 s1, s28;
	s28 =	sshra.s32 s7, $0x4;
	v48 =	vsel vm0, s16, v19;
	v16 =	vsel vm5, s21, v16;
	v50 =	vsel vm0, s5, v47  }
0x2b6: {  	s26 =	sshra.s32 s14, $0x4;
	s3 =	sadd.s32 s3, s9;
	s11 =	sshra.s32 s23, $0x4;
	v10 =	vmul.u32 $0x32, v10;
	v49 =	vmov s28;
	v12 =	vsel vm1, s18, v48  }
0x2b7: {  	s5 =	smul.u32 $0x51EB851F, s24;
	s29 =	sshrl.u32 s1, $0x1F;
	v16 =	vsel vm14, s0, v16;
	s25 =	sshra.s32 s1, $0x4;
	v11 =	vsel vm1, s26, v50;
	v51 =	vshrl.u32 v15, $0x14  }
0x2b8: {  	s8 =	sshrl.u32 s3, $0x1F;
	s3 =	sshra.s32 s3, $0x4;
	s2 =	sadd.s32 s2, s13;
	v14 =	vsel vm6, s29, v14;
	v16 =	vsel vm6, s25, v16;
	v17 =	vmul.u32 $0x32, v51  }
0x2b9: {  	s1 =	sshra.s32 s1, $0x1F;
	v4 =	vsub.s32 v4, v10;
	s28 =	sadd.s32 s5, s12;
	v53 =	vand.u32 $0xFFFFF, v15;
	v52 =	vmul.u32 $0xC8, v51;
	s30 =	spop (v2sf)  }
0x2ba: {  	s29 =	sshrl.u32 s7, $0x1F;
	v55 =	vsel vm2, s8, v12;
	v14 =	vsel vm7, s17, v14;
	v4 =	vadd.s32 v17, v4;
	s19 =	smulhi.u32 $0x51EB851F, s30;
	s15 =	sshra.s32 s30, $0x1F  }
0x2bb: {  	v54 =	vmov s29;
	s0 =	sshra.s32 s28, $0x4;
	v7 =	vadd.s32 v7, v52;
	v4 =	vadd.s32 $0x320, v4;
	s30 =	rddreg [dreg:$0x8];
	s15 =	smul.u32 $0x51EB851F, s15  }
0x2bc: {  	s9 =	sshra.s32 s2, $0x4;
	[tilespmem:s4+$0x1F80] =	vst v53;
	s10 =	sshrl.u32 s28, $0x1F;
	v57 =	vsel vm15, s1, v16;
	v56 =	vsel vm0, s0, v49;
	v4 =	vsel vm9, v7, v4;
	s7 =	sshra.s32 s30, $0x2  }
0x2bd: {  	s2 =	sshrl.u32 s2, $0x1F;
	v14 =	vsel vm10, s22, v14;
	v8 =	vsel vm1, s9, v56;
	[tilespmem:s4+$0x2080] =	vst v4;
	v4 =	vsel vm0, s10, v54;
	s12 =	sadd.s32 s7, s31;
	s6 =	sadd.s32 s15, s19  }
0x2be: {  	v7 =	vsel vm2, s3, v11;
	v11 =	vsel vm7, s11, v57;
	v4 =	vsel vm1, s2, v4;
	v58 =	vld [tilespmem:s12+$0x0];
	s15 =	sshra.s32 s23, $0x1F;
	s13 =	sshrl.u32 s6, $0x1F;
	s14 =	sshra.s32 s6, $0x4  }
0x2bf: {  	s16 =	sshra.s32 s20, $0x4;
	v11 =	vsel vm3, s15, v11;
	v8 =	vsel vm2, s14, v8;
	v4 =	vsel vm2, s13, v4  }
0x2c0: {  	v59 =	vsel vm10, s16, v11;
	v7 =	vcombine.low v8, v7;
	v4 =	vcombine.low v4, v55  }
0x2c1: {  	v60 =	vperm.xlane v14, v3;
	v8 =	vperm.xlane v59, v3  }
0x2c2: {  	v7 =	vperm.xlane v7, v2;
	v4 =	vperm.xlane v4, v2  }
0x2c3: {  	v61 =	vtrunc.f32 v58  }
0x2c4: {  	v11 =	vcvt.f32.s32 v61;
	v7 =	vsel vm8, v8, v7;
	v4 =	vsel vm8, v60, v4  }
0x2c5: {  	v4 =	vadd.s32 v4, v7  }
0x2c6: {  	v7 =	vshrl.u32 v11, $0x14;
	v4 =	vmul.u32 $0x32, v4  }
0x2c7: {  	v62 =	vmul.u32 $0x32, v7  }
0x2c8: {  	v7 =	vmul.u32 $0xC8, v7;
	v4 =	vsub.s32 v9, v4  }
0x2c9: {  	vm9 =	vlt.u32 v5, $0x32000;
	v4 =	vadd.s32 v62, v4  }
0x2ca: {  	v63 =	vand.u32 $0xFFFFF, v11;
	v6 =	vadd.s32 v6, v7;
	v4 =	vadd.s32 $0x320, v4  }
0x2cb: {  	s20 =	simm.s32 $0x2380;
	[tilespmem:s7+$0x1F80] =	vst v63;
	v4 =	vsel vm9, v6, v4  }
0x2cc: {  	s18 =	simm.s32 $0x60;
	s17 =	rddreg [dreg:$0x1];
	s19 =	simm.s32 $0x1F80;
	[tilespmem:s7+$0x2080] =	vst v4  }
0x2cd: {  	[tilespmem:s20], [sflag:$0x1] =	stream.indirect.gather [hbm4b:s17+s18], $0x80, s19, s18, $0xb8;
	[tilespmem:$0x1D2C0] =	vst v63  }
0x2ce: {  	s21 =	simm.s32 $0x68;
	s22 =	simm.s32 $0x1FE0;
	s23 =	simm.s32 $0x5380  }
0x2cf: {  	[tilespmem:s23], [sflag:$0x1] =	stream.indirect.gather [hbm4b:s17+s21], $0x80, s22, s21, $0xb8;
	[tilespmem:$0x1D2C0] =	vst v63  }
0x2d0: {  	s24 =	rddreg [dreg:$0x3];
	s26 =	simm.s32 $0x8780;
	s25 =	simm.s32 $0x2080  }
0x2d1: {  	[tilespmem:s26], [sflag:$0x2] =	stream.indirect.gather [spmem:s24], $0x80, s25, s18, $0xb8;
	[tilespmem:$0x1D2C0] =	vst v63  }
0x2d2: {  	s28 =	simm.s32 $0x20E0;
	s29 =	simm.s32 $0xB780;
	s30 =	simm.s32 $0x6  }
0x2d3: {  	[tilespmem:s29], [sflag:$0x2] =	stream.indirect.gather [spmem:s24], $0x80, s28, s21, $0xb8;
	[tilespmem:$0x1D2C0] =	vst v63  }
0x2d4: {  	_ =	swait.ge [sflag:s30], $0x6400  }
0x2d5: {  	[sflag:s30] =	ssyncset.done $0x0;
	s31 =	rddreg [dreg:$0x1a]  }
0x2d6: {  	s21 =	simm.s32 $0x0;
	s0 =	rddreg [dreg:$0x1b];
	[sflag:s30] =	ssyncadd.s32 $0xFFFF9C00;
	v4 =	vmov s31  }
.LBB2_14:
0x2d7: {  	v5 =	vadd.s32 s0, v0  }
0x2d8: {  	(v2sf) =	vpush v5, $0xD;
	_ =	sdelay $0x1  }
0x2d9: {  	(v2sf) =	vpush v5, $0xC;
	_ =	sdelay $0x1  }
0x2da: {  	(v2sf) =	vpush v5, $0xE;
	_ =	sdelay $0x1  }
0x2db: {  	(v2sf) =	vpush v5, $0xF;
	_ =	sdelay $0x1  }
0x2dc: {  	(v2sf) =	vpush v5, $0x9;
	_ =	sdelay $0x1  }
0x2dd: {  	(v2sf) =	vpush v5, $0x8;
	_ =	sdelay $0x1  }
0x2de: {  	(v2sf) =	vpush v5, $0xA;
	_ =	sdelay $0x1  }
0x2df: {  	(v2sf) =	vpush v5, $0xB  }
0x2e0: {  	s17 =	spop (v2sf)  }
0x2e1: {  	[smem:$0x7BC] =	sst s0;
	(v2sf) =	vpush v5, $0x0;
	s4 =	smulhi.u32 $0x51EB851F, s17;
	s0 =	sshra.s32 s17, $0x1F  }
0x2e2: {  	s18 =	spop (v2sf);
	s3 =	smul.u32 $0x51EB851F, s0  }
0x2e3: {  	(v2sf) =	vpush v5, $0x1;
	s7 =	smulhi.u32 $0x51EB851F, s18;
	s0 =	sshra.s32 s18, $0x1F  }
0x2e4: {  	s19 =	spop (v2sf);
	s17 =	smul.u32 $0x51EB851F, s0  }
0x2e5: {  	[dreg:$0x1d] =	wrdreg s21;
	(v2sf) =	vpush v5, $0x2;
	s9 =	smulhi.u32 $0x51EB851F, s19;
	s0 =	sshra.s32 s19, $0x1F  }
0x2e6: {  	s20 =	spop (v2sf);
	s21 =	smul.u32 $0x51EB851F, s0  }
0x2e7: {  	(v2sf) =	vpush v5, $0x3;
	s10 =	smulhi.u32 $0x51EB851F, s20;
	s0 =	sshra.s32 s20, $0x1F  }
0x2e8: {  	s22 =	spop (v2sf);
	s5 =	smul.u32 $0x51EB851F, s0  }
0x2e9: {  	s12 =	smulhi.u32 $0x51EB851F, s22;
	s0 =	sshra.s32 s22, $0x1F  }
0x2ea: {  	(v2sf) =	vpush v5, $0x4;
	s23 =	spop (v2sf);
	s24 =	smul.u32 $0x51EB851F, s0  }
0x2eb: {  	s13 =	smulhi.u32 $0x51EB851F, s23;
	s0 =	sshra.s32 s23, $0x1F  }
0x2ec: {  	s25 =	spop (v2sf);
	s8 =	smul.u32 $0x51EB851F, s0  }
0x2ed: {  	(v2sf) =	vpush v5, $0x5;
	s14 =	smulhi.u32 $0x51EB851F, s25;
	s0 =	sshra.s32 s25, $0x1F  }
0x2ee: {  	s26 =	spop (v2sf);
	s23 =	smul.u32 $0x51EB851F, s0  }
0x2ef: {  	s1 =	sld [smem:$0x7BC];
	(v2sf) =	vpush v5, $0x6;
	s19 =	smulhi.u32 $0x51EB851F, s26;
	s0 =	sshra.s32 s26, $0x1F  }
0x2f0: {  	s16 =	smul.u32 $0x51EB851F, s0;
	s28 =	spop (v2sf)  }
0x2f1: {  	(v2sf) =	vpush v5, $0x7;
	s29 =	smulhi.u32 $0x51EB851F, s28;
	s0 =	sshra.s32 s28, $0x1F  }
0x2f2: {  	s30 =	spop (v2sf);
	s15 =	smul.u32 $0x51EB851F, s0  }
0x2f3: {  	v6 =	vadd.s32 s1, v1;
	s31 =	smulhi.u32 $0x51EB851F, s30;
	s0 =	sshra.s32 s30, $0x1F  }
0x2f4: {  	(v2sf) =	vpush v6, $0xD;
	s2 =	spop (v2sf);
	s30 =	smul.u32 $0x51EB851F, s0  }
0x2f5: {  	[smem:$0x7A0] =	sst s29;
	s6 =	smulhi.u32 $0x51EB851F, s2  }
0x2f6: {  	(v2sf) =	vpush v6, $0xC;
	s0 =	sshra.s32 s2, $0x1F;
	s2 =	spop (v2sf);
	[smem:$0x7A1] =	sst s31  }
0x2f7: {  	s16 =	sadd.s32 s16, s19;
	s1 =	smul.u32 $0x51EB851F, s0;
	s19 =	sld [smem:$0x7A0]  }
0x2f8: {  	s11 =	smulhi.u32 $0x51EB851F, s2;
	s2 =	sshra.s32 s2, $0x1F;
	[smem:$0x7A2] =	sst s6  }
0x2f9: {  	(v2sf) =	vpush v6, $0xE;
	s18 =	smul.u32 $0x51EB851F, s2;
	s6 =	spop (v2sf)  }
0x2fa: {  	[smem:$0x7A3] =	sst s11;
	s20 =	smulhi.u32 $0x51EB851F, s6;
	s6 =	sshra.s32 s6, $0x1F  }
0x2fb: {  	(v2sf) =	vpush v6, $0xF;
	[smem:$0x7A4] =	sst s18;
	s22 =	smul.u32 $0x51EB851F, s6  }
0x2fc: {  	s15 =	sadd.s32 s15, s19;
	[smem:$0x7A5] =	sst s20;
	s20 =	spop (v2sf)  }
0x2fd: {  	(v2sf) =	vpush v6, $0x9;
	s19 =	sld [smem:$0x7A4];
	s25 =	smulhi.u32 $0x51EB851F, s20;
	s20 =	sshra.s32 s20, $0x1F  }
0x2fe: {  	s31 =	spop (v2sf);
	s26 =	smul.u32 $0x51EB851F, s20  }
0x2ff: {  	[smem:$0x7A6] =	sst s22;
	s28 =	smulhi.u32 $0x51EB851F, s31  }
0x300: {  	(v2sf) =	vpush v6, $0x8;
	s29 =	spop (v2sf);
	[smem:$0x7A7] =	sst s25  }
0x301: {  	s31 =	sshra.s32 s31, $0x1F;
	s2 =	smulhi.u32 $0x51EB851F, s29;
	[smem:$0x7A8] =	sst s26  }
0x302: {  	(v2sf) =	vpush v6, $0xA;
	[smem:$0x7A9] =	sst s28;
	s28 =	smul.u32 $0x51EB851F, s31;
	s31 =	sshra.s32 s29, $0x1F  }
0x303: {  	s26 =	smul.u32 $0x51EB851F, s31;
	s6 =	spop (v2sf)  }
0x304: {  	(v2sf) =	vpush v6, $0xB;
	[smem:$0x7AA] =	sst s2;
	s11 =	smulhi.u32 $0x51EB851F, s6;
	s31 =	sshra.s32 s6, $0x1F  }
0x305: {  	s17 =	sadd.s32 s17, s7;
	s20 =	spop (v2sf);
	s18 =	smul.u32 $0x51EB851F, s31  }
0x306: {  	s22 =	smulhi.u32 $0x51EB851F, s20;
	s25 =	sshra.s32 s20, $0x1F;
	[smem:$0x7AB] =	sst s11  }
0x307: {  	s21 =	sadd.s32 s21, s9;
	s0 =	smul.u32 $0x51EB851F, s25;
	s25 =	sld [smem:$0x7A1]  }
0x308: {  	s24 =	sadd.s32 s24, s12;
	s29 =	spop (v2sf);
	[smem:$0x7AC] =	sst s18  }
0x309: {  	s31 =	sadd.s32 s3, s4;
	s3 =	smulhi.u32 $0x51EB851F, s29;
	[smem:$0x7AD] =	sst s22  }
0x30a: {  	s23 =	sadd.s32 s23, s14;
	s4 =	spop (v2sf);
	[smem:$0x7AE] =	sst s0  }
0x30b: {  	(v2sf) =	vpush v6, $0x0;
	s6 =	smulhi.u32 $0x51EB851F, s4;
	[smem:$0x7AF] =	sst s3;
	s0 =	sshra.s32 s29, $0x1F  }
0x30c: {  	s11 =	sadd.s32 s5, s10;
	s7 =	spop (v2sf);
	s22 =	smul.u32 $0x51EB851F, s0  }
0x30d: {  	(v2sf) =	vpush v6, $0x1;
	[smem:$0x7B0] =	sst s6;
	s0 =	sshra.s32 s4, $0x1F;
	s9 =	smulhi.u32 $0x51EB851F, s7  }
0x30e: {  	s30 =	sadd.s32 s30, s25;
	s25 =	sld [smem:$0x7A6];
	s18 =	smul.u32 $0x51EB851F, s0  }
0x30f: {  	s0 =	sshra.s32 s7, $0x1F;
	s7 =	sld [smem:$0x7A3];
	s12 =	spop (v2sf)  }
0x310: {  	[smem:$0x7B1] =	sst s9;
	s14 =	smul.u32 $0x51EB851F, s0;
	s0 =	sshra.s32 s12, $0x1F  }
0x311: {  	s10 =	sadd.s32 s8, s13;
	s20 =	spop (v2sf);
	s9 =	smul.u32 $0x51EB851F, s0  }
0x312: {  	s8 =	smulhi.u32 $0x51EB851F, s20;
	s0 =	sshra.s32 s20, $0x1F;
	s20 =	sld [smem:$0x7A5]  }
0x313: {  	s3 =	spop (v2sf);
	s6 =	smul.u32 $0x51EB851F, s0  }
0x314: {  	s29 =	sld [smem:$0x7A2];
	s4 =	smulhi.u32 $0x51EB851F, s3  }
0x315: {  	s0 =	sshra.s32 s3, $0x1F;
	s3 =	sadd.s32 s25, s20;
	s25 =	sld [smem:$0x7A9]  }
0x316: {  	s5 =	sadd.s32 s19, s7;
	s19 =	sld [smem:$0x7A7]  }
0x317: {  	s20 =	sld [smem:$0x7A8]  }
0x318: {  	(v2sf) =	vpush v6, $0x2;
	s13 =	smulhi.u32 $0x51EB851F, s12;
	s7 =	sadd.s32 s28, s25;
	s25 =	sld [smem:$0x7AA]  }
0x319: {  	s12 =	sadd.s32 s1, s29;
	s2 =	smul.u32 $0x51EB851F, s0;
	s6 =	sadd.s32 s6, s8  }
0x31a: {  	[smem:$0x7BA] =	sst s3;
	s29 =	spop (v2sf);
	s19 =	sadd.s32 s20, s19  }
0x31b: {  	(v2sf) =	vpush v6, $0x3;
	s1 =	smulhi.u32 $0x51EB851F, s29;
	s20 =	sld [smem:$0x7AC];
	s25 =	sadd.s32 s26, s25  }
0x31c: {  	s0 =	sshra.s32 s29, $0x1F;
	s29 =	spop (v2sf);
	[smem:$0x7B2] =	sst s25  }
0x31d: {  	s28 =	sshra.s32 s29, $0x1F;
	s25 =	smulhi.u32 $0x51EB851F, s29;
	s29 =	sld [smem:$0x7AB]  }
0x31e: {  	[smem:$0x7B7] =	sst s6  }
0x31f: {  	s26 =	sld [smem:$0x7AD]  }
0x320: {  	s8 =	sshrl.u32 s15, $0x1F;
	s29 =	sadd.s32 s20, s29;
	s20 =	sld [smem:$0x7AE]  }
0x321: {  	s2 =	sadd.s32 s2, s4;
	s4 =	sshra.s32 s31, $0x6;
	s6 =	sshra.s32 s11, $0x6  }
0x322: {  	v7 =	vmov s8;
	s8 =	sshra.s32 s10, $0x6;
	[smem:$0x7B9] =	sst s2;
	s0 =	smul.u32 $0x51EB851F, s0  }
0x323: {  	s28 =	smul.u32 $0x51EB851F, s28;
	s26 =	sadd.s32 s20, s26;
	s20 =	sld [smem:$0x7AF]  }
0x324: {  	(v2sf) =	vpush v6, $0x4;
	[smem:$0x7BB] =	sst s7;
	s1 =	sadd.s32 s0, s1;
	s0 =	sshrl.u32 s31, $0x1F  }
0x325: {  	(v2sf) =	vpush v6, $0x5;
	s31 =	sshrl.u32 s12, $0x1F;
	s2 =	sadd.s32 s28, s25;
	[smem:$0x7B3] =	sst s29  }
0x326: {  	s25 =	sshrl.u32 s11, $0x1F;
	s20 =	sadd.s32 s22, s20;
	s22 =	sld [smem:$0x7B0]  }
0x327: {  	s11 =	sshrl.u32 s10, $0x1F;
	s29 =	spop (v2sf);
	(v2sf) =	vpush v6, $0x6;
	[smem:$0x7B4] =	sst s26  }
0x328: {  	s10 =	sshrl.u32 s3, $0x1F;
	s26 =	smulhi.u32 $0x51EB851F, s29;
	[smem:$0x7B5] =	sst s20  }
0x329: {  	s29 =	sshra.s32 s29, $0x1F;
	s18 =	sadd.s32 s18, s22;
	s22 =	sld [smem:$0x7B1]  }
0x32a: {  	s3 =	sshra.s32 s15, $0x1F;
	s20 =	smul.u32 $0x51EB851F, s29;
	s29 =	spop (v2sf)  }
0x32b: {  	(v2sf) =	vpush v6, $0x7;
	[smem:$0x7B8] =	sst s18;
	s18 =	smulhi.u32 $0x51EB851F, s29;
	s29 =	sshra.s32 s29, $0x1F  }
0x32c: {  	v9 =	vmov s11;
	s11 =	sshrl.u32 s19, $0x1F;
	s29 =	smul.u32 $0x51EB851F, s29;
	s14 =	sadd.s32 s14, s22  }
0x32d: {  	s22 =	sadd.s32 s9, s13;
	s13 =	sadd.s32 s20, s26;
	s20 =	sshrl.u32 s21, $0x1F  }
0x32e: {  	s21 =	sshra.s32 s21, $0x6;
	s26 =	sshrl.u32 s24, $0x1F;
	s24 =	sshra.s32 s24, $0x6  }
0x32f: {  	v7 =	vnsel vm4, $0x0, v7;
	s9 =	sshrl.u32 s30, $0x1F;
	[smem:$0x7B6] =	sst s14;
	s14 =	sadd.s32 s29, s18  }
0x330: {  	s18 =	sshrl.u32 s17, $0x1F;
	s17 =	sshra.s32 s17, $0x6;
	v7 =	vsel vm0, s9, v7;
	s29 =	sshrl.u32 s23, $0x1F  }
0x331: {  	v12 =	vmov s8;
	s23 =	sshra.s32 s23, $0x6;
	s9 =	sshrl.u32 s5, $0x1F;
	v9 =	vsel vm0, s26, v9;
	s8 =	sshra.s32 s22, $0x4;
	v7 =	vsel vm1, s31, v7  }
0x332: {  	v8 =	vmov s18;
	s18 =	sshrl.u32 s16, $0x1F;
	s16 =	sshra.s32 s16, $0x6;
	v9 =	vsel vm1, s29, v9;
	s29 =	sld [smem:$0x7B2];
	v11 =	vmov s17  }
0x333: {  	s31 =	sshra.s32 s15, $0x6;
	v7 =	vsel vm2, s9, v7;
	v8 =	vsel vm0, s0, v8;
	s0 =	spop (v2sf);
	v11 =	vsel vm0, s4, v11;
	s4 =	sld [smem:$0x7B3]  }
0x334: {  	vm9 =	vcmask $0x704;
	s9 =	sshrl.u32 s7, $0x1F;
	v7 =	vsel vm5, s10, v7;
	v8 =	vsel vm1, s20, v8;
	s20 =	spop (v2sf);
	s28 =	smulhi.u32 $0x51EB851F, s0  }
0x335: {  	v12 =	vsel vm0, s24, v12;
	s0 =	sshra.s32 s0, $0x1F;
	v11 =	vsel vm1, s21, v11;
	s21 =	rddreg [dreg:$0x1d];
	v7 =	vsel vm6, s11, v7;
	s11 =	sshra.s32 s29, $0x1F  }
0x336: {  	v12 =	vsel vm1, s23, v12;
	v8 =	vsel vm2, s25, v8;
	s10 =	sshrl.u32 s29, $0x1F;
	s15 =	spop (v2sf);
	s0 =	smul.u32 $0x51EB851F, s0;
	v10 =	vmov s11  }
0x337: {  	s25 =	sshra.s32 s30, $0x6;
	v11 =	vsel vm2, s6, v11;
	s6 =	sld [smem:$0x7B5];
	v7 =	vsel vm7, s9, v7;
	v10 =	vsel vm4, s31, v10;
	s31 =	sshra.s32 s30, $0x1F  }
0x338: {  	v12 =	vsel vm2, s16, v12;
	v7 =	vsel vm10, s10, v7;
	s10 =	sshra.s32 s12, $0x6;
	s30 =	sshrl.u32 s4, $0x1F;
	s16 =	sadd.s32 s0, s28;
	v10 =	vsel vm9, s3, v10  }
0x339: {  	s4 =	sshra.s32 s4, $0x4;
	s0 =	sshra.s32 s5, $0x6;
	v10 =	vsel vm0, s25, v10;
	s25 =	sshra.s32 s12, $0x1F  }
0x33a: {  	s12 =	sshrl.u32 s22, $0x1F;
	s7 =	spop (v2sf);
	v10 =	vsel vm11, s31, v10;
	s31 =	sld [smem:$0x7B4]  }
0x33b: {  	s17 =	sshrl.u32 s6, $0x1F;
	v14 =	vmov s12;
	s12 =	sld [smem:$0x7B6];
	s24 =	smulhi.u32 $0x51EB851F, s7  }
0x33c: {  	s9 =	sshra.s32 s7, $0x1F;
	v10 =	vsel vm1, s10, v10;
	s7 =	sshra.s32 s6, $0x4;
	s10 =	sshrl.u32 s1, $0x1F  }
0x33d: {  	v17 =	vmov s8;
	v9 =	vsel vm2, s18, v9;
	s26 =	smul.u32 $0x51EB851F, s9;
	s9 =	sld [smem:$0x7B9];
	s11 =	sshrl.u32 s31, $0x1F  }
0x33e: {  	v8 =	vcombine.low v9, v8;
	v57 =	vmov s10;
	s10 =	sshra.s32 s16, $0x4;
	s23 =	sshrl.u32 s12, $0x1F;
	v13 =	vmov s11;
	s11 =	sld [smem:$0x7B7]  }
0x33f: {  	v11 =	vcombine.low v12, v11;
	v10 =	vsel vm12, s25, v10;
	s25 =	sshra.s32 s31, $0x4;
	v13 =	vsel vm0, s30, v13;
	s30 =	sadd.s32 s26, s24;
	s26 =	sld [smem:$0x7B8]  }
0x340: {  	s22 =	sshra.s32 s12, $0x4;
	s12 =	sshrl.u32 s2, $0x1F;
	v14 =	vsel vm0, s23, v14;
	v15 =	vmov s25;
	v13 =	vsel vm1, s17, v13;
	s17 =	sshra.s32 s30, $0x1F  }
0x341: {  	s23 =	sshra.s32 s1, $0x4;
	v17 =	vsel vm0, s22, v17;
	s25 =	sshra.s32 s1, $0x1F;
	s22 =	smulhi.u32 $0x51EB851F, s20;
	v15 =	vsel vm0, s4, v15;
	v18 =	vmov s17  }
0x342: {  	v8 =	vperm.xlane v8, v2;
	s31 =	sshrl.u32 s9, $0x1F;
	v15 =	vsel vm1, s7, v15;
	s24 =	sshrl.u32 s11, $0x1F;
	s28 =	sshrl.u32 s26, $0x1F;
	v18 =	vsel vm4, s23, v18  }
0x343: {  	s7 =	sshra.s32 s5, $0x1F;
	v14 =	vsel vm1, s24, v14;
	s18 =	sshra.s32 s26, $0x4;
	v13 =	vsel vm2, s28, v13;
	v53 =	vsel vm9, s25, v18;
	s28 =	sshra.s32 s2, $0x4  }
0x344: {  	v7 =	vperm.xlane v7, v3;
	s26 =	sld [smem:$0x7BA];
	v14 =	vsel vm2, s31, v14;
	s31 =	sshra.s32 s9, $0x4;
	s9 =	sshra.s32 s2, $0x1F;
	v55 =	vsel vm0, s28, v53  }
0x345: {  	v11 =	vperm.xlane v11, v2;
	s5 =	sshra.s32 s19, $0x6;
	s24 =	sshra.s32 s11, $0x4;
	s11 =	sshra.s32 s13, $0x4;
	v54 =	vcombine.low v14, v13;
	v13 =	vsel vm11, s9, v55  }
0x346: {  	s17 =	sshrl.u32 s13, $0x1F;
	s23 =	sshra.s32 s20, $0x1F;
	v15 =	vsel vm2, s18, v15;
	v52 =	vsel vm1, s24, v17;
	s18 =	sshra.s32 s13, $0x1F;
	v13 =	vsel vm1, s11, v13  }
0x347: {  	v10 =	vsel vm2, s0, v10;
	s24 =	sshra.s32 s14, $0x4;
	s25 =	sshrl.u32 s14, $0x1F;
	v9 =	vsel vm2, s31, v52;
	s4 =	sshra.s32 s26, $0x6;
	v13 =	vsel vm12, s18, v13  }
0x348: {  	s8 =	sshra.s32 s26, $0x1F;
	v9 =	vcombine.low v9, v15;
	v15 =	vnsel vm4, $0x0, v57;
	s26 =	sshra.s32 s14, $0x1F;
	s11 =	smul.u32 $0x51EB851F, s23;
	v13 =	vsel vm2, s24, v13  }
0x349: {  	v10 =	vsel vm13, s7, v10;
	s13 =	sshra.s32 s16, $0x1F;
	s28 =	smulhi.u32 $0x51EB851F, s15;
	s31 =	sshra.s32 s15, $0x1F;
	v15 =	vsel vm0, s12, v15;
	v13 =	vsel vm13, s26, v13  }
0x34a: {  	s15 =	sshrl.u32 s16, $0x1F;
	v10 =	vsel vm5, s4, v10;
	s12 =	smul.u32 $0x51EB851F, s31;
	v12 =	vperm.xlane v54, v2;
	s11 =	sadd.s32 s11, s22;
	v13 =	vsel vm5, s10, v13  }
0x34b: {  	s14 =	sshra.s32 s19, $0x1F;
	s19 =	sld [smem:$0x7BB];
	v15 =	vsel vm1, s17, v15;
	v10 =	vsel vm14, s8, v10;
	s16 =	sshra.s32 s11, $0x4;
	v13 =	vsel vm14, s13, v13  }
0x34c: {  	s3 =	sshra.s32 s21, $0x2;
	v9 =	vperm.xlane v9, v2;
	v15 =	vsel vm2, s25, v15;
	s2 =	sadd.s32 s12, s28;
	s18 =	sshra.s32 s11, $0x1F;
	v13 =	vsel vm6, s16, v13  }
0x34d: {  	v16 =	vld.idx.msk [tilespmem:v4+s3+$0x0 ss:$0x1], $0xffff;
	v10 =	vsel vm6, s5, v10;
	v15 =	vsel vm5, s15, v15;
	s17 =	sshrl.u32 s11, $0x1F;
	s23 =	sshra.s32 s2, $0x4;
	v13 =	vsel vm15, s18, v13  }
0x34e: {  	s20 =	sshra.s32 s19, $0x6;
	v10 =	vsel vm15, s14, v10;
	s22 =	sshrl.u32 s2, $0x1F;
	s26 =	sshra.s32 s2, $0x1F;
	v15 =	vsel vm6, s17, v15;
	v13 =	vsel vm7, s23, v13  }
0x34f: {  	s24 =	sshra.s32 s19, $0x1F;
	s25 =	sshrl.u32 s30, $0x1F;
	s28 =	sshra.s32 s30, $0x4;
	v10 =	vsel vm7, s20, v10;
	v15 =	vsel vm7, s22, v15;
	v13 =	vsel vm3, s26, v13  }
0x350: {  	s30 =	sshra.s32 s29, $0x6;
	v10 =	vsel vm3, s24, v10;
	v15 =	vsel vm10, s25, v15;
	v13 =	vsel vm10, s28, v13  }
0x351: {  	v10 =	vsel vm10, s30, v10;
	v15 =	vperm.xlane v15, v3;
	v13 =	vperm.xlane v13, v3  }
0x352: {  	v56 =	vtrunc.f32 v16;
	v10 =	vperm.xlane v10, v3  }
0x353: {  	v58 =	vcvt.f32.s32 v56;
	v12 =	vsel vm8, v15, v12;
	v9 =	vsel vm8, v13, v9  }
0x354: {  	v7 =	vsel vm8, v7, v8;
	v59 =	vsel vm8, v10, v11;
	v9 =	vadd.s32 v12, v9  }
0x355: {  	v60 =	vshrl.u32 v58, $0x14;
	v7 =	vadd.s32 v7, v59;
	v61 =	vmul.u32 $0x32, v9  }
0x356: {  	p4 =	sne.s32 s21, $0x300;
	v62 =	vmul.u32 $0x32, v60;
	v7 =	vmul.u32 $0xC8, v7  }
.Ltmp8:
0x357: {  	v10 =	vmul.u32 $0xC8, v60;
	v6 =	vsub.s32 v6, v61;
	(pc) =	sbr.rel @p4 .LBB2_14-.Ltmp8, $4  }
0x358: {  	v63 =	vand.u32 $0xFFFFF, v58;
	s31 =	sld [smem:$0x7BC];
	v7 =	vsub.s32 v5, v7;
	v6 =	vadd.s32 v62, v6  }
0x359: {  	vm9 =	vlt.s32 v5, $0x32000;
	v7 =	vadd.s32 v7, v10;
	v6 =	vadd.s32 $0x320, v6  }
0x35a: {  	[tilespmem:s3+$0x2180] =	vst v63;
	v5 =	vsel vm9, v7, v6  }
0x35b: {  	s21 =	sadd.s32 $0x40, s21;
	s0 =	sadd.s32 $0x10, s31;
	[tilespmem:s3+$0x2280] =	vst v5  }
0x35c: {  	s0 =	rddreg [dreg:$0x1]  }
0x35d: {  	s1 =	simm.s32 $0x60;
	s2 =	simm.s32 $0x2180;
	s24 =	rddreg [dreg:$0x3]  }
0x35e: {  	s3 =	simm.s32 $0xEB80;
	s22 =	simm.s32 $0x68;
	s7 =	rddreg [dreg:$0x19]  }
0x35f: {  	s23 =	simm.s32 $0x21E0;
	s4 =	simm.s32 $0x11B80;
	s20 =	rddreg [dreg:$0x5]  }
0x360: {  	[tilespmem:s3], [sflag:$0x3] =	stream.indirect.gather [hbm4b:s0+s1], $0x80, s2, s1, $0xb8;
	[tilespmem:$0x1D2C0] =	vst v63  }
0x361: {  	s25 =	simm.s32 $0x2280;
	s26 =	simm.s32 $0x14F80;
	s30 =	rddreg [dreg:$0x1a]  }
0x362: {  	[tilespmem:s4], [sflag:$0x3] =	stream.indirect.gather [hbm4b:s0+s22], $0x80, s23, s22, $0xb8;
	[tilespmem:$0x1D2C0] =	vst v63  }
0x363: {  	s28 =	simm.s32 $0x22E0;
	s31 =	rddreg [dreg:$0x1b];
	s0 =	sadd.s32 $0x190, s30  }
.Ltmp9:
0x364: {  	s29 =	simm.s32 $0x17F80;
	[dreg:$0x1a] =	wrdreg s0;
	(pc) =	sbr.rel .LBB2_6-.Ltmp9, $4  }
0x365: {  	[tilespmem:s26], [sflag:$0x4] =	stream.indirect.gather [spmem:s24], $0x80, s25, s1, $0xb8;
	[tilespmem:$0x1D2C0] =	vst v63  }
0x366: {  	s7 =	sadd.s32 $0x1, s7;
	s0 =	sadd.s32 $0x190, s31;
	s25 =	rddreg [dreg:$0x1c]  }
0x367: {  	s20 =	sadd.s32 $0x190, s20;
	[dreg:$0x1b] =	wrdreg s0;
	s25 =	sadd.s32 $0x190, s25  }
0x368: {  	vm9 =	vcmask $0x704;
	[tilespmem:s29], [sflag:$0x4] =	stream.indirect.gather [spmem:s24], $0x80, s28, s22, $0xb8;
	[tilespmem:$0x1D2C0] =	vst v63  }
.LBB2_17:
0x369: {  	_ =	sfence.sel $0x180000  }
0x36a: {  	[bflag:$0x0] =	sbarrier.arrive $0xFFFF  }
0x36b: {  	_ =	strace $0x90000047  }
0x36c: {  	[bflag:$0x2] =	sbarrier.arrive $0xFFFF  }
0x36d: {  	s0 =	rddreg [dreg:$0x4]  }
0x36e: {  	s0 =	sadd.s32 @!p0 $0x100000, s0  }
0x36f: {  	[sflag:s0] =	ssyncadd.tile.s32 @!p0 $0x1;
	_ =	shalt  }
.Lfunc_end2:
_tile_overlayer_lowered:
.L_overlay_start_2:
0x370: {  	(tag) =	ssettag $0x2  }
0x371: {  	s0 =	rddreg [dreg:$0x0];
	s2 =	stileid.u32  }
0x372: {  	s1 =	rddreg [dreg:$0x1];
	p0 =	sne.s32 s2, $0x0  }
0x373: {  	s3 =	rddreg [dreg:$0x2];
	[bflag:$0x3] =	sbarrier.arrive $0xFFFF;
	s2 =	simm.s32 @!p0 $0x1C07  }
0x374: {  	[timem:s3], [sflag:s2] =	dma.local @!p0 [hbm:s0], s1  }
0x375: {  	s0 =	simm.s32 @!p0 $0x7  }
0x376: {  	_ =	swait.ge @!p0 [sflag:s0], s1  }
0x377: {  	s1 =	ssub.s32 @!p0 $0x0, s1;
	[sflag:s0] =	ssyncset.done @!p0 $0x0  }
0x378: {  	[sflag:s0] =	ssyncadd.s32 @!p0 s1  }
0x379: {  	[bflag:$0x3] =	sbarrier.arrive $0xFFFF  }
0x37a: {  	_ =	shalt  }

</sc_bundles>
